<compile_context>
chip_gen: v7x
topology: tpu7x:2x2x1
jax: 0.10.2.dev20260603
libtpu: 0.0.44.dev20260713+nightly
codegen_flags: <defaults>
</compile_context>

<pallas_src>
import dataclasses
import functools

import jax
import jax.numpy as jnp
from jax import lax
from jax.experimental import pallas as pl
from jax.experimental.pallas import tpu as pltpu
from jax.experimental.pallas import tpu_sc as plsc

N = 10000
E = 160000
F = 128

NC = 2
NS = 16
NW = NC * NS

BF = jnp.bfloat16

_SC_CP = pltpu.CompilerParams()
if "needs_layout_passes" in pltpu.CompilerParams.__dataclass_fields__:
    _SC_CP = dataclasses.replace(_SC_CP, needs_layout_passes=False)



def _pack_bf16(x):
    k = x.shape[1] // 2
    u = jax.lax.bitcast_convert_type(x, jnp.uint32)
    b = (u + (((u >> 16) & 1) + 0x7FFF)) >> 16
    return b[:, :k] | (b[:, k:] << 16)


def _unpack_bf16(u):
    lo = jax.lax.bitcast_convert_type(u << 16, jnp.float32)
    hi = jax.lax.bitcast_convert_type(u & jnp.uint32(0xFFFF0000), jnp.float32)
    return jnp.concatenate([lo, hi], axis=1)


def _colstats_body(ea_ref, s_ref, q_ref):
    i = pl.program_id(0)

    @pl.when(i == 0)
    def _():
        s_ref[...] = jnp.zeros_like(s_ref)
        q_ref[...] = jnp.zeros_like(q_ref)

    blk = ea_ref[...].reshape(-1, 8, F)
    s_ref[...] += jnp.sum(blk, axis=0)
    q_ref[...] += jnp.sum(blk * blk, axis=0)


def _colstats(ea, blk=4000):
    return pl.pallas_call(
        _colstats_body,
        grid=(E // blk,),
        in_specs=[pl.BlockSpec((blk, F), lambda i: (i, 0))],
        out_specs=[pl.BlockSpec((8, F), lambda i: (0, 0)),
                   pl.BlockSpec((8, F), lambda i: (0, 0))],
        out_shape=[jax.ShapeDtypeStruct((8, F), jnp.float32),
                   jax.ShapeDtypeStruct((8, F), jnp.float32)],
    )(ea)


def _node_prep_body(x_ref, g_ref, b_ref, w1c_ref, w1r_ref,
                    h_ref, a_ref, bt_ref):
    x = x_ref[...]
    mu = jnp.mean(x, axis=0, keepdims=True)
    var = jnp.mean(x * x, axis=0, keepdims=True) - mu * mu
    hn = (x - mu) * jax.lax.rsqrt(var + 1e-5) * g_ref[...] + b_ref[...]
    h = jnp.maximum(hn, 0.0)
    h_ref[...] = h
    hb = h.astype(BF)
    a = jnp.dot(hb, w1c_ref[...], preferred_element_type=jnp.float32)
    bt = jnp.dot(hb, w1r_ref[...], preferred_element_type=jnp.float32)
    a_ref[...] = _pack_bf16(a)
    bt_ref[...] = _pack_bf16(bt)


def _node_prep(x, g, b, w1c, w1r):
    tab = jax.ShapeDtypeStruct((N, F), jnp.uint32)
    return pl.pallas_call(
        _node_prep_body,
        out_shape=[jax.ShapeDtypeStruct((N, F), jnp.float32), tab, tab],
    )(x, g, b, w1c, w1r)


def _edge_prep_body(ea_ref, s_ref, q_ref, g_ref, b_ref,
                    w1v_ref, b1_ref, ew1v_ref, eb1_ref, c_ref, qq_ref):
    mu = jnp.sum(s_ref[...], axis=0, keepdims=True) * (1.0 / E)
    m2 = jnp.sum(q_ref[...], axis=0, keepdims=True) * (1.0 / E)
    var = m2 - mu * mu
    vn = (ea_ref[...] - mu) * jax.lax.rsqrt(var + 1e-5) * g_ref[...] + b_ref[...]
    v = jnp.maximum(vn, 0.0).astype(BF)
    c = jnp.dot(v, w1v_ref[...], preferred_element_type=jnp.float32) + b1_ref[...]
    qq = jnp.dot(v, ew1v_ref[...], preferred_element_type=jnp.float32) + eb1_ref[...]
    c_ref[...] = _pack_bf16(c)
    qq_ref[...] = _pack_bf16(qq)


def _edge_prep(ea, s, q, g, b, w1v, b1, ew1v, eb1, blk=2000):
    zero = lambda i: (0, 0)
    obs = pl.BlockSpec((blk, F), lambda i: (i, 0))
    osh = jax.ShapeDtypeStruct((E, F), jnp.uint32)
    return pl.pallas_call(
        _edge_prep_body,
        grid=(E // blk,),
        in_specs=[pl.BlockSpec((blk, F), lambda i: (i, 0)),
                  pl.BlockSpec((8, F), zero), pl.BlockSpec((8, F), zero),
                  pl.BlockSpec((1, F), zero), pl.BlockSpec((1, F), zero),
                  pl.BlockSpec((F, 2 * F), zero), pl.BlockSpec((1, 2 * F), zero),
                  pl.BlockSpec((F, 2 * F), zero), pl.BlockSpec((1, 2 * F), zero)],
        out_specs=[obs, obs],
        out_shape=[osh, osh],
    )(ea, s, q, g, b, w1v, b1, ew1v, eb1)


def _msg_body(pk_ref, w2_ref, b2_ref, t_ref, es_ref, w_ref):
    pre = _unpack_bf16(pk_ref[...])
    am = jnp.maximum(pre, 0.0).astype(BF)
    m = jnp.dot(am, w2_ref[...], preferred_element_type=jnp.float32) + b2_ref[...]
    es = jnp.exp(m * t_ref[...])
    es_ref[...] = es
    w_ref[...] = m * es


def _msg_mm(pk, w2, b2, t, blk=2000):
    zero = lambda i: (0, 0)
    return pl.pallas_call(
        _msg_body,
        grid=(E // blk,),
        in_specs=[pl.BlockSpec((blk, F), lambda i: (i, 0)),
                  pl.BlockSpec((2 * F, F), zero), pl.BlockSpec((1, F), zero),
                  pl.BlockSpec((1, F), zero)],
        out_specs=[pl.BlockSpec((blk, F), lambda i: (i, 0)),
                   pl.BlockSpec((blk, F), lambda i: (i, 0))],
        out_shape=[jax.ShapeDtypeStruct((E, F), jnp.float32),
                   jax.ShapeDtypeStruct((E, F), jnp.float32)],
    )(pk, w2, b2, t)


def _node_mlp_body(h_ref, dn_ref,
                   w1_ref, b1_ref, g1_ref, bb1_ref,
                   w2_ref, b2_ref, g2_ref, bb2_ref,
                   w3_ref, b3_ref, g3_ref, bb3_ref,
                   w4_ref, b4_ref, hout_ref):
    den = dn_ref[0:N, :]
    num = dn_ref[N:2 * N, :]
    msg = jnp.where(den > 0.0, num / den, 0.0)
    hh = jnp.concatenate([h_ref[...], msg], axis=1)

    def layer(a, w, b, g, bb):
        y = jnp.dot(a, w[...], preferred_element_type=jnp.float32) + b[...]
        mu = jnp.mean(y, axis=0, keepdims=True)
        var = jnp.mean(y * y, axis=0, keepdims=True) - mu * mu
        yn = (y - mu) * jax.lax.rsqrt(var + 1e-5) * g[...] + bb[...]
        return jnp.maximum(yn, 0.0)

    hh = layer(hh, w1_ref, b1_ref, g1_ref, bb1_ref)
    hh = layer(hh, w2_ref, b2_ref, g2_ref, bb2_ref)
    hh = layer(hh, w3_ref, b3_ref, g3_ref, bb3_ref)
    hout_ref[...] = jnp.dot(hh, w4_ref[...],
                            preferred_element_type=jnp.float32) + b4_ref[...]


def _node_mlp(h, dn, args):
    return pl.pallas_call(
        _node_mlp_body,
        out_shape=jax.ShapeDtypeStruct((N, F), jnp.float32),
    )(h, dn, *args)


def _node_proj_body(hout_ref, wa_ref, wb_ref, pr_ref, pc_ref):
    r = jnp.maximum(hout_ref[...], 0.0).astype(BF)
    pr = jnp.dot(r, wa_ref[...], preferred_element_type=jnp.float32)
    pc = jnp.dot(r, wb_ref[...], preferred_element_type=jnp.float32)
    pr_ref[...] = _pack_bf16(pr)
    pc_ref[...] = _pack_bf16(pc)


def _node_proj(hout, wa, wb):
    tab = jax.ShapeDtypeStruct((N, F), jnp.uint32)
    return pl.pallas_call(
        _node_proj_body,
        out_shape=[tab, tab],
    )(hout, wa, wb)


def _vout_body(ek_ref, w_ref, b_ref, out_ref):
    pre = _unpack_bf16(ek_ref[...])
    ev = jnp.maximum(pre, 0.0).astype(BF)
    out_ref[...] = jnp.dot(ev, w_ref[...],
                           preferred_element_type=jnp.float32) + b_ref[...]


def _vout_mm(ek, w, b, blk=2000):
    zero = lambda i: (0, 0)
    return pl.pallas_call(
        _vout_body,
        grid=(E // blk,),
        in_specs=[pl.BlockSpec((blk, F), lambda i: (i, 0)),
                  pl.BlockSpec((2 * F, F), zero), pl.BlockSpec((1, F), zero)],
        out_specs=pl.BlockSpec((blk, F), lambda i: (i, 0)),
        out_shape=jax.ShapeDtypeStruct((E, F), jnp.float32),
    )(ek, w, b)



_PER_W = E // NW
_GCH = 40
_GK = _PER_W // _GCH


def _gather_add(a_tab, b_tab, c_arr, ia, ib):
    mesh = plsc.VectorSubcoreMesh(core_axis_name="c", subcore_axis_name="s")
    hbuf = pltpu.VMEM((_GCH, F), jnp.uint32)

    @functools.partial(
        pl.kernel, mesh=mesh,
        out_type=jax.ShapeDtypeStruct((E, F), jnp.uint32),
        compiler_params=_SC_CP,
        scratch_types=(
            [pltpu.VMEM((_PER_W,), jnp.int32)] * 2
            + [hbuf] * 8
            + [pltpu.SemaphoreType.DMA] * 8
        ),
    )
    def k(a_hbm, b_hbm, c_hbm, ia_hbm, ib_hbm, out_hbm,
          ia_all, ib_all, ba0, ba1, bb0, bb1, bc0, bc1, bo0, bo1,
          sa0, sa1, sb0, sb1, sc0, sc1, so0, so1):
        wid = lax.axis_index("s") * NC + lax.axis_index("c")
        base0 = wid * _PER_W
        ba = (ba0, ba1)
        bb = (bb0, bb1)
        bc = (bc0, bc1)
        bo = (bo0, bo1)
        sa = (sa0, sa1)
        sb = (sb0, sb1)
        sc_ = (sc0, sc1)
        so = (so0, so1)

        pltpu.sync_copy(ia_hbm.at[pl.ds(base0, _PER_W)], ia_all)
        pltpu.sync_copy(ib_hbm.at[pl.ds(base0, _PER_W)], ib_all)

        def issue(kk, p):
            off = kk * _GCH
            pltpu.async_copy(a_hbm.at[ia_all.at[pl.ds(off, _GCH)]], ba[p], sa[p])
            pltpu.async_copy(b_hbm.at[ib_all.at[pl.ds(off, _GCH)]], bb[p], sb[p])
            pltpu.async_copy(c_hbm.at[pl.ds(base0 + off, _GCH), :], bc[p], sc_[p])

        def wait_in(p):
            src = c_hbm.at[pl.ds(0, _GCH), :]
            pltpu.make_async_copy(src, ba[p], sa[p]).wait()
            pltpu.make_async_copy(src, bb[p], sb[p]).wait()
            pltpu.make_async_copy(src, bc[p], sc_[p]).wait()

        def wait_out(p):
            pltpu.make_async_copy(bo[p], out_hbm.at[pl.ds(0, _GCH), :],
                                  so[p]).wait()

        def compute(p):
            @pl.loop(0, _GCH)
            def _(r):
                for f in range(0, F, 16):
                    slc = (r, pl.ds(f, 16))
                    av = plsc.bitcast(ba[p].at[*slc][...], BF)
                    bv = plsc.bitcast(bb[p].at[*slc][...], BF)
                    cv = plsc.bitcast(bc[p].at[*slc][...], BF)
                    bo[p].at[*slc][...] = plsc.bitcast(av + bv + cv,
                                                       jnp.uint32)

        def body(kk, p, first, last):
            wait_in(p)
            if not first:
                wait_out(p)
            compute(p)
            if not last:
                if isinstance(kk, int):
                    if kk + 2 < _GK:
                        issue(kk + 2, p)
                else:
                    @pl.when(kk + 2 < _GK)
                    def _():
                        issue(kk + 2, p)
            pltpu.async_copy(bo[p], out_hbm.at[pl.ds(base0 + kk * _GCH,
                                                     _GCH), :], so[p])

        issue(0, 0)
        issue(1, 1)
        body(0, 0, True, False)
        body(1, 1, True, False)

        @pl.loop(2, _GK - 1, step=2)
        def _(kk):
            body(kk, 0, False, False)
            body(kk + 1, 1, False, False)

        body(_GK - 1, 0, False, True)
        wait_out(1)
        wait_out(0)

    return k(a_tab, b_tab, c_arr, ia, ib)


_PER_T = E // NS
_SCH = 80
_ZR = 200
_ZW = 10
_ROWS_PER_Z = N // _ZW


def _scatter_sum(es, w, col):
    mesh = plsc.VectorSubcoreMesh(core_axis_name="c", subcore_axis_name="s")

    @functools.partial(
        pl.kernel, mesh=mesh,
        out_type=jax.ShapeDtypeStruct((2 * N, F), jnp.float32),
        scratch_types=[
            pltpu.VMEM_SHARED((N, F), jnp.float32),
            pltpu.VMEM((_SCH,), jnp.int32),
            pltpu.VMEM((_SCH,), jnp.int32),
            pltpu.VMEM((_SCH, F), jnp.float32),
            pltpu.VMEM((_SCH, F), jnp.float32),
            pltpu.VMEM((_ZR, F), jnp.float32),
            pltpu.SemaphoreType.DMA,
            pltpu.SemaphoreType.DMA,
            pltpu.SemaphoreType.DMA,
            pltpu.SemaphoreType.DMA,
        ],
    )
    def k(es_hbm, w_hbm, col_hbm, out_hbm, acc, idx_v0, idx_v1,
          val_v0, val_v1, zbuf, sl0, sl1, sc0, sc1):
        cid = lax.axis_index("c")
        sid = lax.axis_index("s")
        idx_v = (idx_v0, idx_v1)
        val_v = (val_v0, val_v1)
        sl = (sl0, sl1)
        ssc = (sc0, sc1)

        @pl.when(sid < _ZW)
        def _():
            @pl.loop(0, _ZR)
            def _(r):
                @pl.loop(0, F, step=16)
                def _(f):
                    zbuf.at[pl.ds(r, 1), pl.ds(f, 16)][...] = jnp.zeros(
                        (1, 16), jnp.float32)

            @pl.loop(0, _ROWS_PER_Z // _ZR)
            def _(j):
                pltpu.sync_copy(
                    zbuf, acc.at[pl.ds(sid * _ROWS_PER_Z + j * _ZR, _ZR), :])

        plsc.subcore_barrier()

        nk = _PER_T // _SCH

        def scat(src_hbm):
            def issue_loads(kk, p):
                base = sid * _PER_T + kk * _SCH
                pltpu.async_copy(col_hbm.at[pl.ds(base, _SCH)], idx_v[p], sl[p])
                pltpu.async_copy(src_hbm.at[pl.ds(base, _SCH), :], val_v[p],
                                 sl[p])

            def wait_loads(p):
                pltpu.make_async_copy(col_hbm.at[pl.ds(0, _SCH)], idx_v[p],
                                      sl[p]).wait()
                pltpu.make_async_copy(src_hbm.at[pl.ds(0, _SCH), :], val_v[p],
                                      sl[p]).wait()

            def wait_scat(p):
                pltpu.make_async_copy(val_v[p], acc.at[idx_v[p]],
                                      ssc[p]).wait()

            def body(kk, p, first):
                wait_loads(p)
                q = 1 - p
                if not first:
                    wait_scat(q)
                if isinstance(kk, int):
                    if kk + 1 < nk:
                        issue_loads(kk + 1, q)
                else:
                    @pl.when(kk + 1 < nk)
                    def _():
                        issue_loads(kk + 1, q)
                pltpu.async_copy(val_v[p], acc.at[idx_v[p]], ssc[p],
                                 add=True)

            issue_loads(0, 0)
            body(0, 0, True)

            @pl.loop(1, nk - 1, step=2)
            def _(kk):
                body(kk, 1, False)
                body(kk + 1, 0, False)

            wait_scat(0)

        @pl.when(cid == 0)
        def _():
            scat(es_hbm)

        @pl.when(cid == 1)
        def _():
            scat(w_hbm)

        plsc.subcore_barrier()

        @pl.when(sid < _ZW)
        def _():
            rbase = sid * _ROWS_PER_Z
            pltpu.sync_copy(acc.at[pl.ds(rbase, _ROWS_PER_Z), :],
                            out_hbm.at[pl.ds(cid * N + rbase, _ROWS_PER_Z), :])

    return k(es, w, col)



def kernel(x, edge_attr, edge_index, params):
    p = params
    row = edge_index[0]
    col = edge_index[1]
    r1 = lambda a: a.reshape(1, -1)

    mp_w1 = p['mp_W1']
    em_w1 = p['em_W1']

    s, q = _colstats(edge_attr)
    h, a_tab, b_tab = _node_prep(x, r1(p['bn_h_g']), r1(p['bn_h_b']),
                                 mp_w1[:F].astype(BF),
                                 mp_w1[F:2 * F].astype(BF))
    c_pk, q_pk = _edge_prep(edge_attr, s, q,
                            r1(p['bn_v_g']), r1(p['bn_v_b']),
                            mp_w1[2 * F:].astype(BF), r1(p['mp_b1']),
                            em_w1[2 * F:].astype(BF), r1(p['em_b1']))
    pre_pk = _gather_add(a_tab, b_tab, c_pk, col, row)
    t_row = jnp.broadcast_to(p['t'].reshape(1, 1), (1, F))
    es, w = _msg_mm(pre_pk, p['mp_W2'].astype(BF), r1(p['mp_b2']), t_row)
    dn = _scatter_sum(es, w, col)
    mlp_args = (p['mh_W1'], r1(p['mh_b1']), r1(p['mh_bn1_g']), r1(p['mh_bn1_b']),
                p['mh_W2'], r1(p['mh_b2']), r1(p['mh_bn2_g']), r1(p['mh_bn2_b']),
                p['mh_W3'], r1(p['mh_b3']), r1(p['mh_bn3_g']), r1(p['mh_bn3_b']),
                p['mh_W4'], r1(p['mh_b4']))
    h_out = _node_mlp(h, dn, mlp_args)
    pr_pk, pc_pk = _node_proj(h_out, em_w1[:F].astype(BF),
                              em_w1[F:2 * F].astype(BF))
    ev_pk = _gather_add(pr_pk, pc_pk, q_pk, row, col)
    v_out = _vout_mm(ev_pk, p['em_W2'].astype(BF), r1(p['em_b2']))
    return h_out, v_out

# --- scband reference (transcript-rebuilt; emitter-appended) ---
"""Pipeline reference for scband-general-conv-49615462204048 (READ-ONLY COPY).

The authoritative reference and input builder live on the scoring server;
editing this copy changes nothing except your own understanding.
"""

import jax, jax.numpy as jnp
import numpy as np

N = 10000
E = 160000
F_IN = 128
F_OUT = 128


def _lin_init(key, fin, fout):
    k1, k2 = jax.random.split(key)
    bound = 1.0 / np.sqrt(fin)
    W = jax.random.uniform(k1, (fin, fout), minval=-bound, maxval=bound, dtype=jnp.float32)
    b = jax.random.uniform(k2, (fout,), minval=-bound, maxval=bound, dtype=jnp.float32)
    return W, b


def setup_inputs(seed: int = 0) -> dict:
    key = jax.random.key(seed)
    ks = jax.random.split(key, 16)
    x = jax.random.normal(ks[0], (N, F_IN), dtype=jnp.float32)
    edge_attr = jax.random.normal(ks[1], (E, F_IN), dtype=jnp.float32)
    edge_index = jax.random.randint(ks[2], (2, E), 0, N, dtype=jnp.int32)
    p = {}
    p['bn_h_g'] = jnp.ones((F_IN,), jnp.float32)
    p['bn_h_b'] = jnp.zeros((F_IN,), jnp.float32)
    p['bn_v_g'] = jnp.ones((F_IN,), jnp.float32)
    p['bn_v_b'] = jnp.zeros((F_IN,), jnp.float32)
    p['t'] = jnp.array([1.0], jnp.float32)
    p['mp_W1'], p['mp_b1'] = _lin_init(ks[3], 3 * F_IN, 2 * F_IN)
    p['mp_W2'], p['mp_b2'] = _lin_init(ks[4], 2 * F_IN, F_IN)
    p['mh_W1'], p['mh_b1'] = _lin_init(ks[5], 2 * F_IN, 2 * F_IN)
    p['mh_bn1_g'] = jnp.ones((2 * F_IN,), jnp.float32)
    p['mh_bn1_b'] = jnp.zeros((2 * F_IN,), jnp.float32)
    p['mh_W2'], p['mh_b2'] = _lin_init(ks[6], 2 * F_IN, 2 * F_IN)
    p['mh_bn2_g'] = jnp.ones((2 * F_IN,), jnp.float32)
    p['mh_bn2_b'] = jnp.zeros((2 * F_IN,), jnp.float32)
    p['mh_W3'], p['mh_b3'] = _lin_init(ks[7], 2 * F_IN, 2 * F_IN)
    p['mh_bn3_g'] = jnp.ones((2 * F_IN,), jnp.float32)
    p['mh_bn3_b'] = jnp.zeros((2 * F_IN,), jnp.float32)
    p['mh_W4'], p['mh_b4'] = _lin_init(ks[8], 2 * F_IN, F_OUT)
    p['em_W1'], p['em_b1'] = _lin_init(ks[9], 2 * F_OUT + F_IN, 2 * F_OUT)
    p['em_W2'], p['em_b2'] = _lin_init(ks[10], 2 * F_OUT, F_OUT)
    return {'x': x, 'edge_attr': edge_attr, 'edge_index': edge_index, 'params': p}


def _bn(a, g, b):
    # training-mode BatchNorm1d (batch statistics, biased variance, eps=1e-5)
    mu = jnp.mean(a, axis=0, keepdims=True)
    var = jnp.var(a, axis=0, keepdims=True)
    return (a - mu) / jnp.sqrt(var + 1e-5) * g + b


def _forward(x, edge_attr, edge_index, p):
    row = edge_index[0]
    col = edge_index[1]
    # input norms + ReLU (dropout p=0.0 -> identity)
    h = jax.nn.relu(_bn(x, p['bn_h_g'], p['bn_h_b']))
    v = jax.nn.relu(_bn(edge_attr, p['bn_v_g'], p['bn_v_b']))
    # PointConv message: x_j = source (row), x_i = target (col)
    x_j = jnp.take(h, row, axis=0)
    x_i = jnp.take(h, col, axis=0)
    z = jnp.concatenate([x_i, x_j, v], axis=-1)
    m = jax.nn.relu(z @ p['mp_W1'] + p['mp_b1']) @ p['mp_W2'] + p['mp_b2']
    # softmax aggregation over target index with learnable temperature t
    scores = m * p['t']
    smax = jax.ops.segment_max(scores, col, num_segments=N)
    smax = jnp.where(jnp.isfinite(smax), smax, 0.0)
    ex = jnp.exp(scores - jnp.take(smax, col, axis=0))
    denom = jax.ops.segment_sum(ex, col, num_segments=N)
    alpha = ex / jnp.take(denom, col, axis=0)
    msg = jax.ops.segment_sum(m * alpha, col, num_segments=N)
    # mlp_h: [2F -> 2F -> 2F -> 2F -> F_OUT] with BatchNorm+ReLU between layers
    hh = jnp.concatenate([h, msg], axis=-1)
    hh = jax.nn.relu(_bn(hh @ p['mh_W1'] + p['mh_b1'], p['mh_bn1_g'], p['mh_bn1_b']))
    hh = jax.nn.relu(_bn(hh @ p['mh_W2'] + p['mh_b2'], p['mh_bn2_g'], p['mh_bn2_b']))
    hh = jax.nn.relu(_bn(hh @ p['mh_W3'] + p['mh_b3'], p['mh_bn3_g'], p['mh_bn3_b']))
    h_out = hh @ p['mh_W4'] + p['mh_b4']
    # edge_mlp: ReLU -> Linear -> ReLU -> Linear on cat([h[row], h[col], v])
    ev = jnp.concatenate([jnp.take(h_out, row, axis=0), jnp.take(h_out, col, axis=0), v], axis=1)
    ev = jax.nn.relu(ev)
    ev = jax.nn.relu(ev @ p['em_W1'] + p['em_b1'])
    v_out = ev @ p['em_W2'] + p['em_b2']
    return h_out, v_out


def reference(x, edge_attr, edge_index, params):
    return _forward(x, edge_attr, edge_index, params)

if __name__ == "__main__":
    import jax
    _d = setup_inputs()
    print(jax.jit(kernel)(*tuple(_d.values())))

</pallas_src>

<mosaic_0001>
#map = affine_map<(d0, d1) -> (0, 0)>
#map1 = affine_map<(d0, d1) -> (0)>
module attributes {stable_mosaic.version = 14 : i64} {
  func.func @k(%arg0: i32, %arg1: i32, %arg2: memref<10000x128xi32, #tpu.memory_space<hbm>>, %arg3: memref<10000x128xi32, #tpu.memory_space<hbm>>, %arg4: memref<160000x128xi32, #tpu.memory_space<hbm>>, %arg5: memref<160000xi32, #tpu.memory_space<hbm>>, %arg6: memref<160000xi32, #tpu.memory_space<hbm>>, %arg7: memref<160000x128xi32, #tpu.memory_space<hbm>>, %arg8: memref<5000xi32, #tpu.memory_space<vmem>>, %arg9: memref<5000xi32, #tpu.memory_space<vmem>>, %arg10: memref<40x128xi32, #tpu.memory_space<vmem>>, %arg11: memref<40x128xi32, #tpu.memory_space<vmem>>, %arg12: memref<40x128xi32, #tpu.memory_space<vmem>>, %arg13: memref<40x128xi32, #tpu.memory_space<vmem>>, %arg14: memref<40x128xi32, #tpu.memory_space<vmem>>, %arg15: memref<40x128xi32, #tpu.memory_space<vmem>>, %arg16: memref<40x128xi32, #tpu.memory_space<vmem>>, %arg17: memref<40x128xi32, #tpu.memory_space<vmem>>, %arg18: memref<!tpu.dma_semaphore, #tpu.memory_space<semaphore_mem>>, %arg19: memref<!tpu.dma_semaphore, #tpu.memory_space<semaphore_mem>>, %arg20: memref<!tpu.dma_semaphore, #tpu.memory_space<semaphore_mem>>, %arg21: memref<!tpu.dma_semaphore, #tpu.memory_space<semaphore_mem>>, %arg22: memref<!tpu.dma_semaphore, #tpu.memory_space<semaphore_mem>>, %arg23: memref<!tpu.dma_semaphore, #tpu.memory_space<semaphore_mem>>, %arg24: memref<!tpu.dma_semaphore, #tpu.memory_space<semaphore_mem>>, %arg25: memref<!tpu.dma_semaphore, #tpu.memory_space<semaphore_mem>>) attributes {dimension_semantics = [#tpu.dimension_semantics<core_parallel>, #tpu.dimension_semantics<subcore_parallel>], iteration_bounds = array<i64: 2, 16>, scalar_prefetch = 0 : i64, scratch_operands = 18 : i64, tpu.core_type = #tpu.core_type<sc_vector_subcore>, window_params = [{transform_indices = #map}, {transform_indices = #map}, {transform_indices = #map}, {transform_indices = #map1}, {transform_indices = #map1}, {transform_indices = #map}]} {
    %mul3A = arith.constant 2 : i32
    %mul3A_0 = arith.muli %arg1, %mul3A : i32
    %add3A = arith.addi %mul3A_0, %arg0 : i32
    %mul3A_1 = arith.constant 5000 : i32
    %mul3A_2 = arith.muli %add3A, %mul3A_1 : i32
    "tpu.region"() ({
      %run_scoped3A = tpu.sem_alloc : memref<!tpu.dma_semaphore, #tpu.memory_space<semaphore_mem>>
      %dma_start3A_174 = tpu.memref_slice %arg5[%mul3A_2] : memref<160000xi32, #tpu.memory_space<hbm>> -> memref<5000xi32, #tpu.memory_space<hbm>>
      %dma_start3A_175 = tpu.memref_slice %arg5[%mul3A_2] : memref<160000xi32, #tpu.memory_space<hbm>> -> memref<5000xi32, #tpu.memory_space<hbm>>
      tpu.enqueue_dma source(%dma_start3A_175 : memref<5000xi32, #tpu.memory_space<hbm>>) target(%arg8 : memref<5000xi32, #tpu.memory_space<vmem>>) target_semaphore(%run_scoped3A : memref<!tpu.dma_semaphore, #tpu.memory_space<semaphore_mem>>)
      %dma_wait3A_176 = tpu.memref_slice %arg5[%mul3A_2] : memref<160000xi32, #tpu.memory_space<hbm>> -> memref<5000xi32, #tpu.memory_space<hbm>>
      %dma_wait3A_177 = tpu.memref_slice %arg5[%mul3A_2] : memref<160000xi32, #tpu.memory_space<hbm>> -> memref<5000xi32, #tpu.memory_space<hbm>>
      tpu.wait_dma2 semaphore(%run_scoped3A : memref<!tpu.dma_semaphore, #tpu.memory_space<semaphore_mem>>) src(%dma_wait3A_177 : memref<5000xi32, #tpu.memory_space<hbm>>) dst(%arg8 : memref<5000xi32, #tpu.memory_space<vmem>>)
      tpu.yield
    }) : () -> ()
    "tpu.region"() ({
      %run_scoped3A = tpu.sem_alloc : memref<!tpu.dma_semaphore, #tpu.memory_space<semaphore_mem>>
      %dma_start3A_174 = tpu.memref_slice %arg6[%mul3A_2] : memref<160000xi32, #tpu.memory_space<hbm>> -> memref<5000xi32, #tpu.memory_space<hbm>>
      %dma_start3A_175 = tpu.memref_slice %arg6[%mul3A_2] : memref<160000xi32, #tpu.memory_space<hbm>> -> memref<5000xi32, #tpu.memory_space<hbm>>
      tpu.enqueue_dma source(%dma_start3A_175 : memref<5000xi32, #tpu.memory_space<hbm>>) target(%arg9 : memref<5000xi32, #tpu.memory_space<vmem>>) target_semaphore(%run_scoped3A : memref<!tpu.dma_semaphore, #tpu.memory_space<semaphore_mem>>)
      %dma_wait3A_176 = tpu.memref_slice %arg6[%mul3A_2] : memref<160000xi32, #tpu.memory_space<hbm>> -> memref<5000xi32, #tpu.memory_space<hbm>>
      %dma_wait3A_177 = tpu.memref_slice %arg6[%mul3A_2] : memref<160000xi32, #tpu.memory_space<hbm>> -> memref<5000xi32, #tpu.memory_space<hbm>>
      tpu.wait_dma2 semaphore(%run_scoped3A : memref<!tpu.dma_semaphore, #tpu.memory_space<semaphore_mem>>) src(%dma_wait3A_177 : memref<5000xi32, #tpu.memory_space<hbm>>) dst(%arg9 : memref<5000xi32, #tpu.memory_space<vmem>>)
      tpu.yield
    }) : () -> ()
    %dma_start3A = arith.constant 0 : i32
    %dma_start3A_3 = tpu.memref_slice %arg8[%dma_start3A] : memref<5000xi32, #tpu.memory_space<vmem>> -> memref<40xi32, #tpu.memory_space<vmem>>
    %dma_start3A_4 = arith.constant 0 : i32
    %dma_start3A_5 = arith.constant 0 : i32
    %dma_start3A_6 = tpu.memref_slice %arg2[%dma_start3A_4, %dma_start3A_5] : memref<10000x128xi32, #tpu.memory_space<hbm>> -> memref<10000x128xi32, #tpu.memory_space<hbm>>
    tpu.enqueue_indirect_dma source(%dma_start3A_6 : memref<10000x128xi32, #tpu.memory_space<hbm>>) target(%arg10 : memref<40x128xi32, #tpu.memory_space<vmem>>) offsets(%dma_start3A_3 : memref<40xi32, #tpu.memory_space<vmem>>) semaphore(%arg18 : memref<!tpu.dma_semaphore, #tpu.memory_space<semaphore_mem>>)
    %dma_start3A_7 = arith.constant 0 : i32
    %dma_start3A_8 = tpu.memref_slice %arg9[%dma_start3A_7] : memref<5000xi32, #tpu.memory_space<vmem>> -> memref<40xi32, #tpu.memory_space<vmem>>
    %dma_start3A_9 = arith.constant 0 : i32
    %dma_start3A_10 = arith.constant 0 : i32
    %dma_start3A_11 = tpu.memref_slice %arg3[%dma_start3A_9, %dma_start3A_10] : memref<10000x128xi32, #tpu.memory_space<hbm>> -> memref<10000x128xi32, #tpu.memory_space<hbm>>
    tpu.enqueue_indirect_dma source(%dma_start3A_11 : memref<10000x128xi32, #tpu.memory_space<hbm>>) target(%arg12 : memref<40x128xi32, #tpu.memory_space<vmem>>) offsets(%dma_start3A_8 : memref<40xi32, #tpu.memory_space<vmem>>) semaphore(%arg20 : memref<!tpu.dma_semaphore, #tpu.memory_space<semaphore_mem>>)
    %add3A_12 = arith.constant 0 : i32
    %add3A_13 = arith.addi %mul3A_2, %add3A_12 : i32
    %dma_start3A_14 = arith.constant 0 : i32
    %dma_start3A_15 = tpu.memref_slice %arg4[%add3A_13, %dma_start3A_14] : memref<160000x128xi32, #tpu.memory_space<hbm>> -> memref<40x128xi32, #tpu.memory_space<hbm>>
    %dma_start3A_16 = arith.constant 0 : i32
    %dma_start3A_17 = tpu.memref_slice %arg4[%add3A_13, %dma_start3A_16] : memref<160000x128xi32, #tpu.memory_space<hbm>> -> memref<40x128xi32, #tpu.memory_space<hbm>>
    tpu.enqueue_dma source(%dma_start3A_17 : memref<40x128xi32, #tpu.memory_space<hbm>>) target(%arg14 : memref<40x128xi32, #tpu.memory_space<vmem>>) target_semaphore(%arg22 : memref<!tpu.dma_semaphore, #tpu.memory_space<semaphore_mem>>)
    %dma_start3A_18 = arith.constant 40 : i32
    %dma_start3A_19 = tpu.memref_slice %arg8[%dma_start3A_18] : memref<5000xi32, #tpu.memory_space<vmem>> -> memref<40xi32, #tpu.memory_space<vmem>>
    %dma_start3A_20 = arith.constant 0 : i32
    %dma_start3A_21 = arith.constant 0 : i32
    %dma_start3A_22 = tpu.memref_slice %arg2[%dma_start3A_20, %dma_start3A_21] : memref<10000x128xi32, #tpu.memory_space<hbm>> -> memref<10000x128xi32, #tpu.memory_space<hbm>>
    tpu.enqueue_indirect_dma source(%dma_start3A_22 : memref<10000x128xi32, #tpu.memory_space<hbm>>) target(%arg11 : memref<40x128xi32, #tpu.memory_space<vmem>>) offsets(%dma_start3A_19 : memref<40xi32, #tpu.memory_space<vmem>>) semaphore(%arg19 : memref<!tpu.dma_semaphore, #tpu.memory_space<semaphore_mem>>)
    %dma_start3A_23 = arith.constant 40 : i32
    %dma_start3A_24 = tpu.memref_slice %arg9[%dma_start3A_23] : memref<5000xi32, #tpu.memory_space<vmem>> -> memref<40xi32, #tpu.memory_space<vmem>>
    %dma_start3A_25 = arith.constant 0 : i32
    %dma_start3A_26 = arith.constant 0 : i32
    %dma_start3A_27 = tpu.memref_slice %arg3[%dma_start3A_25, %dma_start3A_26] : memref<10000x128xi32, #tpu.memory_space<hbm>> -> memref<10000x128xi32, #tpu.memory_space<hbm>>
    tpu.enqueue_indirect_dma source(%dma_start3A_27 : memref<10000x128xi32, #tpu.memory_space<hbm>>) target(%arg13 : memref<40x128xi32, #tpu.memory_space<vmem>>) offsets(%dma_start3A_24 : memref<40xi32, #tpu.memory_space<vmem>>) semaphore(%arg21 : memref<!tpu.dma_semaphore, #tpu.memory_space<semaphore_mem>>)
    %add3A_28 = arith.constant 40 : i32
    %add3A_29 = arith.addi %mul3A_2, %add3A_28 : i32
    %dma_start3A_30 = arith.constant 0 : i32
    %dma_start3A_31 = tpu.memref_slice %arg4[%add3A_29, %dma_start3A_30] : memref<160000x128xi32, #tpu.memory_space<hbm>> -> memref<40x128xi32, #tpu.memory_space<hbm>>
    %dma_start3A_32 = arith.constant 0 : i32
    %dma_start3A_33 = tpu.memref_slice %arg4[%add3A_29, %dma_start3A_32] : memref<160000x128xi32, #tpu.memory_space<hbm>> -> memref<40x128xi32, #tpu.memory_space<hbm>>
    tpu.enqueue_dma source(%dma_start3A_33 : memref<40x128xi32, #tpu.memory_space<hbm>>) target(%arg15 : memref<40x128xi32, #tpu.memory_space<vmem>>) target_semaphore(%arg23 : memref<!tpu.dma_semaphore, #tpu.memory_space<semaphore_mem>>)
    %dma_wait3A = arith.constant 0 : i32
    %dma_wait3A_34 = arith.constant 0 : i32
    %dma_wait3A_35 = tpu.memref_slice %arg4[%dma_wait3A, %dma_wait3A_34] : memref<160000x128xi32, #tpu.memory_space<hbm>> -> memref<40x128xi32, #tpu.memory_space<hbm>>
    %dma_wait3A_36 = arith.constant 0 : i32
    %dma_wait3A_37 = arith.constant 0 : i32
    %dma_wait3A_38 = tpu.memref_slice %arg4[%dma_wait3A_36, %dma_wait3A_37] : memref<160000x128xi32, #tpu.memory_space<hbm>> -> memref<40x128xi32, #tpu.memory_space<hbm>>
    tpu.wait_dma2 semaphore(%arg18 : memref<!tpu.dma_semaphore, #tpu.memory_space<semaphore_mem>>) src(%dma_wait3A_38 : memref<40x128xi32, #tpu.memory_space<hbm>>) dst(%arg10 : memref<40x128xi32, #tpu.memory_space<vmem>>)
    %dma_wait3A_39 = arith.constant 0 : i32
    %dma_wait3A_40 = arith.constant 0 : i32
    %dma_wait3A_41 = tpu.memref_slice %arg4[%dma_wait3A_39, %dma_wait3A_40] : memref<160000x128xi32, #tpu.memory_space<hbm>> -> memref<40x128xi32, #tpu.memory_space<hbm>>
    %dma_wait3A_42 = arith.constant 0 : i32
    %dma_wait3A_43 = arith.constant 0 : i32
    %dma_wait3A_44 = tpu.memref_slice %arg4[%dma_wait3A_42, %dma_wait3A_43] : memref<160000x128xi32, #tpu.memory_space<hbm>> -> memref<40x128xi32, #tpu.memory_space<hbm>>
    tpu.wait_dma2 semaphore(%arg20 : memref<!tpu.dma_semaphore, #tpu.memory_space<semaphore_mem>>) src(%dma_wait3A_44 : memref<40x128xi32, #tpu.memory_space<hbm>>) dst(%arg12 : memref<40x128xi32, #tpu.memory_space<vmem>>)
    %dma_wait3A_45 = arith.constant 0 : i32
    %dma_wait3A_46 = arith.constant 0 : i32
    %dma_wait3A_47 = tpu.memref_slice %arg4[%dma_wait3A_45, %dma_wait3A_46] : memref<160000x128xi32, #tpu.memory_space<hbm>> -> memref<40x128xi32, #tpu.memory_space<hbm>>
    %dma_wait3A_48 = arith.constant 0 : i32
    %dma_wait3A_49 = arith.constant 0 : i32
    %dma_wait3A_50 = tpu.memref_slice %arg4[%dma_wait3A_48, %dma_wait3A_49] : memref<160000x128xi32, #tpu.memory_space<hbm>> -> memref<40x128xi32, #tpu.memory_space<hbm>>
    tpu.wait_dma2 semaphore(%arg22 : memref<!tpu.dma_semaphore, #tpu.memory_space<semaphore_mem>>) src(%dma_wait3A_50 : memref<40x128xi32, #tpu.memory_space<hbm>>) dst(%arg14 : memref<40x128xi32, #tpu.memory_space<vmem>>)
    %scan3A = arith.constant 0 : i32
    %scan3A_51 = arith.constant 40 : i32
    %scan3A_52 = arith.addi %scan3A, %scan3A_51 : i32
    %scan3A_53 = arith.constant 1 : i32
    scf.for %scan3A_174 = %scan3A to %scan3A_52 step %scan3A_53  : i32 {
      %mul3A_175 = arith.constant 1 : i32
      %mul3A_176 = arith.muli %scan3A_174, %mul3A_175 : i32
      %add3A_177 = arith.constant 0 : i32
      %add3A_178 = arith.addi %add3A_177, %mul3A_176 : i32
      %get3A = arith.index_cast %add3A_178 : i32 to index
      %get3A_179 = arith.constant 0 : index
      %get3A_180 = tpu.vector_load %arg10[%get3A, %get3A_179] {strides = array<i32>} : memref<40x128xi32, #tpu.memory_space<vmem>>, vector<16xi32>,
      %bitcast3A = vector.bitcast %get3A_180 : vector<16xi32> to vector<32xbf16>
      %get3A_181 = arith.index_cast %add3A_178 : i32 to index
      %get3A_182 = arith.constant 0 : index
      %get3A_183 = tpu.vector_load %arg12[%get3A_181, %get3A_182] {strides = array<i32>} : memref<40x128xi32, #tpu.memory_space<vmem>>, vector<16xi32>,
      %bitcast3A_184 = vector.bitcast %get3A_183 : vector<16xi32> to vector<32xbf16>
      %get3A_185 = arith.index_cast %add3A_178 : i32 to index
      %get3A_186 = arith.constant 0 : index
      %get3A_187 = tpu.vector_load %arg14[%get3A_185, %get3A_186] {strides = array<i32>} : memref<40x128xi32, #tpu.memory_space<vmem>>, vector<16xi32>,
      %bitcast3A_188 = vector.bitcast %get3A_187 : vector<16xi32> to vector<32xbf16>
      %add3A_189 = arith.addf %bitcast3A, %bitcast3A_184 : vector<32xbf16>
      %add3A_190 = arith.addf %add3A_189, %bitcast3A_188 : vector<32xbf16>
      %bitcast3A_191 = vector.bitcast %add3A_190 : vector<32xbf16> to vector<16xi32>
      %swap3A = arith.index_cast %add3A_178 : i32 to index
      %swap3A_192 = arith.constant 0 : index
      %swap3A_193 = tpu.vector_load %arg16[%swap3A, %swap3A_192] {strides = array<i32>} : memref<40x128xi32, #tpu.memory_space<vmem>>, vector<16xi32>,
      tpu.vector_store %arg16[%swap3A, %swap3A_192], %bitcast3A_191 {strides = array<i32>} : memref<40x128xi32, #tpu.memory_space<vmem>>, vector<16xi32>,
      %get3A_194 = arith.index_cast %add3A_178 : i32 to index
      %get3A_195 = arith.constant 16 : index
      %get3A_196 = tpu.vector_load %arg10[%get3A_194, %get3A_195] {strides = array<i32>} : memref<40x128xi32, #tpu.memory_space<vmem>>, vector<16xi32>,
      %bitcast3A_197 = vector.bitcast %get3A_196 : vector<16xi32> to vector<32xbf16>
      %get3A_198 = arith.index_cast %add3A_178 : i32 to index
      %get3A_199 = arith.constant 16 : index
      %get3A_200 = tpu.vector_load %arg12[%get3A_198, %get3A_199] {strides = array<i32>} : memref<40x128xi32, #tpu.memory_space<vmem>>, vector<16xi32>,
      %bitcast3A_201 = vector.bitcast %get3A_200 : vector<16xi32> to vector<32xbf16>
      %get3A_202 = arith.index_cast %add3A_178 : i32 to index
      %get3A_203 = arith.constant 16 : index
      %get3A_204 = tpu.vector_load %arg14[%get3A_202, %get3A_203] {strides = array<i32>} : memref<40x128xi32, #tpu.memory_space<vmem>>, vector<16xi32>,
      %bitcast3A_205 = vector.bitcast %get3A_204 : vector<16xi32> to vector<32xbf16>
      %add3A_206 = arith.addf %bitcast3A_197, %bitcast3A_201 : vector<32xbf16>
      %add3A_207 = arith.addf %add3A_206, %bitcast3A_205 : vector<32xbf16>
      %bitcast3A_208 = vector.bitcast %add3A_207 : vector<32xbf16> to vector<16xi32>
      %swap3A_209 = arith.index_cast %add3A_178 : i32 to index
      %swap3A_210 = arith.constant 16 : index
      %swap3A_211 = tpu.vector_load %arg16[%swap3A_209, %swap3A_210] {strides = array<i32>} : memref<40x128xi32, #tpu.memory_space<vmem>>, vector<16xi32>,
      tpu.vector_store %arg16[%swap3A_209, %swap3A_210], %bitcast3A_208 {strides = array<i32>} : memref<40x128xi32, #tpu.memory_space<vmem>>, vector<16xi32>,
      %get3A_212 = arith.index_cast %add3A_178 : i32 to index
      %get3A_213 = arith.constant 32 : index
      %get3A_214 = tpu.vector_load %arg10[%get3A_212, %get3A_213] {strides = array<i32>} : memref<40x128xi32, #tpu.memory_space<vmem>>, vector<16xi32>,
      %bitcast3A_215 = vector.bitcast %get3A_214 : vector<16xi32> to vector<32xbf16>
      %get3A_216 = arith.index_cast %add3A_178 : i32 to index
      %get3A_217 = arith.constant 32 : index
      %get3A_218 = tpu.vector_load %arg12[%get3A_216, %get3A_217] {strides = array<i32>} : memref<40x128xi32, #tpu.memory_space<vmem>>, vector<16xi32>,
      %bitcast3A_219 = vector.bitcast %get3A_218 : vector<16xi32> to vector<32xbf16>
      %get3A_220 = arith.index_cast %add3A_178 : i32 to index
      %get3A_221 = arith.constant 32 : index
      %get3A_222 = tpu.vector_load %arg14[%get3A_220, %get3A_221] {strides = array<i32>} : memref<40x128xi32, #tpu.memory_space<vmem>>, vector<16xi32>,
      %bitcast3A_223 = vector.bitcast %get3A_222 : vector<16xi32> to vector<32xbf16>
      %add3A_224 = arith.addf %bitcast3A_215, %bitcast3A_219 : vector<32xbf16>
      %add3A_225 = arith.addf %add3A_224, %bitcast3A_223 : vector<32xbf16>
      %bitcast3A_226 = vector.bitcast %add3A_225 : vector<32xbf16> to vector<16xi32>
      %swap3A_227 = arith.index_cast %add3A_178 : i32 to index
      %swap3A_228 = arith.constant 32 : index
      %swap3A_229 = tpu.vector_load %arg16[%swap3A_227, %swap3A_228] {strides = array<i32>} : memref<40x128xi32, #tpu.memory_space<vmem>>, vector<16xi32>,
      tpu.vector_store %arg16[%swap3A_227, %swap3A_228], %bitcast3A_226 {strides = array<i32>} : memref<40x128xi32, #tpu.memory_space<vmem>>, vector<16xi32>,
      %get3A_230 = arith.index_cast %add3A_178 : i32 to index
      %get3A_231 = arith.constant 48 : index
      %get3A_232 = tpu.vector_load %arg10[%get3A_230, %get3A_231] {strides = array<i32>} : memref<40x128xi32, #tpu.memory_space<vmem>>, vector<16xi32>,
      %bitcast3A_233 = vector.bitcast %get3A_232 : vector<16xi32> to vector<32xbf16>
      %get3A_234 = arith.index_cast %add3A_178 : i32 to index
      %get3A_235 = arith.constant 48 : index
      %get3A_236 = tpu.vector_load %arg12[%get3A_234, %get3A_235] {strides = array<i32>} : memref<40x128xi32, #tpu.memory_space<vmem>>, vector<16xi32>,
      %bitcast3A_237 = vector.bitcast %get3A_236 : vector<16xi32> to vector<32xbf16>
      %get3A_238 = arith.index_cast %add3A_178 : i32 to index
      %get3A_239 = arith.constant 48 : index
      %get3A_240 = tpu.vector_load %arg14[%get3A_238, %get3A_239] {strides = array<i32>} : memref<40x128xi32, #tpu.memory_space<vmem>>, vector<16xi32>,
      %bitcast3A_241 = vector.bitcast %get3A_240 : vector<16xi32> to vector<32xbf16>
      %add3A_242 = arith.addf %bitcast3A_233, %bitcast3A_237 : vector<32xbf16>
      %add3A_243 = arith.addf %add3A_242, %bitcast3A_241 : vector<32xbf16>
      %bitcast3A_244 = vector.bitcast %add3A_243 : vector<32xbf16> to vector<16xi32>
      %swap3A_245 = arith.index_cast %add3A_178 : i32 to index
      %swap3A_246 = arith.constant 48 : index
      %swap3A_247 = tpu.vector_load %arg16[%swap3A_245, %swap3A_246] {strides = array<i32>} : memref<40x128xi32, #tpu.memory_space<vmem>>, vector<16xi32>,
      tpu.vector_store %arg16[%swap3A_245, %swap3A_246], %bitcast3A_244 {strides = array<i32>} : memref<40x128xi32, #tpu.memory_space<vmem>>, vector<16xi32>,
      %get3A_248 = arith.index_cast %add3A_178 : i32 to index
      %get3A_249 = arith.constant 64 : index
      %get3A_250 = tpu.vector_load %arg10[%get3A_248, %get3A_249] {strides = array<i32>} : memref<40x128xi32, #tpu.memory_space<vmem>>, vector<16xi32>,
      %bitcast3A_251 = vector.bitcast %get3A_250 : vector<16xi32> to vector<32xbf16>
      %get3A_252 = arith.index_cast %add3A_178 : i32 to index
      %get3A_253 = arith.constant 64 : index
      %get3A_254 = tpu.vector_load %arg12[%get3A_252, %get3A_253] {strides = array<i32>} : memref<40x128xi32, #tpu.memory_space<vmem>>, vector<16xi32>,
      %bitcast3A_255 = vector.bitcast %get3A_254 : vector<16xi32> to vector<32xbf16>
      %get3A_256 = arith.index_cast %add3A_178 : i32 to index
      %get3A_257 = arith.constant 64 : index
      %get3A_258 = tpu.vector_load %arg14[%get3A_256, %get3A_257] {strides = array<i32>} : memref<40x128xi32, #tpu.memory_space<vmem>>, vector<16xi32>,
      %bitcast3A_259 = vector.bitcast %get3A_258 : vector<16xi32> to vector<32xbf16>
      %add3A_260 = arith.addf %bitcast3A_251, %bitcast3A_255 : vector<32xbf16>
      %add3A_261 = arith.addf %add3A_260, %bitcast3A_259 : vector<32xbf16>
      %bitcast3A_262 = vector.bitcast %add3A_261 : vector<32xbf16> to vector<16xi32>
      %swap3A_263 = arith.index_cast %add3A_178 : i32 to index
      %swap3A_264 = arith.constant 64 : index
      %swap3A_265 = tpu.vector_load %arg16[%swap3A_263, %swap3A_264] {strides = array<i32>} : memref<40x128xi32, #tpu.memory_space<vmem>>, vector<16xi32>,
      tpu.vector_store %arg16[%swap3A_263, %swap3A_264], %bitcast3A_262 {strides = array<i32>} : memref<40x128xi32, #tpu.memory_space<vmem>>, vector<16xi32>,
      %get3A_266 = arith.index_cast %add3A_178 : i32 to index
      %get3A_267 = arith.constant 80 : index
      %get3A_268 = tpu.vector_load %arg10[%get3A_266, %get3A_267] {strides = array<i32>} : memref<40x128xi32, #tpu.memory_space<vmem>>, vector<16xi32>,
      %bitcast3A_269 = vector.bitcast %get3A_268 : vector<16xi32> to vector<32xbf16>
      %get3A_270 = arith.index_cast %add3A_178 : i32 to index
      %get3A_271 = arith.constant 80 : index
      %get3A_272 = tpu.vector_load %arg12[%get3A_270, %get3A_271] {strides = array<i32>} : memref<40x128xi32, #tpu.memory_space<vmem>>, vector<16xi32>,
      %bitcast3A_273 = vector.bitcast %get3A_272 : vector<16xi32> to vector<32xbf16>
      %get3A_274 = arith.index_cast %add3A_178 : i32 to index
      %get3A_275 = arith.constant 80 : index
      %get3A_276 = tpu.vector_load %arg14[%get3A_274, %get3A_275] {strides = array<i32>} : memref<40x128xi32, #tpu.memory_space<vmem>>, vector<16xi32>,
      %bitcast3A_277 = vector.bitcast %get3A_276 : vector<16xi32> to vector<32xbf16>
      %add3A_278 = arith.addf %bitcast3A_269, %bitcast3A_273 : vector<32xbf16>
      %add3A_279 = arith.addf %add3A_278, %bitcast3A_277 : vector<32xbf16>
      %bitcast3A_280 = vector.bitcast %add3A_279 : vector<32xbf16> to vector<16xi32>
      %swap3A_281 = arith.index_cast %add3A_178 : i32 to index
      %swap3A_282 = arith.constant 80 : index
      %swap3A_283 = tpu.vector_load %arg16[%swap3A_281, %swap3A_282] {strides = array<i32>} : memref<40x128xi32, #tpu.memory_space<vmem>>, vector<16xi32>,
      tpu.vector_store %arg16[%swap3A_281, %swap3A_282], %bitcast3A_280 {strides = array<i32>} : memref<40x128xi32, #tpu.memory_space<vmem>>, vector<16xi32>,
      %get3A_284 = arith.index_cast %add3A_178 : i32 to index
      %get3A_285 = arith.constant 96 : index
      %get3A_286 = tpu.vector_load %arg10[%get3A_284, %get3A_285] {strides = array<i32>} : memref<40x128xi32, #tpu.memory_space<vmem>>, vector<16xi32>,
      %bitcast3A_287 = vector.bitcast %get3A_286 : vector<16xi32> to vector<32xbf16>
      %get3A_288 = arith.index_cast %add3A_178 : i32 to index
      %get3A_289 = arith.constant 96 : index
      %get3A_290 = tpu.vector_load %arg12[%get3A_288, %get3A_289] {strides = array<i32>} : memref<40x128xi32, #tpu.memory_space<vmem>>, vector<16xi32>,
      %bitcast3A_291 = vector.bitcast %get3A_290 : vector<16xi32> to vector<32xbf16>
      %get3A_292 = arith.index_cast %add3A_178 : i32 to index
      %get3A_293 = arith.constant 96 : index
      %get3A_294 = tpu.vector_load %arg14[%get3A_292, %get3A_293] {strides = array<i32>} : memref<40x128xi32, #tpu.memory_space<vmem>>, vector<16xi32>,
      %bitcast3A_295 = vector.bitcast %get3A_294 : vector<16xi32> to vector<32xbf16>
      %add3A_296 = arith.addf %bitcast3A_287, %bitcast3A_291 : vector<32xbf16>
      %add3A_297 = arith.addf %add3A_296, %bitcast3A_295 : vector<32xbf16>
      %bitcast3A_298 = vector.bitcast %add3A_297 : vector<32xbf16> to vector<16xi32>
      %swap3A_299 = arith.index_cast %add3A_178 : i32 to index
      %swap3A_300 = arith.constant 96 : index
      %swap3A_301 = tpu.vector_load %arg16[%swap3A_299, %swap3A_300] {strides = array<i32>} : memref<40x128xi32, #tpu.memory_space<vmem>>, vector<16xi32>,
      tpu.vector_store %arg16[%swap3A_299, %swap3A_300], %bitcast3A_298 {strides = array<i32>} : memref<40x128xi32, #tpu.memory_space<vmem>>, vector<16xi32>,
      %get3A_302 = arith.index_cast %add3A_178 : i32 to index
      %get3A_303 = arith.constant 112 : index
      %get3A_304 = tpu.vector_load %arg10[%get3A_302, %get3A_303] {strides = array<i32>} : memref<40x128xi32, #tpu.memory_space<vmem>>, vector<16xi32>,
      %bitcast3A_305 = vector.bitcast %get3A_304 : vector<16xi32> to vector<32xbf16>
      %get3A_306 = arith.index_cast %add3A_178 : i32 to index
      %get3A_307 = arith.constant 112 : index
      %get3A_308 = tpu.vector_load %arg12[%get3A_306, %get3A_307] {strides = array<i32>} : memref<40x128xi32, #tpu.memory_space<vmem>>, vector<16xi32>,
      %bitcast3A_309 = vector.bitcast %get3A_308 : vector<16xi32> to vector<32xbf16>
      %get3A_310 = arith.index_cast %add3A_178 : i32 to index
      %get3A_311 = arith.constant 112 : index
      %get3A_312 = tpu.vector_load %arg14[%get3A_310, %get3A_311] {strides = array<i32>} : memref<40x128xi32, #tpu.memory_space<vmem>>, vector<16xi32>,
      %bitcast3A_313 = vector.bitcast %get3A_312 : vector<16xi32> to vector<32xbf16>
      %add3A_314 = arith.addf %bitcast3A_305, %bitcast3A_309 : vector<32xbf16>
      %add3A_315 = arith.addf %add3A_314, %bitcast3A_313 : vector<32xbf16>
      %bitcast3A_316 = vector.bitcast %add3A_315 : vector<32xbf16> to vector<16xi32>
      %swap3A_317 = arith.index_cast %add3A_178 : i32 to index
      %swap3A_318 = arith.constant 112 : index
      %swap3A_319 = tpu.vector_load %arg16[%swap3A_317, %swap3A_318] {strides = array<i32>} : memref<40x128xi32, #tpu.memory_space<vmem>>, vector<16xi32>,
      tpu.vector_store %arg16[%swap3A_317, %swap3A_318], %bitcast3A_316 {strides = array<i32>} : memref<40x128xi32, #tpu.memory_space<vmem>>, vector<16xi32>,
    }
    %scan3A_54 = arith.constant 40 : i32
    %dma_start3A_55 = arith.constant 80 : i32
    %dma_start3A_56 = tpu.memref_slice %arg8[%dma_start3A_55] : memref<5000xi32, #tpu.memory_space<vmem>> -> memref<40xi32, #tpu.memory_space<vmem>>
    %dma_start3A_57 = arith.constant 0 : i32
    %dma_start3A_58 = arith.constant 0 : i32
    %dma_start3A_59 = tpu.memref_slice %arg2[%dma_start3A_57, %dma_start3A_58] : memref<10000x128xi32, #tpu.memory_space<hbm>> -> memref<10000x128xi32, #tpu.memory_space<hbm>>
    tpu.enqueue_indirect_dma source(%dma_start3A_59 : memref<10000x128xi32, #tpu.memory_space<hbm>>) target(%arg10 : memref<40x128xi32, #tpu.memory_space<vmem>>) offsets(%dma_start3A_56 : memref<40xi32, #tpu.memory_space<vmem>>) semaphore(%arg18 : memref<!tpu.dma_semaphore, #tpu.memory_space<semaphore_mem>>)
    %dma_start3A_60 = arith.constant 80 : i32
    %dma_start3A_61 = tpu.memref_slice %arg9[%dma_start3A_60] : memref<5000xi32, #tpu.memory_space<vmem>> -> memref<40xi32, #tpu.memory_space<vmem>>
    %dma_start3A_62 = arith.constant 0 : i32
    %dma_start3A_63 = arith.constant 0 : i32
    %dma_start3A_64 = tpu.memref_slice %arg3[%dma_start3A_62, %dma_start3A_63] : memref<10000x128xi32, #tpu.memory_space<hbm>> -> memref<10000x128xi32, #tpu.memory_space<hbm>>
    tpu.enqueue_indirect_dma source(%dma_start3A_64 : memref<10000x128xi32, #tpu.memory_space<hbm>>) target(%arg12 : memref<40x128xi32, #tpu.memory_space<vmem>>) offsets(%dma_start3A_61 : memref<40xi32, #tpu.memory_space<vmem>>) semaphore(%arg20 : memref<!tpu.dma_semaphore, #tpu.memory_space<semaphore_mem>>)
    %add3A_65 = arith.constant 80 : i32
    %add3A_66 = arith.addi %mul3A_2, %add3A_65 : i32
    %dma_start3A_67 = arith.constant 0 : i32
    %dma_start3A_68 = tpu.memref_slice %arg4[%add3A_66, %dma_start3A_67] : memref<160000x128xi32, #tpu.memory_space<hbm>> -> memref<40x128xi32, #tpu.memory_space<hbm>>
    %dma_start3A_69 = arith.constant 0 : i32
    %dma_start3A_70 = tpu.memref_slice %arg4[%add3A_66, %dma_start3A_69] : memref<160000x128xi32, #tpu.memory_space<hbm>> -> memref<40x128xi32, #tpu.memory_space<hbm>>
    tpu.enqueue_dma source(%dma_start3A_70 : memref<40x128xi32, #tpu.memory_space<hbm>>) target(%arg14 : memref<40x128xi32, #tpu.memory_space<vmem>>) target_semaphore(%arg22 : memref<!tpu.dma_semaphore, #tpu.memory_space<semaphore_mem>>)
    %add3A_71 = arith.constant 0 : i32
    %add3A_72 = arith.addi %mul3A_2, %add3A_71 : i32
    %dma_start3A_73 = arith.constant 0 : i32
    %dma_start3A_74 = tpu.memref_slice %arg7[%add3A_72, %dma_start3A_73] : memref<160000x128xi32, #tpu.memory_space<hbm>> -> memref<40x128xi32, #tpu.memory_space<hbm>>
    %dma_start3A_75 = arith.constant 0 : i32
    %dma_start3A_76 = tpu.memref_slice %arg7[%add3A_72, %dma_start3A_75] : memref<160000x128xi32, #tpu.memory_space<hbm>> -> memref<40x128xi32, #tpu.memory_space<hbm>>
    tpu.enqueue_dma source(%arg16 : memref<40x128xi32, #tpu.memory_space<vmem>>) target(%dma_start3A_76 : memref<40x128xi32, #tpu.memory_space<hbm>>) target_semaphore(%arg24 : memref<!tpu.dma_semaphore, #tpu.memory_space<semaphore_mem>>)
    %dma_wait3A_77 = arith.constant 0 : i32
    %dma_wait3A_78 = arith.constant 0 : i32
    %dma_wait3A_79 = tpu.memref_slice %arg4[%dma_wait3A_77, %dma_wait3A_78] : memref<160000x128xi32, #tpu.memory_space<hbm>> -> memref<40x128xi32, #tpu.memory_space<hbm>>
    %dma_wait3A_80 = arith.constant 0 : i32
    %dma_wait3A_81 = arith.constant 0 : i32
    %dma_wait3A_82 = tpu.memref_slice %arg4[%dma_wait3A_80, %dma_wait3A_81] : memref<160000x128xi32, #tpu.memory_space<hbm>> -> memref<40x128xi32, #tpu.memory_space<hbm>>
    tpu.wait_dma2 semaphore(%arg19 : memref<!tpu.dma_semaphore, #tpu.memory_space<semaphore_mem>>) src(%dma_wait3A_82 : memref<40x128xi32, #tpu.memory_space<hbm>>) dst(%arg11 : memref<40x128xi32, #tpu.memory_space<vmem>>)
    %dma_wait3A_83 = arith.constant 0 : i32
    %dma_wait3A_84 = arith.constant 0 : i32
    %dma_wait3A_85 = tpu.memref_slice %arg4[%dma_wait3A_83, %dma_wait3A_84] : memref<160000x128xi32, #tpu.memory_space<hbm>> -> memref<40x128xi32, #tpu.memory_space<hbm>>
    %dma_wait3A_86 = arith.constant 0 : i32
    %dma_wait3A_87 = arith.constant 0 : i32
    %dma_wait3A_88 = tpu.memref_slice %arg4[%dma_wait3A_86, %dma_wait3A_87] : memref<160000x128xi32, #tpu.memory_space<hbm>> -> memref<40x128xi32, #tpu.memory_space<hbm>>
    tpu.wait_dma2 semaphore(%arg21 : memref<!tpu.dma_semaphore, #tpu.memory_space<semaphore_mem>>) src(%dma_wait3A_88 : memref<40x128xi32, #tpu.memory_space<hbm>>) dst(%arg13 : memref<40x128xi32, #tpu.memory_space<vmem>>)
    %dma_wait3A_89 = arith.constant 0 : i32
    %dma_wait3A_90 = arith.constant 0 : i32
    %dma_wait3A_91 = tpu.memref_slice %arg4[%dma_wait3A_89, %dma_wait3A_90] : memref<160000x128xi32, #tpu.memory_space<hbm>> -> memref<40x128xi32, #tpu.memory_space<hbm>>
    %dma_wait3A_92 = arith.constant 0 : i32
    %dma_wait3A_93 = arith.constant 0 : i32
    %dma_wait3A_94 = tpu.memref_slice %arg4[%dma_wait3A_92, %dma_wait3A_93] : memref<160000x128xi32, #tpu.memory_space<hbm>> -> memref<40x128xi32, #tpu.memory_space<hbm>>
    tpu.wait_dma2 semaphore(%arg23 : memref<!tpu.dma_semaphore, #tpu.memory_space<semaphore_mem>>) src(%dma_wait3A_94 : memref<40x128xi32, #tpu.memory_space<hbm>>) dst(%arg15 : memref<40x128xi32, #tpu.memory_space<vmem>>)
    %scan3A_95 = arith.constant 0 : i32
    %scan3A_96 = arith.constant 40 : i32
    %scan3A_97 = arith.addi %scan3A_95, %scan3A_96 : i32
    %scan3A_98 = arith.constant 1 : i32
    scf.for %scan3A_174 = %scan3A_95 to %scan3A_97 step %scan3A_98  : i32 {
      %mul3A_175 = arith.constant 1 : i32
      %mul3A_176 = arith.muli %scan3A_174, %mul3A_175 : i32
      %add3A_177 = arith.constant 0 : i32
      %add3A_178 = arith.addi %add3A_177, %mul3A_176 : i32
      %get3A = arith.index_cast %add3A_178 : i32 to index
      %get3A_179 = arith.constant 0 : index
      %get3A_180 = tpu.vector_load %arg11[%get3A, %get3A_179] {strides = array<i32>} : memref<40x128xi32, #tpu.memory_space<vmem>>, vector<16xi32>,
      %bitcast3A = vector.bitcast %get3A_180 : vector<16xi32> to vector<32xbf16>
      %get3A_181 = arith.index_cast %add3A_178 : i32 to index
      %get3A_182 = arith.constant 0 : index
      %get3A_183 = tpu.vector_load %arg13[%get3A_181, %get3A_182] {strides = array<i32>} : memref<40x128xi32, #tpu.memory_space<vmem>>, vector<16xi32>,
      %bitcast3A_184 = vector.bitcast %get3A_183 : vector<16xi32> to vector<32xbf16>
      %get3A_185 = arith.index_cast %add3A_178 : i32 to index
      %get3A_186 = arith.constant 0 : index
      %get3A_187 = tpu.vector_load %arg15[%get3A_185, %get3A_186] {strides = array<i32>} : memref<40x128xi32, #tpu.memory_space<vmem>>, vector<16xi32>,
      %bitcast3A_188 = vector.bitcast %get3A_187 : vector<16xi32> to vector<32xbf16>
      %add3A_189 = arith.addf %bitcast3A, %bitcast3A_184 : vector<32xbf16>
      %add3A_190 = arith.addf %add3A_189, %bitcast3A_188 : vector<32xbf16>
      %bitcast3A_191 = vector.bitcast %add3A_190 : vector<32xbf16> to vector<16xi32>
      %swap3A = arith.index_cast %add3A_178 : i32 to index
      %swap3A_192 = arith.constant 0 : index
      %swap3A_193 = tpu.vector_load %arg17[%swap3A, %swap3A_192] {strides = array<i32>} : memref<40x128xi32, #tpu.memory_space<vmem>>, vector<16xi32>,
      tpu.vector_store %arg17[%swap3A, %swap3A_192], %bitcast3A_191 {strides = array<i32>} : memref<40x128xi32, #tpu.memory_space<vmem>>, vector<16xi32>,
      %get3A_194 = arith.index_cast %add3A_178 : i32 to index
      %get3A_195 = arith.constant 16 : index
      %get3A_196 = tpu.vector_load %arg11[%get3A_194, %get3A_195] {strides = array<i32>} : memref<40x128xi32, #tpu.memory_space<vmem>>, vector<16xi32>,
      %bitcast3A_197 = vector.bitcast %get3A_196 : vector<16xi32> to vector<32xbf16>
      %get3A_198 = arith.index_cast %add3A_178 : i32 to index
      %get3A_199 = arith.constant 16 : index
      %get3A_200 = tpu.vector_load %arg13[%get3A_198, %get3A_199] {strides = array<i32>} : memref<40x128xi32, #tpu.memory_space<vmem>>, vector<16xi32>,
      %bitcast3A_201 = vector.bitcast %get3A_200 : vector<16xi32> to vector<32xbf16>
      %get3A_202 = arith.index_cast %add3A_178 : i32 to index
      %get3A_203 = arith.constant 16 : index
      %get3A_204 = tpu.vector_load %arg15[%get3A_202, %get3A_203] {strides = array<i32>} : memref<40x128xi32, #tpu.memory_space<vmem>>, vector<16xi32>,
      %bitcast3A_205 = vector.bitcast %get3A_204 : vector<16xi32> to vector<32xbf16>
      %add3A_206 = arith.addf %bitcast3A_197, %bitcast3A_201 : vector<32xbf16>
      %add3A_207 = arith.addf %add3A_206, %bitcast3A_205 : vector<32xbf16>
      %bitcast3A_208 = vector.bitcast %add3A_207 : vector<32xbf16> to vector<16xi32>
      %swap3A_209 = arith.index_cast %add3A_178 : i32 to index
      %swap3A_210 = arith.constant 16 : index
      %swap3A_211 = tpu.vector_load %arg17[%swap3A_209, %swap3A_210] {strides = array<i32>} : memref<40x128xi32, #tpu.memory_space<vmem>>, vector<16xi32>,
      tpu.vector_store %arg17[%swap3A_209, %swap3A_210], %bitcast3A_208 {strides = array<i32>} : memref<40x128xi32, #tpu.memory_space<vmem>>, vector<16xi32>,
      %get3A_212 = arith.index_cast %add3A_178 : i32 to index
      %get3A_213 = arith.constant 32 : index
      %get3A_214 = tpu.vector_load %arg11[%get3A_212, %get3A_213] {strides = array<i32>} : memref<40x128xi32, #tpu.memory_space<vmem>>, vector<16xi32>,
      %bitcast3A_215 = vector.bitcast %get3A_214 : vector<16xi32> to vector<32xbf16>
      %get3A_216 = arith.index_cast %add3A_178 : i32 to index
      %get3A_217 = arith.constant 32 : index
      %get3A_218 = tpu.vector_load %arg13[%get3A_216, %get3A_217] {strides = array<i32>} : memref<40x128xi32, #tpu.memory_space<vmem>>, vector<16xi32>,
      %bitcast3A_219 = vector.bitcast %get3A_218 : vector<16xi32> to vector<32xbf16>
      %get3A_220 = arith.index_cast %add3A_178 : i32 to index
      %get3A_221 = arith.constant 32 : index
      %get3A_222 = tpu.vector_load %arg15[%get3A_220, %get3A_221] {strides = array<i32>} : memref<40x128xi32, #tpu.memory_space<vmem>>, vector<16xi32>,
      %bitcast3A_223 = vector.bitcast %get3A_222 : vector<16xi32> to vector<32xbf16>
      %add3A_224 = arith.addf %bitcast3A_215, %bitcast3A_219 : vector<32xbf16>
      %add3A_225 = arith.addf %add3A_224, %bitcast3A_223 : vector<32xbf16>
      %bitcast3A_226 = vector.bitcast %add3A_225 : vector<32xbf16> to vector<16xi32>
      %swap3A_227 = arith.index_cast %add3A_178 : i32 to index
      %swap3A_228 = arith.constant 32 : index
      %swap3A_229 = tpu.vector_load %arg17[%swap3A_227, %swap3A_228] {strides = array<i32>} : memref<40x128xi32, #tpu.memory_space<vmem>>, vector<16xi32>,
      tpu.vector_store %arg17[%swap3A_227, %swap3A_228], %bitcast3A_226 {strides = array<i32>} : memref<40x128xi32, #tpu.memory_space<vmem>>, vector<16xi32>,
      %get3A_230 = arith.index_cast %add3A_178 : i32 to index
      %get3A_231 = arith.constant 48 : index
      %get3A_232 = tpu.vector_load %arg11[%get3A_230, %get3A_231] {strides = array<i32>} : memref<40x128xi32, #tpu.memory_space<vmem>>, vector<16xi32>,
      %bitcast3A_233 = vector.bitcast %get3A_232 : vector<16xi32> to vector<32xbf16>
      %get3A_234 = arith.index_cast %add3A_178 : i32 to index
      %get3A_235 = arith.constant 48 : index
      %get3A_236 = tpu.vector_load %arg13[%get3A_234, %get3A_235] {strides = array<i32>} : memref<40x128xi32, #tpu.memory_space<vmem>>, vector<16xi32>,
      %bitcast3A_237 = vector.bitcast %get3A_236 : vector<16xi32> to vector<32xbf16>
      %get3A_238 = arith.index_cast %add3A_178 : i32 to index
      %get3A_239 = arith.constant 48 : index
      %get3A_240 = tpu.vector_load %arg15[%get3A_238, %get3A_239] {strides = array<i32>} : memref<40x128xi32, #tpu.memory_space<vmem>>, vector<16xi32>,
      %bitcast3A_241 = vector.bitcast %get3A_240 : vector<16xi32> to vector<32xbf16>
      %add3A_242 = arith.addf %bitcast3A_233, %bitcast3A_237 : vector<32xbf16>
      %add3A_243 = arith.addf %add3A_242, %bitcast3A_241 : vector<32xbf16>
      %bitcast3A_244 = vector.bitcast %add3A_243 : vector<32xbf16> to vector<16xi32>
      %swap3A_245 = arith.index_cast %add3A_178 : i32 to index
      %swap3A_246 = arith.constant 48 : index
      %swap3A_247 = tpu.vector_load %arg17[%swap3A_245, %swap3A_246] {strides = array<i32>} : memref<40x128xi32, #tpu.memory_space<vmem>>, vector<16xi32>,
      tpu.vector_store %arg17[%swap3A_245, %swap3A_246], %bitcast3A_244 {strides = array<i32>} : memref<40x128xi32, #tpu.memory_space<vmem>>, vector<16xi32>,
      %get3A_248 = arith.index_cast %add3A_178 : i32 to index
      %get3A_249 = arith.constant 64 : index
      %get3A_250 = tpu.vector_load %arg11[%get3A_248, %get3A_249] {strides = array<i32>} : memref<40x128xi32, #tpu.memory_space<vmem>>, vector<16xi32>,
      %bitcast3A_251 = vector.bitcast %get3A_250 : vector<16xi32> to vector<32xbf16>
      %get3A_252 = arith.index_cast %add3A_178 : i32 to index
      %get3A_253 = arith.constant 64 : index
      %get3A_254 = tpu.vector_load %arg13[%get3A_252, %get3A_253] {strides = array<i32>} : memref<40x128xi32, #tpu.memory_space<vmem>>, vector<16xi32>,
      %bitcast3A_255 = vector.bitcast %get3A_254 : vector<16xi32> to vector<32xbf16>
      %get3A_256 = arith.index_cast %add3A_178 : i32 to index
      %get3A_257 = arith.constant 64 : index
      %get3A_258 = tpu.vector_load %arg15[%get3A_256, %get3A_257] {strides = array<i32>} : memref<40x128xi32, #tpu.memory_space<vmem>>, vector<16xi32>,
      %bitcast3A_259 = vector.bitcast %get3A_258 : vector<16xi32> to vector<32xbf16>
      %add3A_260 = arith.addf %bitcast3A_251, %bitcast3A_255 : vector<32xbf16>
      %add3A_261 = arith.addf %add3A_260, %bitcast3A_259 : vector<32xbf16>
      %bitcast3A_262 = vector.bitcast %add3A_261 : vector<32xbf16> to vector<16xi32>
      %swap3A_263 = arith.index_cast %add3A_178 : i32 to index
      %swap3A_264 = arith.constant 64 : index
      %swap3A_265 = tpu.vector_load %arg17[%swap3A_263, %swap3A_264] {strides = array<i32>} : memref<40x128xi32, #tpu.memory_space<vmem>>, vector<16xi32>,
      tpu.vector_store %arg17[%swap3A_263, %swap3A_264], %bitcast3A_262 {strides = array<i32>} : memref<40x128xi32, #tpu.memory_space<vmem>>, vector<16xi32>,
      %get3A_266 = arith.index_cast %add3A_178 : i32 to index
      %get3A_267 = arith.constant 80 : index
      %get3A_268 = tpu.vector_load %arg11[%get3A_266, %get3A_267] {strides = array<i32>} : memref<40x128xi32, #tpu.memory_space<vmem>>, vector<16xi32>,
      %bitcast3A_269 = vector.bitcast %get3A_268 : vector<16xi32> to vector<32xbf16>
      %get3A_270 = arith.index_cast %add3A_178 : i32 to index
      %get3A_271 = arith.constant 80 : index
      %get3A_272 = tpu.vector_load %arg13[%get3A_270, %get3A_271] {strides = array<i32>} : memref<40x128xi32, #tpu.memory_space<vmem>>, vector<16xi32>,
      %bitcast3A_273 = vector.bitcast %get3A_272 : vector<16xi32> to vector<32xbf16>
      %get3A_274 = arith.index_cast %add3A_178 : i32 to index
      %get3A_275 = arith.constant 80 : index
      %get3A_276 = tpu.vector_load %arg15[%get3A_274, %get3A_275] {strides = array<i32>} : memref<40x128xi32, #tpu.memory_space<vmem>>, vector<16xi32>,
      %bitcast3A_277 = vector.bitcast %get3A_276 : vector<16xi32> to vector<32xbf16>
      %add3A_278 = arith.addf %bitcast3A_269, %bitcast3A_273 : vector<32xbf16>
      %add3A_279 = arith.addf %add3A_278, %bitcast3A_277 : vector<32xbf16>
      %bitcast3A_280 = vector.bitcast %add3A_279 : vector<32xbf16> to vector<16xi32>
      %swap3A_281 = arith.index_cast %add3A_178 : i32 to index
      %swap3A_282 = arith.constant 80 : index
      %swap3A_283 = tpu.vector_load %arg17[%swap3A_281, %swap3A_282] {strides = array<i32>} : memref<40x128xi32, #tpu.memory_space<vmem>>, vector<16xi32>,
      tpu.vector_store %arg17[%swap3A_281, %swap3A_282], %bitcast3A_280 {strides = array<i32>} : memref<40x128xi32, #tpu.memory_space<vmem>>, vector<16xi32>,
      %get3A_284 = arith.index_cast %add3A_178 : i32 to index
      %get3A_285 = arith.constant 96 : index
      %get3A_286 = tpu.vector_load %arg11[%get3A_284, %get3A_285] {strides = array<i32>} : memref<40x128xi32, #tpu.memory_space<vmem>>, vector<16xi32>,
      %bitcast3A_287 = vector.bitcast %get3A_286 : vector<16xi32> to vector<32xbf16>
      %get3A_288 = arith.index_cast %add3A_178 : i32 to index
      %get3A_289 = arith.constant 96 : index
      %get3A_290 = tpu.vector_load %arg13[%get3A_288, %get3A_289] {strides = array<i32>} : memref<40x128xi32, #tpu.memory_space<vmem>>, vector<16xi32>,
      %bitcast3A_291 = vector.bitcast %get3A_290 : vector<16xi32> to vector<32xbf16>
      %get3A_292 = arith.index_cast %add3A_178 : i32 to index
      %get3A_293 = arith.constant 96 : index
      %get3A_294 = tpu.vector_load %arg15[%get3A_292, %get3A_293] {strides = array<i32>} : memref<40x128xi32, #tpu.memory_space<vmem>>, vector<16xi32>,
      %bitcast3A_295 = vector.bitcast %get3A_294 : vector<16xi32> to vector<32xbf16>
      %add3A_296 = arith.addf %bitcast3A_287, %bitcast3A_291 : vector<32xbf16>
      %add3A_297 = arith.addf %add3A_296, %bitcast3A_295 : vector<32xbf16>
      %bitcast3A_298 = vector.bitcast %add3A_297 : vector<32xbf16> to vector<16xi32>
      %swap3A_299 = arith.index_cast %add3A_178 : i32 to index
      %swap3A_300 = arith.constant 96 : index
      %swap3A_301 = tpu.vector_load %arg17[%swap3A_299, %swap3A_300] {strides = array<i32>} : memref<40x128xi32, #tpu.memory_space<vmem>>, vector<16xi32>,
      tpu.vector_store %arg17[%swap3A_299, %swap3A_300], %bitcast3A_298 {strides = array<i32>} : memref<40x128xi32, #tpu.memory_space<vmem>>, vector<16xi32>,
      %get3A_302 = arith.index_cast %add3A_178 : i32 to index
      %get3A_303 = arith.constant 112 : index
      %get3A_304 = tpu.vector_load %arg11[%get3A_302, %get3A_303] {strides = array<i32>} : memref<40x128xi32, #tpu.memory_space<vmem>>, vector<16xi32>,
      %bitcast3A_305 = vector.bitcast %get3A_304 : vector<16xi32> to vector<32xbf16>
      %get3A_306 = arith.index_cast %add3A_178 : i32 to index
      %get3A_307 = arith.constant 112 : index
      %get3A_308 = tpu.vector_load %arg13[%get3A_306, %get3A_307] {strides = array<i32>} : memref<40x128xi32, #tpu.memory_space<vmem>>, vector<16xi32>,
      %bitcast3A_309 = vector.bitcast %get3A_308 : vector<16xi32> to vector<32xbf16>
      %get3A_310 = arith.index_cast %add3A_178 : i32 to index
      %get3A_311 = arith.constant 112 : index
      %get3A_312 = tpu.vector_load %arg15[%get3A_310, %get3A_311] {strides = array<i32>} : memref<40x128xi32, #tpu.memory_space<vmem>>, vector<16xi32>,
      %bitcast3A_313 = vector.bitcast %get3A_312 : vector<16xi32> to vector<32xbf16>
      %add3A_314 = arith.addf %bitcast3A_305, %bitcast3A_309 : vector<32xbf16>
      %add3A_315 = arith.addf %add3A_314, %bitcast3A_313 : vector<32xbf16>
      %bitcast3A_316 = vector.bitcast %add3A_315 : vector<32xbf16> to vector<16xi32>
      %swap3A_317 = arith.index_cast %add3A_178 : i32 to index
      %swap3A_318 = arith.constant 112 : index
      %swap3A_319 = tpu.vector_load %arg17[%swap3A_317, %swap3A_318] {strides = array<i32>} : memref<40x128xi32, #tpu.memory_space<vmem>>, vector<16xi32>,
      tpu.vector_store %arg17[%swap3A_317, %swap3A_318], %bitcast3A_316 {strides = array<i32>} : memref<40x128xi32, #tpu.memory_space<vmem>>, vector<16xi32>,
    }
    %scan3A_99 = arith.constant 40 : i32
    %dma_start3A_100 = arith.constant 120 : i32
    %dma_start3A_101 = tpu.memref_slice %arg8[%dma_start3A_100] : memref<5000xi32, #tpu.memory_space<vmem>> -> memref<40xi32, #tpu.memory_space<vmem>>
    %dma_start3A_102 = arith.constant 0 : i32
    %dma_start3A_103 = arith.constant 0 : i32
    %dma_start3A_104 = tpu.memref_slice %arg2[%dma_start3A_102, %dma_start3A_103] : memref<10000x128xi32, #tpu.memory_space<hbm>> -> memref<10000x128xi32, #tpu.memory_space<hbm>>
    tpu.enqueue_indirect_dma source(%dma_start3A_104 : memref<10000x128xi32, #tpu.memory_space<hbm>>) target(%arg11 : memref<40x128xi32, #tpu.memory_space<vmem>>) offsets(%dma_start3A_101 : memref<40xi32, #tpu.memory_space<vmem>>) semaphore(%arg19 : memref<!tpu.dma_semaphore, #tpu.memory_space<semaphore_mem>>)
    %dma_start3A_105 = arith.constant 120 : i32
    %dma_start3A_106 = tpu.memref_slice %arg9[%dma_start3A_105] : memref<5000xi32, #tpu.memory_space<vmem>> -> memref<40xi32, #tpu.memory_space<vmem>>
    %dma_start3A_107 = arith.constant 0 : i32
    %dma_start3A_108 = arith.constant 0 : i32
    %dma_start3A_109 = tpu.memref_slice %arg3[%dma_start3A_107, %dma_start3A_108] : memref<10000x128xi32, #tpu.memory_space<hbm>> -> memref<10000x128xi32, #tpu.memory_space<hbm>>
    tpu.enqueue_indirect_dma source(%dma_start3A_109 : memref<10000x128xi32, #tpu.memory_space<hbm>>) target(%arg13 : memref<40x128xi32, #tpu.memory_space<vmem>>) offsets(%dma_start3A_106 : memref<40xi32, #tpu.memory_space<vmem>>) semaphore(%arg21 : memref<!tpu.dma_semaphore, #tpu.memory_space<semaphore_mem>>)
    %add3A_110 = arith.constant 120 : i32
    %add3A_111 = arith.addi %mul3A_2, %add3A_110 : i32
    %dma_start3A_112 = arith.constant 0 : i32
    %dma_start3A_113 = tpu.memref_slice %arg4[%add3A_111, %dma_start3A_112] : memref<160000x128xi32, #tpu.memory_space<hbm>> -> memref<40x128xi32, #tpu.memory_space<hbm>>
    %dma_start3A_114 = arith.constant 0 : i32
    %dma_start3A_115 = tpu.memref_slice %arg4[%add3A_111, %dma_start3A_114] : memref<160000x128xi32, #tpu.memory_space<hbm>> -> memref<40x128xi32, #tpu.memory_space<hbm>>
    tpu.enqueue_dma source(%dma_start3A_115 : memref<40x128xi32, #tpu.memory_space<hbm>>) target(%arg15 : memref<40x128xi32, #tpu.memory_space<vmem>>) target_semaphore(%arg23 : memref<!tpu.dma_semaphore, #tpu.memory_space<semaphore_mem>>)
    %add3A_116 = arith.constant 40 : i32
    %add3A_117 = arith.addi %mul3A_2, %add3A_116 : i32
    %dma_start3A_118 = arith.constant 0 : i32
    %dma_start3A_119 = tpu.memref_slice %arg7[%add3A_117, %dma_start3A_118] : memref<160000x128xi32, #tpu.memory_space<hbm>> -> memref<40x128xi32, #tpu.memory_space<hbm>>
    %dma_start3A_120 = arith.constant 0 : i32
    %dma_start3A_121 = tpu.memref_slice %arg7[%add3A_117, %dma_start3A_120] : memref<160000x128xi32, #tpu.memory_space<hbm>> -> memref<40x128xi32, #tpu.memory_space<hbm>>
    tpu.enqueue_dma source(%arg17 : memref<40x128xi32, #tpu.memory_space<vmem>>) target(%dma_start3A_121 : memref<40x128xi32, #tpu.memory_space<hbm>>) target_semaphore(%arg25 : memref<!tpu.dma_semaphore, #tpu.memory_space<semaphore_mem>>)
    %scan3A_122 = arith.constant 0 : i32
    %scan3A_123 = arith.constant 61 : i32
    %scan3A_124 = arith.addi %scan3A_122, %scan3A_123 : i32
    %scan3A_125 = arith.constant 1 : i32
    scf.for %scan3A_174 = %scan3A_122 to %scan3A_124 step %scan3A_125  : i32 {
      %mul3A_175 = arith.constant 2 : i32
      %mul3A_176 = arith.muli %scan3A_174, %mul3A_175 : i32
      %add3A_177 = arith.constant 2 : i32
      %add3A_178 = arith.addi %add3A_177, %mul3A_176 : i32
      %dma_wait3A_179 = arith.constant 0 : i32
      %dma_wait3A_180 = arith.constant 0 : i32
      %dma_wait3A_181 = tpu.memref_slice %arg4[%dma_wait3A_179, %dma_wait3A_180] : memref<160000x128xi32, #tpu.memory_space<hbm>> -> memref<40x128xi32, #tpu.memory_space<hbm>>
      %dma_wait3A_182 = arith.constant 0 : i32
      %dma_wait3A_183 = arith.constant 0 : i32
      %dma_wait3A_184 = tpu.memref_slice %arg4[%dma_wait3A_182, %dma_wait3A_183] : memref<160000x128xi32, #tpu.memory_space<hbm>> -> memref<40x128xi32, #tpu.memory_space<hbm>>
      tpu.wait_dma2 semaphore(%arg18 : memref<!tpu.dma_semaphore, #tpu.memory_space<semaphore_mem>>) src(%dma_wait3A_184 : memref<40x128xi32, #tpu.memory_space<hbm>>) dst(%arg10 : memref<40x128xi32, #tpu.memory_space<vmem>>)
      %dma_wait3A_185 = arith.constant 0 : i32
      %dma_wait3A_186 = arith.constant 0 : i32
      %dma_wait3A_187 = tpu.memref_slice %arg4[%dma_wait3A_185, %dma_wait3A_186] : memref<160000x128xi32, #tpu.memory_space<hbm>> -> memref<40x128xi32, #tpu.memory_space<hbm>>
      %dma_wait3A_188 = arith.constant 0 : i32
      %dma_wait3A_189 = arith.constant 0 : i32
      %dma_wait3A_190 = tpu.memref_slice %arg4[%dma_wait3A_188, %dma_wait3A_189] : memref<160000x128xi32, #tpu.memory_space<hbm>> -> memref<40x128xi32, #tpu.memory_space<hbm>>
      tpu.wait_dma2 semaphore(%arg20 : memref<!tpu.dma_semaphore, #tpu.memory_space<semaphore_mem>>) src(%dma_wait3A_190 : memref<40x128xi32, #tpu.memory_space<hbm>>) dst(%arg12 : memref<40x128xi32, #tpu.memory_space<vmem>>)
      %dma_wait3A_191 = arith.constant 0 : i32
      %dma_wait3A_192 = arith.constant 0 : i32
      %dma_wait3A_193 = tpu.memref_slice %arg4[%dma_wait3A_191, %dma_wait3A_192] : memref<160000x128xi32, #tpu.memory_space<hbm>> -> memref<40x128xi32, #tpu.memory_space<hbm>>
      %dma_wait3A_194 = arith.constant 0 : i32
      %dma_wait3A_195 = arith.constant 0 : i32
      %dma_wait3A_196 = tpu.memref_slice %arg4[%dma_wait3A_194, %dma_wait3A_195] : memref<160000x128xi32, #tpu.memory_space<hbm>> -> memref<40x128xi32, #tpu.memory_space<hbm>>
      tpu.wait_dma2 semaphore(%arg22 : memref<!tpu.dma_semaphore, #tpu.memory_space<semaphore_mem>>) src(%dma_wait3A_196 : memref<40x128xi32, #tpu.memory_space<hbm>>) dst(%arg14 : memref<40x128xi32, #tpu.memory_space<vmem>>)
      %dma_wait3A_197 = arith.constant 0 : i32
      %dma_wait3A_198 = arith.constant 0 : i32
      %dma_wait3A_199 = tpu.memref_slice %arg7[%dma_wait3A_197, %dma_wait3A_198] : memref<160000x128xi32, #tpu.memory_space<hbm>> -> memref<40x128xi32, #tpu.memory_space<hbm>>
      %dma_wait3A_200 = arith.constant 0 : i32
      %dma_wait3A_201 = arith.constant 0 : i32
      %dma_wait3A_202 = tpu.memref_slice %arg7[%dma_wait3A_200, %dma_wait3A_201] : memref<160000x128xi32, #tpu.memory_space<hbm>> -> memref<40x128xi32, #tpu.memory_space<hbm>>
      tpu.wait_dma2 semaphore(%arg24 : memref<!tpu.dma_semaphore, #tpu.memory_space<semaphore_mem>>) src(%arg16 : memref<40x128xi32, #tpu.memory_space<vmem>>) dst(%dma_wait3A_202 : memref<40x128xi32, #tpu.memory_space<hbm>>)
      %scan3A_203 = arith.constant 0 : i32
      %scan3A_204 = arith.constant 40 : i32
      %scan3A_205 = arith.addi %scan3A_203, %scan3A_204 : i32
      %scan3A_206 = arith.constant 1 : i32
      scf.for %scan3A_264 = %scan3A_203 to %scan3A_205 step %scan3A_206  : i32 {
        %mul3A_265 = arith.constant 1 : i32
        %mul3A_266 = arith.muli %scan3A_264, %mul3A_265 : i32
        %add3A_267 = arith.constant 0 : i32
        %add3A_268 = arith.addi %add3A_267, %mul3A_266 : i32
        %get3A = arith.index_cast %add3A_268 : i32 to index
        %get3A_269 = arith.constant 0 : index
        %get3A_270 = tpu.vector_load %arg10[%get3A, %get3A_269] {strides = array<i32>} : memref<40x128xi32, #tpu.memory_space<vmem>>, vector<16xi32>,
        %bitcast3A = vector.bitcast %get3A_270 : vector<16xi32> to vector<32xbf16>
        %get3A_271 = arith.index_cast %add3A_268 : i32 to index
        %get3A_272 = arith.constant 0 : index
        %get3A_273 = tpu.vector_load %arg12[%get3A_271, %get3A_272] {strides = array<i32>} : memref<40x128xi32, #tpu.memory_space<vmem>>, vector<16xi32>,
        %bitcast3A_274 = vector.bitcast %get3A_273 : vector<16xi32> to vector<32xbf16>
        %get3A_275 = arith.index_cast %add3A_268 : i32 to index
        %get3A_276 = arith.constant 0 : index
        %get3A_277 = tpu.vector_load %arg14[%get3A_275, %get3A_276] {strides = array<i32>} : memref<40x128xi32, #tpu.memory_space<vmem>>, vector<16xi32>,
        %bitcast3A_278 = vector.bitcast %get3A_277 : vector<16xi32> to vector<32xbf16>
        %add3A_279 = arith.addf %bitcast3A, %bitcast3A_274 : vector<32xbf16>
        %add3A_280 = arith.addf %add3A_279, %bitcast3A_278 : vector<32xbf16>
        %bitcast3A_281 = vector.bitcast %add3A_280 : vector<32xbf16> to vector<16xi32>
        %swap3A = arith.index_cast %add3A_268 : i32 to index
        %swap3A_282 = arith.constant 0 : index
        %swap3A_283 = tpu.vector_load %arg16[%swap3A, %swap3A_282] {strides = array<i32>} : memref<40x128xi32, #tpu.memory_space<vmem>>, vector<16xi32>,
        tpu.vector_store %arg16[%swap3A, %swap3A_282], %bitcast3A_281 {strides = array<i32>} : memref<40x128xi32, #tpu.memory_space<vmem>>, vector<16xi32>,
        %get3A_284 = arith.index_cast %add3A_268 : i32 to index
        %get3A_285 = arith.constant 16 : index
        %get3A_286 = tpu.vector_load %arg10[%get3A_284, %get3A_285] {strides = array<i32>} : memref<40x128xi32, #tpu.memory_space<vmem>>, vector<16xi32>,
        %bitcast3A_287 = vector.bitcast %get3A_286 : vector<16xi32> to vector<32xbf16>
        %get3A_288 = arith.index_cast %add3A_268 : i32 to index
        %get3A_289 = arith.constant 16 : index
        %get3A_290 = tpu.vector_load %arg12[%get3A_288, %get3A_289] {strides = array<i32>} : memref<40x128xi32, #tpu.memory_space<vmem>>, vector<16xi32>,
        %bitcast3A_291 = vector.bitcast %get3A_290 : vector<16xi32> to vector<32xbf16>
        %get3A_292 = arith.index_cast %add3A_268 : i32 to index
        %get3A_293 = arith.constant 16 : index
        %get3A_294 = tpu.vector_load %arg14[%get3A_292, %get3A_293] {strides = array<i32>} : memref<40x128xi32, #tpu.memory_space<vmem>>, vector<16xi32>,
        %bitcast3A_295 = vector.bitcast %get3A_294 : vector<16xi32> to vector<32xbf16>
        %add3A_296 = arith.addf %bitcast3A_287, %bitcast3A_291 : vector<32xbf16>
        %add3A_297 = arith.addf %add3A_296, %bitcast3A_295 : vector<32xbf16>
        %bitcast3A_298 = vector.bitcast %add3A_297 : vector<32xbf16> to vector<16xi32>
        %swap3A_299 = arith.index_cast %add3A_268 : i32 to index
        %swap3A_300 = arith.constant 16 : index
        %swap3A_301 = tpu.vector_load %arg16[%swap3A_299, %swap3A_300] {strides = array<i32>} : memref<40x128xi32, #tpu.memory_space<vmem>>, vector<16xi32>,
        tpu.vector_store %arg16[%swap3A_299, %swap3A_300], %bitcast3A_298 {strides = array<i32>} : memref<40x128xi32, #tpu.memory_space<vmem>>, vector<16xi32>,
        %get3A_302 = arith.index_cast %add3A_268 : i32 to index
        %get3A_303 = arith.constant 32 : index
        %get3A_304 = tpu.vector_load %arg10[%get3A_302, %get3A_303] {strides = array<i32>} : memref<40x128xi32, #tpu.memory_space<vmem>>, vector<16xi32>,
        %bitcast3A_305 = vector.bitcast %get3A_304 : vector<16xi32> to vector<32xbf16>
        %get3A_306 = arith.index_cast %add3A_268 : i32 to index
        %get3A_307 = arith.constant 32 : index
        %get3A_308 = tpu.vector_load %arg12[%get3A_306, %get3A_307] {strides = array<i32>} : memref<40x128xi32, #tpu.memory_space<vmem>>, vector<16xi32>,
        %bitcast3A_309 = vector.bitcast %get3A_308 : vector<16xi32> to vector<32xbf16>
        %get3A_310 = arith.index_cast %add3A_268 : i32 to index
        %get3A_311 = arith.constant 32 : index
        %get3A_312 = tpu.vector_load %arg14[%get3A_310, %get3A_311] {strides = array<i32>} : memref<40x128xi32, #tpu.memory_space<vmem>>, vector<16xi32>,
        %bitcast3A_313 = vector.bitcast %get3A_312 : vector<16xi32> to vector<32xbf16>
        %add3A_314 = arith.addf %bitcast3A_305, %bitcast3A_309 : vector<32xbf16>
        %add3A_315 = arith.addf %add3A_314, %bitcast3A_313 : vector<32xbf16>
        %bitcast3A_316 = vector.bitcast %add3A_315 : vector<32xbf16> to vector<16xi32>
        %swap3A_317 = arith.index_cast %add3A_268 : i32 to index
        %swap3A_318 = arith.constant 32 : index
        %swap3A_319 = tpu.vector_load %arg16[%swap3A_317, %swap3A_318] {strides = array<i32>} : memref<40x128xi32, #tpu.memory_space<vmem>>, vector<16xi32>,
        tpu.vector_store %arg16[%swap3A_317, %swap3A_318], %bitcast3A_316 {strides = array<i32>} : memref<40x128xi32, #tpu.memory_space<vmem>>, vector<16xi32>,
        %get3A_320 = arith.index_cast %add3A_268 : i32 to index
        %get3A_321 = arith.constant 48 : index
        %get3A_322 = tpu.vector_load %arg10[%get3A_320, %get3A_321] {strides = array<i32>} : memref<40x128xi32, #tpu.memory_space<vmem>>, vector<16xi32>,
        %bitcast3A_323 = vector.bitcast %get3A_322 : vector<16xi32> to vector<32xbf16>
        %get3A_324 = arith.index_cast %add3A_268 : i32 to index
        %get3A_325 = arith.constant 48 : index
        %get3A_326 = tpu.vector_load %arg12[%get3A_324, %get3A_325] {strides = array<i32>} : memref<40x128xi32, #tpu.memory_space<vmem>>, vector<16xi32>,
        %bitcast3A_327 = vector.bitcast %get3A_326 : vector<16xi32> to vector<32xbf16>
        %get3A_328 = arith.index_cast %add3A_268 : i32 to index
        %get3A_329 = arith.constant 48 : index
        %get3A_330 = tpu.vector_load %arg14[%get3A_328, %get3A_329] {strides = array<i32>} : memref<40x128xi32, #tpu.memory_space<vmem>>, vector<16xi32>,
        %bitcast3A_331 = vector.bitcast %get3A_330 : vector<16xi32> to vector<32xbf16>
        %add3A_332 = arith.addf %bitcast3A_323, %bitcast3A_327 : vector<32xbf16>
        %add3A_333 = arith.addf %add3A_332, %bitcast3A_331 : vector<32xbf16>
        %bitcast3A_334 = vector.bitcast %add3A_333 : vector<32xbf16> to vector<16xi32>
        %swap3A_335 = arith.index_cast %add3A_268 : i32 to index
        %swap3A_336 = arith.constant 48 : index
        %swap3A_337 = tpu.vector_load %arg16[%swap3A_335, %swap3A_336] {strides = array<i32>} : memref<40x128xi32, #tpu.memory_space<vmem>>, vector<16xi32>,
        tpu.vector_store %arg16[%swap3A_335, %swap3A_336], %bitcast3A_334 {strides = array<i32>} : memref<40x128xi32, #tpu.memory_space<vmem>>, vector<16xi32>,
        %get3A_338 = arith.index_cast %add3A_268 : i32 to index
        %get3A_339 = arith.constant 64 : index
        %get3A_340 = tpu.vector_load %arg10[%get3A_338, %get3A_339] {strides = array<i32>} : memref<40x128xi32, #tpu.memory_space<vmem>>, vector<16xi32>,
        %bitcast3A_341 = vector.bitcast %get3A_340 : vector<16xi32> to vector<32xbf16>
        %get3A_342 = arith.index_cast %add3A_268 : i32 to index
        %get3A_343 = arith.constant 64 : index
        %get3A_344 = tpu.vector_load %arg12[%get3A_342, %get3A_343] {strides = array<i32>} : memref<40x128xi32, #tpu.memory_space<vmem>>, vector<16xi32>,
        %bitcast3A_345 = vector.bitcast %get3A_344 : vector<16xi32> to vector<32xbf16>
        %get3A_346 = arith.index_cast %add3A_268 : i32 to index
        %get3A_347 = arith.constant 64 : index
        %get3A_348 = tpu.vector_load %arg14[%get3A_346, %get3A_347] {strides = array<i32>} : memref<40x128xi32, #tpu.memory_space<vmem>>, vector<16xi32>,
        %bitcast3A_349 = vector.bitcast %get3A_348 : vector<16xi32> to vector<32xbf16>
        %add3A_350 = arith.addf %bitcast3A_341, %bitcast3A_345 : vector<32xbf16>
        %add3A_351 = arith.addf %add3A_350, %bitcast3A_349 : vector<32xbf16>
        %bitcast3A_352 = vector.bitcast %add3A_351 : vector<32xbf16> to vector<16xi32>
        %swap3A_353 = arith.index_cast %add3A_268 : i32 to index
        %swap3A_354 = arith.constant 64 : index
        %swap3A_355 = tpu.vector_load %arg16[%swap3A_353, %swap3A_354] {strides = array<i32>} : memref<40x128xi32, #tpu.memory_space<vmem>>, vector<16xi32>,
        tpu.vector_store %arg16[%swap3A_353, %swap3A_354], %bitcast3A_352 {strides = array<i32>} : memref<40x128xi32, #tpu.memory_space<vmem>>, vector<16xi32>,
        %get3A_356 = arith.index_cast %add3A_268 : i32 to index
        %get3A_357 = arith.constant 80 : index
        %get3A_358 = tpu.vector_load %arg10[%get3A_356, %get3A_357] {strides = array<i32>} : memref<40x128xi32, #tpu.memory_space<vmem>>, vector<16xi32>,
        %bitcast3A_359 = vector.bitcast %get3A_358 : vector<16xi32> to vector<32xbf16>
        %get3A_360 = arith.index_cast %add3A_268 : i32 to index
        %get3A_361 = arith.constant 80 : index
        %get3A_362 = tpu.vector_load %arg12[%get3A_360, %get3A_361] {strides = array<i32>} : memref<40x128xi32, #tpu.memory_space<vmem>>, vector<16xi32>,
        %bitcast3A_363 = vector.bitcast %get3A_362 : vector<16xi32> to vector<32xbf16>
        %get3A_364 = arith.index_cast %add3A_268 : i32 to index
        %get3A_365 = arith.constant 80 : index
        %get3A_366 = tpu.vector_load %arg14[%get3A_364, %get3A_365] {strides = array<i32>} : memref<40x128xi32, #tpu.memory_space<vmem>>, vector<16xi32>,
        %bitcast3A_367 = vector.bitcast %get3A_366 : vector<16xi32> to vector<32xbf16>
        %add3A_368 = arith.addf %bitcast3A_359, %bitcast3A_363 : vector<32xbf16>
        %add3A_369 = arith.addf %add3A_368, %bitcast3A_367 : vector<32xbf16>
        %bitcast3A_370 = vector.bitcast %add3A_369 : vector<32xbf16> to vector<16xi32>
        %swap3A_371 = arith.index_cast %add3A_268 : i32 to index
        %swap3A_372 = arith.constant 80 : index
        %swap3A_373 = tpu.vector_load %arg16[%swap3A_371, %swap3A_372] {strides = array<i32>} : memref<40x128xi32, #tpu.memory_space<vmem>>, vector<16xi32>,
        tpu.vector_store %arg16[%swap3A_371, %swap3A_372], %bitcast3A_370 {strides = array<i32>} : memref<40x128xi32, #tpu.memory_space<vmem>>, vector<16xi32>,
        %get3A_374 = arith.index_cast %add3A_268 : i32 to index
        %get3A_375 = arith.constant 96 : index
        %get3A_376 = tpu.vector_load %arg10[%get3A_374, %get3A_375] {strides = array<i32>} : memref<40x128xi32, #tpu.memory_space<vmem>>, vector<16xi32>,
        %bitcast3A_377 = vector.bitcast %get3A_376 : vector<16xi32> to vector<32xbf16>
        %get3A_378 = arith.index_cast %add3A_268 : i32 to index
        %get3A_379 = arith.constant 96 : index
        %get3A_380 = tpu.vector_load %arg12[%get3A_378, %get3A_379] {strides = array<i32>} : memref<40x128xi32, #tpu.memory_space<vmem>>, vector<16xi32>,
        %bitcast3A_381 = vector.bitcast %get3A_380 : vector<16xi32> to vector<32xbf16>
        %get3A_382 = arith.index_cast %add3A_268 : i32 to index
        %get3A_383 = arith.constant 96 : index
        %get3A_384 = tpu.vector_load %arg14[%get3A_382, %get3A_383] {strides = array<i32>} : memref<40x128xi32, #tpu.memory_space<vmem>>, vector<16xi32>,
        %bitcast3A_385 = vector.bitcast %get3A_384 : vector<16xi32> to vector<32xbf16>
        %add3A_386 = arith.addf %bitcast3A_377, %bitcast3A_381 : vector<32xbf16>
        %add3A_387 = arith.addf %add3A_386, %bitcast3A_385 : vector<32xbf16>
        %bitcast3A_388 = vector.bitcast %add3A_387 : vector<32xbf16> to vector<16xi32>
        %swap3A_389 = arith.index_cast %add3A_268 : i32 to index
        %swap3A_390 = arith.constant 96 : index
        %swap3A_391 = tpu.vector_load %arg16[%swap3A_389, %swap3A_390] {strides = array<i32>} : memref<40x128xi32, #tpu.memory_space<vmem>>, vector<16xi32>,
        tpu.vector_store %arg16[%swap3A_389, %swap3A_390], %bitcast3A_388 {strides = array<i32>} : memref<40x128xi32, #tpu.memory_space<vmem>>, vector<16xi32>,
        %get3A_392 = arith.index_cast %add3A_268 : i32 to index
        %get3A_393 = arith.constant 112 : index
        %get3A_394 = tpu.vector_load %arg10[%get3A_392, %get3A_393] {strides = array<i32>} : memref<40x128xi32, #tpu.memory_space<vmem>>, vector<16xi32>,
        %bitcast3A_395 = vector.bitcast %get3A_394 : vector<16xi32> to vector<32xbf16>
        %get3A_396 = arith.index_cast %add3A_268 : i32 to index
        %get3A_397 = arith.constant 112 : index
        %get3A_398 = tpu.vector_load %arg12[%get3A_396, %get3A_397] {strides = array<i32>} : memref<40x128xi32, #tpu.memory_space<vmem>>, vector<16xi32>,
        %bitcast3A_399 = vector.bitcast %get3A_398 : vector<16xi32> to vector<32xbf16>
        %get3A_400 = arith.index_cast %add3A_268 : i32 to index
        %get3A_401 = arith.constant 112 : index
        %get3A_402 = tpu.vector_load %arg14[%get3A_400, %get3A_401] {strides = array<i32>} : memref<40x128xi32, #tpu.memory_space<vmem>>, vector<16xi32>,
        %bitcast3A_403 = vector.bitcast %get3A_402 : vector<16xi32> to vector<32xbf16>
        %add3A_404 = arith.addf %bitcast3A_395, %bitcast3A_399 : vector<32xbf16>
        %add3A_405 = arith.addf %add3A_404, %bitcast3A_403 : vector<32xbf16>
        %bitcast3A_406 = vector.bitcast %add3A_405 : vector<32xbf16> to vector<16xi32>
        %swap3A_407 = arith.index_cast %add3A_268 : i32 to index
        %swap3A_408 = arith.constant 112 : index
        %swap3A_409 = tpu.vector_load %arg16[%swap3A_407, %swap3A_408] {strides = array<i32>} : memref<40x128xi32, #tpu.memory_space<vmem>>, vector<16xi32>,
        tpu.vector_store %arg16[%swap3A_407, %swap3A_408], %bitcast3A_406 {strides = array<i32>} : memref<40x128xi32, #tpu.memory_space<vmem>>, vector<16xi32>,
      }
      %scan3A_207 = arith.constant 40 : i32
      %add3A_208 = arith.constant 2 : i32
      %add3A_209 = arith.addi %add3A_178, %add3A_208 : i32
      %lt3A = arith.constant 125 : i32
      %lt3A_210 = arith.cmpi slt, %add3A_209, %lt3A : i32
      %convert_element_type3A = arith.extui %lt3A_210 : i1 to i32
      %cond3A = arith.constant 0 : i32
      %cond3A_211 = arith.cmpi ne, %convert_element_type3A, %cond3A : i32
      scf.if %cond3A_211 {
        %add3A_264 = arith.constant 2 : i32
        %add3A_265 = arith.addi %add3A_178, %add3A_264 : i32
        %mul3A_266 = arith.constant 40 : i32
        %mul3A_267 = arith.muli %add3A_265, %mul3A_266 : i32
        %dma_start3A_268 = tpu.memref_slice %arg8[%mul3A_267] : memref<5000xi32, #tpu.memory_space<vmem>> -> memref<40xi32, #tpu.memory_space<vmem>>
        %dma_start3A_269 = arith.constant 0 : i32
        %dma_start3A_270 = arith.constant 0 : i32
        %dma_start3A_271 = tpu.memref_slice %arg2[%dma_start3A_269, %dma_start3A_270] : memref<10000x128xi32, #tpu.memory_space<hbm>> -> memref<10000x128xi32, #tpu.memory_space<hbm>>
        tpu.enqueue_indirect_dma source(%dma_start3A_271 : memref<10000x128xi32, #tpu.memory_space<hbm>>) target(%arg10 : memref<40x128xi32, #tpu.memory_space<vmem>>) offsets(%dma_start3A_268 : memref<40xi32, #tpu.memory_space<vmem>>) semaphore(%arg18 : memref<!tpu.dma_semaphore, #tpu.memory_space<semaphore_mem>>)
        %dma_start3A_272 = tpu.memref_slice %arg9[%mul3A_267] : memref<5000xi32, #tpu.memory_space<vmem>> -> memref<40xi32, #tpu.memory_space<vmem>>
        %dma_start3A_273 = arith.constant 0 : i32
        %dma_start3A_274 = arith.constant 0 : i32
        %dma_start3A_275 = tpu.memref_slice %arg3[%dma_start3A_273, %dma_start3A_274] : memref<10000x128xi32, #tpu.memory_space<hbm>> -> memref<10000x128xi32, #tpu.memory_space<hbm>>
        tpu.enqueue_indirect_dma source(%dma_start3A_275 : memref<10000x128xi32, #tpu.memory_space<hbm>>) target(%arg12 : memref<40x128xi32, #tpu.memory_space<vmem>>) offsets(%dma_start3A_272 : memref<40xi32, #tpu.memory_space<vmem>>) semaphore(%arg20 : memref<!tpu.dma_semaphore, #tpu.memory_space<semaphore_mem>>)
        %add3A_276 = arith.addi %mul3A_2, %mul3A_267 : i32
        %dma_start3A_277 = arith.constant 0 : i32
        %dma_start3A_278 = tpu.memref_slice %arg4[%add3A_276, %dma_start3A_277] : memref<160000x128xi32, #tpu.memory_space<hbm>> -> memref<40x128xi32, #tpu.memory_space<hbm>>
        %dma_start3A_279 = arith.constant 0 : i32
        %dma_start3A_280 = tpu.memref_slice %arg4[%add3A_276, %dma_start3A_279] : memref<160000x128xi32, #tpu.memory_space<hbm>> -> memref<40x128xi32, #tpu.memory_space<hbm>>
        tpu.enqueue_dma source(%dma_start3A_280 : memref<40x128xi32, #tpu.memory_space<hbm>>) target(%arg14 : memref<40x128xi32, #tpu.memory_space<vmem>>) target_semaphore(%arg22 : memref<!tpu.dma_semaphore, #tpu.memory_space<semaphore_mem>>)
      } else {
      }
      %mul3A_212 = arith.constant 40 : i32
      %mul3A_213 = arith.muli %add3A_178, %mul3A_212 : i32
      %add3A_214 = arith.addi %mul3A_2, %mul3A_213 : i32
      %dma_start3A_215 = arith.constant 0 : i32
      %dma_start3A_216 = tpu.memref_slice %arg7[%add3A_214, %dma_start3A_215] : memref<160000x128xi32, #tpu.memory_space<hbm>> -> memref<40x128xi32, #tpu.memory_space<hbm>>
      %dma_start3A_217 = arith.constant 0 : i32
      %dma_start3A_218 = tpu.memref_slice %arg7[%add3A_214, %dma_start3A_217] : memref<160000x128xi32, #tpu.memory_space<hbm>> -> memref<40x128xi32, #tpu.memory_space<hbm>>
      tpu.enqueue_dma source(%arg16 : memref<40x128xi32, #tpu.memory_space<vmem>>) target(%dma_start3A_218 : memref<40x128xi32, #tpu.memory_space<hbm>>) target_semaphore(%arg24 : memref<!tpu.dma_semaphore, #tpu.memory_space<semaphore_mem>>)
      %add3A_219 = arith.constant 1 : i32
      %add3A_220 = arith.addi %add3A_178, %add3A_219 : i32
      %dma_wait3A_221 = arith.constant 0 : i32
      %dma_wait3A_222 = arith.constant 0 : i32
      %dma_wait3A_223 = tpu.memref_slice %arg4[%dma_wait3A_221, %dma_wait3A_222] : memref<160000x128xi32, #tpu.memory_space<hbm>> -> memref<40x128xi32, #tpu.memory_space<hbm>>
      %dma_wait3A_224 = arith.constant 0 : i32
      %dma_wait3A_225 = arith.constant 0 : i32
      %dma_wait3A_226 = tpu.memref_slice %arg4[%dma_wait3A_224, %dma_wait3A_225] : memref<160000x128xi32, #tpu.memory_space<hbm>> -> memref<40x128xi32, #tpu.memory_space<hbm>>
      tpu.wait_dma2 semaphore(%arg19 : memref<!tpu.dma_semaphore, #tpu.memory_space<semaphore_mem>>) src(%dma_wait3A_226 : memref<40x128xi32, #tpu.memory_space<hbm>>) dst(%arg11 : memref<40x128xi32, #tpu.memory_space<vmem>>)
      %dma_wait3A_227 = arith.constant 0 : i32
      %dma_wait3A_228 = arith.constant 0 : i32
      %dma_wait3A_229 = tpu.memref_slice %arg4[%dma_wait3A_227, %dma_wait3A_228] : memref<160000x128xi32, #tpu.memory_space<hbm>> -> memref<40x128xi32, #tpu.memory_space<hbm>>
      %dma_wait3A_230 = arith.constant 0 : i32
      %dma_wait3A_231 = arith.constant 0 : i32
      %dma_wait3A_232 = tpu.memref_slice %arg4[%dma_wait3A_230, %dma_wait3A_231] : memref<160000x128xi32, #tpu.memory_space<hbm>> -> memref<40x128xi32, #tpu.memory_space<hbm>>
      tpu.wait_dma2 semaphore(%arg21 : memref<!tpu.dma_semaphore, #tpu.memory_space<semaphore_mem>>) src(%dma_wait3A_232 : memref<40x128xi32, #tpu.memory_space<hbm>>) dst(%arg13 : memref<40x128xi32, #tpu.memory_space<vmem>>)
      %dma_wait3A_233 = arith.constant 0 : i32
      %dma_wait3A_234 = arith.constant 0 : i32
      %dma_wait3A_235 = tpu.memref_slice %arg4[%dma_wait3A_233, %dma_wait3A_234] : memref<160000x128xi32, #tpu.memory_space<hbm>> -> memref<40x128xi32, #tpu.memory_space<hbm>>
      %dma_wait3A_236 = arith.constant 0 : i32
      %dma_wait3A_237 = arith.constant 0 : i32
      %dma_wait3A_238 = tpu.memref_slice %arg4[%dma_wait3A_236, %dma_wait3A_237] : memref<160000x128xi32, #tpu.memory_space<hbm>> -> memref<40x128xi32, #tpu.memory_space<hbm>>
      tpu.wait_dma2 semaphore(%arg23 : memref<!tpu.dma_semaphore, #tpu.memory_space<semaphore_mem>>) src(%dma_wait3A_238 : memref<40x128xi32, #tpu.memory_space<hbm>>) dst(%arg15 : memref<40x128xi32, #tpu.memory_space<vmem>>)
      %dma_wait3A_239 = arith.constant 0 : i32
      %dma_wait3A_240 = arith.constant 0 : i32
      %dma_wait3A_241 = tpu.memref_slice %arg7[%dma_wait3A_239, %dma_wait3A_240] : memref<160000x128xi32, #tpu.memory_space<hbm>> -> memref<40x128xi32, #tpu.memory_space<hbm>>
      %dma_wait3A_242 = arith.constant 0 : i32
      %dma_wait3A_243 = arith.constant 0 : i32
      %dma_wait3A_244 = tpu.memref_slice %arg7[%dma_wait3A_242, %dma_wait3A_243] : memref<160000x128xi32, #tpu.memory_space<hbm>> -> memref<40x128xi32, #tpu.memory_space<hbm>>
      tpu.wait_dma2 semaphore(%arg25 : memref<!tpu.dma_semaphore, #tpu.memory_space<semaphore_mem>>) src(%arg17 : memref<40x128xi32, #tpu.memory_space<vmem>>) dst(%dma_wait3A_244 : memref<40x128xi32, #tpu.memory_space<hbm>>)
      %scan3A_245 = arith.constant 0 : i32
      %scan3A_246 = arith.constant 40 : i32
      %scan3A_247 = arith.addi %scan3A_245, %scan3A_246 : i32
      %scan3A_248 = arith.constant 1 : i32
      scf.for %scan3A_264 = %scan3A_245 to %scan3A_247 step %scan3A_248  : i32 {
        %mul3A_265 = arith.constant 1 : i32
        %mul3A_266 = arith.muli %scan3A_264, %mul3A_265 : i32
        %add3A_267 = arith.constant 0 : i32
        %add3A_268 = arith.addi %add3A_267, %mul3A_266 : i32
        %get3A = arith.index_cast %add3A_268 : i32 to index
        %get3A_269 = arith.constant 0 : index
        %get3A_270 = tpu.vector_load %arg11[%get3A, %get3A_269] {strides = array<i32>} : memref<40x128xi32, #tpu.memory_space<vmem>>, vector<16xi32>,
        %bitcast3A = vector.bitcast %get3A_270 : vector<16xi32> to vector<32xbf16>
        %get3A_271 = arith.index_cast %add3A_268 : i32 to index
        %get3A_272 = arith.constant 0 : index
        %get3A_273 = tpu.vector_load %arg13[%get3A_271, %get3A_272] {strides = array<i32>} : memref<40x128xi32, #tpu.memory_space<vmem>>, vector<16xi32>,
        %bitcast3A_274 = vector.bitcast %get3A_273 : vector<16xi32> to vector<32xbf16>
        %get3A_275 = arith.index_cast %add3A_268 : i32 to index
        %get3A_276 = arith.constant 0 : index
        %get3A_277 = tpu.vector_load %arg15[%get3A_275, %get3A_276] {strides = array<i32>} : memref<40x128xi32, #tpu.memory_space<vmem>>, vector<16xi32>,
        %bitcast3A_278 = vector.bitcast %get3A_277 : vector<16xi32> to vector<32xbf16>
        %add3A_279 = arith.addf %bitcast3A, %bitcast3A_274 : vector<32xbf16>
        %add3A_280 = arith.addf %add3A_279, %bitcast3A_278 : vector<32xbf16>
        %bitcast3A_281 = vector.bitcast %add3A_280 : vector<32xbf16> to vector<16xi32>
        %swap3A = arith.index_cast %add3A_268 : i32 to index
        %swap3A_282 = arith.constant 0 : index
        %swap3A_283 = tpu.vector_load %arg17[%swap3A, %swap3A_282] {strides = array<i32>} : memref<40x128xi32, #tpu.memory_space<vmem>>, vector<16xi32>,
        tpu.vector_store %arg17[%swap3A, %swap3A_282], %bitcast3A_281 {strides = array<i32>} : memref<40x128xi32, #tpu.memory_space<vmem>>, vector<16xi32>,
        %get3A_284 = arith.index_cast %add3A_268 : i32 to index
        %get3A_285 = arith.constant 16 : index
        %get3A_286 = tpu.vector_load %arg11[%get3A_284, %get3A_285] {strides = array<i32>} : memref<40x128xi32, #tpu.memory_space<vmem>>, vector<16xi32>,
        %bitcast3A_287 = vector.bitcast %get3A_286 : vector<16xi32> to vector<32xbf16>
        %get3A_288 = arith.index_cast %add3A_268 : i32 to index
        %get3A_289 = arith.constant 16 : index
        %get3A_290 = tpu.vector_load %arg13[%get3A_288, %get3A_289] {strides = array<i32>} : memref<40x128xi32, #tpu.memory_space<vmem>>, vector<16xi32>,
        %bitcast3A_291 = vector.bitcast %get3A_290 : vector<16xi32> to vector<32xbf16>
        %get3A_292 = arith.index_cast %add3A_268 : i32 to index
        %get3A_293 = arith.constant 16 : index
        %get3A_294 = tpu.vector_load %arg15[%get3A_292, %get3A_293] {strides = array<i32>} : memref<40x128xi32, #tpu.memory_space<vmem>>, vector<16xi32>,
        %bitcast3A_295 = vector.bitcast %get3A_294 : vector<16xi32> to vector<32xbf16>
        %add3A_296 = arith.addf %bitcast3A_287, %bitcast3A_291 : vector<32xbf16>
        %add3A_297 = arith.addf %add3A_296, %bitcast3A_295 : vector<32xbf16>
        %bitcast3A_298 = vector.bitcast %add3A_297 : vector<32xbf16> to vector<16xi32>
        %swap3A_299 = arith.index_cast %add3A_268 : i32 to index
        %swap3A_300 = arith.constant 16 : index
        %swap3A_301 = tpu.vector_load %arg17[%swap3A_299, %swap3A_300] {strides = array<i32>} : memref<40x128xi32, #tpu.memory_space<vmem>>, vector<16xi32>,
        tpu.vector_store %arg17[%swap3A_299, %swap3A_300], %bitcast3A_298 {strides = array<i32>} : memref<40x128xi32, #tpu.memory_space<vmem>>, vector<16xi32>,
        %get3A_302 = arith.index_cast %add3A_268 : i32 to index
        %get3A_303 = arith.constant 32 : index
        %get3A_304 = tpu.vector_load %arg11[%get3A_302, %get3A_303] {strides = array<i32>} : memref<40x128xi32, #tpu.memory_space<vmem>>, vector<16xi32>,
        %bitcast3A_305 = vector.bitcast %get3A_304 : vector<16xi32> to vector<32xbf16>
        %get3A_306 = arith.index_cast %add3A_268 : i32 to index
        %get3A_307 = arith.constant 32 : index
        %get3A_308 = tpu.vector_load %arg13[%get3A_306, %get3A_307] {strides = array<i32>} : memref<40x128xi32, #tpu.memory_space<vmem>>, vector<16xi32>,
        %bitcast3A_309 = vector.bitcast %get3A_308 : vector<16xi32> to vector<32xbf16>
        %get3A_310 = arith.index_cast %add3A_268 : i32 to index
        %get3A_311 = arith.constant 32 : index
        %get3A_312 = tpu.vector_load %arg15[%get3A_310, %get3A_311] {strides = array<i32>} : memref<40x128xi32, #tpu.memory_space<vmem>>, vector<16xi32>,
        %bitcast3A_313 = vector.bitcast %get3A_312 : vector<16xi32> to vector<32xbf16>
        %add3A_314 = arith.addf %bitcast3A_305, %bitcast3A_309 : vector<32xbf16>
        %add3A_315 = arith.addf %add3A_314, %bitcast3A_313 : vector<32xbf16>
        %bitcast3A_316 = vector.bitcast %add3A_315 : vector<32xbf16> to vector<16xi32>
        %swap3A_317 = arith.index_cast %add3A_268 : i32 to index
        %swap3A_318 = arith.constant 32 : index
        %swap3A_319 = tpu.vector_load %arg17[%swap3A_317, %swap3A_318] {strides = array<i32>} : memref<40x128xi32, #tpu.memory_space<vmem>>, vector<16xi32>,
        tpu.vector_store %arg17[%swap3A_317, %swap3A_318], %bitcast3A_316 {strides = array<i32>} : memref<40x128xi32, #tpu.memory_space<vmem>>, vector<16xi32>,
        %get3A_320 = arith.index_cast %add3A_268 : i32 to index
        %get3A_321 = arith.constant 48 : index
        %get3A_322 = tpu.vector_load %arg11[%get3A_320, %get3A_321] {strides = array<i32>} : memref<40x128xi32, #tpu.memory_space<vmem>>, vector<16xi32>,
        %bitcast3A_323 = vector.bitcast %get3A_322 : vector<16xi32> to vector<32xbf16>
        %get3A_324 = arith.index_cast %add3A_268 : i32 to index
        %get3A_325 = arith.constant 48 : index
        %get3A_326 = tpu.vector_load %arg13[%get3A_324, %get3A_325] {strides = array<i32>} : memref<40x128xi32, #tpu.memory_space<vmem>>, vector<16xi32>,
        %bitcast3A_327 = vector.bitcast %get3A_326 : vector<16xi32> to vector<32xbf16>
        %get3A_328 = arith.index_cast %add3A_268 : i32 to index
        %get3A_329 = arith.constant 48 : index
        %get3A_330 = tpu.vector_load %arg15[%get3A_328, %get3A_329] {strides = array<i32>} : memref<40x128xi32, #tpu.memory_space<vmem>>, vector<16xi32>,
        %bitcast3A_331 = vector.bitcast %get3A_330 : vector<16xi32> to vector<32xbf16>
        %add3A_332 = arith.addf %bitcast3A_323, %bitcast3A_327 : vector<32xbf16>
        %add3A_333 = arith.addf %add3A_332, %bitcast3A_331 : vector<32xbf16>
        %bitcast3A_334 = vector.bitcast %add3A_333 : vector<32xbf16> to vector<16xi32>
        %swap3A_335 = arith.index_cast %add3A_268 : i32 to index
        %swap3A_336 = arith.constant 48 : index
        %swap3A_337 = tpu.vector_load %arg17[%swap3A_335, %swap3A_336] {strides = array<i32>} : memref<40x128xi32, #tpu.memory_space<vmem>>, vector<16xi32>,
        tpu.vector_store %arg17[%swap3A_335, %swap3A_336], %bitcast3A_334 {strides = array<i32>} : memref<40x128xi32, #tpu.memory_space<vmem>>, vector<16xi32>,
        %get3A_338 = arith.index_cast %add3A_268 : i32 to index
        %get3A_339 = arith.constant 64 : index
        %get3A_340 = tpu.vector_load %arg11[%get3A_338, %get3A_339] {strides = array<i32>} : memref<40x128xi32, #tpu.memory_space<vmem>>, vector<16xi32>,
        %bitcast3A_341 = vector.bitcast %get3A_340 : vector<16xi32> to vector<32xbf16>
        %get3A_342 = arith.index_cast %add3A_268 : i32 to index
        %get3A_343 = arith.constant 64 : index
        %get3A_344 = tpu.vector_load %arg13[%get3A_342, %get3A_343] {strides = array<i32>} : memref<40x128xi32, #tpu.memory_space<vmem>>, vector<16xi32>,
        %bitcast3A_345 = vector.bitcast %get3A_344 : vector<16xi32> to vector<32xbf16>
        %get3A_346 = arith.index_cast %add3A_268 : i32 to index
        %get3A_347 = arith.constant 64 : index
        %get3A_348 = tpu.vector_load %arg15[%get3A_346, %get3A_347] {strides = array<i32>} : memref<40x128xi32, #tpu.memory_space<vmem>>, vector<16xi32>,
        %bitcast3A_349 = vector.bitcast %get3A_348 : vector<16xi32> to vector<32xbf16>
        %add3A_350 = arith.addf %bitcast3A_341, %bitcast3A_345 : vector<32xbf16>
        %add3A_351 = arith.addf %add3A_350, %bitcast3A_349 : vector<32xbf16>
        %bitcast3A_352 = vector.bitcast %add3A_351 : vector<32xbf16> to vector<16xi32>
        %swap3A_353 = arith.index_cast %add3A_268 : i32 to index
        %swap3A_354 = arith.constant 64 : index
        %swap3A_355 = tpu.vector_load %arg17[%swap3A_353, %swap3A_354] {strides = array<i32>} : memref<40x128xi32, #tpu.memory_space<vmem>>, vector<16xi32>,
        tpu.vector_store %arg17[%swap3A_353, %swap3A_354], %bitcast3A_352 {strides = array<i32>} : memref<40x128xi32, #tpu.memory_space<vmem>>, vector<16xi32>,
        %get3A_356 = arith.index_cast %add3A_268 : i32 to index
        %get3A_357 = arith.constant 80 : index
        %get3A_358 = tpu.vector_load %arg11[%get3A_356, %get3A_357] {strides = array<i32>} : memref<40x128xi32, #tpu.memory_space<vmem>>, vector<16xi32>,
        %bitcast3A_359 = vector.bitcast %get3A_358 : vector<16xi32> to vector<32xbf16>
        %get3A_360 = arith.index_cast %add3A_268 : i32 to index
        %get3A_361 = arith.constant 80 : index
        %get3A_362 = tpu.vector_load %arg13[%get3A_360, %get3A_361] {strides = array<i32>} : memref<40x128xi32, #tpu.memory_space<vmem>>, vector<16xi32>,
        %bitcast3A_363 = vector.bitcast %get3A_362 : vector<16xi32> to vector<32xbf16>
        %get3A_364 = arith.index_cast %add3A_268 : i32 to index
        %get3A_365 = arith.constant 80 : index
        %get3A_366 = tpu.vector_load %arg15[%get3A_364, %get3A_365] {strides = array<i32>} : memref<40x128xi32, #tpu.memory_space<vmem>>, vector<16xi32>,
        %bitcast3A_367 = vector.bitcast %get3A_366 : vector<16xi32> to vector<32xbf16>
        %add3A_368 = arith.addf %bitcast3A_359, %bitcast3A_363 : vector<32xbf16>
        %add3A_369 = arith.addf %add3A_368, %bitcast3A_367 : vector<32xbf16>
        %bitcast3A_370 = vector.bitcast %add3A_369 : vector<32xbf16> to vector<16xi32>
        %swap3A_371 = arith.index_cast %add3A_268 : i32 to index
        %swap3A_372 = arith.constant 80 : index
        %swap3A_373 = tpu.vector_load %arg17[%swap3A_371, %swap3A_372] {strides = array<i32>} : memref<40x128xi32, #tpu.memory_space<vmem>>, vector<16xi32>,
        tpu.vector_store %arg17[%swap3A_371, %swap3A_372], %bitcast3A_370 {strides = array<i32>} : memref<40x128xi32, #tpu.memory_space<vmem>>, vector<16xi32>,
        %get3A_374 = arith.index_cast %add3A_268 : i32 to index
        %get3A_375 = arith.constant 96 : index
        %get3A_376 = tpu.vector_load %arg11[%get3A_374, %get3A_375] {strides = array<i32>} : memref<40x128xi32, #tpu.memory_space<vmem>>, vector<16xi32>,
        %bitcast3A_377 = vector.bitcast %get3A_376 : vector<16xi32> to vector<32xbf16>
        %get3A_378 = arith.index_cast %add3A_268 : i32 to index
        %get3A_379 = arith.constant 96 : index
        %get3A_380 = tpu.vector_load %arg13[%get3A_378, %get3A_379] {strides = array<i32>} : memref<40x128xi32, #tpu.memory_space<vmem>>, vector<16xi32>,
        %bitcast3A_381 = vector.bitcast %get3A_380 : vector<16xi32> to vector<32xbf16>
        %get3A_382 = arith.index_cast %add3A_268 : i32 to index
        %get3A_383 = arith.constant 96 : index
        %get3A_384 = tpu.vector_load %arg15[%get3A_382, %get3A_383] {strides = array<i32>} : memref<40x128xi32, #tpu.memory_space<vmem>>, vector<16xi32>,
        %bitcast3A_385 = vector.bitcast %get3A_384 : vector<16xi32> to vector<32xbf16>
        %add3A_386 = arith.addf %bitcast3A_377, %bitcast3A_381 : vector<32xbf16>
        %add3A_387 = arith.addf %add3A_386, %bitcast3A_385 : vector<32xbf16>
        %bitcast3A_388 = vector.bitcast %add3A_387 : vector<32xbf16> to vector<16xi32>
        %swap3A_389 = arith.index_cast %add3A_268 : i32 to index
        %swap3A_390 = arith.constant 96 : index
        %swap3A_391 = tpu.vector_load %arg17[%swap3A_389, %swap3A_390] {strides = array<i32>} : memref<40x128xi32, #tpu.memory_space<vmem>>, vector<16xi32>,
        tpu.vector_store %arg17[%swap3A_389, %swap3A_390], %bitcast3A_388 {strides = array<i32>} : memref<40x128xi32, #tpu.memory_space<vmem>>, vector<16xi32>,
        %get3A_392 = arith.index_cast %add3A_268 : i32 to index
        %get3A_393 = arith.constant 112 : index
        %get3A_394 = tpu.vector_load %arg11[%get3A_392, %get3A_393] {strides = array<i32>} : memref<40x128xi32, #tpu.memory_space<vmem>>, vector<16xi32>,
        %bitcast3A_395 = vector.bitcast %get3A_394 : vector<16xi32> to vector<32xbf16>
        %get3A_396 = arith.index_cast %add3A_268 : i32 to index
        %get3A_397 = arith.constant 112 : index
        %get3A_398 = tpu.vector_load %arg13[%get3A_396, %get3A_397] {strides = array<i32>} : memref<40x128xi32, #tpu.memory_space<vmem>>, vector<16xi32>,
        %bitcast3A_399 = vector.bitcast %get3A_398 : vector<16xi32> to vector<32xbf16>
        %get3A_400 = arith.index_cast %add3A_268 : i32 to index
        %get3A_401 = arith.constant 112 : index
        %get3A_402 = tpu.vector_load %arg15[%get3A_400, %get3A_401] {strides = array<i32>} : memref<40x128xi32, #tpu.memory_space<vmem>>, vector<16xi32>,
        %bitcast3A_403 = vector.bitcast %get3A_402 : vector<16xi32> to vector<32xbf16>
        %add3A_404 = arith.addf %bitcast3A_395, %bitcast3A_399 : vector<32xbf16>
        %add3A_405 = arith.addf %add3A_404, %bitcast3A_403 : vector<32xbf16>
        %bitcast3A_406 = vector.bitcast %add3A_405 : vector<32xbf16> to vector<16xi32>
        %swap3A_407 = arith.index_cast %add3A_268 : i32 to index
        %swap3A_408 = arith.constant 112 : index
        %swap3A_409 = tpu.vector_load %arg17[%swap3A_407, %swap3A_408] {strides = array<i32>} : memref<40x128xi32, #tpu.memory_space<vmem>>, vector<16xi32>,
        tpu.vector_store %arg17[%swap3A_407, %swap3A_408], %bitcast3A_406 {strides = array<i32>} : memref<40x128xi32, #tpu.memory_space<vmem>>, vector<16xi32>,
      }
      %scan3A_249 = arith.constant 40 : i32
      %add3A_250 = arith.constant 2 : i32
      %add3A_251 = arith.addi %add3A_220, %add3A_250 : i32
      %lt3A_252 = arith.constant 125 : i32
      %lt3A_253 = arith.cmpi slt, %add3A_251, %lt3A_252 : i32
      %convert_element_type3A_254 = arith.extui %lt3A_253 : i1 to i32
      %cond3A_255 = arith.constant 0 : i32
      %cond3A_256 = arith.cmpi ne, %convert_element_type3A_254, %cond3A_255 : i32
      scf.if %cond3A_256 {
        %add3A_264 = arith.constant 2 : i32
        %add3A_265 = arith.addi %add3A_220, %add3A_264 : i32
        %mul3A_266 = arith.constant 40 : i32
        %mul3A_267 = arith.muli %add3A_265, %mul3A_266 : i32
        %dma_start3A_268 = tpu.memref_slice %arg8[%mul3A_267] : memref<5000xi32, #tpu.memory_space<vmem>> -> memref<40xi32, #tpu.memory_space<vmem>>
        %dma_start3A_269 = arith.constant 0 : i32
        %dma_start3A_270 = arith.constant 0 : i32
        %dma_start3A_271 = tpu.memref_slice %arg2[%dma_start3A_269, %dma_start3A_270] : memref<10000x128xi32, #tpu.memory_space<hbm>> -> memref<10000x128xi32, #tpu.memory_space<hbm>>
        tpu.enqueue_indirect_dma source(%dma_start3A_271 : memref<10000x128xi32, #tpu.memory_space<hbm>>) target(%arg11 : memref<40x128xi32, #tpu.memory_space<vmem>>) offsets(%dma_start3A_268 : memref<40xi32, #tpu.memory_space<vmem>>) semaphore(%arg19 : memref<!tpu.dma_semaphore, #tpu.memory_space<semaphore_mem>>)
        %dma_start3A_272 = tpu.memref_slice %arg9[%mul3A_267] : memref<5000xi32, #tpu.memory_space<vmem>> -> memref<40xi32, #tpu.memory_space<vmem>>
        %dma_start3A_273 = arith.constant 0 : i32
        %dma_start3A_274 = arith.constant 0 : i32
        %dma_start3A_275 = tpu.memref_slice %arg3[%dma_start3A_273, %dma_start3A_274] : memref<10000x128xi32, #tpu.memory_space<hbm>> -> memref<10000x128xi32, #tpu.memory_space<hbm>>
        tpu.enqueue_indirect_dma source(%dma_start3A_275 : memref<10000x128xi32, #tpu.memory_space<hbm>>) target(%arg13 : memref<40x128xi32, #tpu.memory_space<vmem>>) offsets(%dma_start3A_272 : memref<40xi32, #tpu.memory_space<vmem>>) semaphore(%arg21 : memref<!tpu.dma_semaphore, #tpu.memory_space<semaphore_mem>>)
        %add3A_276 = arith.addi %mul3A_2, %mul3A_267 : i32
        %dma_start3A_277 = arith.constant 0 : i32
        %dma_start3A_278 = tpu.memref_slice %arg4[%add3A_276, %dma_start3A_277] : memref<160000x128xi32, #tpu.memory_space<hbm>> -> memref<40x128xi32, #tpu.memory_space<hbm>>
        %dma_start3A_279 = arith.constant 0 : i32
        %dma_start3A_280 = tpu.memref_slice %arg4[%add3A_276, %dma_start3A_279] : memref<160000x128xi32, #tpu.memory_space<hbm>> -> memref<40x128xi32, #tpu.memory_space<hbm>>
        tpu.enqueue_dma source(%dma_start3A_280 : memref<40x128xi32, #tpu.memory_space<hbm>>) target(%arg15 : memref<40x128xi32, #tpu.memory_space<vmem>>) target_semaphore(%arg23 : memref<!tpu.dma_semaphore, #tpu.memory_space<semaphore_mem>>)
      } else {
      }
      %mul3A_257 = arith.constant 40 : i32
      %mul3A_258 = arith.muli %add3A_220, %mul3A_257 : i32
      %add3A_259 = arith.addi %mul3A_2, %mul3A_258 : i32
      %dma_start3A_260 = arith.constant 0 : i32
      %dma_start3A_261 = tpu.memref_slice %arg7[%add3A_259, %dma_start3A_260] : memref<160000x128xi32, #tpu.memory_space<hbm>> -> memref<40x128xi32, #tpu.memory_space<hbm>>
      %dma_start3A_262 = arith.constant 0 : i32
      %dma_start3A_263 = tpu.memref_slice %arg7[%add3A_259, %dma_start3A_262] : memref<160000x128xi32, #tpu.memory_space<hbm>> -> memref<40x128xi32, #tpu.memory_space<hbm>>
      tpu.enqueue_dma source(%arg17 : memref<40x128xi32, #tpu.memory_space<vmem>>) target(%dma_start3A_263 : memref<40x128xi32, #tpu.memory_space<hbm>>) target_semaphore(%arg25 : memref<!tpu.dma_semaphore, #tpu.memory_space<semaphore_mem>>)
    }
    %scan3A_126 = arith.constant 61 : i32
    %dma_wait3A_127 = arith.constant 0 : i32
    %dma_wait3A_128 = arith.constant 0 : i32
    %dma_wait3A_129 = tpu.memref_slice %arg4[%dma_wait3A_127, %dma_wait3A_128] : memref<160000x128xi32, #tpu.memory_space<hbm>> -> memref<40x128xi32, #tpu.memory_space<hbm>>
    %dma_wait3A_130 = arith.constant 0 : i32
    %dma_wait3A_131 = arith.constant 0 : i32
    %dma_wait3A_132 = tpu.memref_slice %arg4[%dma_wait3A_130, %dma_wait3A_131] : memref<160000x128xi32, #tpu.memory_space<hbm>> -> memref<40x128xi32, #tpu.memory_space<hbm>>
    tpu.wait_dma2 semaphore(%arg18 : memref<!tpu.dma_semaphore, #tpu.memory_space<semaphore_mem>>) src(%dma_wait3A_132 : memref<40x128xi32, #tpu.memory_space<hbm>>) dst(%arg10 : memref<40x128xi32, #tpu.memory_space<vmem>>)
    %dma_wait3A_133 = arith.constant 0 : i32
    %dma_wait3A_134 = arith.constant 0 : i32
    %dma_wait3A_135 = tpu.memref_slice %arg4[%dma_wait3A_133, %dma_wait3A_134] : memref<160000x128xi32, #tpu.memory_space<hbm>> -> memref<40x128xi32, #tpu.memory_space<hbm>>
    %dma_wait3A_136 = arith.constant 0 : i32
    %dma_wait3A_137 = arith.constant 0 : i32
    %dma_wait3A_138 = tpu.memref_slice %arg4[%dma_wait3A_136, %dma_wait3A_137] : memref<160000x128xi32, #tpu.memory_space<hbm>> -> memref<40x128xi32, #tpu.memory_space<hbm>>
    tpu.wait_dma2 semaphore(%arg20 : memref<!tpu.dma_semaphore, #tpu.memory_space<semaphore_mem>>) src(%dma_wait3A_138 : memref<40x128xi32, #tpu.memory_space<hbm>>) dst(%arg12 : memref<40x128xi32, #tpu.memory_space<vmem>>)
    %dma_wait3A_139 = arith.constant 0 : i32
    %dma_wait3A_140 = arith.constant 0 : i32
    %dma_wait3A_141 = tpu.memref_slice %arg4[%dma_wait3A_139, %dma_wait3A_140] : memref<160000x128xi32, #tpu.memory_space<hbm>> -> memref<40x128xi32, #tpu.memory_space<hbm>>
    %dma_wait3A_142 = arith.constant 0 : i32
    %dma_wait3A_143 = arith.constant 0 : i32
    %dma_wait3A_144 = tpu.memref_slice %arg4[%dma_wait3A_142, %dma_wait3A_143] : memref<160000x128xi32, #tpu.memory_space<hbm>> -> memref<40x128xi32, #tpu.memory_space<hbm>>
    tpu.wait_dma2 semaphore(%arg22 : memref<!tpu.dma_semaphore, #tpu.memory_space<semaphore_mem>>) src(%dma_wait3A_144 : memref<40x128xi32, #tpu.memory_space<hbm>>) dst(%arg14 : memref<40x128xi32, #tpu.memory_space<vmem>>)
    %dma_wait3A_145 = arith.constant 0 : i32
    %dma_wait3A_146 = arith.constant 0 : i32
    %dma_wait3A_147 = tpu.memref_slice %arg7[%dma_wait3A_145, %dma_wait3A_146] : memref<160000x128xi32, #tpu.memory_space<hbm>> -> memref<40x128xi32, #tpu.memory_space<hbm>>
    %dma_wait3A_148 = arith.constant 0 : i32
    %dma_wait3A_149 = arith.constant 0 : i32
    %dma_wait3A_150 = tpu.memref_slice %arg7[%dma_wait3A_148, %dma_wait3A_149] : memref<160000x128xi32, #tpu.memory_space<hbm>> -> memref<40x128xi32, #tpu.memory_space<hbm>>
    tpu.wait_dma2 semaphore(%arg24 : memref<!tpu.dma_semaphore, #tpu.memory_space<semaphore_mem>>) src(%arg16 : memref<40x128xi32, #tpu.memory_space<vmem>>) dst(%dma_wait3A_150 : memref<40x128xi32, #tpu.memory_space<hbm>>)
    %scan3A_151 = arith.constant 0 : i32
    %scan3A_152 = arith.constant 40 : i32
    %scan3A_153 = arith.addi %scan3A_151, %scan3A_152 : i32
    %scan3A_154 = arith.constant 1 : i32
    scf.for %scan3A_174 = %scan3A_151 to %scan3A_153 step %scan3A_154  : i32 {
      %mul3A_175 = arith.constant 1 : i32
      %mul3A_176 = arith.muli %scan3A_174, %mul3A_175 : i32
      %add3A_177 = arith.constant 0 : i32
      %add3A_178 = arith.addi %add3A_177, %mul3A_176 : i32
      %get3A = arith.index_cast %add3A_178 : i32 to index
      %get3A_179 = arith.constant 0 : index
      %get3A_180 = tpu.vector_load %arg10[%get3A, %get3A_179] {strides = array<i32>} : memref<40x128xi32, #tpu.memory_space<vmem>>, vector<16xi32>,
      %bitcast3A = vector.bitcast %get3A_180 : vector<16xi32> to vector<32xbf16>
      %get3A_181 = arith.index_cast %add3A_178 : i32 to index
      %get3A_182 = arith.constant 0 : index
      %get3A_183 = tpu.vector_load %arg12[%get3A_181, %get3A_182] {strides = array<i32>} : memref<40x128xi32, #tpu.memory_space<vmem>>, vector<16xi32>,
      %bitcast3A_184 = vector.bitcast %get3A_183 : vector<16xi32> to vector<32xbf16>
      %get3A_185 = arith.index_cast %add3A_178 : i32 to index
      %get3A_186 = arith.constant 0 : index
      %get3A_187 = tpu.vector_load %arg14[%get3A_185, %get3A_186] {strides = array<i32>} : memref<40x128xi32, #tpu.memory_space<vmem>>, vector<16xi32>,
      %bitcast3A_188 = vector.bitcast %get3A_187 : vector<16xi32> to vector<32xbf16>
      %add3A_189 = arith.addf %bitcast3A, %bitcast3A_184 : vector<32xbf16>
      %add3A_190 = arith.addf %add3A_189, %bitcast3A_188 : vector<32xbf16>
      %bitcast3A_191 = vector.bitcast %add3A_190 : vector<32xbf16> to vector<16xi32>
      %swap3A = arith.index_cast %add3A_178 : i32 to index
      %swap3A_192 = arith.constant 0 : index
      %swap3A_193 = tpu.vector_load %arg16[%swap3A, %swap3A_192] {strides = array<i32>} : memref<40x128xi32, #tpu.memory_space<vmem>>, vector<16xi32>,
      tpu.vector_store %arg16[%swap3A, %swap3A_192], %bitcast3A_191 {strides = array<i32>} : memref<40x128xi32, #tpu.memory_space<vmem>>, vector<16xi32>,
      %get3A_194 = arith.index_cast %add3A_178 : i32 to index
      %get3A_195 = arith.constant 16 : index
      %get3A_196 = tpu.vector_load %arg10[%get3A_194, %get3A_195] {strides = array<i32>} : memref<40x128xi32, #tpu.memory_space<vmem>>, vector<16xi32>,
      %bitcast3A_197 = vector.bitcast %get3A_196 : vector<16xi32> to vector<32xbf16>
      %get3A_198 = arith.index_cast %add3A_178 : i32 to index
      %get3A_199 = arith.constant 16 : index
      %get3A_200 = tpu.vector_load %arg12[%get3A_198, %get3A_199] {strides = array<i32>} : memref<40x128xi32, #tpu.memory_space<vmem>>, vector<16xi32>,
      %bitcast3A_201 = vector.bitcast %get3A_200 : vector<16xi32> to vector<32xbf16>
      %get3A_202 = arith.index_cast %add3A_178 : i32 to index
      %get3A_203 = arith.constant 16 : index
      %get3A_204 = tpu.vector_load %arg14[%get3A_202, %get3A_203] {strides = array<i32>} : memref<40x128xi32, #tpu.memory_space<vmem>>, vector<16xi32>,
      %bitcast3A_205 = vector.bitcast %get3A_204 : vector<16xi32> to vector<32xbf16>
      %add3A_206 = arith.addf %bitcast3A_197, %bitcast3A_201 : vector<32xbf16>
      %add3A_207 = arith.addf %add3A_206, %bitcast3A_205 : vector<32xbf16>
      %bitcast3A_208 = vector.bitcast %add3A_207 : vector<32xbf16> to vector<16xi32>
      %swap3A_209 = arith.index_cast %add3A_178 : i32 to index
      %swap3A_210 = arith.constant 16 : index
      %swap3A_211 = tpu.vector_load %arg16[%swap3A_209, %swap3A_210] {strides = array<i32>} : memref<40x128xi32, #tpu.memory_space<vmem>>, vector<16xi32>,
      tpu.vector_store %arg16[%swap3A_209, %swap3A_210], %bitcast3A_208 {strides = array<i32>} : memref<40x128xi32, #tpu.memory_space<vmem>>, vector<16xi32>,
      %get3A_212 = arith.index_cast %add3A_178 : i32 to index
      %get3A_213 = arith.constant 32 : index
      %get3A_214 = tpu.vector_load %arg10[%get3A_212, %get3A_213] {strides = array<i32>} : memref<40x128xi32, #tpu.memory_space<vmem>>, vector<16xi32>,
      %bitcast3A_215 = vector.bitcast %get3A_214 : vector<16xi32> to vector<32xbf16>
      %get3A_216 = arith.index_cast %add3A_178 : i32 to index
      %get3A_217 = arith.constant 32 : index
      %get3A_218 = tpu.vector_load %arg12[%get3A_216, %get3A_217] {strides = array<i32>} : memref<40x128xi32, #tpu.memory_space<vmem>>, vector<16xi32>,
      %bitcast3A_219 = vector.bitcast %get3A_218 : vector<16xi32> to vector<32xbf16>
      %get3A_220 = arith.index_cast %add3A_178 : i32 to index
      %get3A_221 = arith.constant 32 : index
      %get3A_222 = tpu.vector_load %arg14[%get3A_220, %get3A_221] {strides = array<i32>} : memref<40x128xi32, #tpu.memory_space<vmem>>, vector<16xi32>,
      %bitcast3A_223 = vector.bitcast %get3A_222 : vector<16xi32> to vector<32xbf16>
      %add3A_224 = arith.addf %bitcast3A_215, %bitcast3A_219 : vector<32xbf16>
      %add3A_225 = arith.addf %add3A_224, %bitcast3A_223 : vector<32xbf16>
      %bitcast3A_226 = vector.bitcast %add3A_225 : vector<32xbf16> to vector<16xi32>
      %swap3A_227 = arith.index_cast %add3A_178 : i32 to index
      %swap3A_228 = arith.constant 32 : index
      %swap3A_229 = tpu.vector_load %arg16[%swap3A_227, %swap3A_228] {strides = array<i32>} : memref<40x128xi32, #tpu.memory_space<vmem>>, vector<16xi32>,
      tpu.vector_store %arg16[%swap3A_227, %swap3A_228], %bitcast3A_226 {strides = array<i32>} : memref<40x128xi32, #tpu.memory_space<vmem>>, vector<16xi32>,
      %get3A_230 = arith.index_cast %add3A_178 : i32 to index
      %get3A_231 = arith.constant 48 : index
      %get3A_232 = tpu.vector_load %arg10[%get3A_230, %get3A_231] {strides = array<i32>} : memref<40x128xi32, #tpu.memory_space<vmem>>, vector<16xi32>,
      %bitcast3A_233 = vector.bitcast %get3A_232 : vector<16xi32> to vector<32xbf16>
      %get3A_234 = arith.index_cast %add3A_178 : i32 to index
      %get3A_235 = arith.constant 48 : index
      %get3A_236 = tpu.vector_load %arg12[%get3A_234, %get3A_235] {strides = array<i32>} : memref<40x128xi32, #tpu.memory_space<vmem>>, vector<16xi32>,
      %bitcast3A_237 = vector.bitcast %get3A_236 : vector<16xi32> to vector<32xbf16>
      %get3A_238 = arith.index_cast %add3A_178 : i32 to index
      %get3A_239 = arith.constant 48 : index
      %get3A_240 = tpu.vector_load %arg14[%get3A_238, %get3A_239] {strides = array<i32>} : memref<40x128xi32, #tpu.memory_space<vmem>>, vector<16xi32>,
      %bitcast3A_241 = vector.bitcast %get3A_240 : vector<16xi32> to vector<32xbf16>
      %add3A_242 = arith.addf %bitcast3A_233, %bitcast3A_237 : vector<32xbf16>
      %add3A_243 = arith.addf %add3A_242, %bitcast3A_241 : vector<32xbf16>
      %bitcast3A_244 = vector.bitcast %add3A_243 : vector<32xbf16> to vector<16xi32>
      %swap3A_245 = arith.index_cast %add3A_178 : i32 to index
      %swap3A_246 = arith.constant 48 : index
      %swap3A_247 = tpu.vector_load %arg16[%swap3A_245, %swap3A_246] {strides = array<i32>} : memref<40x128xi32, #tpu.memory_space<vmem>>, vector<16xi32>,
      tpu.vector_store %arg16[%swap3A_245, %swap3A_246], %bitcast3A_244 {strides = array<i32>} : memref<40x128xi32, #tpu.memory_space<vmem>>, vector<16xi32>,
      %get3A_248 = arith.index_cast %add3A_178 : i32 to index
      %get3A_249 = arith.constant 64 : index
      %get3A_250 = tpu.vector_load %arg10[%get3A_248, %get3A_249] {strides = array<i32>} : memref<40x128xi32, #tpu.memory_space<vmem>>, vector<16xi32>,
      %bitcast3A_251 = vector.bitcast %get3A_250 : vector<16xi32> to vector<32xbf16>
      %get3A_252 = arith.index_cast %add3A_178 : i32 to index
      %get3A_253 = arith.constant 64 : index
      %get3A_254 = tpu.vector_load %arg12[%get3A_252, %get3A_253] {strides = array<i32>} : memref<40x128xi32, #tpu.memory_space<vmem>>, vector<16xi32>,
      %bitcast3A_255 = vector.bitcast %get3A_254 : vector<16xi32> to vector<32xbf16>
      %get3A_256 = arith.index_cast %add3A_178 : i32 to index
      %get3A_257 = arith.constant 64 : index
      %get3A_258 = tpu.vector_load %arg14[%get3A_256, %get3A_257] {strides = array<i32>} : memref<40x128xi32, #tpu.memory_space<vmem>>, vector<16xi32>,
      %bitcast3A_259 = vector.bitcast %get3A_258 : vector<16xi32> to vector<32xbf16>
      %add3A_260 = arith.addf %bitcast3A_251, %bitcast3A_255 : vector<32xbf16>
      %add3A_261 = arith.addf %add3A_260, %bitcast3A_259 : vector<32xbf16>
      %bitcast3A_262 = vector.bitcast %add3A_261 : vector<32xbf16> to vector<16xi32>
      %swap3A_263 = arith.index_cast %add3A_178 : i32 to index
      %swap3A_264 = arith.constant 64 : index
      %swap3A_265 = tpu.vector_load %arg16[%swap3A_263, %swap3A_264] {strides = array<i32>} : memref<40x128xi32, #tpu.memory_space<vmem>>, vector<16xi32>,
      tpu.vector_store %arg16[%swap3A_263, %swap3A_264], %bitcast3A_262 {strides = array<i32>} : memref<40x128xi32, #tpu.memory_space<vmem>>, vector<16xi32>,
      %get3A_266 = arith.index_cast %add3A_178 : i32 to index
      %get3A_267 = arith.constant 80 : index
      %get3A_268 = tpu.vector_load %arg10[%get3A_266, %get3A_267] {strides = array<i32>} : memref<40x128xi32, #tpu.memory_space<vmem>>, vector<16xi32>,
      %bitcast3A_269 = vector.bitcast %get3A_268 : vector<16xi32> to vector<32xbf16>
      %get3A_270 = arith.index_cast %add3A_178 : i32 to index
      %get3A_271 = arith.constant 80 : index
      %get3A_272 = tpu.vector_load %arg12[%get3A_270, %get3A_271] {strides = array<i32>} : memref<40x128xi32, #tpu.memory_space<vmem>>, vector<16xi32>,
      %bitcast3A_273 = vector.bitcast %get3A_272 : vector<16xi32> to vector<32xbf16>
      %get3A_274 = arith.index_cast %add3A_178 : i32 to index
      %get3A_275 = arith.constant 80 : index
      %get3A_276 = tpu.vector_load %arg14[%get3A_274, %get3A_275] {strides = array<i32>} : memref<40x128xi32, #tpu.memory_space<vmem>>, vector<16xi32>,
      %bitcast3A_277 = vector.bitcast %get3A_276 : vector<16xi32> to vector<32xbf16>
      %add3A_278 = arith.addf %bitcast3A_269, %bitcast3A_273 : vector<32xbf16>
      %add3A_279 = arith.addf %add3A_278, %bitcast3A_277 : vector<32xbf16>
      %bitcast3A_280 = vector.bitcast %add3A_279 : vector<32xbf16> to vector<16xi32>
      %swap3A_281 = arith.index_cast %add3A_178 : i32 to index
      %swap3A_282 = arith.constant 80 : index
      %swap3A_283 = tpu.vector_load %arg16[%swap3A_281, %swap3A_282] {strides = array<i32>} : memref<40x128xi32, #tpu.memory_space<vmem>>, vector<16xi32>,
      tpu.vector_store %arg16[%swap3A_281, %swap3A_282], %bitcast3A_280 {strides = array<i32>} : memref<40x128xi32, #tpu.memory_space<vmem>>, vector<16xi32>,
      %get3A_284 = arith.index_cast %add3A_178 : i32 to index
      %get3A_285 = arith.constant 96 : index
      %get3A_286 = tpu.vector_load %arg10[%get3A_284, %get3A_285] {strides = array<i32>} : memref<40x128xi32, #tpu.memory_space<vmem>>, vector<16xi32>,
      %bitcast3A_287 = vector.bitcast %get3A_286 : vector<16xi32> to vector<32xbf16>
      %get3A_288 = arith.index_cast %add3A_178 : i32 to index
      %get3A_289 = arith.constant 96 : index
      %get3A_290 = tpu.vector_load %arg12[%get3A_288, %get3A_289] {strides = array<i32>} : memref<40x128xi32, #tpu.memory_space<vmem>>, vector<16xi32>,
      %bitcast3A_291 = vector.bitcast %get3A_290 : vector<16xi32> to vector<32xbf16>
      %get3A_292 = arith.index_cast %add3A_178 : i32 to index
      %get3A_293 = arith.constant 96 : index
      %get3A_294 = tpu.vector_load %arg14[%get3A_292, %get3A_293] {strides = array<i32>} : memref<40x128xi32, #tpu.memory_space<vmem>>, vector<16xi32>,
      %bitcast3A_295 = vector.bitcast %get3A_294 : vector<16xi32> to vector<32xbf16>
      %add3A_296 = arith.addf %bitcast3A_287, %bitcast3A_291 : vector<32xbf16>
      %add3A_297 = arith.addf %add3A_296, %bitcast3A_295 : vector<32xbf16>
      %bitcast3A_298 = vector.bitcast %add3A_297 : vector<32xbf16> to vector<16xi32>
      %swap3A_299 = arith.index_cast %add3A_178 : i32 to index
      %swap3A_300 = arith.constant 96 : index
      %swap3A_301 = tpu.vector_load %arg16[%swap3A_299, %swap3A_300] {strides = array<i32>} : memref<40x128xi32, #tpu.memory_space<vmem>>, vector<16xi32>,
      tpu.vector_store %arg16[%swap3A_299, %swap3A_300], %bitcast3A_298 {strides = array<i32>} : memref<40x128xi32, #tpu.memory_space<vmem>>, vector<16xi32>,
      %get3A_302 = arith.index_cast %add3A_178 : i32 to index
      %get3A_303 = arith.constant 112 : index
      %get3A_304 = tpu.vector_load %arg10[%get3A_302, %get3A_303] {strides = array<i32>} : memref<40x128xi32, #tpu.memory_space<vmem>>, vector<16xi32>,
      %bitcast3A_305 = vector.bitcast %get3A_304 : vector<16xi32> to vector<32xbf16>
      %get3A_306 = arith.index_cast %add3A_178 : i32 to index
      %get3A_307 = arith.constant 112 : index
      %get3A_308 = tpu.vector_load %arg12[%get3A_306, %get3A_307] {strides = array<i32>} : memref<40x128xi32, #tpu.memory_space<vmem>>, vector<16xi32>,
      %bitcast3A_309 = vector.bitcast %get3A_308 : vector<16xi32> to vector<32xbf16>
      %get3A_310 = arith.index_cast %add3A_178 : i32 to index
      %get3A_311 = arith.constant 112 : index
      %get3A_312 = tpu.vector_load %arg14[%get3A_310, %get3A_311] {strides = array<i32>} : memref<40x128xi32, #tpu.memory_space<vmem>>, vector<16xi32>,
      %bitcast3A_313 = vector.bitcast %get3A_312 : vector<16xi32> to vector<32xbf16>
      %add3A_314 = arith.addf %bitcast3A_305, %bitcast3A_309 : vector<32xbf16>
      %add3A_315 = arith.addf %add3A_314, %bitcast3A_313 : vector<32xbf16>
      %bitcast3A_316 = vector.bitcast %add3A_315 : vector<32xbf16> to vector<16xi32>
      %swap3A_317 = arith.index_cast %add3A_178 : i32 to index
      %swap3A_318 = arith.constant 112 : index
      %swap3A_319 = tpu.vector_load %arg16[%swap3A_317, %swap3A_318] {strides = array<i32>} : memref<40x128xi32, #tpu.memory_space<vmem>>, vector<16xi32>,
      tpu.vector_store %arg16[%swap3A_317, %swap3A_318], %bitcast3A_316 {strides = array<i32>} : memref<40x128xi32, #tpu.memory_space<vmem>>, vector<16xi32>,
    }
    %scan3A_155 = arith.constant 40 : i32
    %add3A_156 = arith.constant 4960 : i32
    %add3A_157 = arith.addi %mul3A_2, %add3A_156 : i32
    %dma_start3A_158 = arith.constant 0 : i32
    %dma_start3A_159 = tpu.memref_slice %arg7[%add3A_157, %dma_start3A_158] : memref<160000x128xi32, #tpu.memory_space<hbm>> -> memref<40x128xi32, #tpu.memory_space<hbm>>
    %dma_start3A_160 = arith.constant 0 : i32
    %dma_start3A_161 = tpu.memref_slice %arg7[%add3A_157, %dma_start3A_160] : memref<160000x128xi32, #tpu.memory_space<hbm>> -> memref<40x128xi32, #tpu.memory_space<hbm>>
    tpu.enqueue_dma source(%arg16 : memref<40x128xi32, #tpu.memory_space<vmem>>) target(%dma_start3A_161 : memref<40x128xi32, #tpu.memory_space<hbm>>) target_semaphore(%arg24 : memref<!tpu.dma_semaphore, #tpu.memory_space<semaphore_mem>>)
    %dma_wait3A_162 = arith.constant 0 : i32
    %dma_wait3A_163 = arith.constant 0 : i32
    %dma_wait3A_164 = tpu.memref_slice %arg7[%dma_wait3A_162, %dma_wait3A_163] : memref<160000x128xi32, #tpu.memory_space<hbm>> -> memref<40x128xi32, #tpu.memory_space<hbm>>
    %dma_wait3A_165 = arith.constant 0 : i32
    %dma_wait3A_166 = arith.constant 0 : i32
    %dma_wait3A_167 = tpu.memref_slice %arg7[%dma_wait3A_165, %dma_wait3A_166] : memref<160000x128xi32, #tpu.memory_space<hbm>> -> memref<40x128xi32, #tpu.memory_space<hbm>>
    tpu.wait_dma2 semaphore(%arg25 : memref<!tpu.dma_semaphore, #tpu.memory_space<semaphore_mem>>) src(%arg17 : memref<40x128xi32, #tpu.memory_space<vmem>>) dst(%dma_wait3A_167 : memref<40x128xi32, #tpu.memory_space<hbm>>)
    %dma_wait3A_168 = arith.constant 0 : i32
    %dma_wait3A_169 = arith.constant 0 : i32
    %dma_wait3A_170 = tpu.memref_slice %arg7[%dma_wait3A_168, %dma_wait3A_169] : memref<160000x128xi32, #tpu.memory_space<hbm>> -> memref<40x128xi32, #tpu.memory_space<hbm>>
    %dma_wait3A_171 = arith.constant 0 : i32
    %dma_wait3A_172 = arith.constant 0 : i32
    %dma_wait3A_173 = tpu.memref_slice %arg7[%dma_wait3A_171, %dma_wait3A_172] : memref<160000x128xi32, #tpu.memory_space<hbm>> -> memref<40x128xi32, #tpu.memory_space<hbm>>
    tpu.wait_dma2 semaphore(%arg24 : memref<!tpu.dma_semaphore, #tpu.memory_space<semaphore_mem>>) src(%arg16 : memref<40x128xi32, #tpu.memory_space<vmem>>) dst(%dma_wait3A_173 : memref<40x128xi32, #tpu.memory_space<hbm>>)
    return
  }
}

#map = affine_map<(d0, d1) -> (0, 0)>
#map1 = affine_map<(d0, d1) -> (0)>
module attributes {stable_mosaic.version = 14 : i64} {
  func.func @k(%arg0: i32, %arg1: i32, %arg2: memref<160000x128xf32, #tpu.memory_space<hbm>>, %arg3: memref<160000x128xf32, #tpu.memory_space<hbm>>, %arg4: memref<160000xi32, #tpu.memory_space<hbm>>, %arg5: memref<20000x128xf32, #tpu.memory_space<hbm>>, %arg6: memref<10000x128xf32, #tpu.memory_space<vmem_shared>>, %arg7: memref<80xi32, #tpu.memory_space<vmem>>, %arg8: memref<80xi32, #tpu.memory_space<vmem>>, %arg9: memref<80x128xf32, #tpu.memory_space<vmem>>, %arg10: memref<80x128xf32, #tpu.memory_space<vmem>>, %arg11: memref<200x128xf32, #tpu.memory_space<vmem>>, %arg12: memref<!tpu.dma_semaphore, #tpu.memory_space<semaphore_mem>>, %arg13: memref<!tpu.dma_semaphore, #tpu.memory_space<semaphore_mem>>, %arg14: memref<!tpu.dma_semaphore, #tpu.memory_space<semaphore_mem>>, %arg15: memref<!tpu.dma_semaphore, #tpu.memory_space<semaphore_mem>>) attributes {dimension_semantics = [#tpu.dimension_semantics<core_parallel>, #tpu.dimension_semantics<subcore_parallel>], iteration_bounds = array<i64: 2, 16>, scalar_prefetch = 0 : i64, scratch_operands = 10 : i64, tpu.core_type = #tpu.core_type<sc_vector_subcore>, window_params = [{transform_indices = #map}, {transform_indices = #map}, {transform_indices = #map1}, {transform_indices = #map}]} {
    %lt3A = arith.constant 10 : i32
    %lt3A_0 = arith.cmpi slt, %arg1, %lt3A : i32
    %convert_element_type3A = arith.extui %lt3A_0 : i1 to i32
    %cond3A = arith.constant 0 : i32
    %cond3A_1 = arith.cmpi ne, %convert_element_type3A, %cond3A : i32
    scf.if %cond3A_1 {
      %scan3A = arith.constant 0 : i32
      %scan3A_17 = arith.constant 200 : i32
      %scan3A_18 = arith.addi %scan3A, %scan3A_17 : i32
      %scan3A_19 = arith.constant 1 : i32
      scf.for %scan3A_26 = %scan3A to %scan3A_18 step %scan3A_19  : i32 {
        %mul3A = arith.constant 1 : i32
        %mul3A_27 = arith.muli %scan3A_26, %mul3A : i32
        %add3A = arith.constant 0 : i32
        %add3A_28 = arith.addi %add3A, %mul3A_27 : i32
        %scan3A_29 = arith.constant 0 : i32
        %scan3A_30 = arith.constant 8 : i32
        %scan3A_31 = arith.addi %scan3A_29, %scan3A_30 : i32
        %scan3A_32 = arith.constant 1 : i32
        scf.for %scan3A_34 = %scan3A_29 to %scan3A_31 step %scan3A_32  : i32 {
          %mul3A_35 = arith.constant 16 : i32
          %mul3A_36 = arith.muli %scan3A_34, %mul3A_35 : i32
          %add3A_37 = arith.constant 0 : i32
          %add3A_38 = arith.addi %add3A_37, %mul3A_36 : i32
          %broadcast_in_dim3A = arith.constant 0.000000e+00 : f32
          %broadcast_in_dim3A_39 = vector.broadcast %broadcast_in_dim3A : f32 to vector<1x16xf32>
          %swap3A = arith.index_cast %add3A_28 : i32 to index
          %swap3A_40 = arith.index_cast %add3A_38 : i32 to index
          %swap3A_41 = tpu.vector_load %arg11[%swap3A, %swap3A_40] {strides = array<i32>} : memref<200x128xf32, #tpu.memory_space<vmem>>, vector<1x16xf32>,
          %swap3A_42 = vector.shape_cast %swap3A_41 : vector<1x16xf32> to vector<1x16xf32>
          %swap3A_43 = vector.shape_cast %broadcast_in_dim3A_39 : vector<1x16xf32> to vector<1x16xf32>
          tpu.vector_store %arg11[%swap3A, %swap3A_40], %swap3A_43 {strides = array<i32>} : memref<200x128xf32, #tpu.memory_space<vmem>>, vector<1x16xf32>,
        }
        %scan3A_33 = arith.constant 8 : i32
      }
      %scan3A_20 = arith.constant 200 : i32
      %scan3A_21 = arith.constant 0 : i32
      %scan3A_22 = arith.constant 5 : i32
      %scan3A_23 = arith.addi %scan3A_21, %scan3A_22 : i32
      %scan3A_24 = arith.constant 1 : i32
      scf.for %scan3A_26 = %scan3A_21 to %scan3A_23 step %scan3A_24  : i32 {
        %mul3A = arith.constant 1 : i32
        %mul3A_27 = arith.muli %scan3A_26, %mul3A : i32
        %add3A = arith.constant 0 : i32
        %add3A_28 = arith.addi %add3A, %mul3A_27 : i32
        %mul3A_29 = arith.constant 1000 : i32
        %mul3A_30 = arith.muli %arg1, %mul3A_29 : i32
        %mul3A_31 = arith.constant 200 : i32
        %mul3A_32 = arith.muli %add3A_28, %mul3A_31 : i32
        %add3A_33 = arith.addi %mul3A_30, %mul3A_32 : i32
        "tpu.region"() ({
          %run_scoped3A = tpu.sem_alloc : memref<!tpu.dma_semaphore, #tpu.memory_space<semaphore_mem>>
          %dma_start3A = arith.constant 0 : i32
          %dma_start3A_34 = tpu.memref_slice %arg6[%add3A_33, %dma_start3A] : memref<10000x128xf32, #tpu.memory_space<vmem_shared>> -> memref<200x128xf32, #tpu.memory_space<vmem_shared>>
          %dma_start3A_35 = arith.constant 0 : i32
          %dma_start3A_36 = tpu.memref_slice %arg6[%add3A_33, %dma_start3A_35] : memref<10000x128xf32, #tpu.memory_space<vmem_shared>> -> memref<200x128xf32, #tpu.memory_space<vmem_shared>>
          tpu.enqueue_dma source(%arg11 : memref<200x128xf32, #tpu.memory_space<vmem>>) target(%dma_start3A_36 : memref<200x128xf32, #tpu.memory_space<vmem_shared>>) target_semaphore(%run_scoped3A : memref<!tpu.dma_semaphore, #tpu.memory_space<semaphore_mem>>)
          %dma_wait3A = arith.constant 0 : i32
          %dma_wait3A_37 = tpu.memref_slice %arg6[%add3A_33, %dma_wait3A] : memref<10000x128xf32, #tpu.memory_space<vmem_shared>> -> memref<200x128xf32, #tpu.memory_space<vmem_shared>>
          %dma_wait3A_38 = arith.constant 0 : i32
          %dma_wait3A_39 = tpu.memref_slice %arg6[%add3A_33, %dma_wait3A_38] : memref<10000x128xf32, #tpu.memory_space<vmem_shared>> -> memref<200x128xf32, #tpu.memory_space<vmem_shared>>
          tpu.wait_dma2 semaphore(%run_scoped3A : memref<!tpu.dma_semaphore, #tpu.memory_space<semaphore_mem>>) src(%arg11 : memref<200x128xf32, #tpu.memory_space<vmem>>) dst(%dma_wait3A_39 : memref<200x128xf32, #tpu.memory_space<vmem_shared>>)
          tpu.yield
        }) : () -> ()
      }
      %scan3A_25 = arith.constant 5 : i32
    } else {
    }
    %barrier3A = arith.constant 0 : index
    tpu.barrier barrier_id(%barrier3A)
    %eq3A = arith.constant 0 : i32
    %eq3A_2 = arith.cmpi eq, %arg0, %eq3A : i32
    %convert_element_type3A_3 = arith.extui %eq3A_2 : i1 to i32
    %cond3A_4 = arith.constant 0 : i32
    %cond3A_5 = arith.cmpi ne, %convert_element_type3A_3, %cond3A_4 : i32
    scf.if %cond3A_5 {
      %mul3A = arith.constant 10000 : i32
      %mul3A_17 = arith.muli %arg1, %mul3A : i32
      %add3A = arith.constant 0 : i32
      %add3A_18 = arith.addi %mul3A_17, %add3A : i32
      %dma_start3A = tpu.memref_slice %arg4[%add3A_18] : memref<160000xi32, #tpu.memory_space<hbm>> -> memref<80xi32, #tpu.memory_space<hbm>>
      %dma_start3A_19 = tpu.memref_slice %arg4[%add3A_18] : memref<160000xi32, #tpu.memory_space<hbm>> -> memref<80xi32, #tpu.memory_space<hbm>>
      tpu.enqueue_dma source(%dma_start3A_19 : memref<80xi32, #tpu.memory_space<hbm>>) target(%arg7 : memref<80xi32, #tpu.memory_space<vmem>>) target_semaphore(%arg12 : memref<!tpu.dma_semaphore, #tpu.memory_space<semaphore_mem>>)
      %dma_start3A_20 = arith.constant 0 : i32
      %dma_start3A_21 = tpu.memref_slice %arg2[%add3A_18, %dma_start3A_20] : memref<160000x128xf32, #tpu.memory_space<hbm>> -> memref<80x128xf32, #tpu.memory_space<hbm>>
      %dma_start3A_22 = arith.constant 0 : i32
      %dma_start3A_23 = tpu.memref_slice %arg2[%add3A_18, %dma_start3A_22] : memref<160000x128xf32, #tpu.memory_space<hbm>> -> memref<80x128xf32, #tpu.memory_space<hbm>>
      tpu.enqueue_dma source(%dma_start3A_23 : memref<80x128xf32, #tpu.memory_space<hbm>>) target(%arg9 : memref<80x128xf32, #tpu.memory_space<vmem>>) target_semaphore(%arg12 : memref<!tpu.dma_semaphore, #tpu.memory_space<semaphore_mem>>)
      %dma_wait3A = arith.constant 0 : i32
      %dma_wait3A_24 = tpu.memref_slice %arg4[%dma_wait3A] : memref<160000xi32, #tpu.memory_space<hbm>> -> memref<80xi32, #tpu.memory_space<hbm>>
      %dma_wait3A_25 = arith.constant 0 : i32
      %dma_wait3A_26 = tpu.memref_slice %arg4[%dma_wait3A_25] : memref<160000xi32, #tpu.memory_space<hbm>> -> memref<80xi32, #tpu.memory_space<hbm>>
      tpu.wait_dma2 semaphore(%arg12 : memref<!tpu.dma_semaphore, #tpu.memory_space<semaphore_mem>>) src(%dma_wait3A_26 : memref<80xi32, #tpu.memory_space<hbm>>) dst(%arg7 : memref<80xi32, #tpu.memory_space<vmem>>)
      %dma_wait3A_27 = arith.constant 0 : i32
      %dma_wait3A_28 = arith.constant 0 : i32
      %dma_wait3A_29 = tpu.memref_slice %arg2[%dma_wait3A_27, %dma_wait3A_28] : memref<160000x128xf32, #tpu.memory_space<hbm>> -> memref<80x128xf32, #tpu.memory_space<hbm>>
      %dma_wait3A_30 = arith.constant 0 : i32
      %dma_wait3A_31 = arith.constant 0 : i32
      %dma_wait3A_32 = tpu.memref_slice %arg2[%dma_wait3A_30, %dma_wait3A_31] : memref<160000x128xf32, #tpu.memory_space<hbm>> -> memref<80x128xf32, #tpu.memory_space<hbm>>
      tpu.wait_dma2 semaphore(%arg12 : memref<!tpu.dma_semaphore, #tpu.memory_space<semaphore_mem>>) src(%dma_wait3A_32 : memref<80x128xf32, #tpu.memory_space<hbm>>) dst(%arg9 : memref<80x128xf32, #tpu.memory_space<vmem>>)
      %mul3A_33 = arith.constant 10000 : i32
      %mul3A_34 = arith.muli %arg1, %mul3A_33 : i32
      %add3A_35 = arith.constant 80 : i32
      %add3A_36 = arith.addi %mul3A_34, %add3A_35 : i32
      %dma_start3A_37 = tpu.memref_slice %arg4[%add3A_36] : memref<160000xi32, #tpu.memory_space<hbm>> -> memref<80xi32, #tpu.memory_space<hbm>>
      %dma_start3A_38 = tpu.memref_slice %arg4[%add3A_36] : memref<160000xi32, #tpu.memory_space<hbm>> -> memref<80xi32, #tpu.memory_space<hbm>>
      tpu.enqueue_dma source(%dma_start3A_38 : memref<80xi32, #tpu.memory_space<hbm>>) target(%arg8 : memref<80xi32, #tpu.memory_space<vmem>>) target_semaphore(%arg13 : memref<!tpu.dma_semaphore, #tpu.memory_space<semaphore_mem>>)
      %dma_start3A_39 = arith.constant 0 : i32
      %dma_start3A_40 = tpu.memref_slice %arg2[%add3A_36, %dma_start3A_39] : memref<160000x128xf32, #tpu.memory_space<hbm>> -> memref<80x128xf32, #tpu.memory_space<hbm>>
      %dma_start3A_41 = arith.constant 0 : i32
      %dma_start3A_42 = tpu.memref_slice %arg2[%add3A_36, %dma_start3A_41] : memref<160000x128xf32, #tpu.memory_space<hbm>> -> memref<80x128xf32, #tpu.memory_space<hbm>>
      tpu.enqueue_dma source(%dma_start3A_42 : memref<80x128xf32, #tpu.memory_space<hbm>>) target(%arg10 : memref<80x128xf32, #tpu.memory_space<vmem>>) target_semaphore(%arg13 : memref<!tpu.dma_semaphore, #tpu.memory_space<semaphore_mem>>)
      %dma_start3A_43 = arith.constant 0 : i32
      %dma_start3A_44 = arith.constant 0 : i32
      %dma_start3A_45 = tpu.memref_slice %arg6[%dma_start3A_43, %dma_start3A_44] : memref<10000x128xf32, #tpu.memory_space<vmem_shared>> -> memref<10000x128xf32, #tpu.memory_space<vmem_shared>>
      tpu.enqueue_indirect_dma source(%arg9 : memref<80x128xf32, #tpu.memory_space<vmem>>) target(%dma_start3A_45 : memref<10000x128xf32, #tpu.memory_space<vmem_shared>>) offsets(%arg7 : memref<80xi32, #tpu.memory_space<vmem>>) semaphore(%arg14 : memref<!tpu.dma_semaphore, #tpu.memory_space<semaphore_mem>>) {add = true}
      %scan3A = arith.constant 0 : i32
      %scan3A_46 = arith.constant 62 : i32
      %scan3A_47 = arith.addi %scan3A, %scan3A_46 : i32
      %scan3A_48 = arith.constant 1 : i32
      scf.for %scan3A_53 = %scan3A to %scan3A_47 step %scan3A_48  : i32 {
        %mul3A_54 = arith.constant 2 : i32
        %mul3A_55 = arith.muli %scan3A_53, %mul3A_54 : i32
        %add3A_56 = arith.constant 1 : i32
        %add3A_57 = arith.addi %add3A_56, %mul3A_55 : i32
        %dma_wait3A_58 = arith.constant 0 : i32
        %dma_wait3A_59 = tpu.memref_slice %arg4[%dma_wait3A_58] : memref<160000xi32, #tpu.memory_space<hbm>> -> memref<80xi32, #tpu.memory_space<hbm>>
        %dma_wait3A_60 = arith.constant 0 : i32
        %dma_wait3A_61 = tpu.memref_slice %arg4[%dma_wait3A_60] : memref<160000xi32, #tpu.memory_space<hbm>> -> memref<80xi32, #tpu.memory_space<hbm>>
        tpu.wait_dma2 semaphore(%arg13 : memref<!tpu.dma_semaphore, #tpu.memory_space<semaphore_mem>>) src(%dma_wait3A_61 : memref<80xi32, #tpu.memory_space<hbm>>) dst(%arg8 : memref<80xi32, #tpu.memory_space<vmem>>)
        %dma_wait3A_62 = arith.constant 0 : i32
        %dma_wait3A_63 = arith.constant 0 : i32
        %dma_wait3A_64 = tpu.memref_slice %arg2[%dma_wait3A_62, %dma_wait3A_63] : memref<160000x128xf32, #tpu.memory_space<hbm>> -> memref<80x128xf32, #tpu.memory_space<hbm>>
        %dma_wait3A_65 = arith.constant 0 : i32
        %dma_wait3A_66 = arith.constant 0 : i32
        %dma_wait3A_67 = tpu.memref_slice %arg2[%dma_wait3A_65, %dma_wait3A_66] : memref<160000x128xf32, #tpu.memory_space<hbm>> -> memref<80x128xf32, #tpu.memory_space<hbm>>
        tpu.wait_dma2 semaphore(%arg13 : memref<!tpu.dma_semaphore, #tpu.memory_space<semaphore_mem>>) src(%dma_wait3A_67 : memref<80x128xf32, #tpu.memory_space<hbm>>) dst(%arg10 : memref<80x128xf32, #tpu.memory_space<vmem>>)
        %dma_wait3A_68 = arith.constant 0 : i32
        %dma_wait3A_69 = arith.constant 0 : i32
        %dma_wait3A_70 = tpu.memref_slice %arg6[%dma_wait3A_68, %dma_wait3A_69] : memref<10000x128xf32, #tpu.memory_space<vmem_shared>> -> memref<10000x128xf32, #tpu.memory_space<vmem_shared>>
        tpu.wait_indirect_dma semaphore(%arg14 : memref<!tpu.dma_semaphore, #tpu.memory_space<semaphore_mem>>) src(%arg9 : memref<80x128xf32, #tpu.memory_space<vmem>>) dst(%dma_wait3A_70 : memref<10000x128xf32, #tpu.memory_space<vmem_shared>>)
        %add3A_71 = arith.constant 1 : i32
        %add3A_72 = arith.addi %add3A_57, %add3A_71 : i32
        %lt3A_73 = arith.constant 125 : i32
        %lt3A_74 = arith.cmpi slt, %add3A_72, %lt3A_73 : i32
        %convert_element_type3A_75 = arith.extui %lt3A_74 : i1 to i32
        %cond3A_76 = arith.constant 0 : i32
        %cond3A_77 = arith.cmpi ne, %convert_element_type3A_75, %cond3A_76 : i32
        scf.if %cond3A_77 {
          %add3A_106 = arith.constant 1 : i32
          %add3A_107 = arith.addi %add3A_57, %add3A_106 : i32
          %mul3A_108 = arith.constant 10000 : i32
          %mul3A_109 = arith.muli %arg1, %mul3A_108 : i32
          %mul3A_110 = arith.constant 80 : i32
          %mul3A_111 = arith.muli %add3A_107, %mul3A_110 : i32
          %add3A_112 = arith.addi %mul3A_109, %mul3A_111 : i32
          %dma_start3A_113 = tpu.memref_slice %arg4[%add3A_112] : memref<160000xi32, #tpu.memory_space<hbm>> -> memref<80xi32, #tpu.memory_space<hbm>>
          %dma_start3A_114 = tpu.memref_slice %arg4[%add3A_112] : memref<160000xi32, #tpu.memory_space<hbm>> -> memref<80xi32, #tpu.memory_space<hbm>>
          tpu.enqueue_dma source(%dma_start3A_114 : memref<80xi32, #tpu.memory_space<hbm>>) target(%arg7 : memref<80xi32, #tpu.memory_space<vmem>>) target_semaphore(%arg12 : memref<!tpu.dma_semaphore, #tpu.memory_space<semaphore_mem>>)
          %dma_start3A_115 = arith.constant 0 : i32
          %dma_start3A_116 = tpu.memref_slice %arg2[%add3A_112, %dma_start3A_115] : memref<160000x128xf32, #tpu.memory_space<hbm>> -> memref<80x128xf32, #tpu.memory_space<hbm>>
          %dma_start3A_117 = arith.constant 0 : i32
          %dma_start3A_118 = tpu.memref_slice %arg2[%add3A_112, %dma_start3A_117] : memref<160000x128xf32, #tpu.memory_space<hbm>> -> memref<80x128xf32, #tpu.memory_space<hbm>>
          tpu.enqueue_dma source(%dma_start3A_118 : memref<80x128xf32, #tpu.memory_space<hbm>>) target(%arg9 : memref<80x128xf32, #tpu.memory_space<vmem>>) target_semaphore(%arg12 : memref<!tpu.dma_semaphore, #tpu.memory_space<semaphore_mem>>)
        } else {
        }
        %dma_start3A_78 = arith.constant 0 : i32
        %dma_start3A_79 = arith.constant 0 : i32
        %dma_start3A_80 = tpu.memref_slice %arg6[%dma_start3A_78, %dma_start3A_79] : memref<10000x128xf32, #tpu.memory_space<vmem_shared>> -> memref<10000x128xf32, #tpu.memory_space<vmem_shared>>
        tpu.enqueue_indirect_dma source(%arg10 : memref<80x128xf32, #tpu.memory_space<vmem>>) target(%dma_start3A_80 : memref<10000x128xf32, #tpu.memory_space<vmem_shared>>) offsets(%arg8 : memref<80xi32, #tpu.memory_space<vmem>>) semaphore(%arg15 : memref<!tpu.dma_semaphore, #tpu.memory_space<semaphore_mem>>) {add = true}
        %add3A_81 = arith.constant 1 : i32
        %add3A_82 = arith.addi %add3A_57, %add3A_81 : i32
        %dma_wait3A_83 = arith.constant 0 : i32
        %dma_wait3A_84 = tpu.memref_slice %arg4[%dma_wait3A_83] : memref<160000xi32, #tpu.memory_space<hbm>> -> memref<80xi32, #tpu.memory_space<hbm>>
        %dma_wait3A_85 = arith.constant 0 : i32
        %dma_wait3A_86 = tpu.memref_slice %arg4[%dma_wait3A_85] : memref<160000xi32, #tpu.memory_space<hbm>> -> memref<80xi32, #tpu.memory_space<hbm>>
        tpu.wait_dma2 semaphore(%arg12 : memref<!tpu.dma_semaphore, #tpu.memory_space<semaphore_mem>>) src(%dma_wait3A_86 : memref<80xi32, #tpu.memory_space<hbm>>) dst(%arg7 : memref<80xi32, #tpu.memory_space<vmem>>)
        %dma_wait3A_87 = arith.constant 0 : i32
        %dma_wait3A_88 = arith.constant 0 : i32
        %dma_wait3A_89 = tpu.memref_slice %arg2[%dma_wait3A_87, %dma_wait3A_88] : memref<160000x128xf32, #tpu.memory_space<hbm>> -> memref<80x128xf32, #tpu.memory_space<hbm>>
        %dma_wait3A_90 = arith.constant 0 : i32
        %dma_wait3A_91 = arith.constant 0 : i32
        %dma_wait3A_92 = tpu.memref_slice %arg2[%dma_wait3A_90, %dma_wait3A_91] : memref<160000x128xf32, #tpu.memory_space<hbm>> -> memref<80x128xf32, #tpu.memory_space<hbm>>
        tpu.wait_dma2 semaphore(%arg12 : memref<!tpu.dma_semaphore, #tpu.memory_space<semaphore_mem>>) src(%dma_wait3A_92 : memref<80x128xf32, #tpu.memory_space<hbm>>) dst(%arg9 : memref<80x128xf32, #tpu.memory_space<vmem>>)
        %dma_wait3A_93 = arith.constant 0 : i32
        %dma_wait3A_94 = arith.constant 0 : i32
        %dma_wait3A_95 = tpu.memref_slice %arg6[%dma_wait3A_93, %dma_wait3A_94] : memref<10000x128xf32, #tpu.memory_space<vmem_shared>> -> memref<10000x128xf32, #tpu.memory_space<vmem_shared>>
        tpu.wait_indirect_dma semaphore(%arg15 : memref<!tpu.dma_semaphore, #tpu.memory_space<semaphore_mem>>) src(%arg10 : memref<80x128xf32, #tpu.memory_space<vmem>>) dst(%dma_wait3A_95 : memref<10000x128xf32, #tpu.memory_space<vmem_shared>>)
        %add3A_96 = arith.constant 1 : i32
        %add3A_97 = arith.addi %add3A_82, %add3A_96 : i32
        %lt3A_98 = arith.constant 125 : i32
        %lt3A_99 = arith.cmpi slt, %add3A_97, %lt3A_98 : i32
        %convert_element_type3A_100 = arith.extui %lt3A_99 : i1 to i32
        %cond3A_101 = arith.constant 0 : i32
        %cond3A_102 = arith.cmpi ne, %convert_element_type3A_100, %cond3A_101 : i32
        scf.if %cond3A_102 {
          %add3A_106 = arith.constant 1 : i32
          %add3A_107 = arith.addi %add3A_82, %add3A_106 : i32
          %mul3A_108 = arith.constant 10000 : i32
          %mul3A_109 = arith.muli %arg1, %mul3A_108 : i32
          %mul3A_110 = arith.constant 80 : i32
          %mul3A_111 = arith.muli %add3A_107, %mul3A_110 : i32
          %add3A_112 = arith.addi %mul3A_109, %mul3A_111 : i32
          %dma_start3A_113 = tpu.memref_slice %arg4[%add3A_112] : memref<160000xi32, #tpu.memory_space<hbm>> -> memref<80xi32, #tpu.memory_space<hbm>>
          %dma_start3A_114 = tpu.memref_slice %arg4[%add3A_112] : memref<160000xi32, #tpu.memory_space<hbm>> -> memref<80xi32, #tpu.memory_space<hbm>>
          tpu.enqueue_dma source(%dma_start3A_114 : memref<80xi32, #tpu.memory_space<hbm>>) target(%arg8 : memref<80xi32, #tpu.memory_space<vmem>>) target_semaphore(%arg13 : memref<!tpu.dma_semaphore, #tpu.memory_space<semaphore_mem>>)
          %dma_start3A_115 = arith.constant 0 : i32
          %dma_start3A_116 = tpu.memref_slice %arg2[%add3A_112, %dma_start3A_115] : memref<160000x128xf32, #tpu.memory_space<hbm>> -> memref<80x128xf32, #tpu.memory_space<hbm>>
          %dma_start3A_117 = arith.constant 0 : i32
          %dma_start3A_118 = tpu.memref_slice %arg2[%add3A_112, %dma_start3A_117] : memref<160000x128xf32, #tpu.memory_space<hbm>> -> memref<80x128xf32, #tpu.memory_space<hbm>>
          tpu.enqueue_dma source(%dma_start3A_118 : memref<80x128xf32, #tpu.memory_space<hbm>>) target(%arg10 : memref<80x128xf32, #tpu.memory_space<vmem>>) target_semaphore(%arg13 : memref<!tpu.dma_semaphore, #tpu.memory_space<semaphore_mem>>)
        } else {
        }
        %dma_start3A_103 = arith.constant 0 : i32
        %dma_start3A_104 = arith.constant 0 : i32
        %dma_start3A_105 = tpu.memref_slice %arg6[%dma_start3A_103, %dma_start3A_104] : memref<10000x128xf32, #tpu.memory_space<vmem_shared>> -> memref<10000x128xf32, #tpu.memory_space<vmem_shared>>
        tpu.enqueue_indirect_dma source(%arg9 : memref<80x128xf32, #tpu.memory_space<vmem>>) target(%dma_start3A_105 : memref<10000x128xf32, #tpu.memory_space<vmem_shared>>) offsets(%arg7 : memref<80xi32, #tpu.memory_space<vmem>>) semaphore(%arg14 : memref<!tpu.dma_semaphore, #tpu.memory_space<semaphore_mem>>) {add = true}
      }
      %scan3A_49 = arith.constant 62 : i32
      %dma_wait3A_50 = arith.constant 0 : i32
      %dma_wait3A_51 = arith.constant 0 : i32
      %dma_wait3A_52 = tpu.memref_slice %arg6[%dma_wait3A_50, %dma_wait3A_51] : memref<10000x128xf32, #tpu.memory_space<vmem_shared>> -> memref<10000x128xf32, #tpu.memory_space<vmem_shared>>
      tpu.wait_indirect_dma semaphore(%arg14 : memref<!tpu.dma_semaphore, #tpu.memory_space<semaphore_mem>>) src(%arg9 : memref<80x128xf32, #tpu.memory_space<vmem>>) dst(%dma_wait3A_52 : memref<10000x128xf32, #tpu.memory_space<vmem_shared>>)
    } else {
    }
    %eq3A_6 = arith.constant 1 : i32
    %eq3A_7 = arith.cmpi eq, %arg0, %eq3A_6 : i32
    %convert_element_type3A_8 = arith.extui %eq3A_7 : i1 to i32
    %cond3A_9 = arith.constant 0 : i32
    %cond3A_10 = arith.cmpi ne, %convert_element_type3A_8, %cond3A_9 : i32
    scf.if %cond3A_10 {
      %mul3A = arith.constant 10000 : i32
      %mul3A_17 = arith.muli %arg1, %mul3A : i32
      %add3A = arith.constant 0 : i32
      %add3A_18 = arith.addi %mul3A_17, %add3A : i32
      %dma_start3A = tpu.memref_slice %arg4[%add3A_18] : memref<160000xi32, #tpu.memory_space<hbm>> -> memref<80xi32, #tpu.memory_space<hbm>>
      %dma_start3A_19 = tpu.memref_slice %arg4[%add3A_18] : memref<160000xi32, #tpu.memory_space<hbm>> -> memref<80xi32, #tpu.memory_space<hbm>>
      tpu.enqueue_dma source(%dma_start3A_19 : memref<80xi32, #tpu.memory_space<hbm>>) target(%arg7 : memref<80xi32, #tpu.memory_space<vmem>>) target_semaphore(%arg12 : memref<!tpu.dma_semaphore, #tpu.memory_space<semaphore_mem>>)
      %dma_start3A_20 = arith.constant 0 : i32
      %dma_start3A_21 = tpu.memref_slice %arg3[%add3A_18, %dma_start3A_20] : memref<160000x128xf32, #tpu.memory_space<hbm>> -> memref<80x128xf32, #tpu.memory_space<hbm>>
      %dma_start3A_22 = arith.constant 0 : i32
      %dma_start3A_23 = tpu.memref_slice %arg3[%add3A_18, %dma_start3A_22] : memref<160000x128xf32, #tpu.memory_space<hbm>> -> memref<80x128xf32, #tpu.memory_space<hbm>>
      tpu.enqueue_dma source(%dma_start3A_23 : memref<80x128xf32, #tpu.memory_space<hbm>>) target(%arg9 : memref<80x128xf32, #tpu.memory_space<vmem>>) target_semaphore(%arg12 : memref<!tpu.dma_semaphore, #tpu.memory_space<semaphore_mem>>)
      %dma_wait3A = arith.constant 0 : i32
      %dma_wait3A_24 = tpu.memref_slice %arg4[%dma_wait3A] : memref<160000xi32, #tpu.memory_space<hbm>> -> memref<80xi32, #tpu.memory_space<hbm>>
      %dma_wait3A_25 = arith.constant 0 : i32
      %dma_wait3A_26 = tpu.memref_slice %arg4[%dma_wait3A_25] : memref<160000xi32, #tpu.memory_space<hbm>> -> memref<80xi32, #tpu.memory_space<hbm>>
      tpu.wait_dma2 semaphore(%arg12 : memref<!tpu.dma_semaphore, #tpu.memory_space<semaphore_mem>>) src(%dma_wait3A_26 : memref<80xi32, #tpu.memory_space<hbm>>) dst(%arg7 : memref<80xi32, #tpu.memory_space<vmem>>)
      %dma_wait3A_27 = arith.constant 0 : i32
      %dma_wait3A_28 = arith.constant 0 : i32
      %dma_wait3A_29 = tpu.memref_slice %arg3[%dma_wait3A_27, %dma_wait3A_28] : memref<160000x128xf32, #tpu.memory_space<hbm>> -> memref<80x128xf32, #tpu.memory_space<hbm>>
      %dma_wait3A_30 = arith.constant 0 : i32
      %dma_wait3A_31 = arith.constant 0 : i32
      %dma_wait3A_32 = tpu.memref_slice %arg3[%dma_wait3A_30, %dma_wait3A_31] : memref<160000x128xf32, #tpu.memory_space<hbm>> -> memref<80x128xf32, #tpu.memory_space<hbm>>
      tpu.wait_dma2 semaphore(%arg12 : memref<!tpu.dma_semaphore, #tpu.memory_space<semaphore_mem>>) src(%dma_wait3A_32 : memref<80x128xf32, #tpu.memory_space<hbm>>) dst(%arg9 : memref<80x128xf32, #tpu.memory_space<vmem>>)
      %mul3A_33 = arith.constant 10000 : i32
      %mul3A_34 = arith.muli %arg1, %mul3A_33 : i32
      %add3A_35 = arith.constant 80 : i32
      %add3A_36 = arith.addi %mul3A_34, %add3A_35 : i32
      %dma_start3A_37 = tpu.memref_slice %arg4[%add3A_36] : memref<160000xi32, #tpu.memory_space<hbm>> -> memref<80xi32, #tpu.memory_space<hbm>>
      %dma_start3A_38 = tpu.memref_slice %arg4[%add3A_36] : memref<160000xi32, #tpu.memory_space<hbm>> -> memref<80xi32, #tpu.memory_space<hbm>>
      tpu.enqueue_dma source(%dma_start3A_38 : memref<80xi32, #tpu.memory_space<hbm>>) target(%arg8 : memref<80xi32, #tpu.memory_space<vmem>>) target_semaphore(%arg13 : memref<!tpu.dma_semaphore, #tpu.memory_space<semaphore_mem>>)
      %dma_start3A_39 = arith.constant 0 : i32
      %dma_start3A_40 = tpu.memref_slice %arg3[%add3A_36, %dma_start3A_39] : memref<160000x128xf32, #tpu.memory_space<hbm>> -> memref<80x128xf32, #tpu.memory_space<hbm>>
      %dma_start3A_41 = arith.constant 0 : i32
      %dma_start3A_42 = tpu.memref_slice %arg3[%add3A_36, %dma_start3A_41] : memref<160000x128xf32, #tpu.memory_space<hbm>> -> memref<80x128xf32, #tpu.memory_space<hbm>>
      tpu.enqueue_dma source(%dma_start3A_42 : memref<80x128xf32, #tpu.memory_space<hbm>>) target(%arg10 : memref<80x128xf32, #tpu.memory_space<vmem>>) target_semaphore(%arg13 : memref<!tpu.dma_semaphore, #tpu.memory_space<semaphore_mem>>)
      %dma_start3A_43 = arith.constant 0 : i32
      %dma_start3A_44 = arith.constant 0 : i32
      %dma_start3A_45 = tpu.memref_slice %arg6[%dma_start3A_43, %dma_start3A_44] : memref<10000x128xf32, #tpu.memory_space<vmem_shared>> -> memref<10000x128xf32, #tpu.memory_space<vmem_shared>>
      tpu.enqueue_indirect_dma source(%arg9 : memref<80x128xf32, #tpu.memory_space<vmem>>) target(%dma_start3A_45 : memref<10000x128xf32, #tpu.memory_space<vmem_shared>>) offsets(%arg7 : memref<80xi32, #tpu.memory_space<vmem>>) semaphore(%arg14 : memref<!tpu.dma_semaphore, #tpu.memory_space<semaphore_mem>>) {add = true}
      %scan3A = arith.constant 0 : i32
      %scan3A_46 = arith.constant 62 : i32
      %scan3A_47 = arith.addi %scan3A, %scan3A_46 : i32
      %scan3A_48 = arith.constant 1 : i32
      scf.for %scan3A_53 = %scan3A to %scan3A_47 step %scan3A_48  : i32 {
        %mul3A_54 = arith.constant 2 : i32
        %mul3A_55 = arith.muli %scan3A_53, %mul3A_54 : i32
        %add3A_56 = arith.constant 1 : i32
        %add3A_57 = arith.addi %add3A_56, %mul3A_55 : i32
        %dma_wait3A_58 = arith.constant 0 : i32
        %dma_wait3A_59 = tpu.memref_slice %arg4[%dma_wait3A_58] : memref<160000xi32, #tpu.memory_space<hbm>> -> memref<80xi32, #tpu.memory_space<hbm>>
        %dma_wait3A_60 = arith.constant 0 : i32
        %dma_wait3A_61 = tpu.memref_slice %arg4[%dma_wait3A_60] : memref<160000xi32, #tpu.memory_space<hbm>> -> memref<80xi32, #tpu.memory_space<hbm>>
        tpu.wait_dma2 semaphore(%arg13 : memref<!tpu.dma_semaphore, #tpu.memory_space<semaphore_mem>>) src(%dma_wait3A_61 : memref<80xi32, #tpu.memory_space<hbm>>) dst(%arg8 : memref<80xi32, #tpu.memory_space<vmem>>)
        %dma_wait3A_62 = arith.constant 0 : i32
        %dma_wait3A_63 = arith.constant 0 : i32
        %dma_wait3A_64 = tpu.memref_slice %arg3[%dma_wait3A_62, %dma_wait3A_63] : memref<160000x128xf32, #tpu.memory_space<hbm>> -> memref<80x128xf32, #tpu.memory_space<hbm>>
        %dma_wait3A_65 = arith.constant 0 : i32
        %dma_wait3A_66 = arith.constant 0 : i32
        %dma_wait3A_67 = tpu.memref_slice %arg3[%dma_wait3A_65, %dma_wait3A_66] : memref<160000x128xf32, #tpu.memory_space<hbm>> -> memref<80x128xf32, #tpu.memory_space<hbm>>
        tpu.wait_dma2 semaphore(%arg13 : memref<!tpu.dma_semaphore, #tpu.memory_space<semaphore_mem>>) src(%dma_wait3A_67 : memref<80x128xf32, #tpu.memory_space<hbm>>) dst(%arg10 : memref<80x128xf32, #tpu.memory_space<vmem>>)
        %dma_wait3A_68 = arith.constant 0 : i32
        %dma_wait3A_69 = arith.constant 0 : i32
        %dma_wait3A_70 = tpu.memref_slice %arg6[%dma_wait3A_68, %dma_wait3A_69] : memref<10000x128xf32, #tpu.memory_space<vmem_shared>> -> memref<10000x128xf32, #tpu.memory_space<vmem_shared>>
        tpu.wait_indirect_dma semaphore(%arg14 : memref<!tpu.dma_semaphore, #tpu.memory_space<semaphore_mem>>) src(%arg9 : memref<80x128xf32, #tpu.memory_space<vmem>>) dst(%dma_wait3A_70 : memref<10000x128xf32, #tpu.memory_space<vmem_shared>>)
        %add3A_71 = arith.constant 1 : i32
        %add3A_72 = arith.addi %add3A_57, %add3A_71 : i32
        %lt3A_73 = arith.constant 125 : i32
        %lt3A_74 = arith.cmpi slt, %add3A_72, %lt3A_73 : i32
        %convert_element_type3A_75 = arith.extui %lt3A_74 : i1 to i32
        %cond3A_76 = arith.constant 0 : i32
        %cond3A_77 = arith.cmpi ne, %convert_element_type3A_75, %cond3A_76 : i32
        scf.if %cond3A_77 {
          %add3A_106 = arith.constant 1 : i32
          %add3A_107 = arith.addi %add3A_57, %add3A_106 : i32
          %mul3A_108 = arith.constant 10000 : i32
          %mul3A_109 = arith.muli %arg1, %mul3A_108 : i32
          %mul3A_110 = arith.constant 80 : i32
          %mul3A_111 = arith.muli %add3A_107, %mul3A_110 : i32
          %add3A_112 = arith.addi %mul3A_109, %mul3A_111 : i32
          %dma_start3A_113 = tpu.memref_slice %arg4[%add3A_112] : memref<160000xi32, #tpu.memory_space<hbm>> -> memref<80xi32, #tpu.memory_space<hbm>>
          %dma_start3A_114 = tpu.memref_slice %arg4[%add3A_112] : memref<160000xi32, #tpu.memory_space<hbm>> -> memref<80xi32, #tpu.memory_space<hbm>>
          tpu.enqueue_dma source(%dma_start3A_114 : memref<80xi32, #tpu.memory_space<hbm>>) target(%arg7 : memref<80xi32, #tpu.memory_space<vmem>>) target_semaphore(%arg12 : memref<!tpu.dma_semaphore, #tpu.memory_space<semaphore_mem>>)
          %dma_start3A_115 = arith.constant 0 : i32
          %dma_start3A_116 = tpu.memref_slice %arg3[%add3A_112, %dma_start3A_115] : memref<160000x128xf32, #tpu.memory_space<hbm>> -> memref<80x128xf32, #tpu.memory_space<hbm>>
          %dma_start3A_117 = arith.constant 0 : i32
          %dma_start3A_118 = tpu.memref_slice %arg3[%add3A_112, %dma_start3A_117] : memref<160000x128xf32, #tpu.memory_space<hbm>> -> memref<80x128xf32, #tpu.memory_space<hbm>>
          tpu.enqueue_dma source(%dma_start3A_118 : memref<80x128xf32, #tpu.memory_space<hbm>>) target(%arg9 : memref<80x128xf32, #tpu.memory_space<vmem>>) target_semaphore(%arg12 : memref<!tpu.dma_semaphore, #tpu.memory_space<semaphore_mem>>)
        } else {
        }
        %dma_start3A_78 = arith.constant 0 : i32
        %dma_start3A_79 = arith.constant 0 : i32
        %dma_start3A_80 = tpu.memref_slice %arg6[%dma_start3A_78, %dma_start3A_79] : memref<10000x128xf32, #tpu.memory_space<vmem_shared>> -> memref<10000x128xf32, #tpu.memory_space<vmem_shared>>
        tpu.enqueue_indirect_dma source(%arg10 : memref<80x128xf32, #tpu.memory_space<vmem>>) target(%dma_start3A_80 : memref<10000x128xf32, #tpu.memory_space<vmem_shared>>) offsets(%arg8 : memref<80xi32, #tpu.memory_space<vmem>>) semaphore(%arg15 : memref<!tpu.dma_semaphore, #tpu.memory_space<semaphore_mem>>) {add = true}
        %add3A_81 = arith.constant 1 : i32
        %add3A_82 = arith.addi %add3A_57, %add3A_81 : i32
        %dma_wait3A_83 = arith.constant 0 : i32
        %dma_wait3A_84 = tpu.memref_slice %arg4[%dma_wait3A_83] : memref<160000xi32, #tpu.memory_space<hbm>> -> memref<80xi32, #tpu.memory_space<hbm>>
        %dma_wait3A_85 = arith.constant 0 : i32
        %dma_wait3A_86 = tpu.memref_slice %arg4[%dma_wait3A_85] : memref<160000xi32, #tpu.memory_space<hbm>> -> memref<80xi32, #tpu.memory_space<hbm>>
        tpu.wait_dma2 semaphore(%arg12 : memref<!tpu.dma_semaphore, #tpu.memory_space<semaphore_mem>>) src(%dma_wait3A_86 : memref<80xi32, #tpu.memory_space<hbm>>) dst(%arg7 : memref<80xi32, #tpu.memory_space<vmem>>)
        %dma_wait3A_87 = arith.constant 0 : i32
        %dma_wait3A_88 = arith.constant 0 : i32
        %dma_wait3A_89 = tpu.memref_slice %arg3[%dma_wait3A_87, %dma_wait3A_88] : memref<160000x128xf32, #tpu.memory_space<hbm>> -> memref<80x128xf32, #tpu.memory_space<hbm>>
        %dma_wait3A_90 = arith.constant 0 : i32
        %dma_wait3A_91 = arith.constant 0 : i32
        %dma_wait3A_92 = tpu.memref_slice %arg3[%dma_wait3A_90, %dma_wait3A_91] : memref<160000x128xf32, #tpu.memory_space<hbm>> -> memref<80x128xf32, #tpu.memory_space<hbm>>
        tpu.wait_dma2 semaphore(%arg12 : memref<!tpu.dma_semaphore, #tpu.memory_space<semaphore_mem>>) src(%dma_wait3A_92 : memref<80x128xf32, #tpu.memory_space<hbm>>) dst(%arg9 : memref<80x128xf32, #tpu.memory_space<vmem>>)
        %dma_wait3A_93 = arith.constant 0 : i32
        %dma_wait3A_94 = arith.constant 0 : i32
        %dma_wait3A_95 = tpu.memref_slice %arg6[%dma_wait3A_93, %dma_wait3A_94] : memref<10000x128xf32, #tpu.memory_space<vmem_shared>> -> memref<10000x128xf32, #tpu.memory_space<vmem_shared>>
        tpu.wait_indirect_dma semaphore(%arg15 : memref<!tpu.dma_semaphore, #tpu.memory_space<semaphore_mem>>) src(%arg10 : memref<80x128xf32, #tpu.memory_space<vmem>>) dst(%dma_wait3A_95 : memref<10000x128xf32, #tpu.memory_space<vmem_shared>>)
        %add3A_96 = arith.constant 1 : i32
        %add3A_97 = arith.addi %add3A_82, %add3A_96 : i32
        %lt3A_98 = arith.constant 125 : i32
        %lt3A_99 = arith.cmpi slt, %add3A_97, %lt3A_98 : i32
        %convert_element_type3A_100 = arith.extui %lt3A_99 : i1 to i32
        %cond3A_101 = arith.constant 0 : i32
        %cond3A_102 = arith.cmpi ne, %convert_element_type3A_100, %cond3A_101 : i32
        scf.if %cond3A_102 {
          %add3A_106 = arith.constant 1 : i32
          %add3A_107 = arith.addi %add3A_82, %add3A_106 : i32
          %mul3A_108 = arith.constant 10000 : i32
          %mul3A_109 = arith.muli %arg1, %mul3A_108 : i32
          %mul3A_110 = arith.constant 80 : i32
          %mul3A_111 = arith.muli %add3A_107, %mul3A_110 : i32
          %add3A_112 = arith.addi %mul3A_109, %mul3A_111 : i32
          %dma_start3A_113 = tpu.memref_slice %arg4[%add3A_112] : memref<160000xi32, #tpu.memory_space<hbm>> -> memref<80xi32, #tpu.memory_space<hbm>>
          %dma_start3A_114 = tpu.memref_slice %arg4[%add3A_112] : memref<160000xi32, #tpu.memory_space<hbm>> -> memref<80xi32, #tpu.memory_space<hbm>>
          tpu.enqueue_dma source(%dma_start3A_114 : memref<80xi32, #tpu.memory_space<hbm>>) target(%arg8 : memref<80xi32, #tpu.memory_space<vmem>>) target_semaphore(%arg13 : memref<!tpu.dma_semaphore, #tpu.memory_space<semaphore_mem>>)
          %dma_start3A_115 = arith.constant 0 : i32
          %dma_start3A_116 = tpu.memref_slice %arg3[%add3A_112, %dma_start3A_115] : memref<160000x128xf32, #tpu.memory_space<hbm>> -> memref<80x128xf32, #tpu.memory_space<hbm>>
          %dma_start3A_117 = arith.constant 0 : i32
          %dma_start3A_118 = tpu.memref_slice %arg3[%add3A_112, %dma_start3A_117] : memref<160000x128xf32, #tpu.memory_space<hbm>> -> memref<80x128xf32, #tpu.memory_space<hbm>>
          tpu.enqueue_dma source(%dma_start3A_118 : memref<80x128xf32, #tpu.memory_space<hbm>>) target(%arg10 : memref<80x128xf32, #tpu.memory_space<vmem>>) target_semaphore(%arg13 : memref<!tpu.dma_semaphore, #tpu.memory_space<semaphore_mem>>)
        } else {
        }
        %dma_start3A_103 = arith.constant 0 : i32
        %dma_start3A_104 = arith.constant 0 : i32
        %dma_start3A_105 = tpu.memref_slice %arg6[%dma_start3A_103, %dma_start3A_104] : memref<10000x128xf32, #tpu.memory_space<vmem_shared>> -> memref<10000x128xf32, #tpu.memory_space<vmem_shared>>
        tpu.enqueue_indirect_dma source(%arg9 : memref<80x128xf32, #tpu.memory_space<vmem>>) target(%dma_start3A_105 : memref<10000x128xf32, #tpu.memory_space<vmem_shared>>) offsets(%arg7 : memref<80xi32, #tpu.memory_space<vmem>>) semaphore(%arg14 : memref<!tpu.dma_semaphore, #tpu.memory_space<semaphore_mem>>) {add = true}
      }
      %scan3A_49 = arith.constant 62 : i32
      %dma_wait3A_50 = arith.constant 0 : i32
      %dma_wait3A_51 = arith.constant 0 : i32
      %dma_wait3A_52 = tpu.memref_slice %arg6[%dma_wait3A_50, %dma_wait3A_51] : memref<10000x128xf32, #tpu.memory_space<vmem_shared>> -> memref<10000x128xf32, #tpu.memory_space<vmem_shared>>
      tpu.wait_indirect_dma semaphore(%arg14 : memref<!tpu.dma_semaphore, #tpu.memory_space<semaphore_mem>>) src(%arg9 : memref<80x128xf32, #tpu.memory_space<vmem>>) dst(%dma_wait3A_52 : memref<10000x128xf32, #tpu.memory_space<vmem_shared>>)
    } else {
    }
    %barrier3A_11 = arith.constant 0 : index
    tpu.barrier barrier_id(%barrier3A_11)
    %lt3A_12 = arith.constant 10 : i32
    %lt3A_13 = arith.cmpi slt, %arg1, %lt3A_12 : i32
    %convert_element_type3A_14 = arith.extui %lt3A_13 : i1 to i32
    %cond3A_15 = arith.constant 0 : i32
    %cond3A_16 = arith.cmpi ne, %convert_element_type3A_14, %cond3A_15 : i32
    scf.if %cond3A_16 {
      %mul3A = arith.constant 1000 : i32
      %mul3A_17 = arith.muli %arg1, %mul3A : i32
      %mul3A_18 = arith.constant 10000 : i32
      %mul3A_19 = arith.muli %arg0, %mul3A_18 : i32
      %add3A = arith.addi %mul3A_19, %mul3A_17 : i32
      "tpu.region"() ({
        %run_scoped3A = tpu.sem_alloc : memref<!tpu.dma_semaphore, #tpu.memory_space<semaphore_mem>>
        %dma_start3A = arith.constant 0 : i32
        %dma_start3A_20 = tpu.memref_slice %arg5[%add3A, %dma_start3A] : memref<20000x128xf32, #tpu.memory_space<hbm>> -> memref<1000x128xf32, #tpu.memory_space<hbm>>
        %dma_start3A_21 = arith.constant 0 : i32
        %dma_start3A_22 = tpu.memref_slice %arg6[%mul3A_17, %dma_start3A_21] : memref<10000x128xf32, #tpu.memory_space<vmem_shared>> -> memref<1000x128xf32, #tpu.memory_space<vmem_shared>>
        tpu.enqueue_dma source(%dma_start3A_22 : memref<1000x128xf32, #tpu.memory_space<vmem_shared>>) target(%dma_start3A_20 : memref<1000x128xf32, #tpu.memory_space<hbm>>) target_semaphore(%run_scoped3A : memref<!tpu.dma_semaphore, #tpu.memory_space<semaphore_mem>>)
        %dma_wait3A = arith.constant 0 : i32
        %dma_wait3A_23 = tpu.memref_slice %arg5[%add3A, %dma_wait3A] : memref<20000x128xf32, #tpu.memory_space<hbm>> -> memref<1000x128xf32, #tpu.memory_space<hbm>>
        %dma_wait3A_24 = arith.constant 0 : i32
        %dma_wait3A_25 = tpu.memref_slice %arg6[%mul3A_17, %dma_wait3A_24] : memref<10000x128xf32, #tpu.memory_space<vmem_shared>> -> memref<1000x128xf32, #tpu.memory_space<vmem_shared>>
        tpu.wait_dma2 semaphore(%run_scoped3A : memref<!tpu.dma_semaphore, #tpu.memory_space<semaphore_mem>>) src(%dma_wait3A_25 : memref<1000x128xf32, #tpu.memory_space<vmem_shared>>) dst(%dma_wait3A_23 : memref<1000x128xf32, #tpu.memory_space<hbm>>)
        tpu.yield
      }) : () -> ()
    } else {
    }
    return
  }
}

#map = affine_map<(d0, d1) -> (0, 0)>
#map1 = affine_map<(d0, d1) -> (0)>
module attributes {stable_mosaic.version = 14 : i64} {
  func.func @k(%arg0: i32, %arg1: i32, %arg2: memref<10000x128xi32, #tpu.memory_space<hbm>>, %arg3: memref<10000x128xi32, #tpu.memory_space<hbm>>, %arg4: memref<160000x128xi32, #tpu.memory_space<hbm>>, %arg5: memref<160000xi32, #tpu.memory_space<hbm>>, %arg6: memref<160000xi32, #tpu.memory_space<hbm>>, %arg7: memref<160000x128xi32, #tpu.memory_space<hbm>>, %arg8: memref<5000xi32, #tpu.memory_space<vmem>>, %arg9: memref<5000xi32, #tpu.memory_space<vmem>>, %arg10: memref<40x128xi32, #tpu.memory_space<vmem>>, %arg11: memref<40x128xi32, #tpu.memory_space<vmem>>, %arg12: memref<40x128xi32, #tpu.memory_space<vmem>>, %arg13: memref<40x128xi32, #tpu.memory_space<vmem>>, %arg14: memref<40x128xi32, #tpu.memory_space<vmem>>, %arg15: memref<40x128xi32, #tpu.memory_space<vmem>>, %arg16: memref<40x128xi32, #tpu.memory_space<vmem>>, %arg17: memref<40x128xi32, #tpu.memory_space<vmem>>, %arg18: memref<!tpu.dma_semaphore, #tpu.memory_space<semaphore_mem>>, %arg19: memref<!tpu.dma_semaphore, #tpu.memory_space<semaphore_mem>>, %arg20: memref<!tpu.dma_semaphore, #tpu.memory_space<semaphore_mem>>, %arg21: memref<!tpu.dma_semaphore, #tpu.memory_space<semaphore_mem>>, %arg22: memref<!tpu.dma_semaphore, #tpu.memory_space<semaphore_mem>>, %arg23: memref<!tpu.dma_semaphore, #tpu.memory_space<semaphore_mem>>, %arg24: memref<!tpu.dma_semaphore, #tpu.memory_space<semaphore_mem>>, %arg25: memref<!tpu.dma_semaphore, #tpu.memory_space<semaphore_mem>>) attributes {dimension_semantics = [#tpu.dimension_semantics<core_parallel>, #tpu.dimension_semantics<subcore_parallel>], iteration_bounds = array<i64: 2, 16>, scalar_prefetch = 0 : i64, scratch_operands = 18 : i64, tpu.core_type = #tpu.core_type<sc_vector_subcore>, window_params = [{transform_indices = #map}, {transform_indices = #map}, {transform_indices = #map}, {transform_indices = #map1}, {transform_indices = #map1}, {transform_indices = #map}]} {
    %mul3A = arith.constant 2 : i32
    %mul3A_0 = arith.muli %arg1, %mul3A : i32
    %add3A = arith.addi %mul3A_0, %arg0 : i32
    %mul3A_1 = arith.constant 5000 : i32
    %mul3A_2 = arith.muli %add3A, %mul3A_1 : i32
    "tpu.region"() ({
      %run_scoped3A = tpu.sem_alloc : memref<!tpu.dma_semaphore, #tpu.memory_space<semaphore_mem>>
      %dma_start3A_174 = tpu.memref_slice %arg5[%mul3A_2] : memref<160000xi32, #tpu.memory_space<hbm>> -> memref<5000xi32, #tpu.memory_space<hbm>>
      %dma_start3A_175 = tpu.memref_slice %arg5[%mul3A_2] : memref<160000xi32, #tpu.memory_space<hbm>> -> memref<5000xi32, #tpu.memory_space<hbm>>
      tpu.enqueue_dma source(%dma_start3A_175 : memref<5000xi32, #tpu.memory_space<hbm>>) target(%arg8 : memref<5000xi32, #tpu.memory_space<vmem>>) target_semaphore(%run_scoped3A : memref<!tpu.dma_semaphore, #tpu.memory_space<semaphore_mem>>)
      %dma_wait3A_176 = tpu.memref_slice %arg5[%mul3A_2] : memref<160000xi32, #tpu.memory_space<hbm>> -> memref<5000xi32, #tpu.memory_space<hbm>>
      %dma_wait3A_177 = tpu.memref_slice %arg5[%mul3A_2] : memref<160000xi32, #tpu.memory_space<hbm>> -> memref<5000xi32, #tpu.memory_space<hbm>>
      tpu.wait_dma2 semaphore(%run_scoped3A : memref<!tpu.dma_semaphore, #tpu.memory_space<semaphore_mem>>) src(%dma_wait3A_177 : memref<5000xi32, #tpu.memory_space<hbm>>) dst(%arg8 : memref<5000xi32, #tpu.memory_space<vmem>>)
      tpu.yield
    }) : () -> ()
    "tpu.region"() ({
      %run_scoped3A = tpu.sem_alloc : memref<!tpu.dma_semaphore, #tpu.memory_space<semaphore_mem>>
      %dma_start3A_174 = tpu.memref_slice %arg6[%mul3A_2] : memref<160000xi32, #tpu.memory_space<hbm>> -> memref<5000xi32, #tpu.memory_space<hbm>>
      %dma_start3A_175 = tpu.memref_slice %arg6[%mul3A_2] : memref<160000xi32, #tpu.memory_space<hbm>> -> memref<5000xi32, #tpu.memory_space<hbm>>
      tpu.enqueue_dma source(%dma_start3A_175 : memref<5000xi32, #tpu.memory_space<hbm>>) target(%arg9 : memref<5000xi32, #tpu.memory_space<vmem>>) target_semaphore(%run_scoped3A : memref<!tpu.dma_semaphore, #tpu.memory_space<semaphore_mem>>)
      %dma_wait3A_176 = tpu.memref_slice %arg6[%mul3A_2] : memref<160000xi32, #tpu.memory_space<hbm>> -> memref<5000xi32, #tpu.memory_space<hbm>>
      %dma_wait3A_177 = tpu.memref_slice %arg6[%mul3A_2] : memref<160000xi32, #tpu.memory_space<hbm>> -> memref<5000xi32, #tpu.memory_space<hbm>>
      tpu.wait_dma2 semaphore(%run_scoped3A : memref<!tpu.dma_semaphore, #tpu.memory_space<semaphore_mem>>) src(%dma_wait3A_177 : memref<5000xi32, #tpu.memory_space<hbm>>) dst(%arg9 : memref<5000xi32, #tpu.memory_space<vmem>>)
      tpu.yield
    }) : () -> ()
    %dma_start3A = arith.constant 0 : i32
    %dma_start3A_3 = tpu.memref_slice %arg8[%dma_start3A] : memref<5000xi32, #tpu.memory_space<vmem>> -> memref<40xi32, #tpu.memory_space<vmem>>
    %dma_start3A_4 = arith.constant 0 : i32
    %dma_start3A_5 = arith.constant 0 : i32
    %dma_start3A_6 = tpu.memref_slice %arg2[%dma_start3A_4, %dma_start3A_5] : memref<10000x128xi32, #tpu.memory_space<hbm>> -> memref<10000x128xi32, #tpu.memory_space<hbm>>
    tpu.enqueue_indirect_dma source(%dma_start3A_6 : memref<10000x128xi32, #tpu.memory_space<hbm>>) target(%arg10 : memref<40x128xi32, #tpu.memory_space<vmem>>) offsets(%dma_start3A_3 : memref<40xi32, #tpu.memory_space<vmem>>) semaphore(%arg18 : memref<!tpu.dma_semaphore, #tpu.memory_space<semaphore_mem>>)
    %dma_start3A_7 = arith.constant 0 : i32
    %dma_start3A_8 = tpu.memref_slice %arg9[%dma_start3A_7] : memref<5000xi32, #tpu.memory_space<vmem>> -> memref<40xi32, #tpu.memory_space<vmem>>
    %dma_start3A_9 = arith.constant 0 : i32
    %dma_start3A_10 = arith.constant 0 : i32
    %dma_start3A_11 = tpu.memref_slice %arg3[%dma_start3A_9, %dma_start3A_10] : memref<10000x128xi32, #tpu.memory_space<hbm>> -> memref<10000x128xi32, #tpu.memory_space<hbm>>
    tpu.enqueue_indirect_dma source(%dma_start3A_11 : memref<10000x128xi32, #tpu.memory_space<hbm>>) target(%arg12 : memref<40x128xi32, #tpu.memory_space<vmem>>) offsets(%dma_start3A_8 : memref<40xi32, #tpu.memory_space<vmem>>) semaphore(%arg20 : memref<!tpu.dma_semaphore, #tpu.memory_space<semaphore_mem>>)
    %add3A_12 = arith.constant 0 : i32
    %add3A_13 = arith.addi %mul3A_2, %add3A_12 : i32
    %dma_start3A_14 = arith.constant 0 : i32
    %dma_start3A_15 = tpu.memref_slice %arg4[%add3A_13, %dma_start3A_14] : memref<160000x128xi32, #tpu.memory_space<hbm>> -> memref<40x128xi32, #tpu.memory_space<hbm>>
    %dma_start3A_16 = arith.constant 0 : i32
    %dma_start3A_17 = tpu.memref_slice %arg4[%add3A_13, %dma_start3A_16] : memref<160000x128xi32, #tpu.memory_space<hbm>> -> memref<40x128xi32, #tpu.memory_space<hbm>>
    tpu.enqueue_dma source(%dma_start3A_17 : memref<40x128xi32, #tpu.memory_space<hbm>>) target(%arg14 : memref<40x128xi32, #tpu.memory_space<vmem>>) target_semaphore(%arg22 : memref<!tpu.dma_semaphore, #tpu.memory_space<semaphore_mem>>)
    %dma_start3A_18 = arith.constant 40 : i32
    %dma_start3A_19 = tpu.memref_slice %arg8[%dma_start3A_18] : memref<5000xi32, #tpu.memory_space<vmem>> -> memref<40xi32, #tpu.memory_space<vmem>>
    %dma_start3A_20 = arith.constant 0 : i32
    %dma_start3A_21 = arith.constant 0 : i32
    %dma_start3A_22 = tpu.memref_slice %arg2[%dma_start3A_20, %dma_start3A_21] : memref<10000x128xi32, #tpu.memory_space<hbm>> -> memref<10000x128xi32, #tpu.memory_space<hbm>>
    tpu.enqueue_indirect_dma source(%dma_start3A_22 : memref<10000x128xi32, #tpu.memory_space<hbm>>) target(%arg11 : memref<40x128xi32, #tpu.memory_space<vmem>>) offsets(%dma_start3A_19 : memref<40xi32, #tpu.memory_space<vmem>>) semaphore(%arg19 : memref<!tpu.dma_semaphore, #tpu.memory_space<semaphore_mem>>)
    %dma_start3A_23 = arith.constant 40 : i32
    %dma_start3A_24 = tpu.memref_slice %arg9[%dma_start3A_23] : memref<5000xi32, #tpu.memory_space<vmem>> -> memref<40xi32, #tpu.memory_space<vmem>>
    %dma_start3A_25 = arith.constant 0 : i32
    %dma_start3A_26 = arith.constant 0 : i32
    %dma_start3A_27 = tpu.memref_slice %arg3[%dma_start3A_25, %dma_start3A_26] : memref<10000x128xi32, #tpu.memory_space<hbm>> -> memref<10000x128xi32, #tpu.memory_space<hbm>>
    tpu.enqueue_indirect_dma source(%dma_start3A_27 : memref<10000x128xi32, #tpu.memory_space<hbm>>) target(%arg13 : memref<40x128xi32, #tpu.memory_space<vmem>>) offsets(%dma_start3A_24 : memref<40xi32, #tpu.memory_space<vmem>>) semaphore(%arg21 : memref<!tpu.dma_semaphore, #tpu.memory_space<semaphore_mem>>)
    %add3A_28 = arith.constant 40 : i32
    %add3A_29 = arith.addi %mul3A_2, %add3A_28 : i32
    %dma_start3A_30 = arith.constant 0 : i32
    %dma_start3A_31 = tpu.memref_slice %arg4[%add3A_29, %dma_start3A_30] : memref<160000x128xi32, #tpu.memory_space<hbm>> -> memref<40x128xi32, #tpu.memory_space<hbm>>
    %dma_start3A_32 = arith.constant 0 : i32
    %dma_start3A_33 = tpu.memref_slice %arg4[%add3A_29, %dma_start3A_32] : memref<160000x128xi32, #tpu.memory_space<hbm>> -> memref<40x128xi32, #tpu.memory_space<hbm>>
    tpu.enqueue_dma source(%dma_start3A_33 : memref<40x128xi32, #tpu.memory_space<hbm>>) target(%arg15 : memref<40x128xi32, #tpu.memory_space<vmem>>) target_semaphore(%arg23 : memref<!tpu.dma_semaphore, #tpu.memory_space<semaphore_mem>>)
    %dma_wait3A = arith.constant 0 : i32
    %dma_wait3A_34 = arith.constant 0 : i32
    %dma_wait3A_35 = tpu.memref_slice %arg4[%dma_wait3A, %dma_wait3A_34] : memref<160000x128xi32, #tpu.memory_space<hbm>> -> memref<40x128xi32, #tpu.memory_space<hbm>>
    %dma_wait3A_36 = arith.constant 0 : i32
    %dma_wait3A_37 = arith.constant 0 : i32
    %dma_wait3A_38 = tpu.memref_slice %arg4[%dma_wait3A_36, %dma_wait3A_37] : memref<160000x128xi32, #tpu.memory_space<hbm>> -> memref<40x128xi32, #tpu.memory_space<hbm>>
    tpu.wait_dma2 semaphore(%arg18 : memref<!tpu.dma_semaphore, #tpu.memory_space<semaphore_mem>>) src(%dma_wait3A_38 : memref<40x128xi32, #tpu.memory_space<hbm>>) dst(%arg10 : memref<40x128xi32, #tpu.memory_space<vmem>>)
    %dma_wait3A_39 = arith.constant 0 : i32
    %dma_wait3A_40 = arith.constant 0 : i32
    %dma_wait3A_41 = tpu.memref_slice %arg4[%dma_wait3A_39, %dma_wait3A_40] : memref<160000x128xi32, #tpu.memory_space<hbm>> -> memref<40x128xi32, #tpu.memory_space<hbm>>
    %dma_wait3A_42 = arith.constant 0 : i32
    %dma_wait3A_43 = arith.constant 0 : i32
    %dma_wait3A_44 = tpu.memref_slice %arg4[%dma_wait3A_42, %dma_wait3A_43] : memref<160000x128xi32, #tpu.memory_space<hbm>> -> memref<40x128xi32, #tpu.memory_space<hbm>>
    tpu.wait_dma2 semaphore(%arg20 : memref<!tpu.dma_semaphore, #tpu.memory_space<semaphore_mem>>) src(%dma_wait3A_44 : memref<40x128xi32, #tpu.memory_space<hbm>>) dst(%arg12 : memref<40x128xi32, #tpu.memory_space<vmem>>)
    %dma_wait3A_45 = arith.constant 0 : i32
    %dma_wait3A_46 = arith.constant 0 : i32
    %dma_wait3A_47 = tpu.memref_slice %arg4[%dma_wait3A_45, %dma_wait3A_46] : memref<160000x128xi32, #tpu.memory_space<hbm>> -> memref<40x128xi32, #tpu.memory_space<hbm>>
    %dma_wait3A_48 = arith.constant 0 : i32
    %dma_wait3A_49 = arith.constant 0 : i32
    %dma_wait3A_50 = tpu.memref_slice %arg4[%dma_wait3A_48, %dma_wait3A_49] : memref<160000x128xi32, #tpu.memory_space<hbm>> -> memref<40x128xi32, #tpu.memory_space<hbm>>
    tpu.wait_dma2 semaphore(%arg22 : memref<!tpu.dma_semaphore, #tpu.memory_space<semaphore_mem>>) src(%dma_wait3A_50 : memref<40x128xi32, #tpu.memory_space<hbm>>) dst(%arg14 : memref<40x128xi32, #tpu.memory_space<vmem>>)
    %scan3A = arith.constant 0 : i32
    %scan3A_51 = arith.constant 40 : i32
    %scan3A_52 = arith.addi %scan3A, %scan3A_51 : i32
    %scan3A_53 = arith.constant 1 : i32
    scf.for %scan3A_174 = %scan3A to %scan3A_52 step %scan3A_53  : i32 {
      %mul3A_175 = arith.constant 1 : i32
      %mul3A_176 = arith.muli %scan3A_174, %mul3A_175 : i32
      %add3A_177 = arith.constant 0 : i32
      %add3A_178 = arith.addi %add3A_177, %mul3A_176 : i32
      %get3A = arith.index_cast %add3A_178 : i32 to index
      %get3A_179 = arith.constant 0 : index
      %get3A_180 = tpu.vector_load %arg10[%get3A, %get3A_179] {strides = array<i32>} : memref<40x128xi32, #tpu.memory_space<vmem>>, vector<16xi32>,
      %bitcast3A = vector.bitcast %get3A_180 : vector<16xi32> to vector<32xbf16>
      %get3A_181 = arith.index_cast %add3A_178 : i32 to index
      %get3A_182 = arith.constant 0 : index
      %get3A_183 = tpu.vector_load %arg12[%get3A_181, %get3A_182] {strides = array<i32>} : memref<40x128xi32, #tpu.memory_space<vmem>>, vector<16xi32>,
      %bitcast3A_184 = vector.bitcast %get3A_183 : vector<16xi32> to vector<32xbf16>
      %get3A_185 = arith.index_cast %add3A_178 : i32 to index
      %get3A_186 = arith.constant 0 : index
      %get3A_187 = tpu.vector_load %arg14[%get3A_185, %get3A_186] {strides = array<i32>} : memref<40x128xi32, #tpu.memory_space<vmem>>, vector<16xi32>,
      %bitcast3A_188 = vector.bitcast %get3A_187 : vector<16xi32> to vector<32xbf16>
      %add3A_189 = arith.addf %bitcast3A, %bitcast3A_184 : vector<32xbf16>
      %add3A_190 = arith.addf %add3A_189, %bitcast3A_188 : vector<32xbf16>
      %bitcast3A_191 = vector.bitcast %add3A_190 : vector<32xbf16> to vector<16xi32>
      %swap3A = arith.index_cast %add3A_178 : i32 to index
      %swap3A_192 = arith.constant 0 : index
      %swap3A_193 = tpu.vector_load %arg16[%swap3A, %swap3A_192] {strides = array<i32>} : memref<40x128xi32, #tpu.memory_space<vmem>>, vector<16xi32>,
      tpu.vector_store %arg16[%swap3A, %swap3A_192], %bitcast3A_191 {strides = array<i32>} : memref<40x128xi32, #tpu.memory_space<vmem>>, vector<16xi32>,
      %get3A_194 = arith.index_cast %add3A_178 : i32 to index
      %get3A_195 = arith.constant 16 : index
      %get3A_196 = tpu.vector_load %arg10[%get3A_194, %get3A_195] {strides = array<i32>} : memref<40x128xi32, #tpu.memory_space<vmem>>, vector<16xi32>,
      %bitcast3A_197 = vector.bitcast %get3A_196 : vector<16xi32> to vector<32xbf16>
      %get3A_198 = arith.index_cast %add3A_178 : i32 to index
      %get3A_199 = arith.constant 16 : index
      %get3A_200 = tpu.vector_load %arg12[%get3A_198, %get3A_199] {strides = array<i32>} : memref<40x128xi32, #tpu.memory_space<vmem>>, vector<16xi32>,
      %bitcast3A_201 = vector.bitcast %get3A_200 : vector<16xi32> to vector<32xbf16>
      %get3A_202 = arith.index_cast %add3A_178 : i32 to index
      %get3A_203 = arith.constant 16 : index
      %get3A_204 = tpu.vector_load %arg14[%get3A_202, %get3A_203] {strides = array<i32>} : memref<40x128xi32, #tpu.memory_space<vmem>>, vector<16xi32>,
      %bitcast3A_205 = vector.bitcast %get3A_204 : vector<16xi32> to vector<32xbf16>
      %add3A_206 = arith.addf %bitcast3A_197, %bitcast3A_201 : vector<32xbf16>
      %add3A_207 = arith.addf %add3A_206, %bitcast3A_205 : vector<32xbf16>
      %bitcast3A_208 = vector.bitcast %add3A_207 : vector<32xbf16> to vector<16xi32>
      %swap3A_209 = arith.index_cast %add3A_178 : i32 to index
      %swap3A_210 = arith.constant 16 : index
      %swap3A_211 = tpu.vector_load %arg16[%swap3A_209, %swap3A_210] {strides = array<i32>} : memref<40x128xi32, #tpu.memory_space<vmem>>, vector<16xi32>,
      tpu.vector_store %arg16[%swap3A_209, %swap3A_210], %bitcast3A_208 {strides = array<i32>} : memref<40x128xi32, #tpu.memory_space<vmem>>, vector<16xi32>,
      %get3A_212 = arith.index_cast %add3A_178 : i32 to index
      %get3A_213 = arith.constant 32 : index
      %get3A_214 = tpu.vector_load %arg10[%get3A_212, %get3A_213] {strides = array<i32>} : memref<40x128xi32, #tpu.memory_space<vmem>>, vector<16xi32>,
      %bitcast3A_215 = vector.bitcast %get3A_214 : vector<16xi32> to vector<32xbf16>
      %get3A_216 = arith.index_cast %add3A_178 : i32 to index
      %get3A_217 = arith.constant 32 : index
      %get3A_218 = tpu.vector_load %arg12[%get3A_216, %get3A_217] {strides = array<i32>} : memref<40x128xi32, #tpu.memory_space<vmem>>, vector<16xi32>,
      %bitcast3A_219 = vector.bitcast %get3A_218 : vector<16xi32> to vector<32xbf16>
      %get3A_220 = arith.index_cast %add3A_178 : i32 to index
      %get3A_221 = arith.constant 32 : index
      %get3A_222 = tpu.vector_load %arg14[%get3A_220, %get3A_221] {strides = array<i32>} : memref<40x128xi32, #tpu.memory_space<vmem>>, vector<16xi32>,
      %bitcast3A_223 = vector.bitcast %get3A_222 : vector<16xi32> to vector<32xbf16>
      %add3A_224 = arith.addf %bitcast3A_215, %bitcast3A_219 : vector<32xbf16>
      %add3A_225 = arith.addf %add3A_224, %bitcast3A_223 : vector<32xbf16>
      %bitcast3A_226 = vector.bitcast %add3A_225 : vector<32xbf16> to vector<16xi32>
      %swap3A_227 = arith.index_cast %add3A_178 : i32 to index
      %swap3A_228 = arith.constant 32 : index
      %swap3A_229 = tpu.vector_load %arg16[%swap3A_227, %swap3A_228] {strides = array<i32>} : memref<40x128xi32, #tpu.memory_space<vmem>>, vector<16xi32>,
      tpu.vector_store %arg16[%swap3A_227, %swap3A_228], %bitcast3A_226 {strides = array<i32>} : memref<40x128xi32, #tpu.memory_space<vmem>>, vector<16xi32>,
      %get3A_230 = arith.index_cast %add3A_178 : i32 to index
      %get3A_231 = arith.constant 48 : index
      %get3A_232 = tpu.vector_load %arg10[%get3A_230, %get3A_231] {strides = array<i32>} : memref<40x128xi32, #tpu.memory_space<vmem>>, vector<16xi32>,
      %bitcast3A_233 = vector.bitcast %get3A_232 : vector<16xi32> to vector<32xbf16>
      %get3A_234 = arith.index_cast %add3A_178 : i32 to index
      %get3A_235 = arith.constant 48 : index
      %get3A_236 = tpu.vector_load %arg12[%get3A_234, %get3A_235] {strides = array<i32>} : memref<40x128xi32, #tpu.memory_space<vmem>>, vector<16xi32>,
      %bitcast3A_237 = vector.bitcast %get3A_236 : vector<16xi32> to vector<32xbf16>
      %get3A_238 = arith.index_cast %add3A_178 : i32 to index
      %get3A_239 = arith.constant 48 : index
      %get3A_240 = tpu.vector_load %arg14[%get3A_238, %get3A_239] {strides = array<i32>} : memref<40x128xi32, #tpu.memory_space<vmem>>, vector<16xi32>,
      %bitcast3A_241 = vector.bitcast %get3A_240 : vector<16xi32> to vector<32xbf16>
      %add3A_242 = arith.addf %bitcast3A_233, %bitcast3A_237 : vector<32xbf16>
      %add3A_243 = arith.addf %add3A_242, %bitcast3A_241 : vector<32xbf16>
      %bitcast3A_244 = vector.bitcast %add3A_243 : vector<32xbf16> to vector<16xi32>
      %swap3A_245 = arith.index_cast %add3A_178 : i32 to index
      %swap3A_246 = arith.constant 48 : index
      %swap3A_247 = tpu.vector_load %arg16[%swap3A_245, %swap3A_246] {strides = array<i32>} : memref<40x128xi32, #tpu.memory_space<vmem>>, vector<16xi32>,
      tpu.vector_store %arg16[%swap3A_245, %swap3A_246], %bitcast3A_244 {strides = array<i32>} : memref<40x128xi32, #tpu.memory_space<vmem>>, vector<16xi32>,
      %get3A_248 = arith.index_cast %add3A_178 : i32 to index
      %get3A_249 = arith.constant 64 : index
      %get3A_250 = tpu.vector_load %arg10[%get3A_248, %get3A_249] {strides = array<i32>} : memref<40x128xi32, #tpu.memory_space<vmem>>, vector<16xi32>,
      %bitcast3A_251 = vector.bitcast %get3A_250 : vector<16xi32> to vector<32xbf16>
      %get3A_252 = arith.index_cast %add3A_178 : i32 to index
      %get3A_253 = arith.constant 64 : index
      %get3A_254 = tpu.vector_load %arg12[%get3A_252, %get3A_253] {strides = array<i32>} : memref<40x128xi32, #tpu.memory_space<vmem>>, vector<16xi32>,
      %bitcast3A_255 = vector.bitcast %get3A_254 : vector<16xi32> to vector<32xbf16>
      %get3A_256 = arith.index_cast %add3A_178 : i32 to index
      %get3A_257 = arith.constant 64 : index
      %get3A_258 = tpu.vector_load %arg14[%get3A_256, %get3A_257] {strides = array<i32>} : memref<40x128xi32, #tpu.memory_space<vmem>>, vector<16xi32>,
      %bitcast3A_259 = vector.bitcast %get3A_258 : vector<16xi32> to vector<32xbf16>
      %add3A_260 = arith.addf %bitcast3A_251, %bitcast3A_255 : vector<32xbf16>
      %add3A_261 = arith.addf %add3A_260, %bitcast3A_259 : vector<32xbf16>
      %bitcast3A_262 = vector.bitcast %add3A_261 : vector<32xbf16> to vector<16xi32>
      %swap3A_263 = arith.index_cast %add3A_178 : i32 to index
      %swap3A_264 = arith.constant 64 : index
      %swap3A_265 = tpu.vector_load %arg16[%swap3A_263, %swap3A_264] {strides = array<i32>} : memref<40x128xi32, #tpu.memory_space<vmem>>, vector<16xi32>,
      tpu.vector_store %arg16[%swap3A_263, %swap3A_264], %bitcast3A_262 {strides = array<i32>} : memref<40x128xi32, #tpu.memory_space<vmem>>, vector<16xi32>,
      %get3A_266 = arith.index_cast %add3A_178 : i32 to index
      %get3A_267 = arith.constant 80 : index
      %get3A_268 = tpu.vector_load %arg10[%get3A_266, %get3A_267] {strides = array<i32>} : memref<40x128xi32, #tpu.memory_space<vmem>>, vector<16xi32>,
      %bitcast3A_269 = vector.bitcast %get3A_268 : vector<16xi32> to vector<32xbf16>
      %get3A_270 = arith.index_cast %add3A_178 : i32 to index
      %get3A_271 = arith.constant 80 : index
      %get3A_272 = tpu.vector_load %arg12[%get3A_270, %get3A_271] {strides = array<i32>} : memref<40x128xi32, #tpu.memory_space<vmem>>, vector<16xi32>,
      %bitcast3A_273 = vector.bitcast %get3A_272 : vector<16xi32> to vector<32xbf16>
      %get3A_274 = arith.index_cast %add3A_178 : i32 to index
      %get3A_275 = arith.constant 80 : index
      %get3A_276 = tpu.vector_load %arg14[%get3A_274, %get3A_275] {strides = array<i32>} : memref<40x128xi32, #tpu.memory_space<vmem>>, vector<16xi32>,
      %bitcast3A_277 = vector.bitcast %get3A_276 : vector<16xi32> to vector<32xbf16>
      %add3A_278 = arith.addf %bitcast3A_269, %bitcast3A_273 : vector<32xbf16>
      %add3A_279 = arith.addf %add3A_278, %bitcast3A_277 : vector<32xbf16>
      %bitcast3A_280 = vector.bitcast %add3A_279 : vector<32xbf16> to vector<16xi32>
      %swap3A_281 = arith.index_cast %add3A_178 : i32 to index
      %swap3A_282 = arith.constant 80 : index
      %swap3A_283 = tpu.vector_load %arg16[%swap3A_281, %swap3A_282] {strides = array<i32>} : memref<40x128xi32, #tpu.memory_space<vmem>>, vector<16xi32>,
      tpu.vector_store %arg16[%swap3A_281, %swap3A_282], %bitcast3A_280 {strides = array<i32>} : memref<40x128xi32, #tpu.memory_space<vmem>>, vector<16xi32>,
      %get3A_284 = arith.index_cast %add3A_178 : i32 to index
      %get3A_285 = arith.constant 96 : index
      %get3A_286 = tpu.vector_load %arg10[%get3A_284, %get3A_285] {strides = array<i32>} : memref<40x128xi32, #tpu.memory_space<vmem>>, vector<16xi32>,
      %bitcast3A_287 = vector.bitcast %get3A_286 : vector<16xi32> to vector<32xbf16>
      %get3A_288 = arith.index_cast %add3A_178 : i32 to index
      %get3A_289 = arith.constant 96 : index
      %get3A_290 = tpu.vector_load %arg12[%get3A_288, %get3A_289] {strides = array<i32>} : memref<40x128xi32, #tpu.memory_space<vmem>>, vector<16xi32>,
      %bitcast3A_291 = vector.bitcast %get3A_290 : vector<16xi32> to vector<32xbf16>
      %get3A_292 = arith.index_cast %add3A_178 : i32 to index
      %get3A_293 = arith.constant 96 : index
      %get3A_294 = tpu.vector_load %arg14[%get3A_292, %get3A_293] {strides = array<i32>} : memref<40x128xi32, #tpu.memory_space<vmem>>, vector<16xi32>,
      %bitcast3A_295 = vector.bitcast %get3A_294 : vector<16xi32> to vector<32xbf16>
      %add3A_296 = arith.addf %bitcast3A_287, %bitcast3A_291 : vector<32xbf16>
      %add3A_297 = arith.addf %add3A_296, %bitcast3A_295 : vector<32xbf16>
      %bitcast3A_298 = vector.bitcast %add3A_297 : vector<32xbf16> to vector<16xi32>
      %swap3A_299 = arith.index_cast %add3A_178 : i32 to index
      %swap3A_300 = arith.constant 96 : index
      %swap3A_301 = tpu.vector_load %arg16[%swap3A_299, %swap3A_300] {strides = array<i32>} : memref<40x128xi32, #tpu.memory_space<vmem>>, vector<16xi32>,
      tpu.vector_store %arg16[%swap3A_299, %swap3A_300], %bitcast3A_298 {strides = array<i32>} : memref<40x128xi32, #tpu.memory_space<vmem>>, vector<16xi32>,
      %get3A_302 = arith.index_cast %add3A_178 : i32 to index
      %get3A_303 = arith.constant 112 : index
      %get3A_304 = tpu.vector_load %arg10[%get3A_302, %get3A_303] {strides = array<i32>} : memref<40x128xi32, #tpu.memory_space<vmem>>, vector<16xi32>,
      %bitcast3A_305 = vector.bitcast %get3A_304 : vector<16xi32> to vector<32xbf16>
      %get3A_306 = arith.index_cast %add3A_178 : i32 to index
      %get3A_307 = arith.constant 112 : index
      %get3A_308 = tpu.vector_load %arg12[%get3A_306, %get3A_307] {strides = array<i32>} : memref<40x128xi32, #tpu.memory_space<vmem>>, vector<16xi32>,
      %bitcast3A_309 = vector.bitcast %get3A_308 : vector<16xi32> to vector<32xbf16>
      %get3A_310 = arith.index_cast %add3A_178 : i32 to index
      %get3A_311 = arith.constant 112 : index
      %get3A_312 = tpu.vector_load %arg14[%get3A_310, %get3A_311] {strides = array<i32>} : memref<40x128xi32, #tpu.memory_space<vmem>>, vector<16xi32>,
      %bitcast3A_313 = vector.bitcast %get3A_312 : vector<16xi32> to vector<32xbf16>
      %add3A_314 = arith.addf %bitcast3A_305, %bitcast3A_309 : vector<32xbf16>
      %add3A_315 = arith.addf %add3A_314, %bitcast3A_313 : vector<32xbf16>
      %bitcast3A_316 = vector.bitcast %add3A_315 : vector<32xbf16> to vector<16xi32>
      %swap3A_317 = arith.index_cast %add3A_178 : i32 to index
      %swap3A_318 = arith.constant 112 : index
      %swap3A_319 = tpu.vector_load %arg16[%swap3A_317, %swap3A_318] {strides = array<i32>} : memref<40x128xi32, #tpu.memory_space<vmem>>, vector<16xi32>,
      tpu.vector_store %arg16[%swap3A_317, %swap3A_318], %bitcast3A_316 {strides = array<i32>} : memref<40x128xi32, #tpu.memory_space<vmem>>, vector<16xi32>,
    }
    %scan3A_54 = arith.constant 40 : i32
    %dma_start3A_55 = arith.constant 80 : i32
    %dma_start3A_56 = tpu.memref_slice %arg8[%dma_start3A_55] : memref<5000xi32, #tpu.memory_space<vmem>> -> memref<40xi32, #tpu.memory_space<vmem>>
    %dma_start3A_57 = arith.constant 0 : i32
    %dma_start3A_58 = arith.constant 0 : i32
    %dma_start3A_59 = tpu.memref_slice %arg2[%dma_start3A_57, %dma_start3A_58] : memref<10000x128xi32, #tpu.memory_space<hbm>> -> memref<10000x128xi32, #tpu.memory_space<hbm>>
    tpu.enqueue_indirect_dma source(%dma_start3A_59 : memref<10000x128xi32, #tpu.memory_space<hbm>>) target(%arg10 : memref<40x128xi32, #tpu.memory_space<vmem>>) offsets(%dma_start3A_56 : memref<40xi32, #tpu.memory_space<vmem>>) semaphore(%arg18 : memref<!tpu.dma_semaphore, #tpu.memory_space<semaphore_mem>>)
    %dma_start3A_60 = arith.constant 80 : i32
    %dma_start3A_61 = tpu.memref_slice %arg9[%dma_start3A_60] : memref<5000xi32, #tpu.memory_space<vmem>> -> memref<40xi32, #tpu.memory_space<vmem>>
    %dma_start3A_62 = arith.constant 0 : i32
    %dma_start3A_63 = arith.constant 0 : i32
    %dma_start3A_64 = tpu.memref_slice %arg3[%dma_start3A_62, %dma_start3A_63] : memref<10000x128xi32, #tpu.memory_space<hbm>> -> memref<10000x128xi32, #tpu.memory_space<hbm>>
    tpu.enqueue_indirect_dma source(%dma_start3A_64 : memref<10000x128xi32, #tpu.memory_space<hbm>>) target(%arg12 : memref<40x128xi32, #tpu.memory_space<vmem>>) offsets(%dma_start3A_61 : memref<40xi32, #tpu.memory_space<vmem>>) semaphore(%arg20 : memref<!tpu.dma_semaphore, #tpu.memory_space<semaphore_mem>>)
    %add3A_65 = arith.constant 80 : i32
    %add3A_66 = arith.addi %mul3A_2, %add3A_65 : i32
    %dma_start3A_67 = arith.constant 0 : i32
    %dma_start3A_68 = tpu.memref_slice %arg4[%add3A_66, %dma_start3A_67] : memref<160000x128xi32, #tpu.memory_space<hbm>> -> memref<40x128xi32, #tpu.memory_space<hbm>>
    %dma_start3A_69 = arith.constant 0 : i32
    %dma_start3A_70 = tpu.memref_slice %arg4[%add3A_66, %dma_start3A_69] : memref<160000x128xi32, #tpu.memory_space<hbm>> -> memref<40x128xi32, #tpu.memory_space<hbm>>
    tpu.enqueue_dma source(%dma_start3A_70 : memref<40x128xi32, #tpu.memory_space<hbm>>) target(%arg14 : memref<40x128xi32, #tpu.memory_space<vmem>>) target_semaphore(%arg22 : memref<!tpu.dma_semaphore, #tpu.memory_space<semaphore_mem>>)
    %add3A_71 = arith.constant 0 : i32
    %add3A_72 = arith.addi %mul3A_2, %add3A_71 : i32
    %dma_start3A_73 = arith.constant 0 : i32
    %dma_start3A_74 = tpu.memref_slice %arg7[%add3A_72, %dma_start3A_73] : memref<160000x128xi32, #tpu.memory_space<hbm>> -> memref<40x128xi32, #tpu.memory_space<hbm>>
    %dma_start3A_75 = arith.constant 0 : i32
    %dma_start3A_76 = tpu.memref_slice %arg7[%add3A_72, %dma_start3A_75] : memref<160000x128xi32, #tpu.memory_space<hbm>> -> memref<40x128xi32, #tpu.memory_space<hbm>>
    tpu.enqueue_dma source(%arg16 : memref<40x128xi32, #tpu.memory_space<vmem>>) target(%dma_start3A_76 : memref<40x128xi32, #tpu.memory_space<hbm>>) target_semaphore(%arg24 : memref<!tpu.dma_semaphore, #tpu.memory_space<semaphore_mem>>)
    %dma_wait3A_77 = arith.constant 0 : i32
    %dma_wait3A_78 = arith.constant 0 : i32
    %dma_wait3A_79 = tpu.memref_slice %arg4[%dma_wait3A_77, %dma_wait3A_78] : memref<160000x128xi32, #tpu.memory_space<hbm>> -> memref<40x128xi32, #tpu.memory_space<hbm>>
    %dma_wait3A_80 = arith.constant 0 : i32
    %dma_wait3A_81 = arith.constant 0 : i32
    %dma_wait3A_82 = tpu.memref_slice %arg4[%dma_wait3A_80, %dma_wait3A_81] : memref<160000x128xi32, #tpu.memory_space<hbm>> -> memref<40x128xi32, #tpu.memory_space<hbm>>
    tpu.wait_dma2 semaphore(%arg19 : memref<!tpu.dma_semaphore, #tpu.memory_space<semaphore_mem>>) src(%dma_wait3A_82 : memref<40x128xi32, #tpu.memory_space<hbm>>) dst(%arg11 : memref<40x128xi32, #tpu.memory_space<vmem>>)
    %dma_wait3A_83 = arith.constant 0 : i32
    %dma_wait3A_84 = arith.constant 0 : i32
    %dma_wait3A_85 = tpu.memref_slice %arg4[%dma_wait3A_83, %dma_wait3A_84] : memref<160000x128xi32, #tpu.memory_space<hbm>> -> memref<40x128xi32, #tpu.memory_space<hbm>>
    %dma_wait3A_86 = arith.constant 0 : i32
    %dma_wait3A_87 = arith.constant 0 : i32
    %dma_wait3A_88 = tpu.memref_slice %arg4[%dma_wait3A_86, %dma_wait3A_87] : memref<160000x128xi32, #tpu.memory_space<hbm>> -> memref<40x128xi32, #tpu.memory_space<hbm>>
    tpu.wait_dma2 semaphore(%arg21 : memref<!tpu.dma_semaphore, #tpu.memory_space<semaphore_mem>>) src(%dma_wait3A_88 : memref<40x128xi32, #tpu.memory_space<hbm>>) dst(%arg13 : memref<40x128xi32, #tpu.memory_space<vmem>>)
    %dma_wait3A_89 = arith.constant 0 : i32
    %dma_wait3A_90 = arith.constant 0 : i32
    %dma_wait3A_91 = tpu.memref_slice %arg4[%dma_wait3A_89, %dma_wait3A_90] : memref<160000x128xi32, #tpu.memory_space<hbm>> -> memref<40x128xi32, #tpu.memory_space<hbm>>
    %dma_wait3A_92 = arith.constant 0 : i32
    %dma_wait3A_93 = arith.constant 0 : i32
    %dma_wait3A_94 = tpu.memref_slice %arg4[%dma_wait3A_92, %dma_wait3A_93] : memref<160000x128xi32, #tpu.memory_space<hbm>> -> memref<40x128xi32, #tpu.memory_space<hbm>>
    tpu.wait_dma2 semaphore(%arg23 : memref<!tpu.dma_semaphore, #tpu.memory_space<semaphore_mem>>) src(%dma_wait3A_94 : memref<40x128xi32, #tpu.memory_space<hbm>>) dst(%arg15 : memref<40x128xi32, #tpu.memory_space<vmem>>)
    %scan3A_95 = arith.constant 0 : i32
    %scan3A_96 = arith.constant 40 : i32
    %scan3A_97 = arith.addi %scan3A_95, %scan3A_96 : i32
    %scan3A_98 = arith.constant 1 : i32
    scf.for %scan3A_174 = %scan3A_95 to %scan3A_97 step %scan3A_98  : i32 {
      %mul3A_175 = arith.constant 1 : i32
      %mul3A_176 = arith.muli %scan3A_174, %mul3A_175 : i32
      %add3A_177 = arith.constant 0 : i32
      %add3A_178 = arith.addi %add3A_177, %mul3A_176 : i32
      %get3A = arith.index_cast %add3A_178 : i32 to index
      %get3A_179 = arith.constant 0 : index
      %get3A_180 = tpu.vector_load %arg11[%get3A, %get3A_179] {strides = array<i32>} : memref<40x128xi32, #tpu.memory_space<vmem>>, vector<16xi32>,
      %bitcast3A = vector.bitcast %get3A_180 : vector<16xi32> to vector<32xbf16>
      %get3A_181 = arith.index_cast %add3A_178 : i32 to index
      %get3A_182 = arith.constant 0 : index
      %get3A_183 = tpu.vector_load %arg13[%get3A_181, %get3A_182] {strides = array<i32>} : memref<40x128xi32, #tpu.memory_space<vmem>>, vector<16xi32>,
      %bitcast3A_184 = vector.bitcast %get3A_183 : vector<16xi32> to vector<32xbf16>
      %get3A_185 = arith.index_cast %add3A_178 : i32 to index
      %get3A_186 = arith.constant 0 : index
      %get3A_187 = tpu.vector_load %arg15[%get3A_185, %get3A_186] {strides = array<i32>} : memref<40x128xi32, #tpu.memory_space<vmem>>, vector<16xi32>,
      %bitcast3A_188 = vector.bitcast %get3A_187 : vector<16xi32> to vector<32xbf16>
      %add3A_189 = arith.addf %bitcast3A, %bitcast3A_184 : vector<32xbf16>
      %add3A_190 = arith.addf %add3A_189, %bitcast3A_188 : vector<32xbf16>
      %bitcast3A_191 = vector.bitcast %add3A_190 : vector<32xbf16> to vector<16xi32>
      %swap3A = arith.index_cast %add3A_178 : i32 to index
      %swap3A_192 = arith.constant 0 : index
      %swap3A_193 = tpu.vector_load %arg17[%swap3A, %swap3A_192] {strides = array<i32>} : memref<40x128xi32, #tpu.memory_space<vmem>>, vector<16xi32>,
      tpu.vector_store %arg17[%swap3A, %swap3A_192], %bitcast3A_191 {strides = array<i32>} : memref<40x128xi32, #tpu.memory_space<vmem>>, vector<16xi32>,
      %get3A_194 = arith.index_cast %add3A_178 : i32 to index
      %get3A_195 = arith.constant 16 : index
      %get3A_196 = tpu.vector_load %arg11[%get3A_194, %get3A_195] {strides = array<i32>} : memref<40x128xi32, #tpu.memory_space<vmem>>, vector<16xi32>,
      %bitcast3A_197 = vector.bitcast %get3A_196 : vector<16xi32> to vector<32xbf16>
      %get3A_198 = arith.index_cast %add3A_178 : i32 to index
      %get3A_199 = arith.constant 16 : index
      %get3A_200 = tpu.vector_load %arg13[%get3A_198, %get3A_199] {strides = array<i32>} : memref<40x128xi32, #tpu.memory_space<vmem>>, vector<16xi32>,
      %bitcast3A_201 = vector.bitcast %get3A_200 : vector<16xi32> to vector<32xbf16>
      %get3A_202 = arith.index_cast %add3A_178 : i32 to index
      %get3A_203 = arith.constant 16 : index
      %get3A_204 = tpu.vector_load %arg15[%get3A_202, %get3A_203] {strides = array<i32>} : memref<40x128xi32, #tpu.memory_space<vmem>>, vector<16xi32>,
      %bitcast3A_205 = vector.bitcast %get3A_204 : vector<16xi32> to vector<32xbf16>
      %add3A_206 = arith.addf %bitcast3A_197, %bitcast3A_201 : vector<32xbf16>
      %add3A_207 = arith.addf %add3A_206, %bitcast3A_205 : vector<32xbf16>
      %bitcast3A_208 = vector.bitcast %add3A_207 : vector<32xbf16> to vector<16xi32>
      %swap3A_209 = arith.index_cast %add3A_178 : i32 to index
      %swap3A_210 = arith.constant 16 : index
      %swap3A_211 = tpu.vector_load %arg17[%swap3A_209, %swap3A_210] {strides = array<i32>} : memref<40x128xi32, #tpu.memory_space<vmem>>, vector<16xi32>,
      tpu.vector_store %arg17[%swap3A_209, %swap3A_210], %bitcast3A_208 {strides = array<i32>} : memref<40x128xi32, #tpu.memory_space<vmem>>, vector<16xi32>,
      %get3A_212 = arith.index_cast %add3A_178 : i32 to index
      %get3A_213 = arith.constant 32 : index
      %get3A_214 = tpu.vector_load %arg11[%get3A_212, %get3A_213] {strides = array<i32>} : memref<40x128xi32, #tpu.memory_space<vmem>>, vector<16xi32>,
      %bitcast3A_215 = vector.bitcast %get3A_214 : vector<16xi32> to vector<32xbf16>
      %get3A_216 = arith.index_cast %add3A_178 : i32 to index
      %get3A_217 = arith.constant 32 : index
      %get3A_218 = tpu.vector_load %arg13[%get3A_216, %get3A_217] {strides = array<i32>} : memref<40x128xi32, #tpu.memory_space<vmem>>, vector<16xi32>,
      %bitcast3A_219 = vector.bitcast %get3A_218 : vector<16xi32> to vector<32xbf16>
      %get3A_220 = arith.index_cast %add3A_178 : i32 to index
      %get3A_221 = arith.constant 32 : index
      %get3A_222 = tpu.vector_load %arg15[%get3A_220, %get3A_221] {strides = array<i32>} : memref<40x128xi32, #tpu.memory_space<vmem>>, vector<16xi32>,
      %bitcast3A_223 = vector.bitcast %get3A_222 : vector<16xi32> to vector<32xbf16>
      %add3A_224 = arith.addf %bitcast3A_215, %bitcast3A_219 : vector<32xbf16>
      %add3A_225 = arith.addf %add3A_224, %bitcast3A_223 : vector<32xbf16>
      %bitcast3A_226 = vector.bitcast %add3A_225 : vector<32xbf16> to vector<16xi32>
      %swap3A_227 = arith.index_cast %add3A_178 : i32 to index
      %swap3A_228 = arith.constant 32 : index
      %swap3A_229 = tpu.vector_load %arg17[%swap3A_227, %swap3A_228] {strides = array<i32>} : memref<40x128xi32, #tpu.memory_space<vmem>>, vector<16xi32>,
      tpu.vector_store %arg17[%swap3A_227, %swap3A_228], %bitcast3A_226 {strides = array<i32>} : memref<40x128xi32, #tpu.memory_space<vmem>>, vector<16xi32>,
      %get3A_230 = arith.index_cast %add3A_178 : i32 to index
      %get3A_231 = arith.constant 48 : index
      %get3A_232 = tpu.vector_load %arg11[%get3A_230, %get3A_231] {strides = array<i32>} : memref<40x128xi32, #tpu.memory_space<vmem>>, vector<16xi32>,
      %bitcast3A_233 = vector.bitcast %get3A_232 : vector<16xi32> to vector<32xbf16>
      %get3A_234 = arith.index_cast %add3A_178 : i32 to index
      %get3A_235 = arith.constant 48 : index
      %get3A_236 = tpu.vector_load %arg13[%get3A_234, %get3A_235] {strides = array<i32>} : memref<40x128xi32, #tpu.memory_space<vmem>>, vector<16xi32>,
      %bitcast3A_237 = vector.bitcast %get3A_236 : vector<16xi32> to vector<32xbf16>
      %get3A_238 = arith.index_cast %add3A_178 : i32 to index
      %get3A_239 = arith.constant 48 : index
      %get3A_240 = tpu.vector_load %arg15[%get3A_238, %get3A_239] {strides = array<i32>} : memref<40x128xi32, #tpu.memory_space<vmem>>, vector<16xi32>,
      %bitcast3A_241 = vector.bitcast %get3A_240 : vector<16xi32> to vector<32xbf16>
      %add3A_242 = arith.addf %bitcast3A_233, %bitcast3A_237 : vector<32xbf16>
      %add3A_243 = arith.addf %add3A_242, %bitcast3A_241 : vector<32xbf16>
      %bitcast3A_244 = vector.bitcast %add3A_243 : vector<32xbf16> to vector<16xi32>
      %swap3A_245 = arith.index_cast %add3A_178 : i32 to index
      %swap3A_246 = arith.constant 48 : index
      %swap3A_247 = tpu.vector_load %arg17[%swap3A_245, %swap3A_246] {strides = array<i32>} : memref<40x128xi32, #tpu.memory_space<vmem>>, vector<16xi32>,
      tpu.vector_store %arg17[%swap3A_245, %swap3A_246], %bitcast3A_244 {strides = array<i32>} : memref<40x128xi32, #tpu.memory_space<vmem>>, vector<16xi32>,
      %get3A_248 = arith.index_cast %add3A_178 : i32 to index
      %get3A_249 = arith.constant 64 : index
      %get3A_250 = tpu.vector_load %arg11[%get3A_248, %get3A_249] {strides = array<i32>} : memref<40x128xi32, #tpu.memory_space<vmem>>, vector<16xi32>,
      %bitcast3A_251 = vector.bitcast %get3A_250 : vector<16xi32> to vector<32xbf16>
      %get3A_252 = arith.index_cast %add3A_178 : i32 to index
      %get3A_253 = arith.constant 64 : index
      %get3A_254 = tpu.vector_load %arg13[%get3A_252, %get3A_253] {strides = array<i32>} : memref<40x128xi32, #tpu.memory_space<vmem>>, vector<16xi32>,
      %bitcast3A_255 = vector.bitcast %get3A_254 : vector<16xi32> to vector<32xbf16>
      %get3A_256 = arith.index_cast %add3A_178 : i32 to index
      %get3A_257 = arith.constant 64 : index
      %get3A_258 = tpu.vector_load %arg15[%get3A_256, %get3A_257] {strides = array<i32>} : memref<40x128xi32, #tpu.memory_space<vmem>>, vector<16xi32>,
      %bitcast3A_259 = vector.bitcast %get3A_258 : vector<16xi32> to vector<32xbf16>
      %add3A_260 = arith.addf %bitcast3A_251, %bitcast3A_255 : vector<32xbf16>
      %add3A_261 = arith.addf %add3A_260, %bitcast3A_259 : vector<32xbf16>
      %bitcast3A_262 = vector.bitcast %add3A_261 : vector<32xbf16> to vector<16xi32>
      %swap3A_263 = arith.index_cast %add3A_178 : i32 to index
      %swap3A_264 = arith.constant 64 : index
      %swap3A_265 = tpu.vector_load %arg17[%swap3A_263, %swap3A_264] {strides = array<i32>} : memref<40x128xi32, #tpu.memory_space<vmem>>, vector<16xi32>,
      tpu.vector_store %arg17[%swap3A_263, %swap3A_264], %bitcast3A_262 {strides = array<i32>} : memref<40x128xi32, #tpu.memory_space<vmem>>, vector<16xi32>,
      %get3A_266 = arith.index_cast %add3A_178 : i32 to index
      %get3A_267 = arith.constant 80 : index
      %get3A_268 = tpu.vector_load %arg11[%get3A_266, %get3A_267] {strides = array<i32>} : memref<40x128xi32, #tpu.memory_space<vmem>>, vector<16xi32>,
      %bitcast3A_269 = vector.bitcast %get3A_268 : vector<16xi32> to vector<32xbf16>
      %get3A_270 = arith.index_cast %add3A_178 : i32 to index
      %get3A_271 = arith.constant 80 : index
      %get3A_272 = tpu.vector_load %arg13[%get3A_270, %get3A_271] {strides = array<i32>} : memref<40x128xi32, #tpu.memory_space<vmem>>, vector<16xi32>,
      %bitcast3A_273 = vector.bitcast %get3A_272 : vector<16xi32> to vector<32xbf16>
      %get3A_274 = arith.index_cast %add3A_178 : i32 to index
      %get3A_275 = arith.constant 80 : index
      %get3A_276 = tpu.vector_load %arg15[%get3A_274, %get3A_275] {strides = array<i32>} : memref<40x128xi32, #tpu.memory_space<vmem>>, vector<16xi32>,
      %bitcast3A_277 = vector.bitcast %get3A_276 : vector<16xi32> to vector<32xbf16>
      %add3A_278 = arith.addf %bitcast3A_269, %bitcast3A_273 : vector<32xbf16>
      %add3A_279 = arith.addf %add3A_278, %bitcast3A_277 : vector<32xbf16>
      %bitcast3A_280 = vector.bitcast %add3A_279 : vector<32xbf16> to vector<16xi32>
      %swap3A_281 = arith.index_cast %add3A_178 : i32 to index
      %swap3A_282 = arith.constant 80 : index
      %swap3A_283 = tpu.vector_load %arg17[%swap3A_281, %swap3A_282] {strides = array<i32>} : memref<40x128xi32, #tpu.memory_space<vmem>>, vector<16xi32>,
      tpu.vector_store %arg17[%swap3A_281, %swap3A_282], %bitcast3A_280 {strides = array<i32>} : memref<40x128xi32, #tpu.memory_space<vmem>>, vector<16xi32>,
      %get3A_284 = arith.index_cast %add3A_178 : i32 to index
      %get3A_285 = arith.constant 96 : index
      %get3A_286 = tpu.vector_load %arg11[%get3A_284, %get3A_285] {strides = array<i32>} : memref<40x128xi32, #tpu.memory_space<vmem>>, vector<16xi32>,
      %bitcast3A_287 = vector.bitcast %get3A_286 : vector<16xi32> to vector<32xbf16>
      %get3A_288 = arith.index_cast %add3A_178 : i32 to index
      %get3A_289 = arith.constant 96 : index
      %get3A_290 = tpu.vector_load %arg13[%get3A_288, %get3A_289] {strides = array<i32>} : memref<40x128xi32, #tpu.memory_space<vmem>>, vector<16xi32>,
      %bitcast3A_291 = vector.bitcast %get3A_290 : vector<16xi32> to vector<32xbf16>
      %get3A_292 = arith.index_cast %add3A_178 : i32 to index
      %get3A_293 = arith.constant 96 : index
      %get3A_294 = tpu.vector_load %arg15[%get3A_292, %get3A_293] {strides = array<i32>} : memref<40x128xi32, #tpu.memory_space<vmem>>, vector<16xi32>,
      %bitcast3A_295 = vector.bitcast %get3A_294 : vector<16xi32> to vector<32xbf16>
      %add3A_296 = arith.addf %bitcast3A_287, %bitcast3A_291 : vector<32xbf16>
      %add3A_297 = arith.addf %add3A_296, %bitcast3A_295 : vector<32xbf16>
      %bitcast3A_298 = vector.bitcast %add3A_297 : vector<32xbf16> to vector<16xi32>
      %swap3A_299 = arith.index_cast %add3A_178 : i32 to index
      %swap3A_300 = arith.constant 96 : index
      %swap3A_301 = tpu.vector_load %arg17[%swap3A_299, %swap3A_300] {strides = array<i32>} : memref<40x128xi32, #tpu.memory_space<vmem>>, vector<16xi32>,
      tpu.vector_store %arg17[%swap3A_299, %swap3A_300], %bitcast3A_298 {strides = array<i32>} : memref<40x128xi32, #tpu.memory_space<vmem>>, vector<16xi32>,
      %get3A_302 = arith.index_cast %add3A_178 : i32 to index
      %get3A_303 = arith.constant 112 : index
      %get3A_304 = tpu.vector_load %arg11[%get3A_302, %get3A_303] {strides = array<i32>} : memref<40x128xi32, #tpu.memory_space<vmem>>, vector<16xi32>,
      %bitcast3A_305 = vector.bitcast %get3A_304 : vector<16xi32> to vector<32xbf16>
      %get3A_306 = arith.index_cast %add3A_178 : i32 to index
      %get3A_307 = arith.constant 112 : index
      %get3A_308 = tpu.vector_load %arg13[%get3A_306, %get3A_307] {strides = array<i32>} : memref<40x128xi32, #tpu.memory_space<vmem>>, vector<16xi32>,
      %bitcast3A_309 = vector.bitcast %get3A_308 : vector<16xi32> to vector<32xbf16>
      %get3A_310 = arith.index_cast %add3A_178 : i32 to index
      %get3A_311 = arith.constant 112 : index
      %get3A_312 = tpu.vector_load %arg15[%get3A_310, %get3A_311] {strides = array<i32>} : memref<40x128xi32, #tpu.memory_space<vmem>>, vector<16xi32>,
      %bitcast3A_313 = vector.bitcast %get3A_312 : vector<16xi32> to vector<32xbf16>
      %add3A_314 = arith.addf %bitcast3A_305, %bitcast3A_309 : vector<32xbf16>
      %add3A_315 = arith.addf %add3A_314, %bitcast3A_313 : vector<32xbf16>
      %bitcast3A_316 = vector.bitcast %add3A_315 : vector<32xbf16> to vector<16xi32>
      %swap3A_317 = arith.index_cast %add3A_178 : i32 to index
      %swap3A_318 = arith.constant 112 : index
      %swap3A_319 = tpu.vector_load %arg17[%swap3A_317, %swap3A_318] {strides = array<i32>} : memref<40x128xi32, #tpu.memory_space<vmem>>, vector<16xi32>,
      tpu.vector_store %arg17[%swap3A_317, %swap3A_318], %bitcast3A_316 {strides = array<i32>} : memref<40x128xi32, #tpu.memory_space<vmem>>, vector<16xi32>,
    }
    %scan3A_99 = arith.constant 40 : i32
    %dma_start3A_100 = arith.constant 120 : i32
    %dma_start3A_101 = tpu.memref_slice %arg8[%dma_start3A_100] : memref<5000xi32, #tpu.memory_space<vmem>> -> memref<40xi32, #tpu.memory_space<vmem>>
    %dma_start3A_102 = arith.constant 0 : i32
    %dma_start3A_103 = arith.constant 0 : i32
    %dma_start3A_104 = tpu.memref_slice %arg2[%dma_start3A_102, %dma_start3A_103] : memref<10000x128xi32, #tpu.memory_space<hbm>> -> memref<10000x128xi32, #tpu.memory_space<hbm>>
    tpu.enqueue_indirect_dma source(%dma_start3A_104 : memref<10000x128xi32, #tpu.memory_space<hbm>>) target(%arg11 : memref<40x128xi32, #tpu.memory_space<vmem>>) offsets(%dma_start3A_101 : memref<40xi32, #tpu.memory_space<vmem>>) semaphore(%arg19 : memref<!tpu.dma_semaphore, #tpu.memory_space<semaphore_mem>>)
    %dma_start3A_105 = arith.constant 120 : i32
    %dma_start3A_106 = tpu.memref_slice %arg9[%dma_start3A_105] : memref<5000xi32, #tpu.memory_space<vmem>> -> memref<40xi32, #tpu.memory_space<vmem>>
    %dma_start3A_107 = arith.constant 0 : i32
    %dma_start3A_108 = arith.constant 0 : i32
    %dma_start3A_109 = tpu.memref_slice %arg3[%dma_start3A_107, %dma_start3A_108] : memref<10000x128xi32, #tpu.memory_space<hbm>> -> memref<10000x128xi32, #tpu.memory_space<hbm>>
    tpu.enqueue_indirect_dma source(%dma_start3A_109 : memref<10000x128xi32, #tpu.memory_space<hbm>>) target(%arg13 : memref<40x128xi32, #tpu.memory_space<vmem>>) offsets(%dma_start3A_106 : memref<40xi32, #tpu.memory_space<vmem>>) semaphore(%arg21 : memref<!tpu.dma_semaphore, #tpu.memory_space<semaphore_mem>>)
    %add3A_110 = arith.constant 120 : i32
    %add3A_111 = arith.addi %mul3A_2, %add3A_110 : i32
    %dma_start3A_112 = arith.constant 0 : i32
    %dma_start3A_113 = tpu.memref_slice %arg4[%add3A_111, %dma_start3A_112] : memref<160000x128xi32, #tpu.memory_space<hbm>> -> memref<40x128xi32, #tpu.memory_space<hbm>>
    %dma_start3A_114 = arith.constant 0 : i32
    %dma_start3A_115 = tpu.memref_slice %arg4[%add3A_111, %dma_start3A_114] : memref<160000x128xi32, #tpu.memory_space<hbm>> -> memref<40x128xi32, #tpu.memory_space<hbm>>
    tpu.enqueue_dma source(%dma_start3A_115 : memref<40x128xi32, #tpu.memory_space<hbm>>) target(%arg15 : memref<40x128xi32, #tpu.memory_space<vmem>>) target_semaphore(%arg23 : memref<!tpu.dma_semaphore, #tpu.memory_space<semaphore_mem>>)
    %add3A_116 = arith.constant 40 : i32
    %add3A_117 = arith.addi %mul3A_2, %add3A_116 : i32
    %dma_start3A_118 = arith.constant 0 : i32
    %dma_start3A_119 = tpu.memref_slice %arg7[%add3A_117, %dma_start3A_118] : memref<160000x128xi32, #tpu.memory_space<hbm>> -> memref<40x128xi32, #tpu.memory_space<hbm>>
    %dma_start3A_120 = arith.constant 0 : i32
    %dma_start3A_121 = tpu.memref_slice %arg7[%add3A_117, %dma_start3A_120] : memref<160000x128xi32, #tpu.memory_space<hbm>> -> memref<40x128xi32, #tpu.memory_space<hbm>>
    tpu.enqueue_dma source(%arg17 : memref<40x128xi32, #tpu.memory_space<vmem>>) target(%dma_start3A_121 : memref<40x128xi32, #tpu.memory_space<hbm>>) target_semaphore(%arg25 : memref<!tpu.dma_semaphore, #tpu.memory_space<semaphore_mem>>)
    %scan3A_122 = arith.constant 0 : i32
    %scan3A_123 = arith.constant 61 : i32
    %scan3A_124 = arith.addi %scan3A_122, %scan3A_123 : i32
    %scan3A_125 = arith.constant 1 : i32
    scf.for %scan3A_174 = %scan3A_122 to %scan3A_124 step %scan3A_125  : i32 {
      %mul3A_175 = arith.constant 2 : i32
      %mul3A_176 = arith.muli %scan3A_174, %mul3A_175 : i32
      %add3A_177 = arith.constant 2 : i32
      %add3A_178 = arith.addi %add3A_177, %mul3A_176 : i32
      %dma_wait3A_179 = arith.constant 0 : i32
      %dma_wait3A_180 = arith.constant 0 : i32
      %dma_wait3A_181 = tpu.memref_slice %arg4[%dma_wait3A_179, %dma_wait3A_180] : memref<160000x128xi32, #tpu.memory_space<hbm>> -> memref<40x128xi32, #tpu.memory_space<hbm>>
      %dma_wait3A_182 = arith.constant 0 : i32
      %dma_wait3A_183 = arith.constant 0 : i32
      %dma_wait3A_184 = tpu.memref_slice %arg4[%dma_wait3A_182, %dma_wait3A_183] : memref<160000x128xi32, #tpu.memory_space<hbm>> -> memref<40x128xi32, #tpu.memory_space<hbm>>
      tpu.wait_dma2 semaphore(%arg18 : memref<!tpu.dma_semaphore, #tpu.memory_space<semaphore_mem>>) src(%dma_wait3A_184 : memref<40x128xi32, #tpu.memory_space<hbm>>) dst(%arg10 : memref<40x128xi32, #tpu.memory_space<vmem>>)
      %dma_wait3A_185 = arith.constant 0 : i32
      %dma_wait3A_186 = arith.constant 0 : i32
      %dma_wait3A_187 = tpu.memref_slice %arg4[%dma_wait3A_185, %dma_wait3A_186] : memref<160000x128xi32, #tpu.memory_space<hbm>> -> memref<40x128xi32, #tpu.memory_space<hbm>>
      %dma_wait3A_188 = arith.constant 0 : i32
      %dma_wait3A_189 = arith.constant 0 : i32
      %dma_wait3A_190 = tpu.memref_slice %arg4[%dma_wait3A_188, %dma_wait3A_189] : memref<160000x128xi32, #tpu.memory_space<hbm>> -> memref<40x128xi32, #tpu.memory_space<hbm>>
      tpu.wait_dma2 semaphore(%arg20 : memref<!tpu.dma_semaphore, #tpu.memory_space<semaphore_mem>>) src(%dma_wait3A_190 : memref<40x128xi32, #tpu.memory_space<hbm>>) dst(%arg12 : memref<40x128xi32, #tpu.memory_space<vmem>>)
      %dma_wait3A_191 = arith.constant 0 : i32
      %dma_wait3A_192 = arith.constant 0 : i32
      %dma_wait3A_193 = tpu.memref_slice %arg4[%dma_wait3A_191, %dma_wait3A_192] : memref<160000x128xi32, #tpu.memory_space<hbm>> -> memref<40x128xi32, #tpu.memory_space<hbm>>
      %dma_wait3A_194 = arith.constant 0 : i32
      %dma_wait3A_195 = arith.constant 0 : i32
      %dma_wait3A_196 = tpu.memref_slice %arg4[%dma_wait3A_194, %dma_wait3A_195] : memref<160000x128xi32, #tpu.memory_space<hbm>> -> memref<40x128xi32, #tpu.memory_space<hbm>>
      tpu.wait_dma2 semaphore(%arg22 : memref<!tpu.dma_semaphore, #tpu.memory_space<semaphore_mem>>) src(%dma_wait3A_196 : memref<40x128xi32, #tpu.memory_space<hbm>>) dst(%arg14 : memref<40x128xi32, #tpu.memory_space<vmem>>)
      %dma_wait3A_197 = arith.constant 0 : i32
      %dma_wait3A_198 = arith.constant 0 : i32
      %dma_wait3A_199 = tpu.memref_slice %arg7[%dma_wait3A_197, %dma_wait3A_198] : memref<160000x128xi32, #tpu.memory_space<hbm>> -> memref<40x128xi32, #tpu.memory_space<hbm>>
      %dma_wait3A_200 = arith.constant 0 : i32
      %dma_wait3A_201 = arith.constant 0 : i32
      %dma_wait3A_202 = tpu.memref_slice %arg7[%dma_wait3A_200, %dma_wait3A_201] : memref<160000x128xi32, #tpu.memory_space<hbm>> -> memref<40x128xi32, #tpu.memory_space<hbm>>
      tpu.wait_dma2 semaphore(%arg24 : memref<!tpu.dma_semaphore, #tpu.memory_space<semaphore_mem>>) src(%arg16 : memref<40x128xi32, #tpu.memory_space<vmem>>) dst(%dma_wait3A_202 : memref<40x128xi32, #tpu.memory_space<hbm>>)
      %scan3A_203 = arith.constant 0 : i32
      %scan3A_204 = arith.constant 40 : i32
      %scan3A_205 = arith.addi %scan3A_203, %scan3A_204 : i32
      %scan3A_206 = arith.constant 1 : i32
      scf.for %scan3A_264 = %scan3A_203 to %scan3A_205 step %scan3A_206  : i32 {
        %mul3A_265 = arith.constant 1 : i32
        %mul3A_266 = arith.muli %scan3A_264, %mul3A_265 : i32
        %add3A_267 = arith.constant 0 : i32
        %add3A_268 = arith.addi %add3A_267, %mul3A_266 : i32
        %get3A = arith.index_cast %add3A_268 : i32 to index
        %get3A_269 = arith.constant 0 : index
        %get3A_270 = tpu.vector_load %arg10[%get3A, %get3A_269] {strides = array<i32>} : memref<40x128xi32, #tpu.memory_space<vmem>>, vector<16xi32>,
        %bitcast3A = vector.bitcast %get3A_270 : vector<16xi32> to vector<32xbf16>
        %get3A_271 = arith.index_cast %add3A_268 : i32 to index
        %get3A_272 = arith.constant 0 : index
        %get3A_273 = tpu.vector_load %arg12[%get3A_271, %get3A_272] {strides = array<i32>} : memref<40x128xi32, #tpu.memory_space<vmem>>, vector<16xi32>,
        %bitcast3A_274 = vector.bitcast %get3A_273 : vector<16xi32> to vector<32xbf16>
        %get3A_275 = arith.index_cast %add3A_268 : i32 to index
        %get3A_276 = arith.constant 0 : index
        %get3A_277 = tpu.vector_load %arg14[%get3A_275, %get3A_276] {strides = array<i32>} : memref<40x128xi32, #tpu.memory_space<vmem>>, vector<16xi32>,
        %bitcast3A_278 = vector.bitcast %get3A_277 : vector<16xi32> to vector<32xbf16>
        %add3A_279 = arith.addf %bitcast3A, %bitcast3A_274 : vector<32xbf16>
        %add3A_280 = arith.addf %add3A_279, %bitcast3A_278 : vector<32xbf16>
        %bitcast3A_281 = vector.bitcast %add3A_280 : vector<32xbf16> to vector<16xi32>
        %swap3A = arith.index_cast %add3A_268 : i32 to index
        %swap3A_282 = arith.constant 0 : index
        %swap3A_283 = tpu.vector_load %arg16[%swap3A, %swap3A_282] {strides = array<i32>} : memref<40x128xi32, #tpu.memory_space<vmem>>, vector<16xi32>,
        tpu.vector_store %arg16[%swap3A, %swap3A_282], %bitcast3A_281 {strides = array<i32>} : memref<40x128xi32, #tpu.memory_space<vmem>>, vector<16xi32>,
        %get3A_284 = arith.index_cast %add3A_268 : i32 to index
        %get3A_285 = arith.constant 16 : index
        %get3A_286 = tpu.vector_load %arg10[%get3A_284, %get3A_285] {strides = array<i32>} : memref<40x128xi32, #tpu.memory_space<vmem>>, vector<16xi32>,
        %bitcast3A_287 = vector.bitcast %get3A_286 : vector<16xi32> to vector<32xbf16>
        %get3A_288 = arith.index_cast %add3A_268 : i32 to index
        %get3A_289 = arith.constant 16 : index
        %get3A_290 = tpu.vector_load %arg12[%get3A_288, %get3A_289] {strides = array<i32>} : memref<40x128xi32, #tpu.memory_space<vmem>>, vector<16xi32>,
        %bitcast3A_291 = vector.bitcast %get3A_290 : vector<16xi32> to vector<32xbf16>
        %get3A_292 = arith.index_cast %add3A_268 : i32 to index
        %get3A_293 = arith.constant 16 : index
        %get3A_294 = tpu.vector_load %arg14[%get3A_292, %get3A_293] {strides = array<i32>} : memref<40x128xi32, #tpu.memory_space<vmem>>, vector<16xi32>,
        %bitcast3A_295 = vector.bitcast %get3A_294 : vector<16xi32> to vector<32xbf16>
        %add3A_296 = arith.addf %bitcast3A_287, %bitcast3A_291 : vector<32xbf16>
        %add3A_297 = arith.addf %add3A_296, %bitcast3A_295 : vector<32xbf16>
        %bitcast3A_298 = vector.bitcast %add3A_297 : vector<32xbf16> to vector<16xi32>
        %swap3A_299 = arith.index_cast %add3A_268 : i32 to index
        %swap3A_300 = arith.constant 16 : index
        %swap3A_301 = tpu.vector_load %arg16[%swap3A_299, %swap3A_300] {strides = array<i32>} : memref<40x128xi32, #tpu.memory_space<vmem>>, vector<16xi32>,
        tpu.vector_store %arg16[%swap3A_299, %swap3A_300], %bitcast3A_298 {strides = array<i32>} : memref<40x128xi32, #tpu.memory_space<vmem>>, vector<16xi32>,
        %get3A_302 = arith.index_cast %add3A_268 : i32 to index
        %get3A_303 = arith.constant 32 : index
        %get3A_304 = tpu.vector_load %arg10[%get3A_302, %get3A_303] {strides = array<i32>} : memref<40x128xi32, #tpu.memory_space<vmem>>, vector<16xi32>,
        %bitcast3A_305 = vector.bitcast %get3A_304 : vector<16xi32> to vector<32xbf16>
        %get3A_306 = arith.index_cast %add3A_268 : i32 to index
        %get3A_307 = arith.constant 32 : index
        %get3A_308 = tpu.vector_load %arg12[%get3A_306, %get3A_307] {strides = array<i32>} : memref<40x128xi32, #tpu.memory_space<vmem>>, vector<16xi32>,
        %bitcast3A_309 = vector.bitcast %get3A_308 : vector<16xi32> to vector<32xbf16>
        %get3A_310 = arith.index_cast %add3A_268 : i32 to index
        %get3A_311 = arith.constant 32 : index
        %get3A_312 = tpu.vector_load %arg14[%get3A_310, %get3A_311] {strides = array<i32>} : memref<40x128xi32, #tpu.memory_space<vmem>>, vector<16xi32>,
        %bitcast3A_313 = vector.bitcast %get3A_312 : vector<16xi32> to vector<32xbf16>
        %add3A_314 = arith.addf %bitcast3A_305, %bitcast3A_309 : vector<32xbf16>
        %add3A_315 = arith.addf %add3A_314, %bitcast3A_313 : vector<32xbf16>
        %bitcast3A_316 = vector.bitcast %add3A_315 : vector<32xbf16> to vector<16xi32>
        %swap3A_317 = arith.index_cast %add3A_268 : i32 to index
        %swap3A_318 = arith.constant 32 : index
        %swap3A_319 = tpu.vector_load %arg16[%swap3A_317, %swap3A_318] {strides = array<i32>} : memref<40x128xi32, #tpu.memory_space<vmem>>, vector<16xi32>,
        tpu.vector_store %arg16[%swap3A_317, %swap3A_318], %bitcast3A_316 {strides = array<i32>} : memref<40x128xi32, #tpu.memory_space<vmem>>, vector<16xi32>,
        %get3A_320 = arith.index_cast %add3A_268 : i32 to index
        %get3A_321 = arith.constant 48 : index
        %get3A_322 = tpu.vector_load %arg10[%get3A_320, %get3A_321] {strides = array<i32>} : memref<40x128xi32, #tpu.memory_space<vmem>>, vector<16xi32>,
        %bitcast3A_323 = vector.bitcast %get3A_322 : vector<16xi32> to vector<32xbf16>
        %get3A_324 = arith.index_cast %add3A_268 : i32 to index
        %get3A_325 = arith.constant 48 : index
        %get3A_326 = tpu.vector_load %arg12[%get3A_324, %get3A_325] {strides = array<i32>} : memref<40x128xi32, #tpu.memory_space<vmem>>, vector<16xi32>,
        %bitcast3A_327 = vector.bitcast %get3A_326 : vector<16xi32> to vector<32xbf16>
        %get3A_328 = arith.index_cast %add3A_268 : i32 to index
        %get3A_329 = arith.constant 48 : index
        %get3A_330 = tpu.vector_load %arg14[%get3A_328, %get3A_329] {strides = array<i32>} : memref<40x128xi32, #tpu.memory_space<vmem>>, vector<16xi32>,
        %bitcast3A_331 = vector.bitcast %get3A_330 : vector<16xi32> to vector<32xbf16>
        %add3A_332 = arith.addf %bitcast3A_323, %bitcast3A_327 : vector<32xbf16>
        %add3A_333 = arith.addf %add3A_332, %bitcast3A_331 : vector<32xbf16>
        %bitcast3A_334 = vector.bitcast %add3A_333 : vector<32xbf16> to vector<16xi32>
        %swap3A_335 = arith.index_cast %add3A_268 : i32 to index
        %swap3A_336 = arith.constant 48 : index
        %swap3A_337 = tpu.vector_load %arg16[%swap3A_335, %swap3A_336] {strides = array<i32>} : memref<40x128xi32, #tpu.memory_space<vmem>>, vector<16xi32>,
        tpu.vector_store %arg16[%swap3A_335, %swap3A_336], %bitcast3A_334 {strides = array<i32>} : memref<40x128xi32, #tpu.memory_space<vmem>>, vector<16xi32>,
        %get3A_338 = arith.index_cast %add3A_268 : i32 to index
        %get3A_339 = arith.constant 64 : index
        %get3A_340 = tpu.vector_load %arg10[%get3A_338, %get3A_339] {strides = array<i32>} : memref<40x128xi32, #tpu.memory_space<vmem>>, vector<16xi32>,
        %bitcast3A_341 = vector.bitcast %get3A_340 : vector<16xi32> to vector<32xbf16>
        %get3A_342 = arith.index_cast %add3A_268 : i32 to index
        %get3A_343 = arith.constant 64 : index
        %get3A_344 = tpu.vector_load %arg12[%get3A_342, %get3A_343] {strides = array<i32>} : memref<40x128xi32, #tpu.memory_space<vmem>>, vector<16xi32>,
        %bitcast3A_345 = vector.bitcast %get3A_344 : vector<16xi32> to vector<32xbf16>
        %get3A_346 = arith.index_cast %add3A_268 : i32 to index
        %get3A_347 = arith.constant 64 : index
        %get3A_348 = tpu.vector_load %arg14[%get3A_346, %get3A_347] {strides = array<i32>} : memref<40x128xi32, #tpu.memory_space<vmem>>, vector<16xi32>,
        %bitcast3A_349 = vector.bitcast %get3A_348 : vector<16xi32> to vector<32xbf16>
        %add3A_350 = arith.addf %bitcast3A_341, %bitcast3A_345 : vector<32xbf16>
        %add3A_351 = arith.addf %add3A_350, %bitcast3A_349 : vector<32xbf16>
        %bitcast3A_352 = vector.bitcast %add3A_351 : vector<32xbf16> to vector<16xi32>
        %swap3A_353 = arith.index_cast %add3A_268 : i32 to index
        %swap3A_354 = arith.constant 64 : index
        %swap3A_355 = tpu.vector_load %arg16[%swap3A_353, %swap3A_354] {strides = array<i32>} : memref<40x128xi32, #tpu.memory_space<vmem>>, vector<16xi32>,
        tpu.vector_store %arg16[%swap3A_353, %swap3A_354], %bitcast3A_352 {strides = array<i32>} : memref<40x128xi32, #tpu.memory_space<vmem>>, vector<16xi32>,
        %get3A_356 = arith.index_cast %add3A_268 : i32 to index
        %get3A_357 = arith.constant 80 : index
        %get3A_358 = tpu.vector_load %arg10[%get3A_356, %get3A_357] {strides = array<i32>} : memref<40x128xi32, #tpu.memory_space<vmem>>, vector<16xi32>,
        %bitcast3A_359 = vector.bitcast %get3A_358 : vector<16xi32> to vector<32xbf16>
        %get3A_360 = arith.index_cast %add3A_268 : i32 to index
        %get3A_361 = arith.constant 80 : index
        %get3A_362 = tpu.vector_load %arg12[%get3A_360, %get3A_361] {strides = array<i32>} : memref<40x128xi32, #tpu.memory_space<vmem>>, vector<16xi32>,
        %bitcast3A_363 = vector.bitcast %get3A_362 : vector<16xi32> to vector<32xbf16>
        %get3A_364 = arith.index_cast %add3A_268 : i32 to index
        %get3A_365 = arith.constant 80 : index
        %get3A_366 = tpu.vector_load %arg14[%get3A_364, %get3A_365] {strides = array<i32>} : memref<40x128xi32, #tpu.memory_space<vmem>>, vector<16xi32>,
        %bitcast3A_367 = vector.bitcast %get3A_366 : vector<16xi32> to vector<32xbf16>
        %add3A_368 = arith.addf %bitcast3A_359, %bitcast3A_363 : vector<32xbf16>
        %add3A_369 = arith.addf %add3A_368, %bitcast3A_367 : vector<32xbf16>
        %bitcast3A_370 = vector.bitcast %add3A_369 : vector<32xbf16> to vector<16xi32>
        %swap3A_371 = arith.index_cast %add3A_268 : i32 to index
        %swap3A_372 = arith.constant 80 : index
        %swap3A_373 = tpu.vector_load %arg16[%swap3A_371, %swap3A_372] {strides = array<i32>} : memref<40x128xi32, #tpu.memory_space<vmem>>, vector<16xi32>,
        tpu.vector_store %arg16[%swap3A_371, %swap3A_372], %bitcast3A_370 {strides = array<i32>} : memref<40x128xi32, #tpu.memory_space<vmem>>, vector<16xi32>,
        %get3A_374 = arith.index_cast %add3A_268 : i32 to index
        %get3A_375 = arith.constant 96 : index
        %get3A_376 = tpu.vector_load %arg10[%get3A_374, %get3A_375] {strides = array<i32>} : memref<40x128xi32, #tpu.memory_space<vmem>>, vector<16xi32>,
        %bitcast3A_377 = vector.bitcast %get3A_376 : vector<16xi32> to vector<32xbf16>
        %get3A_378 = arith.index_cast %add3A_268 : i32 to index
        %get3A_379 = arith.constant 96 : index
        %get3A_380 = tpu.vector_load %arg12[%get3A_378, %get3A_379] {strides = array<i32>} : memref<40x128xi32, #tpu.memory_space<vmem>>, vector<16xi32>,
        %bitcast3A_381 = vector.bitcast %get3A_380 : vector<16xi32> to vector<32xbf16>
        %get3A_382 = arith.index_cast %add3A_268 : i32 to index
        %get3A_383 = arith.constant 96 : index
        %get3A_384 = tpu.vector_load %arg14[%get3A_382, %get3A_383] {strides = array<i32>} : memref<40x128xi32, #tpu.memory_space<vmem>>, vector<16xi32>,
        %bitcast3A_385 = vector.bitcast %get3A_384 : vector<16xi32> to vector<32xbf16>
        %add3A_386 = arith.addf %bitcast3A_377, %bitcast3A_381 : vector<32xbf16>
        %add3A_387 = arith.addf %add3A_386, %bitcast3A_385 : vector<32xbf16>
        %bitcast3A_388 = vector.bitcast %add3A_387 : vector<32xbf16> to vector<16xi32>
        %swap3A_389 = arith.index_cast %add3A_268 : i32 to index
        %swap3A_390 = arith.constant 96 : index
        %swap3A_391 = tpu.vector_load %arg16[%swap3A_389, %swap3A_390] {strides = array<i32>} : memref<40x128xi32, #tpu.memory_space<vmem>>, vector<16xi32>,
        tpu.vector_store %arg16[%swap3A_389, %swap3A_390], %bitcast3A_388 {strides = array<i32>} : memref<40x128xi32, #tpu.memory_space<vmem>>, vector<16xi32>,
        %get3A_392 = arith.index_cast %add3A_268 : i32 to index
        %get3A_393 = arith.constant 112 : index
        %get3A_394 = tpu.vector_load %arg10[%get3A_392, %get3A_393] {strides = array<i32>} : memref<40x128xi32, #tpu.memory_space<vmem>>, vector<16xi32>,
        %bitcast3A_395 = vector.bitcast %get3A_394 : vector<16xi32> to vector<32xbf16>
        %get3A_396 = arith.index_cast %add3A_268 : i32 to index
        %get3A_397 = arith.constant 112 : index
        %get3A_398 = tpu.vector_load %arg12[%get3A_396, %get3A_397] {strides = array<i32>} : memref<40x128xi32, #tpu.memory_space<vmem>>, vector<16xi32>,
        %bitcast3A_399 = vector.bitcast %get3A_398 : vector<16xi32> to vector<32xbf16>
        %get3A_400 = arith.index_cast %add3A_268 : i32 to index
        %get3A_401 = arith.constant 112 : index
        %get3A_402 = tpu.vector_load %arg14[%get3A_400, %get3A_401] {strides = array<i32>} : memref<40x128xi32, #tpu.memory_space<vmem>>, vector<16xi32>,
        %bitcast3A_403 = vector.bitcast %get3A_402 : vector<16xi32> to vector<32xbf16>
        %add3A_404 = arith.addf %bitcast3A_395, %bitcast3A_399 : vector<32xbf16>
        %add3A_405 = arith.addf %add3A_404, %bitcast3A_403 : vector<32xbf16>
        %bitcast3A_406 = vector.bitcast %add3A_405 : vector<32xbf16> to vector<16xi32>
        %swap3A_407 = arith.index_cast %add3A_268 : i32 to index
        %swap3A_408 = arith.constant 112 : index
        %swap3A_409 = tpu.vector_load %arg16[%swap3A_407, %swap3A_408] {strides = array<i32>} : memref<40x128xi32, #tpu.memory_space<vmem>>, vector<16xi32>,
        tpu.vector_store %arg16[%swap3A_407, %swap3A_408], %bitcast3A_406 {strides = array<i32>} : memref<40x128xi32, #tpu.memory_space<vmem>>, vector<16xi32>,
      }
      %scan3A_207 = arith.constant 40 : i32
      %add3A_208 = arith.constant 2 : i32
      %add3A_209 = arith.addi %add3A_178, %add3A_208 : i32
      %lt3A = arith.constant 125 : i32
      %lt3A_210 = arith.cmpi slt, %add3A_209, %lt3A : i32
      %convert_element_type3A = arith.extui %lt3A_210 : i1 to i32
      %cond3A = arith.constant 0 : i32
      %cond3A_211 = arith.cmpi ne, %convert_element_type3A, %cond3A : i32
      scf.if %cond3A_211 {
        %add3A_264 = arith.constant 2 : i32
        %add3A_265 = arith.addi %add3A_178, %add3A_264 : i32
        %mul3A_266 = arith.constant 40 : i32
        %mul3A_267 = arith.muli %add3A_265, %mul3A_266 : i32
        %dma_start3A_268 = tpu.memref_slice %arg8[%mul3A_267] : memref<5000xi32, #tpu.memory_space<vmem>> -> memref<40xi32, #tpu.memory_space<vmem>>
        %dma_start3A_269 = arith.constant 0 : i32
        %dma_start3A_270 = arith.constant 0 : i32
        %dma_start3A_271 = tpu.memref_slice %arg2[%dma_start3A_269, %dma_start3A_270] : memref<10000x128xi32, #tpu.memory_space<hbm>> -> memref<10000x128xi32, #tpu.memory_space<hbm>>
        tpu.enqueue_indirect_dma source(%dma_start3A_271 : memref<10000x128xi32, #tpu.memory_space<hbm>>) target(%arg10 : memref<40x128xi32, #tpu.memory_space<vmem>>) offsets(%dma_start3A_268 : memref<40xi32, #tpu.memory_space<vmem>>) semaphore(%arg18 : memref<!tpu.dma_semaphore, #tpu.memory_space<semaphore_mem>>)
        %dma_start3A_272 = tpu.memref_slice %arg9[%mul3A_267] : memref<5000xi32, #tpu.memory_space<vmem>> -> memref<40xi32, #tpu.memory_space<vmem>>
        %dma_start3A_273 = arith.constant 0 : i32
        %dma_start3A_274 = arith.constant 0 : i32
        %dma_start3A_275 = tpu.memref_slice %arg3[%dma_start3A_273, %dma_start3A_274] : memref<10000x128xi32, #tpu.memory_space<hbm>> -> memref<10000x128xi32, #tpu.memory_space<hbm>>
        tpu.enqueue_indirect_dma source(%dma_start3A_275 : memref<10000x128xi32, #tpu.memory_space<hbm>>) target(%arg12 : memref<40x128xi32, #tpu.memory_space<vmem>>) offsets(%dma_start3A_272 : memref<40xi32, #tpu.memory_space<vmem>>) semaphore(%arg20 : memref<!tpu.dma_semaphore, #tpu.memory_space<semaphore_mem>>)
        %add3A_276 = arith.addi %mul3A_2, %mul3A_267 : i32
        %dma_start3A_277 = arith.constant 0 : i32
        %dma_start3A_278 = tpu.memref_slice %arg4[%add3A_276, %dma_start3A_277] : memref<160000x128xi32, #tpu.memory_space<hbm>> -> memref<40x128xi32, #tpu.memory_space<hbm>>
        %dma_start3A_279 = arith.constant 0 : i32
        %dma_start3A_280 = tpu.memref_slice %arg4[%add3A_276, %dma_start3A_279] : memref<160000x128xi32, #tpu.memory_space<hbm>> -> memref<40x128xi32, #tpu.memory_space<hbm>>
        tpu.enqueue_dma source(%dma_start3A_280 : memref<40x128xi32, #tpu.memory_space<hbm>>) target(%arg14 : memref<40x128xi32, #tpu.memory_space<vmem>>) target_semaphore(%arg22 : memref<!tpu.dma_semaphore, #tpu.memory_space<semaphore_mem>>)
      } else {
      }
      %mul3A_212 = arith.constant 40 : i32
      %mul3A_213 = arith.muli %add3A_178, %mul3A_212 : i32
      %add3A_214 = arith.addi %mul3A_2, %mul3A_213 : i32
      %dma_start3A_215 = arith.constant 0 : i32
      %dma_start3A_216 = tpu.memref_slice %arg7[%add3A_214, %dma_start3A_215] : memref<160000x128xi32, #tpu.memory_space<hbm>> -> memref<40x128xi32, #tpu.memory_space<hbm>>
      %dma_start3A_217 = arith.constant 0 : i32
      %dma_start3A_218 = tpu.memref_slice %arg7[%add3A_214, %dma_start3A_217] : memref<160000x128xi32, #tpu.memory_space<hbm>> -> memref<40x128xi32, #tpu.memory_space<hbm>>
      tpu.enqueue_dma source(%arg16 : memref<40x128xi32, #tpu.memory_space<vmem>>) target(%dma_start3A_218 : memref<40x128xi32, #tpu.memory_space<hbm>>) target_semaphore(%arg24 : memref<!tpu.dma_semaphore, #tpu.memory_space<semaphore_mem>>)
      %add3A_219 = arith.constant 1 : i32
      %add3A_220 = arith.addi %add3A_178, %add3A_219 : i32
      %dma_wait3A_221 = arith.constant 0 : i32
      %dma_wait3A_222 = arith.constant 0 : i32
      %dma_wait3A_223 = tpu.memref_slice %arg4[%dma_wait3A_221, %dma_wait3A_222] : memref<160000x128xi32, #tpu.memory_space<hbm>> -> memref<40x128xi32, #tpu.memory_space<hbm>>
      %dma_wait3A_224 = arith.constant 0 : i32
      %dma_wait3A_225 = arith.constant 0 : i32
      %dma_wait3A_226 = tpu.memref_slice %arg4[%dma_wait3A_224, %dma_wait3A_225] : memref<160000x128xi32, #tpu.memory_space<hbm>> -> memref<40x128xi32, #tpu.memory_space<hbm>>
      tpu.wait_dma2 semaphore(%arg19 : memref<!tpu.dma_semaphore, #tpu.memory_space<semaphore_mem>>) src(%dma_wait3A_226 : memref<40x128xi32, #tpu.memory_space<hbm>>) dst(%arg11 : memref<40x128xi32, #tpu.memory_space<vmem>>)
      %dma_wait3A_227 = arith.constant 0 : i32
      %dma_wait3A_228 = arith.constant 0 : i32
      %dma_wait3A_229 = tpu.memref_slice %arg4[%dma_wait3A_227, %dma_wait3A_228] : memref<160000x128xi32, #tpu.memory_space<hbm>> -> memref<40x128xi32, #tpu.memory_space<hbm>>
      %dma_wait3A_230 = arith.constant 0 : i32
      %dma_wait3A_231 = arith.constant 0 : i32
      %dma_wait3A_232 = tpu.memref_slice %arg4[%dma_wait3A_230, %dma_wait3A_231] : memref<160000x128xi32, #tpu.memory_space<hbm>> -> memref<40x128xi32, #tpu.memory_space<hbm>>
      tpu.wait_dma2 semaphore(%arg21 : memref<!tpu.dma_semaphore, #tpu.memory_space<semaphore_mem>>) src(%dma_wait3A_232 : memref<40x128xi32, #tpu.memory_space<hbm>>) dst(%arg13 : memref<40x128xi32, #tpu.memory_space<vmem>>)
      %dma_wait3A_233 = arith.constant 0 : i32
      %dma_wait3A_234 = arith.constant 0 : i32
      %dma_wait3A_235 = tpu.memref_slice %arg4[%dma_wait3A_233, %dma_wait3A_234] : memref<160000x128xi32, #tpu.memory_space<hbm>> -> memref<40x128xi32, #tpu.memory_space<hbm>>
      %dma_wait3A_236 = arith.constant 0 : i32
      %dma_wait3A_237 = arith.constant 0 : i32
      %dma_wait3A_238 = tpu.memref_slice %arg4[%dma_wait3A_236, %dma_wait3A_237] : memref<160000x128xi32, #tpu.memory_space<hbm>> -> memref<40x128xi32, #tpu.memory_space<hbm>>
      tpu.wait_dma2 semaphore(%arg23 : memref<!tpu.dma_semaphore, #tpu.memory_space<semaphore_mem>>) src(%dma_wait3A_238 : memref<40x128xi32, #tpu.memory_space<hbm>>) dst(%arg15 : memref<40x128xi32, #tpu.memory_space<vmem>>)
      %dma_wait3A_239 = arith.constant 0 : i32
      %dma_wait3A_240 = arith.constant 0 : i32
      %dma_wait3A_241 = tpu.memref_slice %arg7[%dma_wait3A_239, %dma_wait3A_240] : memref<160000x128xi32, #tpu.memory_space<hbm>> -> memref<40x128xi32, #tpu.memory_space<hbm>>
      %dma_wait3A_242 = arith.constant 0 : i32
      %dma_wait3A_243 = arith.constant 0 : i32
      %dma_wait3A_244 = tpu.memref_slice %arg7[%dma_wait3A_242, %dma_wait3A_243] : memref<160000x128xi32, #tpu.memory_space<hbm>> -> memref<40x128xi32, #tpu.memory_space<hbm>>
      tpu.wait_dma2 semaphore(%arg25 : memref<!tpu.dma_semaphore, #tpu.memory_space<semaphore_mem>>) src(%arg17 : memref<40x128xi32, #tpu.memory_space<vmem>>) dst(%dma_wait3A_244 : memref<40x128xi32, #tpu.memory_space<hbm>>)
      %scan3A_245 = arith.constant 0 : i32
      %scan3A_246 = arith.constant 40 : i32
      %scan3A_247 = arith.addi %scan3A_245, %scan3A_246 : i32
      %scan3A_248 = arith.constant 1 : i32
      scf.for %scan3A_264 = %scan3A_245 to %scan3A_247 step %scan3A_248  : i32 {
        %mul3A_265 = arith.constant 1 : i32
        %mul3A_266 = arith.muli %scan3A_264, %mul3A_265 : i32
        %add3A_267 = arith.constant 0 : i32
        %add3A_268 = arith.addi %add3A_267, %mul3A_266 : i32
        %get3A = arith.index_cast %add3A_268 : i32 to index
        %get3A_269 = arith.constant 0 : index
        %get3A_270 = tpu.vector_load %arg11[%get3A, %get3A_269] {strides = array<i32>} : memref<40x128xi32, #tpu.memory_space<vmem>>, vector<16xi32>,
        %bitcast3A = vector.bitcast %get3A_270 : vector<16xi32> to vector<32xbf16>
        %get3A_271 = arith.index_cast %add3A_268 : i32 to index
        %get3A_272 = arith.constant 0 : index
        %get3A_273 = tpu.vector_load %arg13[%get3A_271, %get3A_272] {strides = array<i32>} : memref<40x128xi32, #tpu.memory_space<vmem>>, vector<16xi32>,
        %bitcast3A_274 = vector.bitcast %get3A_273 : vector<16xi32> to vector<32xbf16>
        %get3A_275 = arith.index_cast %add3A_268 : i32 to index
        %get3A_276 = arith.constant 0 : index
        %get3A_277 = tpu.vector_load %arg15[%get3A_275, %get3A_276] {strides = array<i32>} : memref<40x128xi32, #tpu.memory_space<vmem>>, vector<16xi32>,
        %bitcast3A_278 = vector.bitcast %get3A_277 : vector<16xi32> to vector<32xbf16>
        %add3A_279 = arith.addf %bitcast3A, %bitcast3A_274 : vector<32xbf16>
        %add3A_280 = arith.addf %add3A_279, %bitcast3A_278 : vector<32xbf16>
        %bitcast3A_281 = vector.bitcast %add3A_280 : vector<32xbf16> to vector<16xi32>
        %swap3A = arith.index_cast %add3A_268 : i32 to index
        %swap3A_282 = arith.constant 0 : index
        %swap3A_283 = tpu.vector_load %arg17[%swap3A, %swap3A_282] {strides = array<i32>} : memref<40x128xi32, #tpu.memory_space<vmem>>, vector<16xi32>,
        tpu.vector_store %arg17[%swap3A, %swap3A_282], %bitcast3A_281 {strides = array<i32>} : memref<40x128xi32, #tpu.memory_space<vmem>>, vector<16xi32>,
        %get3A_284 = arith.index_cast %add3A_268 : i32 to index
        %get3A_285 = arith.constant 16 : index
        %get3A_286 = tpu.vector_load %arg11[%get3A_284, %get3A_285] {strides = array<i32>} : memref<40x128xi32, #tpu.memory_space<vmem>>, vector<16xi32>,
        %bitcast3A_287 = vector.bitcast %get3A_286 : vector<16xi32> to vector<32xbf16>
        %get3A_288 = arith.index_cast %add3A_268 : i32 to index
        %get3A_289 = arith.constant 16 : index
        %get3A_290 = tpu.vector_load %arg13[%get3A_288, %get3A_289] {strides = array<i32>} : memref<40x128xi32, #tpu.memory_space<vmem>>, vector<16xi32>,
        %bitcast3A_291 = vector.bitcast %get3A_290 : vector<16xi32> to vector<32xbf16>
        %get3A_292 = arith.index_cast %add3A_268 : i32 to index
        %get3A_293 = arith.constant 16 : index
        %get3A_294 = tpu.vector_load %arg15[%get3A_292, %get3A_293] {strides = array<i32>} : memref<40x128xi32, #tpu.memory_space<vmem>>, vector<16xi32>,
        %bitcast3A_295 = vector.bitcast %get3A_294 : vector<16xi32> to vector<32xbf16>
        %add3A_296 = arith.addf %bitcast3A_287, %bitcast3A_291 : vector<32xbf16>
        %add3A_297 = arith.addf %add3A_296, %bitcast3A_295 : vector<32xbf16>
        %bitcast3A_298 = vector.bitcast %add3A_297 : vector<32xbf16> to vector<16xi32>
        %swap3A_299 = arith.index_cast %add3A_268 : i32 to index
        %swap3A_300 = arith.constant 16 : index
        %swap3A_301 = tpu.vector_load %arg17[%swap3A_299, %swap3A_300] {strides = array<i32>} : memref<40x128xi32, #tpu.memory_space<vmem>>, vector<16xi32>,
        tpu.vector_store %arg17[%swap3A_299, %swap3A_300], %bitcast3A_298 {strides = array<i32>} : memref<40x128xi32, #tpu.memory_space<vmem>>, vector<16xi32>,
        %get3A_302 = arith.index_cast %add3A_268 : i32 to index
        %get3A_303 = arith.constant 32 : index
        %get3A_304 = tpu.vector_load %arg11[%get3A_302, %get3A_303] {strides = array<i32>} : memref<40x128xi32, #tpu.memory_space<vmem>>, vector<16xi32>,
        %bitcast3A_305 = vector.bitcast %get3A_304 : vector<16xi32> to vector<32xbf16>
        %get3A_306 = arith.index_cast %add3A_268 : i32 to index
        %get3A_307 = arith.constant 32 : index
        %get3A_308 = tpu.vector_load %arg13[%get3A_306, %get3A_307] {strides = array<i32>} : memref<40x128xi32, #tpu.memory_space<vmem>>, vector<16xi32>,
        %bitcast3A_309 = vector.bitcast %get3A_308 : vector<16xi32> to vector<32xbf16>
        %get3A_310 = arith.index_cast %add3A_268 : i32 to index
        %get3A_311 = arith.constant 32 : index
        %get3A_312 = tpu.vector_load %arg15[%get3A_310, %get3A_311] {strides = array<i32>} : memref<40x128xi32, #tpu.memory_space<vmem>>, vector<16xi32>,
        %bitcast3A_313 = vector.bitcast %get3A_312 : vector<16xi32> to vector<32xbf16>
        %add3A_314 = arith.addf %bitcast3A_305, %bitcast3A_309 : vector<32xbf16>
        %add3A_315 = arith.addf %add3A_314, %bitcast3A_313 : vector<32xbf16>
        %bitcast3A_316 = vector.bitcast %add3A_315 : vector<32xbf16> to vector<16xi32>
        %swap3A_317 = arith.index_cast %add3A_268 : i32 to index
        %swap3A_318 = arith.constant 32 : index
        %swap3A_319 = tpu.vector_load %arg17[%swap3A_317, %swap3A_318] {strides = array<i32>} : memref<40x128xi32, #tpu.memory_space<vmem>>, vector<16xi32>,
        tpu.vector_store %arg17[%swap3A_317, %swap3A_318], %bitcast3A_316 {strides = array<i32>} : memref<40x128xi32, #tpu.memory_space<vmem>>, vector<16xi32>,
        %get3A_320 = arith.index_cast %add3A_268 : i32 to index
        %get3A_321 = arith.constant 48 : index
        %get3A_322 = tpu.vector_load %arg11[%get3A_320, %get3A_321] {strides = array<i32>} : memref<40x128xi32, #tpu.memory_space<vmem>>, vector<16xi32>,
        %bitcast3A_323 = vector.bitcast %get3A_322 : vector<16xi32> to vector<32xbf16>
        %get3A_324 = arith.index_cast %add3A_268 : i32 to index
        %get3A_325 = arith.constant 48 : index
        %get3A_326 = tpu.vector_load %arg13[%get3A_324, %get3A_325] {strides = array<i32>} : memref<40x128xi32, #tpu.memory_space<vmem>>, vector<16xi32>,
        %bitcast3A_327 = vector.bitcast %get3A_326 : vector<16xi32> to vector<32xbf16>
        %get3A_328 = arith.index_cast %add3A_268 : i32 to index
        %get3A_329 = arith.constant 48 : index
        %get3A_330 = tpu.vector_load %arg15[%get3A_328, %get3A_329] {strides = array<i32>} : memref<40x128xi32, #tpu.memory_space<vmem>>, vector<16xi32>,
        %bitcast3A_331 = vector.bitcast %get3A_330 : vector<16xi32> to vector<32xbf16>
        %add3A_332 = arith.addf %bitcast3A_323, %bitcast3A_327 : vector<32xbf16>
        %add3A_333 = arith.addf %add3A_332, %bitcast3A_331 : vector<32xbf16>
        %bitcast3A_334 = vector.bitcast %add3A_333 : vector<32xbf16> to vector<16xi32>
        %swap3A_335 = arith.index_cast %add3A_268 : i32 to index
        %swap3A_336 = arith.constant 48 : index
        %swap3A_337 = tpu.vector_load %arg17[%swap3A_335, %swap3A_336] {strides = array<i32>} : memref<40x128xi32, #tpu.memory_space<vmem>>, vector<16xi32>,
        tpu.vector_store %arg17[%swap3A_335, %swap3A_336], %bitcast3A_334 {strides = array<i32>} : memref<40x128xi32, #tpu.memory_space<vmem>>, vector<16xi32>,
        %get3A_338 = arith.index_cast %add3A_268 : i32 to index
        %get3A_339 = arith.constant 64 : index
        %get3A_340 = tpu.vector_load %arg11[%get3A_338, %get3A_339] {strides = array<i32>} : memref<40x128xi32, #tpu.memory_space<vmem>>, vector<16xi32>,
        %bitcast3A_341 = vector.bitcast %get3A_340 : vector<16xi32> to vector<32xbf16>
        %get3A_342 = arith.index_cast %add3A_268 : i32 to index
        %get3A_343 = arith.constant 64 : index
        %get3A_344 = tpu.vector_load %arg13[%get3A_342, %get3A_343] {strides = array<i32>} : memref<40x128xi32, #tpu.memory_space<vmem>>, vector<16xi32>,
        %bitcast3A_345 = vector.bitcast %get3A_344 : vector<16xi32> to vector<32xbf16>
        %get3A_346 = arith.index_cast %add3A_268 : i32 to index
        %get3A_347 = arith.constant 64 : index
        %get3A_348 = tpu.vector_load %arg15[%get3A_346, %get3A_347] {strides = array<i32>} : memref<40x128xi32, #tpu.memory_space<vmem>>, vector<16xi32>,
        %bitcast3A_349 = vector.bitcast %get3A_348 : vector<16xi32> to vector<32xbf16>
        %add3A_350 = arith.addf %bitcast3A_341, %bitcast3A_345 : vector<32xbf16>
        %add3A_351 = arith.addf %add3A_350, %bitcast3A_349 : vector<32xbf16>
        %bitcast3A_352 = vector.bitcast %add3A_351 : vector<32xbf16> to vector<16xi32>
        %swap3A_353 = arith.index_cast %add3A_268 : i32 to index
        %swap3A_354 = arith.constant 64 : index
        %swap3A_355 = tpu.vector_load %arg17[%swap3A_353, %swap3A_354] {strides = array<i32>} : memref<40x128xi32, #tpu.memory_space<vmem>>, vector<16xi32>,
        tpu.vector_store %arg17[%swap3A_353, %swap3A_354], %bitcast3A_352 {strides = array<i32>} : memref<40x128xi32, #tpu.memory_space<vmem>>, vector<16xi32>,
        %get3A_356 = arith.index_cast %add3A_268 : i32 to index
        %get3A_357 = arith.constant 80 : index
        %get3A_358 = tpu.vector_load %arg11[%get3A_356, %get3A_357] {strides = array<i32>} : memref<40x128xi32, #tpu.memory_space<vmem>>, vector<16xi32>,
        %bitcast3A_359 = vector.bitcast %get3A_358 : vector<16xi32> to vector<32xbf16>
        %get3A_360 = arith.index_cast %add3A_268 : i32 to index
        %get3A_361 = arith.constant 80 : index
        %get3A_362 = tpu.vector_load %arg13[%get3A_360, %get3A_361] {strides = array<i32>} : memref<40x128xi32, #tpu.memory_space<vmem>>, vector<16xi32>,
        %bitcast3A_363 = vector.bitcast %get3A_362 : vector<16xi32> to vector<32xbf16>
        %get3A_364 = arith.index_cast %add3A_268 : i32 to index
        %get3A_365 = arith.constant 80 : index
        %get3A_366 = tpu.vector_load %arg15[%get3A_364, %get3A_365] {strides = array<i32>} : memref<40x128xi32, #tpu.memory_space<vmem>>, vector<16xi32>,
        %bitcast3A_367 = vector.bitcast %get3A_366 : vector<16xi32> to vector<32xbf16>
        %add3A_368 = arith.addf %bitcast3A_359, %bitcast3A_363 : vector<32xbf16>
        %add3A_369 = arith.addf %add3A_368, %bitcast3A_367 : vector<32xbf16>
        %bitcast3A_370 = vector.bitcast %add3A_369 : vector<32xbf16> to vector<16xi32>
        %swap3A_371 = arith.index_cast %add3A_268 : i32 to index
        %swap3A_372 = arith.constant 80 : index
        %swap3A_373 = tpu.vector_load %arg17[%swap3A_371, %swap3A_372] {strides = array<i32>} : memref<40x128xi32, #tpu.memory_space<vmem>>, vector<16xi32>,
        tpu.vector_store %arg17[%swap3A_371, %swap3A_372], %bitcast3A_370 {strides = array<i32>} : memref<40x128xi32, #tpu.memory_space<vmem>>, vector<16xi32>,
        %get3A_374 = arith.index_cast %add3A_268 : i32 to index
        %get3A_375 = arith.constant 96 : index
        %get3A_376 = tpu.vector_load %arg11[%get3A_374, %get3A_375] {strides = array<i32>} : memref<40x128xi32, #tpu.memory_space<vmem>>, vector<16xi32>,
        %bitcast3A_377 = vector.bitcast %get3A_376 : vector<16xi32> to vector<32xbf16>
        %get3A_378 = arith.index_cast %add3A_268 : i32 to index
        %get3A_379 = arith.constant 96 : index
        %get3A_380 = tpu.vector_load %arg13[%get3A_378, %get3A_379] {strides = array<i32>} : memref<40x128xi32, #tpu.memory_space<vmem>>, vector<16xi32>,
        %bitcast3A_381 = vector.bitcast %get3A_380 : vector<16xi32> to vector<32xbf16>
        %get3A_382 = arith.index_cast %add3A_268 : i32 to index
        %get3A_383 = arith.constant 96 : index
        %get3A_384 = tpu.vector_load %arg15[%get3A_382, %get3A_383] {strides = array<i32>} : memref<40x128xi32, #tpu.memory_space<vmem>>, vector<16xi32>,
        %bitcast3A_385 = vector.bitcast %get3A_384 : vector<16xi32> to vector<32xbf16>
        %add3A_386 = arith.addf %bitcast3A_377, %bitcast3A_381 : vector<32xbf16>
        %add3A_387 = arith.addf %add3A_386, %bitcast3A_385 : vector<32xbf16>
        %bitcast3A_388 = vector.bitcast %add3A_387 : vector<32xbf16> to vector<16xi32>
        %swap3A_389 = arith.index_cast %add3A_268 : i32 to index
        %swap3A_390 = arith.constant 96 : index
        %swap3A_391 = tpu.vector_load %arg17[%swap3A_389, %swap3A_390] {strides = array<i32>} : memref<40x128xi32, #tpu.memory_space<vmem>>, vector<16xi32>,
        tpu.vector_store %arg17[%swap3A_389, %swap3A_390], %bitcast3A_388 {strides = array<i32>} : memref<40x128xi32, #tpu.memory_space<vmem>>, vector<16xi32>,
        %get3A_392 = arith.index_cast %add3A_268 : i32 to index
        %get3A_393 = arith.constant 112 : index
        %get3A_394 = tpu.vector_load %arg11[%get3A_392, %get3A_393] {strides = array<i32>} : memref<40x128xi32, #tpu.memory_space<vmem>>, vector<16xi32>,
        %bitcast3A_395 = vector.bitcast %get3A_394 : vector<16xi32> to vector<32xbf16>
        %get3A_396 = arith.index_cast %add3A_268 : i32 to index
        %get3A_397 = arith.constant 112 : index
        %get3A_398 = tpu.vector_load %arg13[%get3A_396, %get3A_397] {strides = array<i32>} : memref<40x128xi32, #tpu.memory_space<vmem>>, vector<16xi32>,
        %bitcast3A_399 = vector.bitcast %get3A_398 : vector<16xi32> to vector<32xbf16>
        %get3A_400 = arith.index_cast %add3A_268 : i32 to index
        %get3A_401 = arith.constant 112 : index
        %get3A_402 = tpu.vector_load %arg15[%get3A_400, %get3A_401] {strides = array<i32>} : memref<40x128xi32, #tpu.memory_space<vmem>>, vector<16xi32>,
        %bitcast3A_403 = vector.bitcast %get3A_402 : vector<16xi32> to vector<32xbf16>
        %add3A_404 = arith.addf %bitcast3A_395, %bitcast3A_399 : vector<32xbf16>
        %add3A_405 = arith.addf %add3A_404, %bitcast3A_403 : vector<32xbf16>
        %bitcast3A_406 = vector.bitcast %add3A_405 : vector<32xbf16> to vector<16xi32>
        %swap3A_407 = arith.index_cast %add3A_268 : i32 to index
        %swap3A_408 = arith.constant 112 : index
        %swap3A_409 = tpu.vector_load %arg17[%swap3A_407, %swap3A_408] {strides = array<i32>} : memref<40x128xi32, #tpu.memory_space<vmem>>, vector<16xi32>,
        tpu.vector_store %arg17[%swap3A_407, %swap3A_408], %bitcast3A_406 {strides = array<i32>} : memref<40x128xi32, #tpu.memory_space<vmem>>, vector<16xi32>,
      }
      %scan3A_249 = arith.constant 40 : i32
      %add3A_250 = arith.constant 2 : i32
      %add3A_251 = arith.addi %add3A_220, %add3A_250 : i32
      %lt3A_252 = arith.constant 125 : i32
      %lt3A_253 = arith.cmpi slt, %add3A_251, %lt3A_252 : i32
      %convert_element_type3A_254 = arith.extui %lt3A_253 : i1 to i32
      %cond3A_255 = arith.constant 0 : i32
      %cond3A_256 = arith.cmpi ne, %convert_element_type3A_254, %cond3A_255 : i32
      scf.if %cond3A_256 {
        %add3A_264 = arith.constant 2 : i32
        %add3A_265 = arith.addi %add3A_220, %add3A_264 : i32
        %mul3A_266 = arith.constant 40 : i32
        %mul3A_267 = arith.muli %add3A_265, %mul3A_266 : i32
        %dma_start3A_268 = tpu.memref_slice %arg8[%mul3A_267] : memref<5000xi32, #tpu.memory_space<vmem>> -> memref<40xi32, #tpu.memory_space<vmem>>
        %dma_start3A_269 = arith.constant 0 : i32
        %dma_start3A_270 = arith.constant 0 : i32
        %dma_start3A_271 = tpu.memref_slice %arg2[%dma_start3A_269, %dma_start3A_270] : memref<10000x128xi32, #tpu.memory_space<hbm>> -> memref<10000x128xi32, #tpu.memory_space<hbm>>
        tpu.enqueue_indirect_dma source(%dma_start3A_271 : memref<10000x128xi32, #tpu.memory_space<hbm>>) target(%arg11 : memref<40x128xi32, #tpu.memory_space<vmem>>) offsets(%dma_start3A_268 : memref<40xi32, #tpu.memory_space<vmem>>) semaphore(%arg19 : memref<!tpu.dma_semaphore, #tpu.memory_space<semaphore_mem>>)
        %dma_start3A_272 = tpu.memref_slice %arg9[%mul3A_267] : memref<5000xi32, #tpu.memory_space<vmem>> -> memref<40xi32, #tpu.memory_space<vmem>>
        %dma_start3A_273 = arith.constant 0 : i32
        %dma_start3A_274 = arith.constant 0 : i32
        %dma_start3A_275 = tpu.memref_slice %arg3[%dma_start3A_273, %dma_start3A_274] : memref<10000x128xi32, #tpu.memory_space<hbm>> -> memref<10000x128xi32, #tpu.memory_space<hbm>>
        tpu.enqueue_indirect_dma source(%dma_start3A_275 : memref<10000x128xi32, #tpu.memory_space<hbm>>) target(%arg13 : memref<40x128xi32, #tpu.memory_space<vmem>>) offsets(%dma_start3A_272 : memref<40xi32, #tpu.memory_space<vmem>>) semaphore(%arg21 : memref<!tpu.dma_semaphore, #tpu.memory_space<semaphore_mem>>)
        %add3A_276 = arith.addi %mul3A_2, %mul3A_267 : i32
        %dma_start3A_277 = arith.constant 0 : i32
        %dma_start3A_278 = tpu.memref_slice %arg4[%add3A_276, %dma_start3A_277] : memref<160000x128xi32, #tpu.memory_space<hbm>> -> memref<40x128xi32, #tpu.memory_space<hbm>>
        %dma_start3A_279 = arith.constant 0 : i32
        %dma_start3A_280 = tpu.memref_slice %arg4[%add3A_276, %dma_start3A_279] : memref<160000x128xi32, #tpu.memory_space<hbm>> -> memref<40x128xi32, #tpu.memory_space<hbm>>
        tpu.enqueue_dma source(%dma_start3A_280 : memref<40x128xi32, #tpu.memory_space<hbm>>) target(%arg15 : memref<40x128xi32, #tpu.memory_space<vmem>>) target_semaphore(%arg23 : memref<!tpu.dma_semaphore, #tpu.memory_space<semaphore_mem>>)
      } else {
      }
      %mul3A_257 = arith.constant 40 : i32
      %mul3A_258 = arith.muli %add3A_220, %mul3A_257 : i32
      %add3A_259 = arith.addi %mul3A_2, %mul3A_258 : i32
      %dma_start3A_260 = arith.constant 0 : i32
      %dma_start3A_261 = tpu.memref_slice %arg7[%add3A_259, %dma_start3A_260] : memref<160000x128xi32, #tpu.memory_space<hbm>> -> memref<40x128xi32, #tpu.memory_space<hbm>>
      %dma_start3A_262 = arith.constant 0 : i32
      %dma_start3A_263 = tpu.memref_slice %arg7[%add3A_259, %dma_start3A_262] : memref<160000x128xi32, #tpu.memory_space<hbm>> -> memref<40x128xi32, #tpu.memory_space<hbm>>
      tpu.enqueue_dma source(%arg17 : memref<40x128xi32, #tpu.memory_space<vmem>>) target(%dma_start3A_263 : memref<40x128xi32, #tpu.memory_space<hbm>>) target_semaphore(%arg25 : memref<!tpu.dma_semaphore, #tpu.memory_space<semaphore_mem>>)
    }
    %scan3A_126 = arith.constant 61 : i32
    %dma_wait3A_127 = arith.constant 0 : i32
    %dma_wait3A_128 = arith.constant 0 : i32
    %dma_wait3A_129 = tpu.memref_slice %arg4[%dma_wait3A_127, %dma_wait3A_128] : memref<160000x128xi32, #tpu.memory_space<hbm>> -> memref<40x128xi32, #tpu.memory_space<hbm>>
    %dma_wait3A_130 = arith.constant 0 : i32
    %dma_wait3A_131 = arith.constant 0 : i32
    %dma_wait3A_132 = tpu.memref_slice %arg4[%dma_wait3A_130, %dma_wait3A_131] : memref<160000x128xi32, #tpu.memory_space<hbm>> -> memref<40x128xi32, #tpu.memory_space<hbm>>
    tpu.wait_dma2 semaphore(%arg18 : memref<!tpu.dma_semaphore, #tpu.memory_space<semaphore_mem>>) src(%dma_wait3A_132 : memref<40x128xi32, #tpu.memory_space<hbm>>) dst(%arg10 : memref<40x128xi32, #tpu.memory_space<vmem>>)
    %dma_wait3A_133 = arith.constant 0 : i32
    %dma_wait3A_134 = arith.constant 0 : i32
    %dma_wait3A_135 = tpu.memref_slice %arg4[%dma_wait3A_133, %dma_wait3A_134] : memref<160000x128xi32, #tpu.memory_space<hbm>> -> memref<40x128xi32, #tpu.memory_space<hbm>>
    %dma_wait3A_136 = arith.constant 0 : i32
    %dma_wait3A_137 = arith.constant 0 : i32
    %dma_wait3A_138 = tpu.memref_slice %arg4[%dma_wait3A_136, %dma_wait3A_137] : memref<160000x128xi32, #tpu.memory_space<hbm>> -> memref<40x128xi32, #tpu.memory_space<hbm>>
    tpu.wait_dma2 semaphore(%arg20 : memref<!tpu.dma_semaphore, #tpu.memory_space<semaphore_mem>>) src(%dma_wait3A_138 : memref<40x128xi32, #tpu.memory_space<hbm>>) dst(%arg12 : memref<40x128xi32, #tpu.memory_space<vmem>>)
    %dma_wait3A_139 = arith.constant 0 : i32
    %dma_wait3A_140 = arith.constant 0 : i32
    %dma_wait3A_141 = tpu.memref_slice %arg4[%dma_wait3A_139, %dma_wait3A_140] : memref<160000x128xi32, #tpu.memory_space<hbm>> -> memref<40x128xi32, #tpu.memory_space<hbm>>
    %dma_wait3A_142 = arith.constant 0 : i32
    %dma_wait3A_143 = arith.constant 0 : i32
    %dma_wait3A_144 = tpu.memref_slice %arg4[%dma_wait3A_142, %dma_wait3A_143] : memref<160000x128xi32, #tpu.memory_space<hbm>> -> memref<40x128xi32, #tpu.memory_space<hbm>>
    tpu.wait_dma2 semaphore(%arg22 : memref<!tpu.dma_semaphore, #tpu.memory_space<semaphore_mem>>) src(%dma_wait3A_144 : memref<40x128xi32, #tpu.memory_space<hbm>>) dst(%arg14 : memref<40x128xi32, #tpu.memory_space<vmem>>)
    %dma_wait3A_145 = arith.constant 0 : i32
    %dma_wait3A_146 = arith.constant 0 : i32
    %dma_wait3A_147 = tpu.memref_slice %arg7[%dma_wait3A_145, %dma_wait3A_146] : memref<160000x128xi32, #tpu.memory_space<hbm>> -> memref<40x128xi32, #tpu.memory_space<hbm>>
    %dma_wait3A_148 = arith.constant 0 : i32
    %dma_wait3A_149 = arith.constant 0 : i32
    %dma_wait3A_150 = tpu.memref_slice %arg7[%dma_wait3A_148, %dma_wait3A_149] : memref<160000x128xi32, #tpu.memory_space<hbm>> -> memref<40x128xi32, #tpu.memory_space<hbm>>
    tpu.wait_dma2 semaphore(%arg24 : memref<!tpu.dma_semaphore, #tpu.memory_space<semaphore_mem>>) src(%arg16 : memref<40x128xi32, #tpu.memory_space<vmem>>) dst(%dma_wait3A_150 : memref<40x128xi32, #tpu.memory_space<hbm>>)
    %scan3A_151 = arith.constant 0 : i32
    %scan3A_152 = arith.constant 40 : i32
    %scan3A_153 = arith.addi %scan3A_151, %scan3A_152 : i32
    %scan3A_154 = arith.constant 1 : i32
    scf.for %scan3A_174 = %scan3A_151 to %scan3A_153 step %scan3A_154  : i32 {
      %mul3A_175 = arith.constant 1 : i32
      %mul3A_176 = arith.muli %scan3A_174, %mul3A_175 : i32
      %add3A_177 = arith.constant 0 : i32
      %add3A_178 = arith.addi %add3A_177, %mul3A_176 : i32
      %get3A = arith.index_cast %add3A_178 : i32 to index
      %get3A_179 = arith.constant 0 : index
      %get3A_180 = tpu.vector_load %arg10[%get3A, %get3A_179] {strides = array<i32>} : memref<40x128xi32, #tpu.memory_space<vmem>>, vector<16xi32>,
      %bitcast3A = vector.bitcast %get3A_180 : vector<16xi32> to vector<32xbf16>
      %get3A_181 = arith.index_cast %add3A_178 : i32 to index
      %get3A_182 = arith.constant 0 : index
      %get3A_183 = tpu.vector_load %arg12[%get3A_181, %get3A_182] {strides = array<i32>} : memref<40x128xi32, #tpu.memory_space<vmem>>, vector<16xi32>,
      %bitcast3A_184 = vector.bitcast %get3A_183 : vector<16xi32> to vector<32xbf16>
      %get3A_185 = arith.index_cast %add3A_178 : i32 to index
      %get3A_186 = arith.constant 0 : index
      %get3A_187 = tpu.vector_load %arg14[%get3A_185, %get3A_186] {strides = array<i32>} : memref<40x128xi32, #tpu.memory_space<vmem>>, vector<16xi32>,
      %bitcast3A_188 = vector.bitcast %get3A_187 : vector<16xi32> to vector<32xbf16>
      %add3A_189 = arith.addf %bitcast3A, %bitcast3A_184 : vector<32xbf16>
      %add3A_190 = arith.addf %add3A_189, %bitcast3A_188 : vector<32xbf16>
      %bitcast3A_191 = vector.bitcast %add3A_190 : vector<32xbf16> to vector<16xi32>
      %swap3A = arith.index_cast %add3A_178 : i32 to index
      %swap3A_192 = arith.constant 0 : index
      %swap3A_193 = tpu.vector_load %arg16[%swap3A, %swap3A_192] {strides = array<i32>} : memref<40x128xi32, #tpu.memory_space<vmem>>, vector<16xi32>,
      tpu.vector_store %arg16[%swap3A, %swap3A_192], %bitcast3A_191 {strides = array<i32>} : memref<40x128xi32, #tpu.memory_space<vmem>>, vector<16xi32>,
      %get3A_194 = arith.index_cast %add3A_178 : i32 to index
      %get3A_195 = arith.constant 16 : index
      %get3A_196 = tpu.vector_load %arg10[%get3A_194, %get3A_195] {strides = array<i32>} : memref<40x128xi32, #tpu.memory_space<vmem>>, vector<16xi32>,
      %bitcast3A_197 = vector.bitcast %get3A_196 : vector<16xi32> to vector<32xbf16>
      %get3A_198 = arith.index_cast %add3A_178 : i32 to index
      %get3A_199 = arith.constant 16 : index
      %get3A_200 = tpu.vector_load %arg12[%get3A_198, %get3A_199] {strides = array<i32>} : memref<40x128xi32, #tpu.memory_space<vmem>>, vector<16xi32>,
      %bitcast3A_201 = vector.bitcast %get3A_200 : vector<16xi32> to vector<32xbf16>
      %get3A_202 = arith.index_cast %add3A_178 : i32 to index
      %get3A_203 = arith.constant 16 : index
      %get3A_204 = tpu.vector_load %arg14[%get3A_202, %get3A_203] {strides = array<i32>} : memref<40x128xi32, #tpu.memory_space<vmem>>, vector<16xi32>,
      %bitcast3A_205 = vector.bitcast %get3A_204 : vector<16xi32> to vector<32xbf16>
      %add3A_206 = arith.addf %bitcast3A_197, %bitcast3A_201 : vector<32xbf16>
      %add3A_207 = arith.addf %add3A_206, %bitcast3A_205 : vector<32xbf16>
      %bitcast3A_208 = vector.bitcast %add3A_207 : vector<32xbf16> to vector<16xi32>
      %swap3A_209 = arith.index_cast %add3A_178 : i32 to index
      %swap3A_210 = arith.constant 16 : index
      %swap3A_211 = tpu.vector_load %arg16[%swap3A_209, %swap3A_210] {strides = array<i32>} : memref<40x128xi32, #tpu.memory_space<vmem>>, vector<16xi32>,
      tpu.vector_store %arg16[%swap3A_209, %swap3A_210], %bitcast3A_208 {strides = array<i32>} : memref<40x128xi32, #tpu.memory_space<vmem>>, vector<16xi32>,
      %get3A_212 = arith.index_cast %add3A_178 : i32 to index
      %get3A_213 = arith.constant 32 : index
      %get3A_214 = tpu.vector_load %arg10[%get3A_212, %get3A_213] {strides = array<i32>} : memref<40x128xi32, #tpu.memory_space<vmem>>, vector<16xi32>,
      %bitcast3A_215 = vector.bitcast %get3A_214 : vector<16xi32> to vector<32xbf16>
      %get3A_216 = arith.index_cast %add3A_178 : i32 to index
      %get3A_217 = arith.constant 32 : index
      %get3A_218 = tpu.vector_load %arg12[%get3A_216, %get3A_217] {strides = array<i32>} : memref<40x128xi32, #tpu.memory_space<vmem>>, vector<16xi32>,
      %bitcast3A_219 = vector.bitcast %get3A_218 : vector<16xi32> to vector<32xbf16>
      %get3A_220 = arith.index_cast %add3A_178 : i32 to index
      %get3A_221 = arith.constant 32 : index
      %get3A_222 = tpu.vector_load %arg14[%get3A_220, %get3A_221] {strides = array<i32>} : memref<40x128xi32, #tpu.memory_space<vmem>>, vector<16xi32>,
      %bitcast3A_223 = vector.bitcast %get3A_222 : vector<16xi32> to vector<32xbf16>
      %add3A_224 = arith.addf %bitcast3A_215, %bitcast3A_219 : vector<32xbf16>
      %add3A_225 = arith.addf %add3A_224, %bitcast3A_223 : vector<32xbf16>
      %bitcast3A_226 = vector.bitcast %add3A_225 : vector<32xbf16> to vector<16xi32>
      %swap3A_227 = arith.index_cast %add3A_178 : i32 to index
      %swap3A_228 = arith.constant 32 : index
      %swap3A_229 = tpu.vector_load %arg16[%swap3A_227, %swap3A_228] {strides = array<i32>} : memref<40x128xi32, #tpu.memory_space<vmem>>, vector<16xi32>,
      tpu.vector_store %arg16[%swap3A_227, %swap3A_228], %bitcast3A_226 {strides = array<i32>} : memref<40x128xi32, #tpu.memory_space<vmem>>, vector<16xi32>,
      %get3A_230 = arith.index_cast %add3A_178 : i32 to index
      %get3A_231 = arith.constant 48 : index
      %get3A_232 = tpu.vector_load %arg10[%get3A_230, %get3A_231] {strides = array<i32>} : memref<40x128xi32, #tpu.memory_space<vmem>>, vector<16xi32>,
      %bitcast3A_233 = vector.bitcast %get3A_232 : vector<16xi32> to vector<32xbf16>
      %get3A_234 = arith.index_cast %add3A_178 : i32 to index
      %get3A_235 = arith.constant 48 : index
      %get3A_236 = tpu.vector_load %arg12[%get3A_234, %get3A_235] {strides = array<i32>} : memref<40x128xi32, #tpu.memory_space<vmem>>, vector<16xi32>,
      %bitcast3A_237 = vector.bitcast %get3A_236 : vector<16xi32> to vector<32xbf16>
      %get3A_238 = arith.index_cast %add3A_178 : i32 to index
      %get3A_239 = arith.constant 48 : index
      %get3A_240 = tpu.vector_load %arg14[%get3A_238, %get3A_239] {strides = array<i32>} : memref<40x128xi32, #tpu.memory_space<vmem>>, vector<16xi32>,
      %bitcast3A_241 = vector.bitcast %get3A_240 : vector<16xi32> to vector<32xbf16>
      %add3A_242 = arith.addf %bitcast3A_233, %bitcast3A_237 : vector<32xbf16>
      %add3A_243 = arith.addf %add3A_242, %bitcast3A_241 : vector<32xbf16>
      %bitcast3A_244 = vector.bitcast %add3A_243 : vector<32xbf16> to vector<16xi32>
      %swap3A_245 = arith.index_cast %add3A_178 : i32 to index
      %swap3A_246 = arith.constant 48 : index
      %swap3A_247 = tpu.vector_load %arg16[%swap3A_245, %swap3A_246] {strides = array<i32>} : memref<40x128xi32, #tpu.memory_space<vmem>>, vector<16xi32>,
      tpu.vector_store %arg16[%swap3A_245, %swap3A_246], %bitcast3A_244 {strides = array<i32>} : memref<40x128xi32, #tpu.memory_space<vmem>>, vector<16xi32>,
      %get3A_248 = arith.index_cast %add3A_178 : i32 to index
      %get3A_249 = arith.constant 64 : index
      %get3A_250 = tpu.vector_load %arg10[%get3A_248, %get3A_249] {strides = array<i32>} : memref<40x128xi32, #tpu.memory_space<vmem>>, vector<16xi32>,
      %bitcast3A_251 = vector.bitcast %get3A_250 : vector<16xi32> to vector<32xbf16>
      %get3A_252 = arith.index_cast %add3A_178 : i32 to index
      %get3A_253 = arith.constant 64 : index
      %get3A_254 = tpu.vector_load %arg12[%get3A_252, %get3A_253] {strides = array<i32>} : memref<40x128xi32, #tpu.memory_space<vmem>>, vector<16xi32>,
      %bitcast3A_255 = vector.bitcast %get3A_254 : vector<16xi32> to vector<32xbf16>
      %get3A_256 = arith.index_cast %add3A_178 : i32 to index
      %get3A_257 = arith.constant 64 : index
      %get3A_258 = tpu.vector_load %arg14[%get3A_256, %get3A_257] {strides = array<i32>} : memref<40x128xi32, #tpu.memory_space<vmem>>, vector<16xi32>,
      %bitcast3A_259 = vector.bitcast %get3A_258 : vector<16xi32> to vector<32xbf16>
      %add3A_260 = arith.addf %bitcast3A_251, %bitcast3A_255 : vector<32xbf16>
      %add3A_261 = arith.addf %add3A_260, %bitcast3A_259 : vector<32xbf16>
      %bitcast3A_262 = vector.bitcast %add3A_261 : vector<32xbf16> to vector<16xi32>
      %swap3A_263 = arith.index_cast %add3A_178 : i32 to index
      %swap3A_264 = arith.constant 64 : index
      %swap3A_265 = tpu.vector_load %arg16[%swap3A_263, %swap3A_264] {strides = array<i32>} : memref<40x128xi32, #tpu.memory_space<vmem>>, vector<16xi32>,
      tpu.vector_store %arg16[%swap3A_263, %swap3A_264], %bitcast3A_262 {strides = array<i32>} : memref<40x128xi32, #tpu.memory_space<vmem>>, vector<16xi32>,
      %get3A_266 = arith.index_cast %add3A_178 : i32 to index
      %get3A_267 = arith.constant 80 : index
      %get3A_268 = tpu.vector_load %arg10[%get3A_266, %get3A_267] {strides = array<i32>} : memref<40x128xi32, #tpu.memory_space<vmem>>, vector<16xi32>,
      %bitcast3A_269 = vector.bitcast %get3A_268 : vector<16xi32> to vector<32xbf16>
      %get3A_270 = arith.index_cast %add3A_178 : i32 to index
      %get3A_271 = arith.constant 80 : index
      %get3A_272 = tpu.vector_load %arg12[%get3A_270, %get3A_271] {strides = array<i32>} : memref<40x128xi32, #tpu.memory_space<vmem>>, vector<16xi32>,
      %bitcast3A_273 = vector.bitcast %get3A_272 : vector<16xi32> to vector<32xbf16>
      %get3A_274 = arith.index_cast %add3A_178 : i32 to index
      %get3A_275 = arith.constant 80 : index
      %get3A_276 = tpu.vector_load %arg14[%get3A_274, %get3A_275] {strides = array<i32>} : memref<40x128xi32, #tpu.memory_space<vmem>>, vector<16xi32>,
      %bitcast3A_277 = vector.bitcast %get3A_276 : vector<16xi32> to vector<32xbf16>
      %add3A_278 = arith.addf %bitcast3A_269, %bitcast3A_273 : vector<32xbf16>
      %add3A_279 = arith.addf %add3A_278, %bitcast3A_277 : vector<32xbf16>
      %bitcast3A_280 = vector.bitcast %add3A_279 : vector<32xbf16> to vector<16xi32>
      %swap3A_281 = arith.index_cast %add3A_178 : i32 to index
      %swap3A_282 = arith.constant 80 : index
      %swap3A_283 = tpu.vector_load %arg16[%swap3A_281, %swap3A_282] {strides = array<i32>} : memref<40x128xi32, #tpu.memory_space<vmem>>, vector<16xi32>,
      tpu.vector_store %arg16[%swap3A_281, %swap3A_282], %bitcast3A_280 {strides = array<i32>} : memref<40x128xi32, #tpu.memory_space<vmem>>, vector<16xi32>,
      %get3A_284 = arith.index_cast %add3A_178 : i32 to index
      %get3A_285 = arith.constant 96 : index
      %get3A_286 = tpu.vector_load %arg10[%get3A_284, %get3A_285] {strides = array<i32>} : memref<40x128xi32, #tpu.memory_space<vmem>>, vector<16xi32>,
      %bitcast3A_287 = vector.bitcast %get3A_286 : vector<16xi32> to vector<32xbf16>
      %get3A_288 = arith.index_cast %add3A_178 : i32 to index
      %get3A_289 = arith.constant 96 : index
      %get3A_290 = tpu.vector_load %arg12[%get3A_288, %get3A_289] {strides = array<i32>} : memref<40x128xi32, #tpu.memory_space<vmem>>, vector<16xi32>,
      %bitcast3A_291 = vector.bitcast %get3A_290 : vector<16xi32> to vector<32xbf16>
      %get3A_292 = arith.index_cast %add3A_178 : i32 to index
      %get3A_293 = arith.constant 96 : index
      %get3A_294 = tpu.vector_load %arg14[%get3A_292, %get3A_293] {strides = array<i32>} : memref<40x128xi32, #tpu.memory_space<vmem>>, vector<16xi32>,
      %bitcast3A_295 = vector.bitcast %get3A_294 : vector<16xi32> to vector<32xbf16>
      %add3A_296 = arith.addf %bitcast3A_287, %bitcast3A_291 : vector<32xbf16>
      %add3A_297 = arith.addf %add3A_296, %bitcast3A_295 : vector<32xbf16>
      %bitcast3A_298 = vector.bitcast %add3A_297 : vector<32xbf16> to vector<16xi32>
      %swap3A_299 = arith.index_cast %add3A_178 : i32 to index
      %swap3A_300 = arith.constant 96 : index
      %swap3A_301 = tpu.vector_load %arg16[%swap3A_299, %swap3A_300] {strides = array<i32>} : memref<40x128xi32, #tpu.memory_space<vmem>>, vector<16xi32>,
      tpu.vector_store %arg16[%swap3A_299, %swap3A_300], %bitcast3A_298 {strides = array<i32>} : memref<40x128xi32, #tpu.memory_space<vmem>>, vector<16xi32>,
      %get3A_302 = arith.index_cast %add3A_178 : i32 to index
      %get3A_303 = arith.constant 112 : index
      %get3A_304 = tpu.vector_load %arg10[%get3A_302, %get3A_303] {strides = array<i32>} : memref<40x128xi32, #tpu.memory_space<vmem>>, vector<16xi32>,
      %bitcast3A_305 = vector.bitcast %get3A_304 : vector<16xi32> to vector<32xbf16>
      %get3A_306 = arith.index_cast %add3A_178 : i32 to index
      %get3A_307 = arith.constant 112 : index
      %get3A_308 = tpu.vector_load %arg12[%get3A_306, %get3A_307] {strides = array<i32>} : memref<40x128xi32, #tpu.memory_space<vmem>>, vector<16xi32>,
      %bitcast3A_309 = vector.bitcast %get3A_308 : vector<16xi32> to vector<32xbf16>
      %get3A_310 = arith.index_cast %add3A_178 : i32 to index
      %get3A_311 = arith.constant 112 : index
      %get3A_312 = tpu.vector_load %arg14[%get3A_310, %get3A_311] {strides = array<i32>} : memref<40x128xi32, #tpu.memory_space<vmem>>, vector<16xi32>,
      %bitcast3A_313 = vector.bitcast %get3A_312 : vector<16xi32> to vector<32xbf16>
      %add3A_314 = arith.addf %bitcast3A_305, %bitcast3A_309 : vector<32xbf16>
      %add3A_315 = arith.addf %add3A_314, %bitcast3A_313 : vector<32xbf16>
      %bitcast3A_316 = vector.bitcast %add3A_315 : vector<32xbf16> to vector<16xi32>
      %swap3A_317 = arith.index_cast %add3A_178 : i32 to index
      %swap3A_318 = arith.constant 112 : index
      %swap3A_319 = tpu.vector_load %arg16[%swap3A_317, %swap3A_318] {strides = array<i32>} : memref<40x128xi32, #tpu.memory_space<vmem>>, vector<16xi32>,
      tpu.vector_store %arg16[%swap3A_317, %swap3A_318], %bitcast3A_316 {strides = array<i32>} : memref<40x128xi32, #tpu.memory_space<vmem>>, vector<16xi32>,
    }
    %scan3A_155 = arith.constant 40 : i32
    %add3A_156 = arith.constant 4960 : i32
    %add3A_157 = arith.addi %mul3A_2, %add3A_156 : i32
    %dma_start3A_158 = arith.constant 0 : i32
    %dma_start3A_159 = tpu.memref_slice %arg7[%add3A_157, %dma_start3A_158] : memref<160000x128xi32, #tpu.memory_space<hbm>> -> memref<40x128xi32, #tpu.memory_space<hbm>>
    %dma_start3A_160 = arith.constant 0 : i32
    %dma_start3A_161 = tpu.memref_slice %arg7[%add3A_157, %dma_start3A_160] : memref<160000x128xi32, #tpu.memory_space<hbm>> -> memref<40x128xi32, #tpu.memory_space<hbm>>
    tpu.enqueue_dma source(%arg16 : memref<40x128xi32, #tpu.memory_space<vmem>>) target(%dma_start3A_161 : memref<40x128xi32, #tpu.memory_space<hbm>>) target_semaphore(%arg24 : memref<!tpu.dma_semaphore, #tpu.memory_space<semaphore_mem>>)
    %dma_wait3A_162 = arith.constant 0 : i32
    %dma_wait3A_163 = arith.constant 0 : i32
    %dma_wait3A_164 = tpu.memref_slice %arg7[%dma_wait3A_162, %dma_wait3A_163] : memref<160000x128xi32, #tpu.memory_space<hbm>> -> memref<40x128xi32, #tpu.memory_space<hbm>>
    %dma_wait3A_165 = arith.constant 0 : i32
    %dma_wait3A_166 = arith.constant 0 : i32
    %dma_wait3A_167 = tpu.memref_slice %arg7[%dma_wait3A_165, %dma_wait3A_166] : memref<160000x128xi32, #tpu.memory_space<hbm>> -> memref<40x128xi32, #tpu.memory_space<hbm>>
    tpu.wait_dma2 semaphore(%arg25 : memref<!tpu.dma_semaphore, #tpu.memory_space<semaphore_mem>>) src(%arg17 : memref<40x128xi32, #tpu.memory_space<vmem>>) dst(%dma_wait3A_167 : memref<40x128xi32, #tpu.memory_space<hbm>>)
    %dma_wait3A_168 = arith.constant 0 : i32
    %dma_wait3A_169 = arith.constant 0 : i32
    %dma_wait3A_170 = tpu.memref_slice %arg7[%dma_wait3A_168, %dma_wait3A_169] : memref<160000x128xi32, #tpu.memory_space<hbm>> -> memref<40x128xi32, #tpu.memory_space<hbm>>
    %dma_wait3A_171 = arith.constant 0 : i32
    %dma_wait3A_172 = arith.constant 0 : i32
    %dma_wait3A_173 = tpu.memref_slice %arg7[%dma_wait3A_171, %dma_wait3A_172] : memref<160000x128xi32, #tpu.memory_space<hbm>> -> memref<40x128xi32, #tpu.memory_space<hbm>>
    tpu.wait_dma2 semaphore(%arg24 : memref<!tpu.dma_semaphore, #tpu.memory_space<semaphore_mem>>) src(%arg16 : memref<40x128xi32, #tpu.memory_space<vmem>>) dst(%dma_wait3A_173 : memref<40x128xi32, #tpu.memory_space<hbm>>)
    return
  }
}

module attributes {stable_mosaic.version = 14 : i64} {
  func.func @_colstats_body(%arg0: i32, %arg1: memref<4000x128xf32, #tpu.memory_space<vmem>>, %arg2: memref<8x128xf32, #tpu.memory_space<vmem>>, %arg3: memref<8x128xf32, #tpu.memory_space<vmem>>) attributes {dimension_semantics = [#tpu.dimension_semantics<arbitrary>], iteration_bounds = array<i64: 40>, scalar_prefetch = 0 : i64, scratch_operands = 0 : i64, tpu.core_type = #tpu.core_type<tc>, window_params = [{transform_indices = @transform_0, window_bounds = array<i64: 4000, 128>}, {pipeline_mode = #tpu.pipeline_mode<synchronous>, transform_indices = @transform_1, window_bounds = array<i64: 8, 128>}, {pipeline_mode = #tpu.pipeline_mode<synchronous>, transform_indices = @transform_2, window_bounds = array<i64: 8, 128>}]} {
    %eq3A = arith.constant 0 : i32
    %eq3A_0 = arith.cmpi eq, %arg0, %eq3A : i32
    %convert_element_type3A = arith.extui %eq3A_0 : i1 to i32
    %cond3A = arith.constant 0 : i32
    %cond3A_1 = arith.cmpi ne, %convert_element_type3A, %cond3A : i32
    scf.if %cond3A_1 {
      %broadcast_in_dim3A = arith.constant 0.000000e+00 : f32
      %broadcast_in_dim3A_19 = vector.broadcast %broadcast_in_dim3A : f32 to vector<8x128xf32>
      %swap3A_20 = arith.constant 0 : index
      %swap3A_21 = arith.constant 0 : index
      %swap3A_22 = vector.load %arg2[%swap3A_20, %swap3A_21] : memref<8x128xf32, #tpu.memory_space<vmem>>, vector<8x128xf32>
      tpu.vector_store %arg2[%swap3A_20, %swap3A_21], %broadcast_in_dim3A_19 {strides = array<i32>} : memref<8x128xf32, #tpu.memory_space<vmem>>, vector<8x128xf32>,
      %broadcast_in_dim3A_23 = arith.constant 0.000000e+00 : f32
      %broadcast_in_dim3A_24 = vector.broadcast %broadcast_in_dim3A_23 : f32 to vector<8x128xf32>
      %swap3A_25 = arith.constant 0 : index
      %swap3A_26 = arith.constant 0 : index
      %swap3A_27 = vector.load %arg3[%swap3A_25, %swap3A_26] : memref<8x128xf32, #tpu.memory_space<vmem>>, vector<8x128xf32>
      tpu.vector_store %arg3[%swap3A_25, %swap3A_26], %broadcast_in_dim3A_24 {strides = array<i32>} : memref<8x128xf32, #tpu.memory_space<vmem>>, vector<8x128xf32>,
    } else {
    }
    %get3A = arith.constant 0 : index
    %get3A_2 = arith.constant 0 : index
    %get3A_3 = vector.load %arg1[%get3A, %get3A_2] : memref<4000x128xf32, #tpu.memory_space<vmem>>, vector<4000x128xf32>
    %reshape3A = vector.shape_cast %get3A_3 : vector<4000x128xf32> to vector<500x8x128xf32>
    %get3A_4 = arith.constant 0 : index
    %get3A_5 = arith.constant 0 : index
    %get3A_6 = vector.load %arg2[%get3A_4, %get3A_5] : memref<8x128xf32, #tpu.memory_space<vmem>>, vector<8x128xf32>
    %reduce_sum3A = arith.constant dense<0.000000e+00> : vector<8x128xf32>
    %reduce_sum3A_7 = vector.multi_reduction <add>, %reshape3A, %reduce_sum3A [0] : vector<500x8x128xf32> to vector<8x128xf32>
    %add3A = arith.addf %get3A_6, %reduce_sum3A_7 : vector<8x128xf32>
    %swap3A = arith.constant 0 : index
    %swap3A_8 = arith.constant 0 : index
    %swap3A_9 = vector.load %arg2[%swap3A, %swap3A_8] : memref<8x128xf32, #tpu.memory_space<vmem>>, vector<8x128xf32>
    tpu.vector_store %arg2[%swap3A, %swap3A_8], %add3A {strides = array<i32>} : memref<8x128xf32, #tpu.memory_space<vmem>>, vector<8x128xf32>,
    %get3A_10 = arith.constant 0 : index
    %get3A_11 = arith.constant 0 : index
    %get3A_12 = vector.load %arg3[%get3A_10, %get3A_11] : memref<8x128xf32, #tpu.memory_space<vmem>>, vector<8x128xf32>
    %mul3A = arith.mulf %reshape3A, %reshape3A : vector<500x8x128xf32>
    %reduce_sum3A_13 = arith.constant dense<0.000000e+00> : vector<8x128xf32>
    %reduce_sum3A_14 = vector.multi_reduction <add>, %mul3A, %reduce_sum3A_13 [0] : vector<500x8x128xf32> to vector<8x128xf32>
    %add3A_15 = arith.addf %get3A_12, %reduce_sum3A_14 : vector<8x128xf32>
    %swap3A_16 = arith.constant 0 : index
    %swap3A_17 = arith.constant 0 : index
    %swap3A_18 = vector.load %arg3[%swap3A_16, %swap3A_17] : memref<8x128xf32, #tpu.memory_space<vmem>>, vector<8x128xf32>
    tpu.vector_store %arg3[%swap3A_16, %swap3A_17], %add3A_15 {strides = array<i32>} : memref<8x128xf32, #tpu.memory_space<vmem>>, vector<8x128xf32>,
    return
  }
  func.func @transform_0(%arg0: i32) -> (i32, i32) {
    %c0_i32 = arith.constant 0 : i32
    %c0_i32_0 = arith.constant 0 : i32
    return %arg0, %c0_i32 : i32, i32
  }
  func.func @transform_1(%arg0: i32) -> (i32, i32) {
    %c0_i32 = arith.constant 0 : i32
    %c0_i32_0 = arith.constant 0 : i32
    %c0_i32_1 = arith.constant 0 : i32
    return %c0_i32, %c0_i32_0 : i32, i32
  }
  func.func @transform_2(%arg0: i32) -> (i32, i32) {
    %c0_i32 = arith.constant 0 : i32
    %c0_i32_0 = arith.constant 0 : i32
    %c0_i32_1 = arith.constant 0 : i32
    return %c0_i32, %c0_i32_0 : i32, i32
  }
}

module attributes {stable_mosaic.version = 14 : i64} {
  func.func @_node_prep_body(%arg0: memref<10000x128xf32, #tpu.memory_space<vmem>>, %arg1: memref<1x128xf32, #tpu.memory_space<vmem>>, %arg2: memref<1x128xf32, #tpu.memory_space<vmem>>, %arg3: memref<128x256xbf16, #tpu.memory_space<vmem>>, %arg4: memref<128x256xbf16, #tpu.memory_space<vmem>>, %arg5: memref<10000x128xf32, #tpu.memory_space<vmem>>, %arg6: memref<10000x128xi32, #tpu.memory_space<vmem>>, %arg7: memref<10000x128xi32, #tpu.memory_space<vmem>>) attributes {dimension_semantics = [], scalar_prefetch = 0 : i64, scratch_operands = 0 : i64, tpu.core_type = #tpu.core_type<tc>} {
    %get3A = arith.constant 0 : index
    %get3A_0 = arith.constant 0 : index
    %get3A_1 = vector.load %arg0[%get3A, %get3A_0] : memref<10000x128xf32, #tpu.memory_space<vmem>>, vector<10000x128xf32>
    %reduce_sum3A = arith.constant dense<0.000000e+00> : vector<128xf32>
    %reduce_sum3A_2 = vector.multi_reduction <add>, %get3A_1, %reduce_sum3A [0] : vector<10000x128xf32> to vector<128xf32>
    %broadcast_in_dim3A = vector.shape_cast %reduce_sum3A_2 : vector<128xf32> to vector<1x128xf32>
    %div3A = arith.constant 1.000000e+04 : f32
    %div3A_3 = vector.broadcast %div3A : f32 to vector<1x128xf32>
    %div3A_4 = arith.divf %broadcast_in_dim3A, %div3A_3 : vector<1x128xf32>
    %mul3A = arith.mulf %get3A_1, %get3A_1 : vector<10000x128xf32>
    %reduce_sum3A_5 = arith.constant dense<0.000000e+00> : vector<128xf32>
    %reduce_sum3A_6 = vector.multi_reduction <add>, %mul3A, %reduce_sum3A_5 [0] : vector<10000x128xf32> to vector<128xf32>
    %broadcast_in_dim3A_7 = vector.shape_cast %reduce_sum3A_6 : vector<128xf32> to vector<1x128xf32>
    %div3A_8 = arith.constant 1.000000e+04 : f32
    %div3A_9 = vector.broadcast %div3A_8 : f32 to vector<1x128xf32>
    %div3A_10 = arith.divf %broadcast_in_dim3A_7, %div3A_9 : vector<1x128xf32>
    %mul3A_11 = arith.mulf %div3A_4, %div3A_4 : vector<1x128xf32>
    %sub3A = arith.subf %div3A_10, %mul3A_11 : vector<1x128xf32>
    %sub3A_12 = vector.broadcast %div3A_4 : vector<1x128xf32> to vector<10000x128xf32>
    %sub3A_13 = arith.subf %get3A_1, %sub3A_12 : vector<10000x128xf32>
    %add3A = arith.constant 9.99999974E-6 : f32
    %add3A_14 = vector.broadcast %add3A : f32 to vector<1x128xf32>
    %add3A_15 = arith.addf %sub3A, %add3A_14 : vector<1x128xf32>
    %rsqrt3A = math.rsqrt %add3A_15 : vector<1x128xf32>
    %mul3A_16 = vector.broadcast %rsqrt3A : vector<1x128xf32> to vector<10000x128xf32>
    %mul3A_17 = arith.mulf %sub3A_13, %mul3A_16 : vector<10000x128xf32>
    %get3A_18 = arith.constant 0 : index
    %get3A_19 = arith.constant 0 : index
    %get3A_20 = vector.load %arg1[%get3A_18, %get3A_19] : memref<1x128xf32, #tpu.memory_space<vmem>>, vector<1x128xf32>
    %mul3A_21 = vector.broadcast %get3A_20 : vector<1x128xf32> to vector<10000x128xf32>
    %mul3A_22 = arith.mulf %mul3A_17, %mul3A_21 : vector<10000x128xf32>
    %get3A_23 = arith.constant 0 : index
    %get3A_24 = arith.constant 0 : index
    %get3A_25 = vector.load %arg2[%get3A_23, %get3A_24] : memref<1x128xf32, #tpu.memory_space<vmem>>, vector<1x128xf32>
    %add3A_26 = vector.broadcast %get3A_25 : vector<1x128xf32> to vector<10000x128xf32>
    %add3A_27 = arith.addf %mul3A_22, %add3A_26 : vector<10000x128xf32>
    %max3A = arith.constant 0.000000e+00 : f32
    %max3A_28 = vector.broadcast %max3A : f32 to vector<10000x128xf32>
    %max3A_29 = arith.maximumf %add3A_27, %max3A_28 : vector<10000x128xf32>
    %swap3A = arith.constant 0 : index
    %swap3A_30 = arith.constant 0 : index
    %swap3A_31 = vector.load %arg5[%swap3A, %swap3A_30] : memref<10000x128xf32, #tpu.memory_space<vmem>>, vector<10000x128xf32>
    tpu.vector_store %arg5[%swap3A, %swap3A_30], %max3A_29 {strides = array<i32>} : memref<10000x128xf32, #tpu.memory_space<vmem>>, vector<10000x128xf32>,
    %convert_element_type3A = arith.truncf %max3A_29 : vector<10000x128xf32> to vector<10000x128xbf16>
    %get3A_32 = arith.constant 0 : index
    %get3A_33 = arith.constant 0 : index
    %get3A_34 = vector.load %arg3[%get3A_32, %get3A_33] : memref<128x256xbf16, #tpu.memory_space<vmem>>, vector<128x256xbf16>
    %dot_general3A = arith.constant dense<0.000000e+00> : vector<10000x256xf32>
    %dot_general3A_35 = tpu.matmul %convert_element_type3A, %get3A_34, %dot_general3A {dimension_numbers = #tpu.dot_dimension_numbers<[1], [0], [0], [1], [0, 0, 1, 1], [], []>, transpose_lhs_hint = false} : vector<10000x128xbf16>, vector<128x256xbf16>, vector<10000x256xf32> -> vector<10000x256xf32>
    %get3A_36 = arith.constant 0 : index
    %get3A_37 = arith.constant 0 : index
    %get3A_38 = vector.load %arg4[%get3A_36, %get3A_37] : memref<128x256xbf16, #tpu.memory_space<vmem>>, vector<128x256xbf16>
    %dot_general3A_39 = arith.constant dense<0.000000e+00> : vector<10000x256xf32>
    %dot_general3A_40 = tpu.matmul %convert_element_type3A, %get3A_38, %dot_general3A_39 {dimension_numbers = #tpu.dot_dimension_numbers<[1], [0], [0], [1], [0, 0, 1, 1], [], []>, transpose_lhs_hint = false} : vector<10000x128xbf16>, vector<128x256xbf16>, vector<10000x256xf32> -> vector<10000x256xf32>
    %bitcast_convert_type3A = tpu.bitcast %dot_general3A_35 : vector<10000x256xf32> -> vector<10000x256xi32>
    %shift_right_logical3A = arith.constant 16 : i32
    %shift_right_logical3A_41 = vector.broadcast %shift_right_logical3A : i32 to vector<10000x256xi32>
    %shift_right_logical3A_42 = arith.shrui %bitcast_convert_type3A, %shift_right_logical3A_41 : vector<10000x256xi32>
    %and3A = arith.constant 1 : i32
    %and3A_43 = vector.broadcast %and3A : i32 to vector<10000x256xi32>
    %and3A_44 = arith.andi %shift_right_logical3A_42, %and3A_43 : vector<10000x256xi32>
    %add3A_45 = arith.constant 32767 : i32
    %add3A_46 = vector.broadcast %add3A_45 : i32 to vector<10000x256xi32>
    %add3A_47 = arith.addi %and3A_44, %add3A_46 : vector<10000x256xi32>
    %add3A_48 = arith.addi %bitcast_convert_type3A, %add3A_47 : vector<10000x256xi32>
    %shift_right_logical3A_49 = arith.constant 16 : i32
    %shift_right_logical3A_50 = vector.broadcast %shift_right_logical3A_49 : i32 to vector<10000x256xi32>
    %shift_right_logical3A_51 = arith.shrui %add3A_48, %shift_right_logical3A_50 : vector<10000x256xi32>
    %slice3A = vector.extract_strided_slice %shift_right_logical3A_51 {offsets = [0, 0], sizes = [10000, 128], strides = [1, 1]} : vector<10000x256xi32> to vector<10000x128xi32>
    %slice3A_52 = vector.extract_strided_slice %shift_right_logical3A_51 {offsets = [0, 128], sizes = [10000, 128], strides = [1, 1]} : vector<10000x256xi32> to vector<10000x128xi32>
    %shift_left3A = arith.constant 16 : i32
    %shift_left3A_53 = vector.broadcast %shift_left3A : i32 to vector<10000x128xi32>
    %shift_left3A_54 = arith.shli %slice3A_52, %shift_left3A_53 : vector<10000x128xi32>
    %or3A = arith.ori %slice3A, %shift_left3A_54 : vector<10000x128xi32>
    %swap3A_55 = arith.constant 0 : index
    %swap3A_56 = arith.constant 0 : index
    %swap3A_57 = vector.load %arg6[%swap3A_55, %swap3A_56] : memref<10000x128xi32, #tpu.memory_space<vmem>>, vector<10000x128xi32>
    tpu.vector_store %arg6[%swap3A_55, %swap3A_56], %or3A {strides = array<i32>} : memref<10000x128xi32, #tpu.memory_space<vmem>>, vector<10000x128xi32>,
    %bitcast_convert_type3A_58 = tpu.bitcast %dot_general3A_40 : vector<10000x256xf32> -> vector<10000x256xi32>
    %shift_right_logical3A_59 = arith.constant 16 : i32
    %shift_right_logical3A_60 = vector.broadcast %shift_right_logical3A_59 : i32 to vector<10000x256xi32>
    %shift_right_logical3A_61 = arith.shrui %bitcast_convert_type3A_58, %shift_right_logical3A_60 : vector<10000x256xi32>
    %and3A_62 = arith.constant 1 : i32
    %and3A_63 = vector.broadcast %and3A_62 : i32 to vector<10000x256xi32>
    %and3A_64 = arith.andi %shift_right_logical3A_61, %and3A_63 : vector<10000x256xi32>
    %add3A_65 = arith.constant 32767 : i32
    %add3A_66 = vector.broadcast %add3A_65 : i32 to vector<10000x256xi32>
    %add3A_67 = arith.addi %and3A_64, %add3A_66 : vector<10000x256xi32>
    %add3A_68 = arith.addi %bitcast_convert_type3A_58, %add3A_67 : vector<10000x256xi32>
    %shift_right_logical3A_69 = arith.constant 16 : i32
    %shift_right_logical3A_70 = vector.broadcast %shift_right_logical3A_69 : i32 to vector<10000x256xi32>
    %shift_right_logical3A_71 = arith.shrui %add3A_68, %shift_right_logical3A_70 : vector<10000x256xi32>
    %slice3A_72 = vector.extract_strided_slice %shift_right_logical3A_71 {offsets = [0, 0], sizes = [10000, 128], strides = [1, 1]} : vector<10000x256xi32> to vector<10000x128xi32>
    %slice3A_73 = vector.extract_strided_slice %shift_right_logical3A_71 {offsets = [0, 128], sizes = [10000, 128], strides = [1, 1]} : vector<10000x256xi32> to vector<10000x128xi32>
    %shift_left3A_74 = arith.constant 16 : i32
    %shift_left3A_75 = vector.broadcast %shift_left3A_74 : i32 to vector<10000x128xi32>
    %shift_left3A_76 = arith.shli %slice3A_73, %shift_left3A_75 : vector<10000x128xi32>
    %or3A_77 = arith.ori %slice3A_72, %shift_left3A_76 : vector<10000x128xi32>
    %swap3A_78 = arith.constant 0 : index
    %swap3A_79 = arith.constant 0 : index
    %swap3A_80 = vector.load %arg7[%swap3A_78, %swap3A_79] : memref<10000x128xi32, #tpu.memory_space<vmem>>, vector<10000x128xi32>
    tpu.vector_store %arg7[%swap3A_78, %swap3A_79], %or3A_77 {strides = array<i32>} : memref<10000x128xi32, #tpu.memory_space<vmem>>, vector<10000x128xi32>,
    return
  }
}

module attributes {stable_mosaic.version = 14 : i64} {
  func.func @_edge_prep_body(%arg0: i32, %arg1: memref<2000x128xf32, #tpu.memory_space<vmem>>, %arg2: memref<8x128xf32, #tpu.memory_space<vmem>>, %arg3: memref<8x128xf32, #tpu.memory_space<vmem>>, %arg4: memref<1x128xf32, #tpu.memory_space<vmem>>, %arg5: memref<1x128xf32, #tpu.memory_space<vmem>>, %arg6: memref<128x256xbf16, #tpu.memory_space<vmem>>, %arg7: memref<1x256xf32, #tpu.memory_space<vmem>>, %arg8: memref<128x256xbf16, #tpu.memory_space<vmem>>, %arg9: memref<1x256xf32, #tpu.memory_space<vmem>>, %arg10: memref<2000x128xi32, #tpu.memory_space<vmem>>, %arg11: memref<2000x128xi32, #tpu.memory_space<vmem>>) attributes {dimension_semantics = [#tpu.dimension_semantics<arbitrary>], iteration_bounds = array<i64: 80>, scalar_prefetch = 0 : i64, scratch_operands = 0 : i64, tpu.core_type = #tpu.core_type<tc>, window_params = [{transform_indices = @transform_0, window_bounds = array<i64: 2000, 128>}, {pipeline_mode = #tpu.pipeline_mode<synchronous>, transform_indices = @transform_1, window_bounds = array<i64: 8, 128>}, {pipeline_mode = #tpu.pipeline_mode<synchronous>, transform_indices = @transform_2, window_bounds = array<i64: 8, 128>}, {pipeline_mode = #tpu.pipeline_mode<synchronous>, transform_indices = @transform_3, window_bounds = array<i64: 1, 128>}, {pipeline_mode = #tpu.pipeline_mode<synchronous>, transform_indices = @transform_4, window_bounds = array<i64: 1, 128>}, {pipeline_mode = #tpu.pipeline_mode<synchronous>, transform_indices = @transform_5, window_bounds = array<i64: 128, 256>}, {pipeline_mode = #tpu.pipeline_mode<synchronous>, transform_indices = @transform_6, window_bounds = array<i64: 1, 256>}, {pipeline_mode = #tpu.pipeline_mode<synchronous>, transform_indices = @transform_7, window_bounds = array<i64: 128, 256>}, {pipeline_mode = #tpu.pipeline_mode<synchronous>, transform_indices = @transform_8, window_bounds = array<i64: 1, 256>}, {transform_indices = @transform_9, window_bounds = array<i64: 2000, 128>}, {transform_indices = @transform_10, window_bounds = array<i64: 2000, 128>}]} {
    %get3A = arith.constant 0 : index
    %get3A_0 = arith.constant 0 : index
    %get3A_1 = vector.load %arg2[%get3A, %get3A_0] : memref<8x128xf32, #tpu.memory_space<vmem>>, vector<8x128xf32>
    %reduce_sum3A = arith.constant dense<0.000000e+00> : vector<128xf32>
    %reduce_sum3A_2 = vector.multi_reduction <add>, %get3A_1, %reduce_sum3A [0] : vector<8x128xf32> to vector<128xf32>
    %broadcast_in_dim3A = vector.shape_cast %reduce_sum3A_2 : vector<128xf32> to vector<1x128xf32>
    %mul3A = arith.constant 6.250000e-06 : f32
    %mul3A_3 = vector.broadcast %mul3A : f32 to vector<1x128xf32>
    %mul3A_4 = arith.mulf %broadcast_in_dim3A, %mul3A_3 : vector<1x128xf32>
    %get3A_5 = arith.constant 0 : index
    %get3A_6 = arith.constant 0 : index
    %get3A_7 = vector.load %arg3[%get3A_5, %get3A_6] : memref<8x128xf32, #tpu.memory_space<vmem>>, vector<8x128xf32>
    %reduce_sum3A_8 = arith.constant dense<0.000000e+00> : vector<128xf32>
    %reduce_sum3A_9 = vector.multi_reduction <add>, %get3A_7, %reduce_sum3A_8 [0] : vector<8x128xf32> to vector<128xf32>
    %broadcast_in_dim3A_10 = vector.shape_cast %reduce_sum3A_9 : vector<128xf32> to vector<1x128xf32>
    %mul3A_11 = arith.constant 6.250000e-06 : f32
    %mul3A_12 = vector.broadcast %mul3A_11 : f32 to vector<1x128xf32>
    %mul3A_13 = arith.mulf %broadcast_in_dim3A_10, %mul3A_12 : vector<1x128xf32>
    %mul3A_14 = arith.mulf %mul3A_4, %mul3A_4 : vector<1x128xf32>
    %sub3A = arith.subf %mul3A_13, %mul3A_14 : vector<1x128xf32>
    %get3A_15 = arith.constant 0 : index
    %get3A_16 = arith.constant 0 : index
    %get3A_17 = vector.load %arg1[%get3A_15, %get3A_16] : memref<2000x128xf32, #tpu.memory_space<vmem>>, vector<2000x128xf32>
    %sub3A_18 = vector.broadcast %mul3A_4 : vector<1x128xf32> to vector<2000x128xf32>
    %sub3A_19 = arith.subf %get3A_17, %sub3A_18 : vector<2000x128xf32>
    %add3A = arith.constant 9.99999974E-6 : f32
    %add3A_20 = vector.broadcast %add3A : f32 to vector<1x128xf32>
    %add3A_21 = arith.addf %sub3A, %add3A_20 : vector<1x128xf32>
    %rsqrt3A = math.rsqrt %add3A_21 : vector<1x128xf32>
    %mul3A_22 = vector.broadcast %rsqrt3A : vector<1x128xf32> to vector<2000x128xf32>
    %mul3A_23 = arith.mulf %sub3A_19, %mul3A_22 : vector<2000x128xf32>
    %get3A_24 = arith.constant 0 : index
    %get3A_25 = arith.constant 0 : index
    %get3A_26 = vector.load %arg4[%get3A_24, %get3A_25] : memref<1x128xf32, #tpu.memory_space<vmem>>, vector<1x128xf32>
    %mul3A_27 = vector.broadcast %get3A_26 : vector<1x128xf32> to vector<2000x128xf32>
    %mul3A_28 = arith.mulf %mul3A_23, %mul3A_27 : vector<2000x128xf32>
    %get3A_29 = arith.constant 0 : index
    %get3A_30 = arith.constant 0 : index
    %get3A_31 = vector.load %arg5[%get3A_29, %get3A_30] : memref<1x128xf32, #tpu.memory_space<vmem>>, vector<1x128xf32>
    %add3A_32 = vector.broadcast %get3A_31 : vector<1x128xf32> to vector<2000x128xf32>
    %add3A_33 = arith.addf %mul3A_28, %add3A_32 : vector<2000x128xf32>
    %max3A = arith.constant 0.000000e+00 : f32
    %max3A_34 = vector.broadcast %max3A : f32 to vector<2000x128xf32>
    %max3A_35 = arith.maximumf %add3A_33, %max3A_34 : vector<2000x128xf32>
    %convert_element_type3A = arith.truncf %max3A_35 : vector<2000x128xf32> to vector<2000x128xbf16>
    %get3A_36 = arith.constant 0 : index
    %get3A_37 = arith.constant 0 : index
    %get3A_38 = vector.load %arg6[%get3A_36, %get3A_37] : memref<128x256xbf16, #tpu.memory_space<vmem>>, vector<128x256xbf16>
    %dot_general3A = arith.constant dense<0.000000e+00> : vector<2000x256xf32>
    %dot_general3A_39 = tpu.matmul %convert_element_type3A, %get3A_38, %dot_general3A {dimension_numbers = #tpu.dot_dimension_numbers<[1], [0], [0], [1], [0, 0, 1, 1], [], []>, transpose_lhs_hint = false} : vector<2000x128xbf16>, vector<128x256xbf16>, vector<2000x256xf32> -> vector<2000x256xf32>
    %get3A_40 = arith.constant 0 : index
    %get3A_41 = arith.constant 0 : index
    %get3A_42 = vector.load %arg7[%get3A_40, %get3A_41] : memref<1x256xf32, #tpu.memory_space<vmem>>, vector<1x256xf32>
    %add3A_43 = vector.broadcast %get3A_42 : vector<1x256xf32> to vector<2000x256xf32>
    %add3A_44 = arith.addf %dot_general3A_39, %add3A_43 : vector<2000x256xf32>
    %get3A_45 = arith.constant 0 : index
    %get3A_46 = arith.constant 0 : index
    %get3A_47 = vector.load %arg8[%get3A_45, %get3A_46] : memref<128x256xbf16, #tpu.memory_space<vmem>>, vector<128x256xbf16>
    %dot_general3A_48 = arith.constant dense<0.000000e+00> : vector<2000x256xf32>
    %dot_general3A_49 = tpu.matmul %convert_element_type3A, %get3A_47, %dot_general3A_48 {dimension_numbers = #tpu.dot_dimension_numbers<[1], [0], [0], [1], [0, 0, 1, 1], [], []>, transpose_lhs_hint = false} : vector<2000x128xbf16>, vector<128x256xbf16>, vector<2000x256xf32> -> vector<2000x256xf32>
    %get3A_50 = arith.constant 0 : index
    %get3A_51 = arith.constant 0 : index
    %get3A_52 = vector.load %arg9[%get3A_50, %get3A_51] : memref<1x256xf32, #tpu.memory_space<vmem>>, vector<1x256xf32>
    %add3A_53 = vector.broadcast %get3A_52 : vector<1x256xf32> to vector<2000x256xf32>
    %add3A_54 = arith.addf %dot_general3A_49, %add3A_53 : vector<2000x256xf32>
    %bitcast_convert_type3A = tpu.bitcast %add3A_44 : vector<2000x256xf32> -> vector<2000x256xi32>
    %shift_right_logical3A = arith.constant 16 : i32
    %shift_right_logical3A_55 = vector.broadcast %shift_right_logical3A : i32 to vector<2000x256xi32>
    %shift_right_logical3A_56 = arith.shrui %bitcast_convert_type3A, %shift_right_logical3A_55 : vector<2000x256xi32>
    %and3A = arith.constant 1 : i32
    %and3A_57 = vector.broadcast %and3A : i32 to vector<2000x256xi32>
    %and3A_58 = arith.andi %shift_right_logical3A_56, %and3A_57 : vector<2000x256xi32>
    %add3A_59 = arith.constant 32767 : i32
    %add3A_60 = vector.broadcast %add3A_59 : i32 to vector<2000x256xi32>
    %add3A_61 = arith.addi %and3A_58, %add3A_60 : vector<2000x256xi32>
    %add3A_62 = arith.addi %bitcast_convert_type3A, %add3A_61 : vector<2000x256xi32>
    %shift_right_logical3A_63 = arith.constant 16 : i32
    %shift_right_logical3A_64 = vector.broadcast %shift_right_logical3A_63 : i32 to vector<2000x256xi32>
    %shift_right_logical3A_65 = arith.shrui %add3A_62, %shift_right_logical3A_64 : vector<2000x256xi32>
    %slice3A = vector.extract_strided_slice %shift_right_logical3A_65 {offsets = [0, 0], sizes = [2000, 128], strides = [1, 1]} : vector<2000x256xi32> to vector<2000x128xi32>
    %slice3A_66 = vector.extract_strided_slice %shift_right_logical3A_65 {offsets = [0, 128], sizes = [2000, 128], strides = [1, 1]} : vector<2000x256xi32> to vector<2000x128xi32>
    %shift_left3A = arith.constant 16 : i32
    %shift_left3A_67 = vector.broadcast %shift_left3A : i32 to vector<2000x128xi32>
    %shift_left3A_68 = arith.shli %slice3A_66, %shift_left3A_67 : vector<2000x128xi32>
    %or3A = arith.ori %slice3A, %shift_left3A_68 : vector<2000x128xi32>
    %swap3A = arith.constant 0 : index
    %swap3A_69 = arith.constant 0 : index
    %swap3A_70 = vector.load %arg10[%swap3A, %swap3A_69] : memref<2000x128xi32, #tpu.memory_space<vmem>>, vector<2000x128xi32>
    tpu.vector_store %arg10[%swap3A, %swap3A_69], %or3A {strides = array<i32>} : memref<2000x128xi32, #tpu.memory_space<vmem>>, vector<2000x128xi32>,
    %bitcast_convert_type3A_71 = tpu.bitcast %add3A_54 : vector<2000x256xf32> -> vector<2000x256xi32>
    %shift_right_logical3A_72 = arith.constant 16 : i32
    %shift_right_logical3A_73 = vector.broadcast %shift_right_logical3A_72 : i32 to vector<2000x256xi32>
    %shift_right_logical3A_74 = arith.shrui %bitcast_convert_type3A_71, %shift_right_logical3A_73 : vector<2000x256xi32>
    %and3A_75 = arith.constant 1 : i32
    %and3A_76 = vector.broadcast %and3A_75 : i32 to vector<2000x256xi32>
    %and3A_77 = arith.andi %shift_right_logical3A_74, %and3A_76 : vector<2000x256xi32>
    %add3A_78 = arith.constant 32767 : i32
    %add3A_79 = vector.broadcast %add3A_78 : i32 to vector<2000x256xi32>
    %add3A_80 = arith.addi %and3A_77, %add3A_79 : vector<2000x256xi32>
    %add3A_81 = arith.addi %bitcast_convert_type3A_71, %add3A_80 : vector<2000x256xi32>
    %shift_right_logical3A_82 = arith.constant 16 : i32
    %shift_right_logical3A_83 = vector.broadcast %shift_right_logical3A_82 : i32 to vector<2000x256xi32>
    %shift_right_logical3A_84 = arith.shrui %add3A_81, %shift_right_logical3A_83 : vector<2000x256xi32>
    %slice3A_85 = vector.extract_strided_slice %shift_right_logical3A_84 {offsets = [0, 0], sizes = [2000, 128], strides = [1, 1]} : vector<2000x256xi32> to vector<2000x128xi32>
    %slice3A_86 = vector.extract_strided_slice %shift_right_logical3A_84 {offsets = [0, 128], sizes = [2000, 128], strides = [1, 1]} : vector<2000x256xi32> to vector<2000x128xi32>
    %shift_left3A_87 = arith.constant 16 : i32
    %shift_left3A_88 = vector.broadcast %shift_left3A_87 : i32 to vector<2000x128xi32>
    %shift_left3A_89 = arith.shli %slice3A_86, %shift_left3A_88 : vector<2000x128xi32>
    %or3A_90 = arith.ori %slice3A_85, %shift_left3A_89 : vector<2000x128xi32>
    %swap3A_91 = arith.constant 0 : index
    %swap3A_92 = arith.constant 0 : index
    %swap3A_93 = vector.load %arg11[%swap3A_91, %swap3A_92] : memref<2000x128xi32, #tpu.memory_space<vmem>>, vector<2000x128xi32>
    tpu.vector_store %arg11[%swap3A_91, %swap3A_92], %or3A_90 {strides = array<i32>} : memref<2000x128xi32, #tpu.memory_space<vmem>>, vector<2000x128xi32>,
    return
  }
  func.func @transform_0(%arg0: i32) -> (i32, i32) {
    %c0_i32 = arith.constant 0 : i32
    %c0_i32_0 = arith.constant 0 : i32
    return %arg0, %c0_i32 : i32, i32
  }
  func.func @transform_1(%arg0: i32) -> (i32, i32) {
    %c0_i32 = arith.constant 0 : i32
    %c0_i32_0 = arith.constant 0 : i32
    %c0_i32_1 = arith.constant 0 : i32
    return %c0_i32, %c0_i32_0 : i32, i32
  }
  func.func @transform_2(%arg0: i32) -> (i32, i32) {
    %c0_i32 = arith.constant 0 : i32
    %c0_i32_0 = arith.constant 0 : i32
    %c0_i32_1 = arith.constant 0 : i32
    return %c0_i32, %c0_i32_0 : i32, i32
  }
  func.func @transform_3(%arg0: i32) -> (i32, i32) {
    %c0_i32 = arith.constant 0 : i32
    %c0_i32_0 = arith.constant 0 : i32
    %c0_i32_1 = arith.constant 0 : i32
    return %c0_i32, %c0_i32_0 : i32, i32
  }
  func.func @transform_4(%arg0: i32) -> (i32, i32) {
    %c0_i32 = arith.constant 0 : i32
    %c0_i32_0 = arith.constant 0 : i32
    %c0_i32_1 = arith.constant 0 : i32
    return %c0_i32, %c0_i32_0 : i32, i32
  }
  func.func @transform_5(%arg0: i32) -> (i32, i32) {
    %c0_i32 = arith.constant 0 : i32
    %c0_i32_0 = arith.constant 0 : i32
    %c0_i32_1 = arith.constant 0 : i32
    return %c0_i32, %c0_i32_0 : i32, i32
  }
  func.func @transform_6(%arg0: i32) -> (i32, i32) {
    %c0_i32 = arith.constant 0 : i32
    %c0_i32_0 = arith.constant 0 : i32
    %c0_i32_1 = arith.constant 0 : i32
    return %c0_i32, %c0_i32_0 : i32, i32
  }
  func.func @transform_7(%arg0: i32) -> (i32, i32) {
    %c0_i32 = arith.constant 0 : i32
    %c0_i32_0 = arith.constant 0 : i32
    %c0_i32_1 = arith.constant 0 : i32
    return %c0_i32, %c0_i32_0 : i32, i32
  }
  func.func @transform_8(%arg0: i32) -> (i32, i32) {
    %c0_i32 = arith.constant 0 : i32
    %c0_i32_0 = arith.constant 0 : i32
    %c0_i32_1 = arith.constant 0 : i32
    return %c0_i32, %c0_i32_0 : i32, i32
  }
  func.func @transform_9(%arg0: i32) -> (i32, i32) {
    %c0_i32 = arith.constant 0 : i32
    %c0_i32_0 = arith.constant 0 : i32
    return %arg0, %c0_i32 : i32, i32
  }
  func.func @transform_10(%arg0: i32) -> (i32, i32) {
    %c0_i32 = arith.constant 0 : i32
    %c0_i32_0 = arith.constant 0 : i32
    return %arg0, %c0_i32 : i32, i32
  }
}

module attributes {stable_mosaic.version = 14 : i64} {
  func.func @_msg_body(%arg0: i32, %arg1: memref<2000x128xi32, #tpu.memory_space<vmem>>, %arg2: memref<256x128xbf16, #tpu.memory_space<vmem>>, %arg3: memref<1x128xf32, #tpu.memory_space<vmem>>, %arg4: memref<1x128xf32, #tpu.memory_space<vmem>>, %arg5: memref<2000x128xf32, #tpu.memory_space<vmem>>, %arg6: memref<2000x128xf32, #tpu.memory_space<vmem>>) attributes {dimension_semantics = [#tpu.dimension_semantics<arbitrary>], iteration_bounds = array<i64: 80>, scalar_prefetch = 0 : i64, scratch_operands = 0 : i64, tpu.core_type = #tpu.core_type<tc>, window_params = [{transform_indices = @transform_0, window_bounds = array<i64: 2000, 128>}, {pipeline_mode = #tpu.pipeline_mode<synchronous>, transform_indices = @transform_1, window_bounds = array<i64: 256, 128>}, {pipeline_mode = #tpu.pipeline_mode<synchronous>, transform_indices = @transform_2, window_bounds = array<i64: 1, 128>}, {pipeline_mode = #tpu.pipeline_mode<synchronous>, transform_indices = @transform_3, window_bounds = array<i64: 1, 128>}, {transform_indices = @transform_4, window_bounds = array<i64: 2000, 128>}, {transform_indices = @transform_5, window_bounds = array<i64: 2000, 128>}]} {
    %get3A = arith.constant 0 : index
    %get3A_0 = arith.constant 0 : index
    %get3A_1 = vector.load %arg1[%get3A, %get3A_0] : memref<2000x128xi32, #tpu.memory_space<vmem>>, vector<2000x128xi32>
    %shift_left3A = arith.constant 16 : i32
    %shift_left3A_2 = vector.broadcast %shift_left3A : i32 to vector<2000x128xi32>
    %shift_left3A_3 = arith.shli %get3A_1, %shift_left3A_2 : vector<2000x128xi32>
    %bitcast_convert_type3A = tpu.bitcast %shift_left3A_3 : vector<2000x128xi32> -> vector<2000x128xf32>
    %and3A = arith.constant -65536 : i32
    %and3A_4 = vector.broadcast %and3A : i32 to vector<2000x128xi32>
    %and3A_5 = arith.andi %get3A_1, %and3A_4 : vector<2000x128xi32>
    %bitcast_convert_type3A_6 = tpu.bitcast %and3A_5 : vector<2000x128xi32> -> vector<2000x128xf32>
    %concatenate3A = tpu.concatenate %bitcast_convert_type3A, %bitcast_convert_type3A_6 in 1 : vector<2000x128xf32>, vector<2000x128xf32> -> vector<2000x256xf32>
    %max3A = arith.constant 0.000000e+00 : f32
    %max3A_7 = vector.broadcast %max3A : f32 to vector<2000x256xf32>
    %max3A_8 = arith.maximumf %concatenate3A, %max3A_7 : vector<2000x256xf32>
    %convert_element_type3A = arith.truncf %max3A_8 : vector<2000x256xf32> to vector<2000x256xbf16>
    %get3A_9 = arith.constant 0 : index
    %get3A_10 = arith.constant 0 : index
    %get3A_11 = vector.load %arg2[%get3A_9, %get3A_10] : memref<256x128xbf16, #tpu.memory_space<vmem>>, vector<256x128xbf16>
    %dot_general3A = arith.constant dense<0.000000e+00> : vector<2000x128xf32>
    %dot_general3A_12 = tpu.matmul %convert_element_type3A, %get3A_11, %dot_general3A {dimension_numbers = #tpu.dot_dimension_numbers<[1], [0], [0], [1], [0, 0, 1, 1], [], []>, transpose_lhs_hint = false} : vector<2000x256xbf16>, vector<256x128xbf16>, vector<2000x128xf32> -> vector<2000x128xf32>
    %get3A_13 = arith.constant 0 : index
    %get3A_14 = arith.constant 0 : index
    %get3A_15 = vector.load %arg3[%get3A_13, %get3A_14] : memref<1x128xf32, #tpu.memory_space<vmem>>, vector<1x128xf32>
    %add3A = vector.broadcast %get3A_15 : vector<1x128xf32> to vector<2000x128xf32>
    %add3A_16 = arith.addf %dot_general3A_12, %add3A : vector<2000x128xf32>
    %get3A_17 = arith.constant 0 : index
    %get3A_18 = arith.constant 0 : index
    %get3A_19 = vector.load %arg4[%get3A_17, %get3A_18] : memref<1x128xf32, #tpu.memory_space<vmem>>, vector<1x128xf32>
    %mul3A = vector.broadcast %get3A_19 : vector<1x128xf32> to vector<2000x128xf32>
    %mul3A_20 = arith.mulf %add3A_16, %mul3A : vector<2000x128xf32>
    %exp3A = math.exp %mul3A_20 : vector<2000x128xf32>
    %swap3A = arith.constant 0 : index
    %swap3A_21 = arith.constant 0 : index
    %swap3A_22 = vector.load %arg5[%swap3A, %swap3A_21] : memref<2000x128xf32, #tpu.memory_space<vmem>>, vector<2000x128xf32>
    tpu.vector_store %arg5[%swap3A, %swap3A_21], %exp3A {strides = array<i32>} : memref<2000x128xf32, #tpu.memory_space<vmem>>, vector<2000x128xf32>,
    %mul3A_23 = arith.mulf %add3A_16, %exp3A : vector<2000x128xf32>
    %swap3A_24 = arith.constant 0 : index
    %swap3A_25 = arith.constant 0 : index
    %swap3A_26 = vector.load %arg6[%swap3A_24, %swap3A_25] : memref<2000x128xf32, #tpu.memory_space<vmem>>, vector<2000x128xf32>
    tpu.vector_store %arg6[%swap3A_24, %swap3A_25], %mul3A_23 {strides = array<i32>} : memref<2000x128xf32, #tpu.memory_space<vmem>>, vector<2000x128xf32>,
    return
  }
  func.func @transform_0(%arg0: i32) -> (i32, i32) {
    %c0_i32 = arith.constant 0 : i32
    %c0_i32_0 = arith.constant 0 : i32
    return %arg0, %c0_i32 : i32, i32
  }
  func.func @transform_1(%arg0: i32) -> (i32, i32) {
    %c0_i32 = arith.constant 0 : i32
    %c0_i32_0 = arith.constant 0 : i32
    %c0_i32_1 = arith.constant 0 : i32
    return %c0_i32, %c0_i32_0 : i32, i32
  }
  func.func @transform_2(%arg0: i32) -> (i32, i32) {
    %c0_i32 = arith.constant 0 : i32
    %c0_i32_0 = arith.constant 0 : i32
    %c0_i32_1 = arith.constant 0 : i32
    return %c0_i32, %c0_i32_0 : i32, i32
  }
  func.func @transform_3(%arg0: i32) -> (i32, i32) {
    %c0_i32 = arith.constant 0 : i32
    %c0_i32_0 = arith.constant 0 : i32
    %c0_i32_1 = arith.constant 0 : i32
    return %c0_i32, %c0_i32_0 : i32, i32
  }
  func.func @transform_4(%arg0: i32) -> (i32, i32) {
    %c0_i32 = arith.constant 0 : i32
    %c0_i32_0 = arith.constant 0 : i32
    return %arg0, %c0_i32 : i32, i32
  }
  func.func @transform_5(%arg0: i32) -> (i32, i32) {
    %c0_i32 = arith.constant 0 : i32
    %c0_i32_0 = arith.constant 0 : i32
    return %arg0, %c0_i32 : i32, i32
  }
}

module attributes {stable_mosaic.version = 14 : i64} {
  func.func @_node_mlp_body(%arg0: memref<10000x128xf32, #tpu.memory_space<vmem>>, %arg1: memref<20000x128xf32, #tpu.memory_space<vmem>>, %arg2: memref<256x256xf32, #tpu.memory_space<vmem>>, %arg3: memref<1x256xf32, #tpu.memory_space<vmem>>, %arg4: memref<1x256xf32, #tpu.memory_space<vmem>>, %arg5: memref<1x256xf32, #tpu.memory_space<vmem>>, %arg6: memref<256x256xf32, #tpu.memory_space<vmem>>, %arg7: memref<1x256xf32, #tpu.memory_space<vmem>>, %arg8: memref<1x256xf32, #tpu.memory_space<vmem>>, %arg9: memref<1x256xf32, #tpu.memory_space<vmem>>, %arg10: memref<256x256xf32, #tpu.memory_space<vmem>>, %arg11: memref<1x256xf32, #tpu.memory_space<vmem>>, %arg12: memref<1x256xf32, #tpu.memory_space<vmem>>, %arg13: memref<1x256xf32, #tpu.memory_space<vmem>>, %arg14: memref<256x128xf32, #tpu.memory_space<vmem>>, %arg15: memref<1x128xf32, #tpu.memory_space<vmem>>, %arg16: memref<10000x128xf32, #tpu.memory_space<vmem>>) attributes {dimension_semantics = [], scalar_prefetch = 0 : i64, scratch_operands = 0 : i64, tpu.core_type = #tpu.core_type<tc>} {
    %get3A = arith.constant 0 : index
    %get3A_0 = arith.constant 0 : index
    %get3A_1 = vector.load %arg1[%get3A, %get3A_0] : memref<20000x128xf32, #tpu.memory_space<vmem>>, vector<10000x128xf32>
    %get3A_2 = arith.constant 10000 : index
    %get3A_3 = arith.constant 0 : index
    %get3A_4 = vector.load %arg1[%get3A_2, %get3A_3] : memref<20000x128xf32, #tpu.memory_space<vmem>>, vector<10000x128xf32>
    %gt3A = arith.constant 0.000000e+00 : f32
    %gt3A_5 = vector.broadcast %gt3A : f32 to vector<10000x128xf32>
    %gt3A_6 = arith.cmpf ogt, %get3A_1, %gt3A_5 : vector<10000x128xf32>
    %div3A = arith.divf %get3A_4, %get3A_1 : vector<10000x128xf32>
    %jit3A = arith.constant 0.000000e+00 : f32
    %broadcast_in_dim3A = vector.broadcast %jit3A : f32 to vector<10000x128xf32>
    %select_n3A = arith.select %gt3A_6, %div3A, %broadcast_in_dim3A : vector<10000x128xi1>, vector<10000x128xf32>
    %get3A_7 = arith.constant 0 : index
    %get3A_8 = arith.constant 0 : index
    %get3A_9 = vector.load %arg0[%get3A_7, %get3A_8] : memref<10000x128xf32, #tpu.memory_space<vmem>>, vector<10000x128xf32>
    %concatenate3A = tpu.concatenate %get3A_9, %select_n3A in 1 : vector<10000x128xf32>, vector<10000x128xf32> -> vector<10000x256xf32>
    %get3A_10 = arith.constant 0 : index
    %get3A_11 = arith.constant 0 : index
    %get3A_12 = vector.load %arg2[%get3A_10, %get3A_11] : memref<256x256xf32, #tpu.memory_space<vmem>>, vector<256x256xf32>
    %dot_general3A = arith.constant dense<0.000000e+00> : vector<10000x256xf32>
    %dot_general3A_13 = tpu.matmul %concatenate3A, %get3A_12, %dot_general3A {dimension_numbers = #tpu.dot_dimension_numbers<[1], [0], [0], [1], [0, 0, 1, 1], [], []>, transpose_lhs_hint = false} : vector<10000x256xf32>, vector<256x256xf32>, vector<10000x256xf32> -> vector<10000x256xf32>
    %get3A_14 = arith.constant 0 : index
    %get3A_15 = arith.constant 0 : index
    %get3A_16 = vector.load %arg3[%get3A_14, %get3A_15] : memref<1x256xf32, #tpu.memory_space<vmem>>, vector<1x256xf32>
    %add3A = vector.broadcast %get3A_16 : vector<1x256xf32> to vector<10000x256xf32>
    %add3A_17 = arith.addf %dot_general3A_13, %add3A : vector<10000x256xf32>
    %reduce_sum3A = arith.constant dense<0.000000e+00> : vector<256xf32>
    %reduce_sum3A_18 = vector.multi_reduction <add>, %add3A_17, %reduce_sum3A [0] : vector<10000x256xf32> to vector<256xf32>
    %broadcast_in_dim3A_19 = vector.shape_cast %reduce_sum3A_18 : vector<256xf32> to vector<1x256xf32>
    %div3A_20 = arith.constant 1.000000e+04 : f32
    %div3A_21 = vector.broadcast %div3A_20 : f32 to vector<1x256xf32>
    %div3A_22 = arith.divf %broadcast_in_dim3A_19, %div3A_21 : vector<1x256xf32>
    %mul3A = arith.mulf %add3A_17, %add3A_17 : vector<10000x256xf32>
    %reduce_sum3A_23 = arith.constant dense<0.000000e+00> : vector<256xf32>
    %reduce_sum3A_24 = vector.multi_reduction <add>, %mul3A, %reduce_sum3A_23 [0] : vector<10000x256xf32> to vector<256xf32>
    %broadcast_in_dim3A_25 = vector.shape_cast %reduce_sum3A_24 : vector<256xf32> to vector<1x256xf32>
    %div3A_26 = arith.constant 1.000000e+04 : f32
    %div3A_27 = vector.broadcast %div3A_26 : f32 to vector<1x256xf32>
    %div3A_28 = arith.divf %broadcast_in_dim3A_25, %div3A_27 : vector<1x256xf32>
    %mul3A_29 = arith.mulf %div3A_22, %div3A_22 : vector<1x256xf32>
    %sub3A = arith.subf %div3A_28, %mul3A_29 : vector<1x256xf32>
    %sub3A_30 = vector.broadcast %div3A_22 : vector<1x256xf32> to vector<10000x256xf32>
    %sub3A_31 = arith.subf %add3A_17, %sub3A_30 : vector<10000x256xf32>
    %add3A_32 = arith.constant 9.99999974E-6 : f32
    %add3A_33 = vector.broadcast %add3A_32 : f32 to vector<1x256xf32>
    %add3A_34 = arith.addf %sub3A, %add3A_33 : vector<1x256xf32>
    %rsqrt3A = math.rsqrt %add3A_34 : vector<1x256xf32>
    %mul3A_35 = vector.broadcast %rsqrt3A : vector<1x256xf32> to vector<10000x256xf32>
    %mul3A_36 = arith.mulf %sub3A_31, %mul3A_35 : vector<10000x256xf32>
    %get3A_37 = arith.constant 0 : index
    %get3A_38 = arith.constant 0 : index
    %get3A_39 = vector.load %arg4[%get3A_37, %get3A_38] : memref<1x256xf32, #tpu.memory_space<vmem>>, vector<1x256xf32>
    %mul3A_40 = vector.broadcast %get3A_39 : vector<1x256xf32> to vector<10000x256xf32>
    %mul3A_41 = arith.mulf %mul3A_36, %mul3A_40 : vector<10000x256xf32>
    %get3A_42 = arith.constant 0 : index
    %get3A_43 = arith.constant 0 : index
    %get3A_44 = vector.load %arg5[%get3A_42, %get3A_43] : memref<1x256xf32, #tpu.memory_space<vmem>>, vector<1x256xf32>
    %add3A_45 = vector.broadcast %get3A_44 : vector<1x256xf32> to vector<10000x256xf32>
    %add3A_46 = arith.addf %mul3A_41, %add3A_45 : vector<10000x256xf32>
    %max3A = arith.constant 0.000000e+00 : f32
    %max3A_47 = vector.broadcast %max3A : f32 to vector<10000x256xf32>
    %max3A_48 = arith.maximumf %add3A_46, %max3A_47 : vector<10000x256xf32>
    %get3A_49 = arith.constant 0 : index
    %get3A_50 = arith.constant 0 : index
    %get3A_51 = vector.load %arg6[%get3A_49, %get3A_50] : memref<256x256xf32, #tpu.memory_space<vmem>>, vector<256x256xf32>
    %dot_general3A_52 = arith.constant dense<0.000000e+00> : vector<10000x256xf32>
    %dot_general3A_53 = tpu.matmul %max3A_48, %get3A_51, %dot_general3A_52 {dimension_numbers = #tpu.dot_dimension_numbers<[1], [0], [0], [1], [0, 0, 1, 1], [], []>, transpose_lhs_hint = false} : vector<10000x256xf32>, vector<256x256xf32>, vector<10000x256xf32> -> vector<10000x256xf32>
    %get3A_54 = arith.constant 0 : index
    %get3A_55 = arith.constant 0 : index
    %get3A_56 = vector.load %arg7[%get3A_54, %get3A_55] : memref<1x256xf32, #tpu.memory_space<vmem>>, vector<1x256xf32>
    %add3A_57 = vector.broadcast %get3A_56 : vector<1x256xf32> to vector<10000x256xf32>
    %add3A_58 = arith.addf %dot_general3A_53, %add3A_57 : vector<10000x256xf32>
    %reduce_sum3A_59 = arith.constant dense<0.000000e+00> : vector<256xf32>
    %reduce_sum3A_60 = vector.multi_reduction <add>, %add3A_58, %reduce_sum3A_59 [0] : vector<10000x256xf32> to vector<256xf32>
    %broadcast_in_dim3A_61 = vector.shape_cast %reduce_sum3A_60 : vector<256xf32> to vector<1x256xf32>
    %div3A_62 = arith.constant 1.000000e+04 : f32
    %div3A_63 = vector.broadcast %div3A_62 : f32 to vector<1x256xf32>
    %div3A_64 = arith.divf %broadcast_in_dim3A_61, %div3A_63 : vector<1x256xf32>
    %mul3A_65 = arith.mulf %add3A_58, %add3A_58 : vector<10000x256xf32>
    %reduce_sum3A_66 = arith.constant dense<0.000000e+00> : vector<256xf32>
    %reduce_sum3A_67 = vector.multi_reduction <add>, %mul3A_65, %reduce_sum3A_66 [0] : vector<10000x256xf32> to vector<256xf32>
    %broadcast_in_dim3A_68 = vector.shape_cast %reduce_sum3A_67 : vector<256xf32> to vector<1x256xf32>
    %div3A_69 = arith.constant 1.000000e+04 : f32
    %div3A_70 = vector.broadcast %div3A_69 : f32 to vector<1x256xf32>
    %div3A_71 = arith.divf %broadcast_in_dim3A_68, %div3A_70 : vector<1x256xf32>
    %mul3A_72 = arith.mulf %div3A_64, %div3A_64 : vector<1x256xf32>
    %sub3A_73 = arith.subf %div3A_71, %mul3A_72 : vector<1x256xf32>
    %sub3A_74 = vector.broadcast %div3A_64 : vector<1x256xf32> to vector<10000x256xf32>
    %sub3A_75 = arith.subf %add3A_58, %sub3A_74 : vector<10000x256xf32>
    %add3A_76 = arith.constant 9.99999974E-6 : f32
    %add3A_77 = vector.broadcast %add3A_76 : f32 to vector<1x256xf32>
    %add3A_78 = arith.addf %sub3A_73, %add3A_77 : vector<1x256xf32>
    %rsqrt3A_79 = math.rsqrt %add3A_78 : vector<1x256xf32>
    %mul3A_80 = vector.broadcast %rsqrt3A_79 : vector<1x256xf32> to vector<10000x256xf32>
    %mul3A_81 = arith.mulf %sub3A_75, %mul3A_80 : vector<10000x256xf32>
    %get3A_82 = arith.constant 0 : index
    %get3A_83 = arith.constant 0 : index
    %get3A_84 = vector.load %arg8[%get3A_82, %get3A_83] : memref<1x256xf32, #tpu.memory_space<vmem>>, vector<1x256xf32>
    %mul3A_85 = vector.broadcast %get3A_84 : vector<1x256xf32> to vector<10000x256xf32>
    %mul3A_86 = arith.mulf %mul3A_81, %mul3A_85 : vector<10000x256xf32>
    %get3A_87 = arith.constant 0 : index
    %get3A_88 = arith.constant 0 : index
    %get3A_89 = vector.load %arg9[%get3A_87, %get3A_88] : memref<1x256xf32, #tpu.memory_space<vmem>>, vector<1x256xf32>
    %add3A_90 = vector.broadcast %get3A_89 : vector<1x256xf32> to vector<10000x256xf32>
    %add3A_91 = arith.addf %mul3A_86, %add3A_90 : vector<10000x256xf32>
    %max3A_92 = arith.constant 0.000000e+00 : f32
    %max3A_93 = vector.broadcast %max3A_92 : f32 to vector<10000x256xf32>
    %max3A_94 = arith.maximumf %add3A_91, %max3A_93 : vector<10000x256xf32>
    %get3A_95 = arith.constant 0 : index
    %get3A_96 = arith.constant 0 : index
    %get3A_97 = vector.load %arg10[%get3A_95, %get3A_96] : memref<256x256xf32, #tpu.memory_space<vmem>>, vector<256x256xf32>
    %dot_general3A_98 = arith.constant dense<0.000000e+00> : vector<10000x256xf32>
    %dot_general3A_99 = tpu.matmul %max3A_94, %get3A_97, %dot_general3A_98 {dimension_numbers = #tpu.dot_dimension_numbers<[1], [0], [0], [1], [0, 0, 1, 1], [], []>, transpose_lhs_hint = false} : vector<10000x256xf32>, vector<256x256xf32>, vector<10000x256xf32> -> vector<10000x256xf32>
    %get3A_100 = arith.constant 0 : index
    %get3A_101 = arith.constant 0 : index
    %get3A_102 = vector.load %arg11[%get3A_100, %get3A_101] : memref<1x256xf32, #tpu.memory_space<vmem>>, vector<1x256xf32>
    %add3A_103 = vector.broadcast %get3A_102 : vector<1x256xf32> to vector<10000x256xf32>
    %add3A_104 = arith.addf %dot_general3A_99, %add3A_103 : vector<10000x256xf32>
    %reduce_sum3A_105 = arith.constant dense<0.000000e+00> : vector<256xf32>
    %reduce_sum3A_106 = vector.multi_reduction <add>, %add3A_104, %reduce_sum3A_105 [0] : vector<10000x256xf32> to vector<256xf32>
    %broadcast_in_dim3A_107 = vector.shape_cast %reduce_sum3A_106 : vector<256xf32> to vector<1x256xf32>
    %div3A_108 = arith.constant 1.000000e+04 : f32
    %div3A_109 = vector.broadcast %div3A_108 : f32 to vector<1x256xf32>
    %div3A_110 = arith.divf %broadcast_in_dim3A_107, %div3A_109 : vector<1x256xf32>
    %mul3A_111 = arith.mulf %add3A_104, %add3A_104 : vector<10000x256xf32>
    %reduce_sum3A_112 = arith.constant dense<0.000000e+00> : vector<256xf32>
    %reduce_sum3A_113 = vector.multi_reduction <add>, %mul3A_111, %reduce_sum3A_112 [0] : vector<10000x256xf32> to vector<256xf32>
    %broadcast_in_dim3A_114 = vector.shape_cast %reduce_sum3A_113 : vector<256xf32> to vector<1x256xf32>
    %div3A_115 = arith.constant 1.000000e+04 : f32
    %div3A_116 = vector.broadcast %div3A_115 : f32 to vector<1x256xf32>
    %div3A_117 = arith.divf %broadcast_in_dim3A_114, %div3A_116 : vector<1x256xf32>
    %mul3A_118 = arith.mulf %div3A_110, %div3A_110 : vector<1x256xf32>
    %sub3A_119 = arith.subf %div3A_117, %mul3A_118 : vector<1x256xf32>
    %sub3A_120 = vector.broadcast %div3A_110 : vector<1x256xf32> to vector<10000x256xf32>
    %sub3A_121 = arith.subf %add3A_104, %sub3A_120 : vector<10000x256xf32>
    %add3A_122 = arith.constant 9.99999974E-6 : f32
    %add3A_123 = vector.broadcast %add3A_122 : f32 to vector<1x256xf32>
    %add3A_124 = arith.addf %sub3A_119, %add3A_123 : vector<1x256xf32>
    %rsqrt3A_125 = math.rsqrt %add3A_124 : vector<1x256xf32>
    %mul3A_126 = vector.broadcast %rsqrt3A_125 : vector<1x256xf32> to vector<10000x256xf32>
    %mul3A_127 = arith.mulf %sub3A_121, %mul3A_126 : vector<10000x256xf32>
    %get3A_128 = arith.constant 0 : index
    %get3A_129 = arith.constant 0 : index
    %get3A_130 = vector.load %arg12[%get3A_128, %get3A_129] : memref<1x256xf32, #tpu.memory_space<vmem>>, vector<1x256xf32>
    %mul3A_131 = vector.broadcast %get3A_130 : vector<1x256xf32> to vector<10000x256xf32>
    %mul3A_132 = arith.mulf %mul3A_127, %mul3A_131 : vector<10000x256xf32>
    %get3A_133 = arith.constant 0 : index
    %get3A_134 = arith.constant 0 : index
    %get3A_135 = vector.load %arg13[%get3A_133, %get3A_134] : memref<1x256xf32, #tpu.memory_space<vmem>>, vector<1x256xf32>
    %add3A_136 = vector.broadcast %get3A_135 : vector<1x256xf32> to vector<10000x256xf32>
    %add3A_137 = arith.addf %mul3A_132, %add3A_136 : vector<10000x256xf32>
    %max3A_138 = arith.constant 0.000000e+00 : f32
    %max3A_139 = vector.broadcast %max3A_138 : f32 to vector<10000x256xf32>
    %max3A_140 = arith.maximumf %add3A_137, %max3A_139 : vector<10000x256xf32>
    %get3A_141 = arith.constant 0 : index
    %get3A_142 = arith.constant 0 : index
    %get3A_143 = vector.load %arg14[%get3A_141, %get3A_142] : memref<256x128xf32, #tpu.memory_space<vmem>>, vector<256x128xf32>
    %dot_general3A_144 = arith.constant dense<0.000000e+00> : vector<10000x128xf32>
    %dot_general3A_145 = tpu.matmul %max3A_140, %get3A_143, %dot_general3A_144 {dimension_numbers = #tpu.dot_dimension_numbers<[1], [0], [0], [1], [0, 0, 1, 1], [], []>, transpose_lhs_hint = false} : vector<10000x256xf32>, vector<256x128xf32>, vector<10000x128xf32> -> vector<10000x128xf32>
    %get3A_146 = arith.constant 0 : index
    %get3A_147 = arith.constant 0 : index
    %get3A_148 = vector.load %arg15[%get3A_146, %get3A_147] : memref<1x128xf32, #tpu.memory_space<vmem>>, vector<1x128xf32>
    %add3A_149 = vector.broadcast %get3A_148 : vector<1x128xf32> to vector<10000x128xf32>
    %add3A_150 = arith.addf %dot_general3A_145, %add3A_149 : vector<10000x128xf32>
    %swap3A = arith.constant 0 : index
    %swap3A_151 = arith.constant 0 : index
    %swap3A_152 = vector.load %arg16[%swap3A, %swap3A_151] : memref<10000x128xf32, #tpu.memory_space<vmem>>, vector<10000x128xf32>
    tpu.vector_store %arg16[%swap3A, %swap3A_151], %add3A_150 {strides = array<i32>} : memref<10000x128xf32, #tpu.memory_space<vmem>>, vector<10000x128xf32>,
    return
  }
}

module attributes {stable_mosaic.version = 14 : i64} {
  func.func @_node_proj_body(%arg0: memref<10000x128xf32, #tpu.memory_space<vmem>>, %arg1: memref<128x256xbf16, #tpu.memory_space<vmem>>, %arg2: memref<128x256xbf16, #tpu.memory_space<vmem>>, %arg3: memref<10000x128xi32, #tpu.memory_space<vmem>>, %arg4: memref<10000x128xi32, #tpu.memory_space<vmem>>) attributes {dimension_semantics = [], scalar_prefetch = 0 : i64, scratch_operands = 0 : i64, tpu.core_type = #tpu.core_type<tc>} {
    %get3A = arith.constant 0 : index
    %get3A_0 = arith.constant 0 : index
    %get3A_1 = vector.load %arg0[%get3A, %get3A_0] : memref<10000x128xf32, #tpu.memory_space<vmem>>, vector<10000x128xf32>
    %max3A = arith.constant 0.000000e+00 : f32
    %max3A_2 = vector.broadcast %max3A : f32 to vector<10000x128xf32>
    %max3A_3 = arith.maximumf %get3A_1, %max3A_2 : vector<10000x128xf32>
    %convert_element_type3A = arith.truncf %max3A_3 : vector<10000x128xf32> to vector<10000x128xbf16>
    %get3A_4 = arith.constant 0 : index
    %get3A_5 = arith.constant 0 : index
    %get3A_6 = vector.load %arg1[%get3A_4, %get3A_5] : memref<128x256xbf16, #tpu.memory_space<vmem>>, vector<128x256xbf16>
    %dot_general3A = arith.constant dense<0.000000e+00> : vector<10000x256xf32>
    %dot_general3A_7 = tpu.matmul %convert_element_type3A, %get3A_6, %dot_general3A {dimension_numbers = #tpu.dot_dimension_numbers<[1], [0], [0], [1], [0, 0, 1, 1], [], []>, transpose_lhs_hint = false} : vector<10000x128xbf16>, vector<128x256xbf16>, vector<10000x256xf32> -> vector<10000x256xf32>
    %get3A_8 = arith.constant 0 : index
    %get3A_9 = arith.constant 0 : index
    %get3A_10 = vector.load %arg2[%get3A_8, %get3A_9] : memref<128x256xbf16, #tpu.memory_space<vmem>>, vector<128x256xbf16>
    %dot_general3A_11 = arith.constant dense<0.000000e+00> : vector<10000x256xf32>
    %dot_general3A_12 = tpu.matmul %convert_element_type3A, %get3A_10, %dot_general3A_11 {dimension_numbers = #tpu.dot_dimension_numbers<[1], [0], [0], [1], [0, 0, 1, 1], [], []>, transpose_lhs_hint = false} : vector<10000x128xbf16>, vector<128x256xbf16>, vector<10000x256xf32> -> vector<10000x256xf32>
    %bitcast_convert_type3A = tpu.bitcast %dot_general3A_7 : vector<10000x256xf32> -> vector<10000x256xi32>
    %shift_right_logical3A = arith.constant 16 : i32
    %shift_right_logical3A_13 = vector.broadcast %shift_right_logical3A : i32 to vector<10000x256xi32>
    %shift_right_logical3A_14 = arith.shrui %bitcast_convert_type3A, %shift_right_logical3A_13 : vector<10000x256xi32>
    %and3A = arith.constant 1 : i32
    %and3A_15 = vector.broadcast %and3A : i32 to vector<10000x256xi32>
    %and3A_16 = arith.andi %shift_right_logical3A_14, %and3A_15 : vector<10000x256xi32>
    %add3A = arith.constant 32767 : i32
    %add3A_17 = vector.broadcast %add3A : i32 to vector<10000x256xi32>
    %add3A_18 = arith.addi %and3A_16, %add3A_17 : vector<10000x256xi32>
    %add3A_19 = arith.addi %bitcast_convert_type3A, %add3A_18 : vector<10000x256xi32>
    %shift_right_logical3A_20 = arith.constant 16 : i32
    %shift_right_logical3A_21 = vector.broadcast %shift_right_logical3A_20 : i32 to vector<10000x256xi32>
    %shift_right_logical3A_22 = arith.shrui %add3A_19, %shift_right_logical3A_21 : vector<10000x256xi32>
    %slice3A = vector.extract_strided_slice %shift_right_logical3A_22 {offsets = [0, 0], sizes = [10000, 128], strides = [1, 1]} : vector<10000x256xi32> to vector<10000x128xi32>
    %slice3A_23 = vector.extract_strided_slice %shift_right_logical3A_22 {offsets = [0, 128], sizes = [10000, 128], strides = [1, 1]} : vector<10000x256xi32> to vector<10000x128xi32>
    %shift_left3A = arith.constant 16 : i32
    %shift_left3A_24 = vector.broadcast %shift_left3A : i32 to vector<10000x128xi32>
    %shift_left3A_25 = arith.shli %slice3A_23, %shift_left3A_24 : vector<10000x128xi32>
    %or3A = arith.ori %slice3A, %shift_left3A_25 : vector<10000x128xi32>
    %swap3A = arith.constant 0 : index
    %swap3A_26 = arith.constant 0 : index
    %swap3A_27 = vector.load %arg3[%swap3A, %swap3A_26] : memref<10000x128xi32, #tpu.memory_space<vmem>>, vector<10000x128xi32>
    tpu.vector_store %arg3[%swap3A, %swap3A_26], %or3A {strides = array<i32>} : memref<10000x128xi32, #tpu.memory_space<vmem>>, vector<10000x128xi32>,
    %bitcast_convert_type3A_28 = tpu.bitcast %dot_general3A_12 : vector<10000x256xf32> -> vector<10000x256xi32>
    %shift_right_logical3A_29 = arith.constant 16 : i32
    %shift_right_logical3A_30 = vector.broadcast %shift_right_logical3A_29 : i32 to vector<10000x256xi32>
    %shift_right_logical3A_31 = arith.shrui %bitcast_convert_type3A_28, %shift_right_logical3A_30 : vector<10000x256xi32>
    %and3A_32 = arith.constant 1 : i32
    %and3A_33 = vector.broadcast %and3A_32 : i32 to vector<10000x256xi32>
    %and3A_34 = arith.andi %shift_right_logical3A_31, %and3A_33 : vector<10000x256xi32>
    %add3A_35 = arith.constant 32767 : i32
    %add3A_36 = vector.broadcast %add3A_35 : i32 to vector<10000x256xi32>
    %add3A_37 = arith.addi %and3A_34, %add3A_36 : vector<10000x256xi32>
    %add3A_38 = arith.addi %bitcast_convert_type3A_28, %add3A_37 : vector<10000x256xi32>
    %shift_right_logical3A_39 = arith.constant 16 : i32
    %shift_right_logical3A_40 = vector.broadcast %shift_right_logical3A_39 : i32 to vector<10000x256xi32>
    %shift_right_logical3A_41 = arith.shrui %add3A_38, %shift_right_logical3A_40 : vector<10000x256xi32>
    %slice3A_42 = vector.extract_strided_slice %shift_right_logical3A_41 {offsets = [0, 0], sizes = [10000, 128], strides = [1, 1]} : vector<10000x256xi32> to vector<10000x128xi32>
    %slice3A_43 = vector.extract_strided_slice %shift_right_logical3A_41 {offsets = [0, 128], sizes = [10000, 128], strides = [1, 1]} : vector<10000x256xi32> to vector<10000x128xi32>
    %shift_left3A_44 = arith.constant 16 : i32
    %shift_left3A_45 = vector.broadcast %shift_left3A_44 : i32 to vector<10000x128xi32>
    %shift_left3A_46 = arith.shli %slice3A_43, %shift_left3A_45 : vector<10000x128xi32>
    %or3A_47 = arith.ori %slice3A_42, %shift_left3A_46 : vector<10000x128xi32>
    %swap3A_48 = arith.constant 0 : index
    %swap3A_49 = arith.constant 0 : index
    %swap3A_50 = vector.load %arg4[%swap3A_48, %swap3A_49] : memref<10000x128xi32, #tpu.memory_space<vmem>>, vector<10000x128xi32>
    tpu.vector_store %arg4[%swap3A_48, %swap3A_49], %or3A_47 {strides = array<i32>} : memref<10000x128xi32, #tpu.memory_space<vmem>>, vector<10000x128xi32>,
    return
  }
}

module attributes {stable_mosaic.version = 14 : i64} {
  func.func @_vout_body(%arg0: i32, %arg1: memref<2000x128xi32, #tpu.memory_space<vmem>>, %arg2: memref<256x128xbf16, #tpu.memory_space<vmem>>, %arg3: memref<1x128xf32, #tpu.memory_space<vmem>>, %arg4: memref<2000x128xf32, #tpu.memory_space<vmem>>) attributes {dimension_semantics = [#tpu.dimension_semantics<arbitrary>], iteration_bounds = array<i64: 80>, scalar_prefetch = 0 : i64, scratch_operands = 0 : i64, tpu.core_type = #tpu.core_type<tc>, window_params = [{transform_indices = @transform_0, window_bounds = array<i64: 2000, 128>}, {pipeline_mode = #tpu.pipeline_mode<synchronous>, transform_indices = @transform_1, window_bounds = array<i64: 256, 128>}, {pipeline_mode = #tpu.pipeline_mode<synchronous>, transform_indices = @transform_2, window_bounds = array<i64: 1, 128>}, {transform_indices = @transform_3, window_bounds = array<i64: 2000, 128>}]} {
    %get3A = arith.constant 0 : index
    %get3A_0 = arith.constant 0 : index
    %get3A_1 = vector.load %arg1[%get3A, %get3A_0] : memref<2000x128xi32, #tpu.memory_space<vmem>>, vector<2000x128xi32>
    %shift_left3A = arith.constant 16 : i32
    %shift_left3A_2 = vector.broadcast %shift_left3A : i32 to vector<2000x128xi32>
    %shift_left3A_3 = arith.shli %get3A_1, %shift_left3A_2 : vector<2000x128xi32>
    %bitcast_convert_type3A = tpu.bitcast %shift_left3A_3 : vector<2000x128xi32> -> vector<2000x128xf32>
    %and3A = arith.constant -65536 : i32
    %and3A_4 = vector.broadcast %and3A : i32 to vector<2000x128xi32>
    %and3A_5 = arith.andi %get3A_1, %and3A_4 : vector<2000x128xi32>
    %bitcast_convert_type3A_6 = tpu.bitcast %and3A_5 : vector<2000x128xi32> -> vector<2000x128xf32>
    %concatenate3A = tpu.concatenate %bitcast_convert_type3A, %bitcast_convert_type3A_6 in 1 : vector<2000x128xf32>, vector<2000x128xf32> -> vector<2000x256xf32>
    %max3A = arith.constant 0.000000e+00 : f32
    %max3A_7 = vector.broadcast %max3A : f32 to vector<2000x256xf32>
    %max3A_8 = arith.maximumf %concatenate3A, %max3A_7 : vector<2000x256xf32>
    %convert_element_type3A = arith.truncf %max3A_8 : vector<2000x256xf32> to vector<2000x256xbf16>
    %get3A_9 = arith.constant 0 : index
    %get3A_10 = arith.constant 0 : index
    %get3A_11 = vector.load %arg2[%get3A_9, %get3A_10] : memref<256x128xbf16, #tpu.memory_space<vmem>>, vector<256x128xbf16>
    %dot_general3A = arith.constant dense<0.000000e+00> : vector<2000x128xf32>
    %dot_general3A_12 = tpu.matmul %convert_element_type3A, %get3A_11, %dot_general3A {dimension_numbers = #tpu.dot_dimension_numbers<[1], [0], [0], [1], [0, 0, 1, 1], [], []>, transpose_lhs_hint = false} : vector<2000x256xbf16>, vector<256x128xbf16>, vector<2000x128xf32> -> vector<2000x128xf32>
    %get3A_13 = arith.constant 0 : index
    %get3A_14 = arith.constant 0 : index
    %get3A_15 = vector.load %arg3[%get3A_13, %get3A_14] : memref<1x128xf32, #tpu.memory_space<vmem>>, vector<1x128xf32>
    %add3A = vector.broadcast %get3A_15 : vector<1x128xf32> to vector<2000x128xf32>
    %add3A_16 = arith.addf %dot_general3A_12, %add3A : vector<2000x128xf32>
    %swap3A = arith.constant 0 : index
    %swap3A_17 = arith.constant 0 : index
    %swap3A_18 = vector.load %arg4[%swap3A, %swap3A_17] : memref<2000x128xf32, #tpu.memory_space<vmem>>, vector<2000x128xf32>
    tpu.vector_store %arg4[%swap3A, %swap3A_17], %add3A_16 {strides = array<i32>} : memref<2000x128xf32, #tpu.memory_space<vmem>>, vector<2000x128xf32>,
    return
  }
  func.func @transform_0(%arg0: i32) -> (i32, i32) {
    %c0_i32 = arith.constant 0 : i32
    %c0_i32_0 = arith.constant 0 : i32
    return %arg0, %c0_i32 : i32, i32
  }
  func.func @transform_1(%arg0: i32) -> (i32, i32) {
    %c0_i32 = arith.constant 0 : i32
    %c0_i32_0 = arith.constant 0 : i32
    %c0_i32_1 = arith.constant 0 : i32
    return %c0_i32, %c0_i32_0 : i32, i32
  }
  func.func @transform_2(%arg0: i32) -> (i32, i32) {
    %c0_i32 = arith.constant 0 : i32
    %c0_i32_0 = arith.constant 0 : i32
    %c0_i32_1 = arith.constant 0 : i32
    return %c0_i32, %c0_i32_0 : i32, i32
  }
  func.func @transform_3(%arg0: i32) -> (i32, i32) {
    %c0_i32 = arith.constant 0 : i32
    %c0_i32_0 = arith.constant 0 : i32
    return %arg0, %c0_i32 : i32, i32
  }
}

</mosaic_0001>

<sc_bundles>
// kernel: kernel.12.cloned.1.call-start
scs
__scs_entry_jumppad:
0x0: {  	(pc) =	sbr.rel $0x88, $3  }
0x1: {  	(tag) =	ssettag $0x0;
	lr =	simm.s32 $0x1  }
0x2: {  	[smem:$0x3F83] =	sst lr;
	_ =	strace $0xD0000000  }
0x3: {  	_ = 	snop  }
0x4: {  	_ = 	snop  }
0x5: {  	_ = 	snop  }
0x6: {  	_ = 	snop  }
0x7: {  	_ = 	snop  }
__scs_overlays_trampoline_lowered:
0x8: {  	[smem:$0x3F92] =	sst s0  }
0x9: {  	[smem:$0x3F93] =	sst s1  }
0xa: {  	[smem:$0x3F94] =	sst s2  }
0xb: {  	[smem:$0x3F95] =	sst s3  }
0xc: {  	[smem:$0x3F96] =	sst s4  }
0xd: {  	[smem:$0x3F97] =	sst s5  }
0xe: {  	[smem:$0x3F98] =	sst s6  }
0xf: {  	[smem:$0x3F99] =	sst s7  }
0x10: {  	[smem:$0x3F9A] =	sst s8  }
0x11: {  	[smem:$0x3F9B] =	sst s9;
	s0 =	simm.s32 @!p0 $0x0  }
0x12: {  	s1 =	sld [smem:$0x3F81];
	s0 =	simm.s32 @p0 $0x1  }
0x13: {  	[smem:$0x3F9C] =	sst s0;
	s0 =	simm.s32 @!p1 $0x0  }
0x14: {  	s2 =	sld [smem:$0x3F80];
	s0 =	simm.s32 @p1 $0x1  }
0x15: {  	[smem:$0x3F9D] =	sst s0;
	s0 =	simm.s32 @!p2 $0x0  }
0x16: {  	s3 =	sld [smem:$0x3FDB];
	s0 =	simm.s32 @p2 $0x1  }
0x17: {  	s4 =	simm.s32 $0x1BF5;
	[smem:$0x3F9F] =	sst s0  }
0x18: {  	s0 =	sld [smem:$0x3F82];
	_ =	swait.ge [sflag:s4], $0x0  }
0x19: {  	s7 =	sld [smem:$0x3F83]  }
0x1a: {  	s8 =	sadd.s32 $0xFFFFE003, lr  }
0x1b: {  	s9 =	sadd.s32 $0xFFFFFEF7, lr;
	s5 =	simm.s32 $0xFFFFFFFF;
	p2 =	slt.u32 s8, $0xFFFFF086  }
0x1c: {  	p1 =	slt.u32 s9, $0xF7A;
	s5 =	simm.s32 @!p2 $0x0  }
0x1d: {  	s5 =	simm.s32 @p1 $0x1;
	p0 =	seq.s32 s7, s2  }
0x1e: {  	s7 =	smul.u32 @!p0 $0xF7A, s2;
	p2 =	seq.s32 @!p0 s5, $0x0  }
0x1f: {  	s9 =	smul.u32 $0xF7A, s1;
	s8 =	simm.s32 @!p0 $0x1BF5;
	p2 =	por !p2, p0  }
0x20: {  	[sflag:s8] =	ssyncset.s32 @!p0 $0xFFFFF086;
	s6 =	sadd.s32 @!p0 s3, s7;
	s7 =	simm.s32 @!p0 $0x108  }
0x21: {  	s3 =	sadd.s32 s3, s9;
	s6 =	sadd.s32 @!p0 $0x88, s6;
	s7 =	simm.s32 @p2 $0x1082  }
0x22: {  	[simem:s7], [sflag:s8] =	dma.local @!p0 [hbm:s6], $0xF7A  }
0x23: {  	s9 =	sor.u32 $0xD0000000, s2;
	s6 =	simm.s32 $0x108;
	_ =	swait.ge @!p0 [sflag:s8], $0x0  }
0x24: {  	s3 =	sadd.s32 $0x88, s3;
	s6 =	simm.s32 @!p1 $0x1082;
	[sflag:s4] =	ssyncset.s32 $0xFFFFF086  }
0x25: {  	[simem:s6], [sflag:s4] =	dma.local [hbm:s3], $0xF7A  }
0x26: {  	[smem:$0x3F83] =	sst s1;
	(tag) =	ssettag s2;
	_ =	strace s9  }
0x27: {  	s1 =	sld [smem:$0x3F93]  }
0x28: {  	s2 =	sld [smem:$0x3F94]  }
0x29: {  	s4 =	sld [smem:$0x3F96]  }
0x2a: {  	p0 =	seq.s32 s5, $0x0;
	s5 =	sld [smem:$0x3F97]  }
0x2b: {  	s6 =	sld [smem:$0x3F98]  }
0x2c: {  	s7 =	sld [smem:$0x3F99]  }
0x2d: {  	s3 =	simm.s32 $0x108;
	s8 =	sld [smem:$0x3F9A]  }
0x2e: {  	s3 =	simm.s32 @!p0 $0x1082;
	s9 =	sld [smem:$0x3F9B]  }
0x2f: {  	lr =	sadd.s32 s0, s3;
	s0 =	sld [smem:$0x3F92]  }
0x30: {  	s3 =	sld [smem:$0x3F95]  }
0x31: {  	[smem:$0x3F9E] =	sst s10  }
0x32: {  	s10 =	sld [smem:$0x3F9C];
	_ =	sdelay $0x3  }
0x33: {  	p0 =	seq.s32 s10, $0x1;
	s10 =	sld [smem:$0x3F9E];
	_ =	sdelay $0x3  }
0x34: {  	[smem:$0x3F9E] =	sst s10  }
0x35: {  	s10 =	sld [smem:$0x3F9D];
	_ =	sdelay $0x3  }
0x36: {  	p1 =	seq.s32 s10, $0x1;
	s10 =	sld [smem:$0x3F9E];
	_ =	sdelay $0x3  }
0x37: {  	[smem:$0x3F9E] =	sst s10  }
0x38: {  	s10 =	sld [smem:$0x3F9F]  }
0x39: {  	_ = 	snop;
	(pc) =	sbr.ind lr, $3  }
0x3a: {  	_ = 	snop  }
0x3b: {  	_ = 	snop  }
0x3c: {  	p2 =	seq.s32 s10, $0x1;
	s10 =	sld [smem:$0x3F9E]  }
0x3d: {  	_ =	shalt  }
0x3e: {  	_ =	shalt  }
0x3f: {  	_ =	shalt  }
0x40: {  	_ =	shalt  }
0x41: {  	_ =	shalt  }
0x42: {  	_ =	shalt  }
0x43: {  	_ =	shalt  }
0x44: {  	_ =	shalt  }
0x45: {  	_ =	shalt  }
0x46: {  	_ =	shalt  }
0x47: {  	_ =	shalt  }
0x48: {  	_ =	shalt  }
0x49: {  	_ =	shalt  }
0x4a: {  	_ =	shalt  }
0x4b: {  	_ =	shalt  }
0x4c: {  	_ =	shalt  }
0x4d: {  	_ =	shalt  }
0x4e: {  	_ =	shalt  }
0x4f: {  	_ =	shalt  }
0x50: {  	_ =	shalt  }
0x51: {  	_ =	shalt  }
0x52: {  	_ =	shalt  }
0x53: {  	_ =	shalt  }
0x54: {  	_ =	shalt  }
0x55: {  	_ =	shalt  }
0x56: {  	_ =	shalt  }
0x57: {  	_ =	shalt  }
0x58: {  	_ =	shalt  }
0x59: {  	_ =	shalt  }
0x5a: {  	_ =	shalt  }
0x5b: {  	_ =	shalt  }
0x5c: {  	_ =	shalt  }
0x5d: {  	_ =	shalt  }
0x5e: {  	_ =	shalt  }
0x5f: {  	_ =	shalt  }
0x60: {  	_ =	shalt  }
0x61: {  	_ =	shalt  }
0x62: {  	_ =	shalt  }
0x63: {  	_ =	shalt  }
0x64: {  	_ =	shalt  }
0x65: {  	_ =	shalt  }
0x66: {  	_ =	shalt  }
0x67: {  	_ =	shalt  }
0x68: {  	_ =	shalt  }
0x69: {  	_ =	shalt  }
0x6a: {  	_ =	shalt  }
0x6b: {  	_ =	shalt  }
0x6c: {  	_ =	shalt  }
0x6d: {  	_ =	shalt  }
0x6e: {  	_ =	shalt  }
0x6f: {  	_ =	shalt  }
0x70: {  	_ =	shalt  }
0x71: {  	_ =	shalt  }
0x72: {  	_ =	shalt  }
0x73: {  	_ =	shalt  }
0x74: {  	_ =	shalt  }
0x75: {  	_ =	shalt  }
0x76: {  	_ =	shalt  }
0x77: {  	_ =	shalt  }
0x78: {  	_ =	shalt  }
0x79: {  	_ =	shalt  }
0x7a: {  	_ =	shalt  }
0x7b: {  	_ =	shalt  }
0x7c: {  	_ =	shalt  }
0x7d: {  	_ =	shalt  }
0x7e: {  	_ =	shalt  }
0x7f: {  	_ =	shalt  }
0x80: {  	_ =	shalt  }
0x81: {  	_ =	shalt  }
0x82: {  	_ =	shalt  }
0x83: {  	_ =	shalt  }
0x84: {  	_ =	shalt  }
0x85: {  	_ =	shalt  }
0x86: {  	_ =	shalt  }
0x87: {  	_ =	shalt  }
.Lfunc_end0:
.L_simem_size_0:
called_computation_lowered:
.L_overlay_start_0:
0x88: {  	s2 =	sld [smem:$0x3FD9]  }
0x89: {  	s3 =	sld [smem:$0x3FFE];
	_ =	sdelay $0x1  }
0x8a: {  	s1 =	srdreg.scid  }
0x8b: {  	s0 =	sand.u32 $0x1, s1  }
0x8c: {  	s14 =	sshll.u32 s0, $0xA;
	s2 =	sadd.s32 s3, s2  }
0x8d: {  	s2 =	sadd.s32 s2, s14  }
0x8e: {  	[smem:$0x3FAA] =	sst s2  }
0x8f: {  	_ = 	snop  }
0x90: {  	s2 =	sld [smem:$0x3FD0];
	_ =	sdelay $0x2  }
0x91: {  	s15 =	simm.s32 $0xA;
	s4 =	simm.s32 $0x10  }
0x92: {  	[smem:s4], [sflag:s15] =	dma.local [hbm:s2], $0x1  }
0x93: {  	_ =	swait.eq [sflag:s15], $0x1  }
0x94: {  	[sflag:s15] =	ssyncset.done $0x0  }
0x95: {  	[sflag:s15] =	ssyncadd.s32 $0xFFFFFFFF  }
0x96: {  	s16 =	sld [smem:$0x11];
	(tm) =	ssettm $0x1  }
0x97: {  	s17 =	sld [smem:$0x3FFB];
	_ =	sdelay $0x3  }
0x98: {  	_ =	strace s17  }
0x99: {  	s3 =	sld [smem:$0x3FFC];
	_ =	sdelay $0x3  }
0x9a: {  	_ =	strace s3  }
0x9b: {  	s3 =	sld [smem:$0x3FFD];
	_ =	sdelay $0x3  }
0x9c: {  	_ =	strace s3  }
0x9d: {  	_ =	strace $0x8FFFFFFF  }
0x9e: {  	s18 =	sld [smem:$0x3FDB];
	_ =	sdelay $0x1  }
0x9f: {  	s19 =	simm.s32 $_scs_section_size  }
0xa0: {  	s5 =	simm.s32 $_size__tile_overlayer_lowered;
	s6 =	simm.s32 $_tile_overlayer_lowered  }
0xa1: {  	s22 =	simm.s32 $0x1BFF;
	s21 =	sshll.u32 s6, $0x1;
	s3 =	sadd.s32 s19, s18  }
0xa2: {  	s7 =	simm.s32 $0x0;
	s20 =	sshll.u32 s5, $0x1;
	s5 =	sadd.s32 s21, s3  }
0xa3: {  	[timem:s7], [sflag:s22] =	dma.local [hbm:s5], s20  }
0xa4: {  	_ =	swait.ge [sflag:s22], s20  }
0xa5: {  	s4 =	ssub.s32 $0x0, s20;
	[sflag:s22] =	ssyncset.done $0x0  }
0xa6: {  	[sflag:s22] =	ssyncadd.s32 s4;
	_ =	sdelay $0x1  }
0xa7: {  	s23 =	simm.s32 $0x1B8B  }
0xa8: {  	_ =	swait.ge [sflag:s23], $0x1  }
0xa9: {  	[sflag:s23] =	ssyncset.done $0x0  }
0xaa: {  	s25 =	simm.s32 $0x1B8E;
	s24 =	sld [smem:$0x3FFE];
	[sflag:s23] =	ssyncadd.s32 $0xFFFFFFFF  }
0xab: {  	s26 =	simm.s32 $execute0_lowered;
	[smem:$0x3FD2] =	sst s25  }
0xac: {  	s5 =	sshll.u32 s26, $0x1;
	_ =	strace $0x80000046;
	[dreg:$0x1] =	wrdreg $0xFFFFFFFF  }
0xad: {  	s28 =	simm.s32 $_size_execute0_lowered;
	s3 =	sadd.s32 s3, s5;
	[dreg:$0x0] =	wrdreg $0x0  }
0xae: {  	s5 =	sshll.u32 s28, $0x1;
	[dreg:$0x2] =	wrdreg s3  }
0xaf: {  	[dreg:$0x3] =	wrdreg s5  }
0xb0: {  	[dreg:$0x4] =	wrdreg $0xC0  }
0xb1: {  	_ =	task [dreg:s7], $0x5FFFF  }
0xb2: {  	[dreg:$0x1] =	wrdreg $0xFFFFFFFF  }
0xb3: {  	[dreg:$0x0] =	wrdreg $0x60  }
0xb4: {  	[dreg:$0x2] =	wrdreg s24  }
0xb5: {  	[dreg:$0x3] =	wrdreg s16  }
0xb6: {  	[dreg:$0x4] =	wrdreg $0x9  }
0xb7: {  	_ =	task.clear_ibuf [dreg:s7], $0x5FFFF;
	_ =	strace $0x90000046  }
0xb8: {  	s29 =	simm.s32 $0x9;
	_ =	strace $0x80000048  }
0xb9: {  	_ =	swait.ge [sflag:s29], $0x1  }
0xba: {  	[sflag:s29] =	ssyncadd.s32 $0xFFFFFFFF  }
0xbb: {  	_ =	strace $0x90000048  }
0xbc: {  	_ =	sfence  }
0xbd: {  	s30 =	sld [smem:$0x0];
	_ =	sdelay $0x2  }
0xbe: {  	s31 =	sshll.u32 s1, $0xD;
	s1 =	sshrl.u32 s1, $0x2  }
0xbf: {  	s3 =	sand.u32 $0x4000, s31;
	s1 =	sadd.s32 s1, s30  }
0xc0: {  	s0 =	sor.u32 s3, s0;
	s1 =	sshll.u32 s1, $0x11  }
0xc1: {  	s0 =	sor.u32 s1, s0  }
0xc2: {  	s0 =	sadd.s32 $0x8F2B, s0  }
0xc3: {  	[sflag:s0] =	ssyncadd.remote.s32 $0x1  }
0xc4: {  	_ =	sfence.sel $0xFFFF  }
0xc5: {  	[dreg:$0x0] =	wrdreg $0xFFFFFFFF;
	(pc) =	sbr.abs _section_cstart, $3  }
0xc6: {  	[dreg:$0x1] =	wrdreg $0xFFFFFFFF  }
0xc7: {  	_ =	task.clear_ibuf [dreg:s7], $0x2FFFF;
	_ =	strace $0x9FFFFFFF  }
0xc8: {  	(tm) =	ssettm $0x7FFFFFFF  }
0xc9: {  	_ =	shalt  }
tec
execute0_lowered:
.L_overlay_start_1:
0x0: {  	(tag) =	ssettag $0x1  }
0x1: {  	s0 =	rddreg [dreg:$0x0]  }
0x2: {  	s2 =	rddreg [dreg:$0x1]  }
0x3: {  	s1 =	srdreg.scid;
	s4 =	stileid.u32;
	s3 =	simm.s32 $0x0  }
0x4: {  	s30 =	simm.s32 $0x8C00;
	s31 =	simm.s32 $0x1;
	s28 =	simm.s32 $0xA000  }
0x5: {  	s12 =	simm.s32 $0x0;
	s1 =	sand.u32 $0x1, s1;
	s4 =	sshll.u32 s4, $0x1  }
0x6: {  	[smem:$0x7FF] =	sst s3;
	s5 =	sadd.s32 $0x10E00, s0;
	s8 =	sor.u32 s1, s4  }
0x7: {  	s6 =	sadd.s32 $0x38000, s0;
	s1 =	ssub.s32 $0x2, s1;
	s4 =	smul.u32 $0x1388, s8  }
0x8: {  	_ =	strace $0x80000047;
	s9 =	sshrl.u32 s1, $0x1;
	s10 =	smul.u32 $0x9C400, s8  }
0x9: {  	s18 =	smul.u32 $0x13880, s8;
	s8 =	simm.s32 $0x2;
	s15 =	ssub.s32 s1, s9  }
0xa: {  	s9 =	simm.s32 $0x6;
	s7 =	sshrl.u32 s4, $0x3;
	s19 =	sshrl.u32 s10, $0x3  }
0xb: {  	s22 =	sadd.s32 s2, s18;
	s16 =	sadd.s32 $0x50, s4;
	s11 =	sadd.s32 s7, s0  }
0xc: {  	s7 =	sadd.s32 $0x2D0200, s0;
	s21 =	sadd.s32 $0x280, s19;
	s10 =	sadd.s32 s2, s19  }
0xd: {  	[dreg:$0x5] =	wrdreg s22;
	s22 =	simm.s32 $0x28;
	s17 =	sadd.s32 $0xAE00, s11  }
0xe: {  	s0 =	simm.s32 $0x3;
	s20 =	sadd.s32 $0x5E00, s11;
	[dreg:$0x3] =	wrdreg s17  }
0xf: {  	s23 =	sadd.s32 s2, s21;
	s24 =	sadd.s32 $0x500, s10;
	[dreg:$0x4] =	wrdreg s20  }
0x10: {  	s1 =	sadd.s32 s7, s18;
	s25 =	sadd.s32 $0x780, s10;
	[dreg:$0x6] =	wrdreg s23  }
0x11: {  	s26 =	sadd.s32 s7, s21;
	s29 =	sadd.s32 s7, s19;
	[dreg:$0x7] =	wrdreg s24  }
0x12: {  	s19 =	smax.u32 s15, $0x1;
	s15 =	simm.s32 $0x3C00;
	[dreg:$0x8] =	wrdreg s1  }
0x13: {  	s18 =	simm.s32 $0x6400;
	s21 =	simm.s32 $0x4;
	[dreg:$0x9] =	wrdreg s25  }
0x14: {  	s10 =	simm.s32 $0xB400;
	s11 =	simm.s32 $0x8;
	[dreg:$0xa] =	wrdreg s26  }
0x15: {  	s17 =	sadd.s32 $0x78, s4;
	s1 =	sadd.s32 $0x13600, s29;
	s20 =	simm.s32 $0x9  }
0x16: {  	s23 =	simm.s32 $0x2800;
	s24 =	simm.s32 $0x5000;
	s25 =	simm.s32 $0x7800  }
0x17: {  	s26 =	simm.s32 $0x7;
	[dreg:$0xb] =	wrdreg s1;
	s1 =	simm.s32 $0x5  }
.LBB2_1:
0x18: {  	s13 =	rddreg [dreg:$0x3]  }
0x19: {  	[tilespmem:s3], [sflag:$0x9] =	stream.linear.gather [hbm4b:s13+s3], $0x1388, $0x38;
	[tilespmem:$0xC800] =	vst v63  }
0x1a: {  	_ =	swait.ge [sflag:s20], $0x1388  }
0x1b: {  	[sflag:s20] =	ssyncset.done $0x0  }
0x1c: {  	s14 =	simm.s32 $0x1400;
	s13 =	rddreg [dreg:$0x4];
	[sflag:s20] =	ssyncadd.s32 $0xFFFFEC78  }
0x1d: {  	[tilespmem:s14], [sflag:$0x9] =	stream.linear.gather [hbm4b:s13+s3], $0x1388, $0x38;
	[tilespmem:$0xC800] =	vst v63  }
0x1e: {  	_ =	swait.ge [sflag:s20], $0x1388  }
0x1f: {  	[sflag:s20] =	ssyncset.done $0x0  }
0x20: {  	[sflag:s20] =	ssyncadd.s32 $0xFFFFEC78  }
0x21: {  	[tilespmem:s23], [sflag:$0x1] =	stream.indirect.gather [hbm4b:s5+s22], $0x80, s3, s22, $0xb8;
	[tilespmem:$0xC800] =	vst v63  }
0x22: {  	_ = 	snop  }
0x23: {  	[tilespmem:s24], [sflag:$0x3] =	stream.indirect.gather [hbm4b:s6+s22], $0x80, s14, s22, $0xb8;
	[tilespmem:$0xC800] =	vst v63  }
0x24: {  	s14 =	rddreg [dreg:$0x5]  }
0x25: {  	[tilespmem:s25], [sflag:$0x5] =	stream.linear.gather [hbm4b:s14+s3], $0x1400, $0x38;
	[tilespmem:$0xC800] =	vst v63  }
0x26: {  	_ = 	snop  }
0x27: {  	[tilespmem:s15], [sflag:$0x2] =	stream.indirect.gather [hbm4b:s5+s22], $0x80, s22, s22, $0xb8;
	[tilespmem:$0xC800] =	vst v63  }
0x28: {  	s14 =	simm.s32 $0x1428  }
0x29: {  	[tilespmem:s18], [sflag:$0x4] =	stream.indirect.gather [hbm4b:s6+s22], $0x80, s14, s22, $0xb8;
	[tilespmem:$0xC800] =	vst v63  }
0x2a: {  	s14 =	rddreg [dreg:$0x6]  }
0x2b: {  	[tilespmem:s30], [sflag:$0x6] =	stream.linear.gather [hbm4b:s14+s3], $0x1400, $0x38;
	[tilespmem:$0xC800] =	vst v63  }
0x2c: {  	_ =	swait.ge [sflag:s31], $0x1400  }
0x2d: {  	[sflag:s31] =	ssyncset.done $0x0  }
0x2e: {  	[sflag:s31] =	ssyncadd.s32 $0xFFFFEC00  }
0x2f: {  	_ =	swait.ge [sflag:s0], $0x1400  }
0x30: {  	[sflag:s0] =	ssyncset.done $0x0  }
0x31: {  	[sflag:s0] =	ssyncadd.s32 $0xFFFFEC00  }
0x32: {  	_ =	swait.ge [sflag:s1], $0x1400  }
0x33: {  	[sflag:s1] =	ssyncset.done $0x0  }
0x34: {  	s13 =	simm.s32 $0x0;
	[sflag:s1] =	ssyncadd.s32 $0xFFFFEC00  }
0x35: {  	v0 =	vld [tilespmem:s13+$0x2870]  }
0x36: {  	v1 =	vld [tilespmem:s13+$0x5070]  }
0x37: {  	v2 =	vld [tilespmem:s13+$0x2800]  }
0x38: {  	v3 =	vld [tilespmem:s13+$0x7870]  }
0x39: {  	v4 =	vld [tilespmem:s13+$0x5000]  }
0x3a: {  	v5 =	vld [tilespmem:s13+$0x2810]  }
0x3b: {  	v6 =	vld [tilespmem:s13+$0x5010]  }
0x3c: {  	v7 =	vld [tilespmem:s13+$0x5020]  }
0x3d: {  	v9 =	vld [tilespmem:s13+$0x5030]  }
0x3e: {  	v10 =	vld [tilespmem:s13+$0x2840]  }
0x3f: {  	v11 =	vld [tilespmem:s13+$0x5040]  }
0x40: {  	v12 =	vld [tilespmem:s13+$0x2850]  }
0x41: {  	v13 =	vld [tilespmem:s13+$0x5050]  }
0x42: {  	v14 =	vld [tilespmem:s13+$0x2860]  }
0x43: {  	v15 =	vld [tilespmem:s13+$0x5060]  }
0x44: {  	v16 =	vld [tilespmem:s13+$0x7800]  }
0x45: {  	v0 =	vadd.bf16 v1, v0;
	v1 =	vld [tilespmem:s13+$0x2820]  }
0x46: {  	v17 =	vld [tilespmem:s13+$0x7810]  }
0x47: {  	v0 =	vadd.bf16 v3, v0;
	v3 =	vld [tilespmem:s13+$0x2830]  }
0x48: {  	v18 =	vld [tilespmem:s13+$0x7820]  }
0x49: {  	v8 =	vld [tilespmem:s13+$0x7830];
	v2 =	vadd.bf16 v4, v2;
	v19 =	vadd.bf16 v6, v5  }
0x4a: {  	v5 =	vld [tilespmem:s13+$0x7840];
	v4 =	vadd.bf16 v13, v12;
	v20 =	vadd.bf16 v7, v1  }
0x4b: {  	v6 =	vld [tilespmem:s13+$0x7850];
	v1 =	vadd.bf16 v11, v10;
	v10 =	vadd.bf16 v16, v2  }
0x4c: {  	s14 =	simm.s32 $0x80;
	[tilespmem:s13+$0xA070] =	vst v0;
	v7 =	vld [tilespmem:s13+$0x7860];
	v0 =	vadd.bf16 v9, v3;
	v9 =	vadd.bf16 v17, v19  }
0x4d: {  	s29 =	simm.s32 $0x400;
	v2 =	vadd.bf16 v15, v14;
	v3 =	vld [tilespmem:s14+$0x2870];
	[tilespmem:s13+$0xA000] =	vst v10;
	v10 =	vadd.bf16 v18, v20  }
.LBB2_2:
0x4e: {  	p0 =	sne.s32 s29, $0x4E00;
	v11 =	vld [tilespmem:s14+$0x5070];
	[tilespmem:s13+$0xA010] =	vst v9;
	v0 =	vadd.bf16 v8, v0  }
0x4f: {  	v8 =	vld [tilespmem:s14+$0x2800];
	[tilespmem:s13+$0xA020] =	vst v10;
	v1 =	vadd.bf16 v5, v1  }
0x50: {  	v5 =	vld [tilespmem:s14+$0x7870];
	[tilespmem:s13+$0xA030] =	vst v0;
	v0 =	vadd.bf16 v6, v4  }
0x51: {  	v4 =	vld [tilespmem:s14+$0x5000];
	[tilespmem:s13+$0xA040] =	vst v1;
	v1 =	vadd.bf16 v7, v2  }
0x52: {  	v2 =	vld [tilespmem:s14+$0x2810];
	[tilespmem:s13+$0xA050] =	vst v0  }
0x53: {  	v0 =	vld [tilespmem:s14+$0x5010];
	v3 =	vadd.bf16 v11, v3;
	[tilespmem:s13+$0xA060] =	vst v1;
	s13 =	smov.u32 s14  }
0x54: {  	v1 =	vld [tilespmem:s13+$0x2820]  }
0x55: {  	v6 =	vld [tilespmem:s13+$0x5020];
	v3 =	vadd.bf16 v5, v3  }
0x56: {  	v7 =	vadd.bf16 v4, v8;
	v4 =	vld [tilespmem:s13+$0x2830]  }
0x57: {  	v5 =	vld [tilespmem:s13+$0x5030];
	[tilespmem:s13+$0xA070] =	vst v3  }
0x58: {  	v3 =	vadd.bf16 v0, v2;
	v2 =	vld [tilespmem:s13+$0x2840]  }
0x59: {  	v8 =	vld [tilespmem:s13+$0x5040]  }
0x5a: {  	v10 =	vadd.bf16 v6, v1;
	v6 =	vld [tilespmem:s13+$0x2850]  }
0x5b: {  	v9 =	vld [tilespmem:s13+$0x5050]  }
0x5c: {  	v0 =	vadd.bf16 v5, v4;
	v11 =	vld [tilespmem:s13+$0x2860]  }
0x5d: {  	v12 =	vld [tilespmem:s13+$0x5060]  }
0x5e: {  	v13 =	vld [tilespmem:s13+$0x7800];
	v1 =	vadd.bf16 v8, v2  }
0x5f: {  	v14 =	vld [tilespmem:s13+$0x7810]  }
0x60: {  	v15 =	vld [tilespmem:s13+$0x7820];
	v4 =	vadd.bf16 v9, v6  }
.Ltmp0:
0x61: {  	v8 =	vld [tilespmem:s13+$0x7830];
	(pc) =	sbr.rel @p0 .LBB2_2-.Ltmp0, $4  }
0x62: {  	v5 =	vld [tilespmem:s13+$0x7840];
	v2 =	vadd.bf16 v12, v11  }
0x63: {  	v11 =	vadd.bf16 v13, v7;
	v6 =	vld [tilespmem:s13+$0x7850]  }
0x64: {  	s14 =	sshra.s32 s29, $0x2;
	v9 =	vadd.bf16 v14, v3;
	v7 =	vld [tilespmem:s13+$0x7860]  }
0x65: {  	s29 =	sadd.s32 $0x200, s29;
	v3 =	vld [tilespmem:s14+$0x2870];
	[tilespmem:s13+$0xA000] =	vst v11;
	v10 =	vadd.bf16 v15, v10  }
0x66: {  	v11 =	vld [tilespmem:s14+$0x5070];
	[tilespmem:s13+$0xA010] =	vst v9;
	v0 =	vadd.bf16 v8, v0  }
0x67: {  	v9 =	vld [tilespmem:s14+$0x2800];
	[tilespmem:s13+$0xA020] =	vst v10;
	v1 =	vadd.bf16 v5, v1  }
0x68: {  	v8 =	vld [tilespmem:s14+$0x7870];
	[tilespmem:s13+$0xA030] =	vst v0;
	v4 =	vadd.bf16 v6, v4  }
0x69: {  	v0 =	vld [tilespmem:s14+$0x5000];
	[tilespmem:s13+$0xA040] =	vst v1;
	v2 =	vadd.bf16 v7, v2  }
0x6a: {  	v1 =	vld [tilespmem:s14+$0x2810];
	[tilespmem:s13+$0xA050] =	vst v4  }
0x6b: {  	v4 =	vld [tilespmem:s14+$0x5010];
	[tilespmem:s13+$0xA060] =	vst v2  }
0x6c: {  	v2 =	vadd.bf16 v11, v3;
	v3 =	vld [tilespmem:s14+$0x2820]  }
0x6d: {  	v5 =	vld [tilespmem:s14+$0x5020]  }
0x6e: {  	v6 =	vld [tilespmem:s14+$0x2830]  }
0x6f: {  	v7 =	vld [tilespmem:s14+$0x5030]  }
0x70: {  	v10 =	vld [tilespmem:s14+$0x2850]  }
0x71: {  	v11 =	vld [tilespmem:s14+$0x5050]  }
0x72: {  	v12 =	vld [tilespmem:s14+$0x2860]  }
0x73: {  	v13 =	vld [tilespmem:s14+$0x5060]  }
0x74: {  	v14 =	vld [tilespmem:s14+$0x7800]  }
0x75: {  	v15 =	vld [tilespmem:s14+$0x7810]  }
0x76: {  	v16 =	vld [tilespmem:s14+$0x7820];
	v2 =	vadd.bf16 v8, v2  }
0x77: {  	v8 =	vld [tilespmem:s14+$0x5040]  }
0x78: {  	[tilespmem:s14+$0xA070] =	vst v2;
	v2 =	vld [tilespmem:s14+$0x2840]  }
0x79: {  	v0 =	vadd.bf16 v0, v9;
	v9 =	vld [tilespmem:s14+$0x7830]  }
0x7a: {  	v1 =	vadd.bf16 v4, v1;
	v4 =	vld [tilespmem:s14+$0x7840]  }
0x7b: {  	v3 =	vadd.bf16 v5, v3;
	v0 =	vadd.bf16 v14, v0;
	v5 =	vld [tilespmem:s14+$0x7850]  }
0x7c: {  	v6 =	vadd.bf16 v7, v6;
	v7 =	vld [tilespmem:s14+$0x7860];
	v1 =	vadd.bf16 v15, v1  }
0x7d: {  	[tilespmem:s14+$0xA000] =	vst v0;
	v0 =	vadd.bf16 v16, v3;
	v2 =	vadd.bf16 v8, v2  }
0x7e: {  	v3 =	vadd.bf16 v11, v10;
	[tilespmem:s14+$0xA010] =	vst v1;
	v1 =	vadd.bf16 v9, v6  }
0x7f: {  	v6 =	vadd.bf16 v13, v12;
	[tilespmem:s14+$0xA020] =	vst v0;
	v0 =	vadd.bf16 v4, v2  }
0x80: {  	[tilespmem:s14+$0xA030] =	vst v1;
	v1 =	vadd.bf16 v5, v3  }
0x81: {  	[tilespmem:s14+$0xA040] =	vst v0;
	v0 =	vadd.bf16 v7, v6  }
0x82: {  	[tilespmem:s14+$0xA050] =	vst v1  }
0x83: {  	[tilespmem:s14+$0xA060] =	vst v0;
	s14 =	simm.s32 $0x50  }
0x84: {  	[tilespmem:s23], [sflag:$0x1] =	stream.indirect.gather [hbm4b:s5+s22], $0x80, s14, s22, $0xb8;
	[tilespmem:$0xC800] =	vst v63  }
0x85: {  	s14 =	simm.s32 $0x1450  }
0x86: {  	[tilespmem:s24], [sflag:$0x3] =	stream.indirect.gather [hbm4b:s6+s22], $0x80, s14, s22, $0xb8;
	[tilespmem:$0xC800] =	vst v63  }
0x87: {  	s13 =	simm.s32 $0x0;
	s14 =	rddreg [dreg:$0x7]  }
0x88: {  	[tilespmem:s25], [sflag:$0x5] =	stream.linear.gather [hbm4b:s14+s13], $0x1400, $0x38;
	[tilespmem:$0xC800] =	vst v63  }
0x89: {  	s14 =	rddreg [dreg:$0x8]  }
0x8a: {  	[hbm4b:s14+s13] =	stream.linear.scatter [tilespmem:s28], [sflag:$0x7], $0x1400, $0x38;
	[tilespmem:$0xC800] =	vst v63  }
0x8b: {  	_ =	swait.ge [sflag:s8], $0x1400  }
0x8c: {  	[sflag:s8] =	ssyncset.done $0x0  }
0x8d: {  	[sflag:s8] =	ssyncadd.s32 $0xFFFFEC00  }
0x8e: {  	_ =	swait.ge [sflag:s21], $0x1400  }
0x8f: {  	[sflag:s21] =	ssyncset.done $0x0  }
0x90: {  	[sflag:s21] =	ssyncadd.s32 $0xFFFFEC00  }
0x91: {  	_ =	swait.ge [sflag:s9], $0x1400  }
0x92: {  	[sflag:s9] =	ssyncset.done $0x0  }
0x93: {  	s13 =	simm.s32 $0x0;
	[sflag:s9] =	ssyncadd.s32 $0xFFFFEC00  }
0x94: {  	v0 =	vld [tilespmem:s13+$0x3C70]  }
0x95: {  	v1 =	vld [tilespmem:s13+$0x6470]  }
0x96: {  	v2 =	vld [tilespmem:s13+$0x3C00]  }
0x97: {  	v3 =	vld [tilespmem:s13+$0x8C70]  }
0x98: {  	v4 =	vld [tilespmem:s13+$0x6400]  }
0x99: {  	v5 =	vld [tilespmem:s13+$0x3C10]  }
0x9a: {  	v6 =	vld [tilespmem:s13+$0x6410]  }
0x9b: {  	v7 =	vld [tilespmem:s13+$0x6420]  }
0x9c: {  	v9 =	vld [tilespmem:s13+$0x6430]  }
0x9d: {  	v10 =	vld [tilespmem:s13+$0x3C40]  }
0x9e: {  	v11 =	vld [tilespmem:s13+$0x6440]  }
0x9f: {  	v59 =	vld [tilespmem:s13+$0x3C50]  }
0xa0: {  	v60 =	vld [tilespmem:s13+$0x6450]  }
0xa1: {  	v61 =	vld [tilespmem:s13+$0x3C60]  }
0xa2: {  	v62 =	vld [tilespmem:s13+$0x6460]  }
0xa3: {  	v63 =	vld [tilespmem:s13+$0x8C00]  }
0xa4: {  	v0 =	vadd.bf16 v1, v0;
	v1 =	vld [tilespmem:s13+$0x3C20]  }
0xa5: {  	v17 =	vld [tilespmem:s13+$0x8C10]  }
0xa6: {  	v0 =	vadd.bf16 v3, v0;
	v3 =	vld [tilespmem:s13+$0x3C30]  }
0xa7: {  	v18 =	vld [tilespmem:s13+$0x8C20]  }
0xa8: {  	v8 =	vld [tilespmem:s13+$0x8C30];
	v2 =	vadd.bf16 v4, v2;
	v19 =	vadd.bf16 v6, v5  }
0xa9: {  	v5 =	vld [tilespmem:s13+$0x8C40];
	v4 =	vadd.bf16 v60, v59;
	v20 =	vadd.bf16 v7, v1  }
0xaa: {  	v6 =	vld [tilespmem:s13+$0x8C50];
	v1 =	vadd.bf16 v11, v10;
	v10 =	vadd.bf16 v63, v2  }
0xab: {  	s14 =	simm.s32 $0x80;
	[tilespmem:s13+$0xB470] =	vst v0;
	v7 =	vld [tilespmem:s13+$0x8C60];
	v0 =	vadd.bf16 v9, v3;
	v9 =	vadd.bf16 v17, v19  }
0xac: {  	s29 =	simm.s32 $0x400;
	v2 =	vadd.bf16 v62, v61;
	v3 =	vld [tilespmem:s14+$0x3C70];
	[tilespmem:s13+$0xB400] =	vst v10;
	v10 =	vadd.bf16 v18, v20  }
.LBB2_4:
0xad: {  	p0 =	sne.s32 s29, $0x4E00;
	v11 =	vld [tilespmem:s14+$0x6470];
	[tilespmem:s13+$0xB410] =	vst v9;
	v0 =	vadd.bf16 v8, v0  }
0xae: {  	v8 =	vld [tilespmem:s14+$0x3C00];
	[tilespmem:s13+$0xB420] =	vst v10;
	v1 =	vadd.bf16 v5, v1  }
0xaf: {  	v5 =	vld [tilespmem:s14+$0x8C70];
	[tilespmem:s13+$0xB430] =	vst v0;
	v0 =	vadd.bf16 v6, v4  }
0xb0: {  	v4 =	vld [tilespmem:s14+$0x6400];
	[tilespmem:s13+$0xB440] =	vst v1;
	v1 =	vadd.bf16 v7, v2  }
0xb1: {  	v2 =	vld [tilespmem:s14+$0x3C10];
	[tilespmem:s13+$0xB450] =	vst v0  }
0xb2: {  	v0 =	vld [tilespmem:s14+$0x6410];
	v3 =	vadd.bf16 v11, v3;
	[tilespmem:s13+$0xB460] =	vst v1;
	s13 =	smov.u32 s14  }
0xb3: {  	v1 =	vld [tilespmem:s13+$0x3C20]  }
0xb4: {  	v6 =	vld [tilespmem:s13+$0x6420];
	v3 =	vadd.bf16 v5, v3  }
0xb5: {  	v7 =	vadd.bf16 v4, v8;
	v4 =	vld [tilespmem:s13+$0x3C30]  }
0xb6: {  	v5 =	vld [tilespmem:s13+$0x6430];
	[tilespmem:s13+$0xB470] =	vst v3  }
0xb7: {  	v3 =	vadd.bf16 v0, v2;
	v2 =	vld [tilespmem:s13+$0x3C40]  }
0xb8: {  	v8 =	vld [tilespmem:s13+$0x6440]  }
0xb9: {  	v10 =	vadd.bf16 v6, v1;
	v6 =	vld [tilespmem:s13+$0x3C50]  }
0xba: {  	v9 =	vld [tilespmem:s13+$0x6450]  }
0xbb: {  	v0 =	vadd.bf16 v5, v4;
	v11 =	vld [tilespmem:s13+$0x3C60]  }
0xbc: {  	v12 =	vld [tilespmem:s13+$0x6460]  }
0xbd: {  	v13 =	vld [tilespmem:s13+$0x8C00];
	v1 =	vadd.bf16 v8, v2  }
0xbe: {  	v14 =	vld [tilespmem:s13+$0x8C10]  }
0xbf: {  	v15 =	vld [tilespmem:s13+$0x8C20];
	v4 =	vadd.bf16 v9, v6  }
.Ltmp1:
0xc0: {  	v8 =	vld [tilespmem:s13+$0x8C30];
	(pc) =	sbr.rel @p0 .LBB2_4-.Ltmp1, $4  }
0xc1: {  	v5 =	vld [tilespmem:s13+$0x8C40];
	v2 =	vadd.bf16 v12, v11  }
0xc2: {  	v11 =	vadd.bf16 v13, v7;
	v6 =	vld [tilespmem:s13+$0x8C50]  }
0xc3: {  	s14 =	sshra.s32 s29, $0x2;
	v9 =	vadd.bf16 v14, v3;
	v7 =	vld [tilespmem:s13+$0x8C60]  }
0xc4: {  	s29 =	sadd.s32 $0x200, s29;
	v3 =	vld [tilespmem:s14+$0x3C70];
	[tilespmem:s13+$0xB400] =	vst v11;
	v10 =	vadd.bf16 v15, v10  }
0xc5: {  	v11 =	vld [tilespmem:s14+$0x6470];
	[tilespmem:s13+$0xB410] =	vst v9;
	v0 =	vadd.bf16 v8, v0  }
0xc6: {  	v9 =	vld [tilespmem:s14+$0x3C00];
	[tilespmem:s13+$0xB420] =	vst v10;
	v1 =	vadd.bf16 v5, v1  }
0xc7: {  	v44 =	vld [tilespmem:s14+$0x8C70];
	[tilespmem:s13+$0xB430] =	vst v0;
	v4 =	vadd.bf16 v6, v4  }
0xc8: {  	v0 =	vld [tilespmem:s14+$0x6400];
	[tilespmem:s13+$0xB440] =	vst v1;
	v2 =	vadd.bf16 v7, v2  }
0xc9: {  	v1 =	vld [tilespmem:s14+$0x3C10];
	[tilespmem:s13+$0xB450] =	vst v4  }
0xca: {  	v4 =	vld [tilespmem:s14+$0x6410];
	[tilespmem:s13+$0xB460] =	vst v2  }
0xcb: {  	v46 =	vld [tilespmem:s14+$0x3C20]  }
0xcc: {  	v47 =	vld [tilespmem:s14+$0x6420]  }
0xcd: {  	v48 =	vld [tilespmem:s14+$0x3C30]  }
0xce: {  	v49 =	vld [tilespmem:s14+$0x6430]  }
0xcf: {  	v50 =	vld [tilespmem:s14+$0x3C40]  }
0xd0: {  	v51 =	vld [tilespmem:s14+$0x6440]  }
0xd1: {  	v10 =	vld [tilespmem:s14+$0x3C50]  }
0xd2: {  	v52 =	vld [tilespmem:s14+$0x6450]  }
0xd3: {  	v12 =	vld [tilespmem:s14+$0x3C60]  }
0xd4: {  	v13 =	vld [tilespmem:s14+$0x6460]  }
0xd5: {  	v14 =	vld [tilespmem:s14+$0x8C00]  }
0xd6: {  	v15 =	vld [tilespmem:s14+$0x8C10]  }
0xd7: {  	v45 =	vadd.bf16 v11, v3;
	v16 =	vld [tilespmem:s14+$0x8C20]  }
0xd8: {  	v53 =	vld [tilespmem:s14+$0x8C30];
	v0 =	vadd.bf16 v0, v9  }
0xd9: {  	v54 =	vld [tilespmem:s14+$0x8C40];
	v2 =	vadd.bf16 v44, v45;
	v1 =	vadd.bf16 v4, v1  }
0xda: {  	v55 =	vld [tilespmem:s14+$0x8C50];
	v3 =	vadd.bf16 v47, v46;
	v0 =	vadd.bf16 v14, v0  }
0xdb: {  	v56 =	vld [tilespmem:s14+$0x8C60];
	[tilespmem:s14+$0xB470] =	vst v2;
	v6 =	vadd.bf16 v49, v48;
	v1 =	vadd.bf16 v15, v1  }
0xdc: {  	v2 =	vadd.bf16 v51, v50;
	[tilespmem:s14+$0xB400] =	vst v0;
	v57 =	vadd.bf16 v16, v3  }
0xdd: {  	v58 =	vadd.bf16 v52, v10;
	v59 =	vadd.bf16 v53, v6;
	[tilespmem:s14+$0xB410] =	vst v1  }
0xde: {  	v60 =	vadd.bf16 v13, v12;
	v61 =	vadd.bf16 v54, v2;
	[tilespmem:s14+$0xB420] =	vst v57  }
0xdf: {  	v62 =	vadd.bf16 v55, v58;
	[tilespmem:s14+$0xB430] =	vst v59  }
0xe0: {  	v63 =	vadd.bf16 v56, v60;
	[tilespmem:s14+$0xB440] =	vst v61  }
0xe1: {  	[tilespmem:s14+$0xB450] =	vst v62  }
0xe2: {  	[tilespmem:s14+$0xB460] =	vst v63;
	s14 =	simm.s32 $0x78  }
0xe3: {  	[tilespmem:s15], [sflag:$0x2] =	stream.indirect.gather [hbm4b:s5+s22], $0x80, s14, s22, $0xb8;
	[tilespmem:$0xC800] =	vst v63  }
0xe4: {  	s15 =	simm.s32 $0x1478  }
0xe5: {  	[tilespmem:s18], [sflag:$0x4] =	stream.indirect.gather [hbm4b:s6+s22], $0x80, s15, s22, $0xb8;
	[tilespmem:$0xC800] =	vst v63  }
0xe6: {  	s29 =	simm.s32 $0x0;
	s18 =	rddreg [dreg:$0x9]  }
0xe7: {  	[tilespmem:s30], [sflag:$0x6] =	stream.linear.gather [hbm4b:s18+s29], $0x1400, $0x38;
	[tilespmem:$0xC800] =	vst v63  }
0xe8: {  	s30 =	rddreg [dreg:$0xa]  }
0xe9: {  	[hbm4b:s30+s29] =	stream.linear.scatter [tilespmem:s10], [sflag:$0x8], $0x1400, $0x38;
	[tilespmem:$0xC800] =	vst v63  }
.LBB2_6:
0xea: {  	_ =	swait.ge [sflag:s31], $0x1400  }
0xeb: {  	[sflag:s31] =	ssyncset.done $0x0  }
0xec: {  	[sflag:s31] =	ssyncadd.s32 $0xFFFFEC00  }
0xed: {  	_ =	swait.ge [sflag:s0], $0x1400  }
0xee: {  	[sflag:s0] =	ssyncset.done $0x0  }
0xef: {  	[sflag:s0] =	ssyncadd.s32 $0xFFFFEC00  }
0xf0: {  	_ =	swait.ge [sflag:s1], $0x1400  }
0xf1: {  	[sflag:s1] =	ssyncset.done $0x0  }
0xf2: {  	[sflag:s1] =	ssyncadd.s32 $0xFFFFEC00  }
0xf3: {  	_ =	swait.ge [sflag:s26], $0x1400  }
0xf4: {  	[sflag:s26] =	ssyncset.done $0x0  }
0xf5: {  	s13 =	simm.s32 $0x0;
	[sflag:s26] =	ssyncadd.s32 $0xFFFFEC00  }
0xf6: {  	v0 =	vld [tilespmem:s13+$0x2870]  }
0xf7: {  	v1 =	vld [tilespmem:s13+$0x5070]  }
0xf8: {  	v2 =	vld [tilespmem:s13+$0x2800]  }
0xf9: {  	v3 =	vld [tilespmem:s13+$0x7870]  }
0xfa: {  	v4 =	vld [tilespmem:s13+$0x5000]  }
0xfb: {  	v5 =	vld [tilespmem:s13+$0x2810]  }
0xfc: {  	v6 =	vld [tilespmem:s13+$0x5010]  }
0xfd: {  	v7 =	vld [tilespmem:s13+$0x5020]  }
0xfe: {  	v9 =	vld [tilespmem:s13+$0x5030]  }
0xff: {  	v10 =	vld [tilespmem:s13+$0x2840]  }
0x100: {  	v11 =	vld [tilespmem:s13+$0x5040]  }
0x101: {  	v12 =	vld [tilespmem:s13+$0x2850]  }
0x102: {  	v13 =	vld [tilespmem:s13+$0x5050]  }
0x103: {  	v14 =	vld [tilespmem:s13+$0x2860]  }
0x104: {  	v15 =	vld [tilespmem:s13+$0x5060]  }
0x105: {  	v16 =	vld [tilespmem:s13+$0x7800]  }
0x106: {  	v0 =	vadd.bf16 v1, v0;
	v1 =	vld [tilespmem:s13+$0x2820]  }
0x107: {  	v17 =	vld [tilespmem:s13+$0x7810]  }
0x108: {  	v0 =	vadd.bf16 v3, v0;
	v3 =	vld [tilespmem:s13+$0x2830]  }
0x109: {  	v18 =	vld [tilespmem:s13+$0x7820]  }
0x10a: {  	v8 =	vld [tilespmem:s13+$0x7830];
	v2 =	vadd.bf16 v4, v2;
	v19 =	vadd.bf16 v6, v5  }
0x10b: {  	v5 =	vld [tilespmem:s13+$0x7840];
	v4 =	vadd.bf16 v13, v12;
	v20 =	vadd.bf16 v7, v1  }
0x10c: {  	v6 =	vld [tilespmem:s13+$0x7850];
	v1 =	vadd.bf16 v11, v10;
	v10 =	vadd.bf16 v16, v2  }
0x10d: {  	s30 =	simm.s32 $0x80;
	[tilespmem:s13+$0xA070] =	vst v0;
	v7 =	vld [tilespmem:s13+$0x7860];
	v0 =	vadd.bf16 v9, v3;
	v9 =	vadd.bf16 v17, v19  }
0x10e: {  	s14 =	simm.s32 $0x400;
	v2 =	vadd.bf16 v15, v14;
	v3 =	vld [tilespmem:s30+$0x2870];
	[tilespmem:s13+$0xA000] =	vst v10;
	v10 =	vadd.bf16 v18, v20  }
.LBB2_7:
0x10f: {  	p0 =	sne.s32 s14, $0x4E00;
	v11 =	vld [tilespmem:s30+$0x5070];
	[tilespmem:s13+$0xA010] =	vst v9;
	v0 =	vadd.bf16 v8, v0  }
0x110: {  	v8 =	vld [tilespmem:s30+$0x2800];
	[tilespmem:s13+$0xA020] =	vst v10;
	v1 =	vadd.bf16 v5, v1  }
0x111: {  	v5 =	vld [tilespmem:s30+$0x7870];
	[tilespmem:s13+$0xA030] =	vst v0;
	v0 =	vadd.bf16 v6, v4  }
0x112: {  	v4 =	vld [tilespmem:s30+$0x5000];
	[tilespmem:s13+$0xA040] =	vst v1;
	v1 =	vadd.bf16 v7, v2  }
0x113: {  	v2 =	vld [tilespmem:s30+$0x2810];
	[tilespmem:s13+$0xA050] =	vst v0  }
0x114: {  	v0 =	vld [tilespmem:s30+$0x5010];
	v3 =	vadd.bf16 v11, v3;
	[tilespmem:s13+$0xA060] =	vst v1;
	s13 =	smov.u32 s30  }
0x115: {  	v1 =	vld [tilespmem:s13+$0x2820]  }
0x116: {  	v6 =	vld [tilespmem:s13+$0x5020];
	v3 =	vadd.bf16 v5, v3  }
0x117: {  	v7 =	vadd.bf16 v4, v8;
	v4 =	vld [tilespmem:s13+$0x2830]  }
0x118: {  	v5 =	vld [tilespmem:s13+$0x5030];
	[tilespmem:s13+$0xA070] =	vst v3  }
0x119: {  	v3 =	vadd.bf16 v0, v2;
	v2 =	vld [tilespmem:s13+$0x2840]  }
0x11a: {  	v8 =	vld [tilespmem:s13+$0x5040]  }
0x11b: {  	v10 =	vadd.bf16 v6, v1;
	v6 =	vld [tilespmem:s13+$0x2850]  }
0x11c: {  	v9 =	vld [tilespmem:s13+$0x5050]  }
0x11d: {  	v0 =	vadd.bf16 v5, v4;
	v11 =	vld [tilespmem:s13+$0x2860]  }
0x11e: {  	v12 =	vld [tilespmem:s13+$0x5060]  }
0x11f: {  	v13 =	vld [tilespmem:s13+$0x7800];
	v1 =	vadd.bf16 v8, v2  }
0x120: {  	v14 =	vld [tilespmem:s13+$0x7810]  }
0x121: {  	v15 =	vld [tilespmem:s13+$0x7820];
	v4 =	vadd.bf16 v9, v6  }
.Ltmp2:
0x122: {  	v8 =	vld [tilespmem:s13+$0x7830];
	(pc) =	sbr.rel @p0 .LBB2_7-.Ltmp2, $4  }
0x123: {  	v5 =	vld [tilespmem:s13+$0x7840];
	v2 =	vadd.bf16 v12, v11  }
0x124: {  	v11 =	vadd.bf16 v13, v7;
	v6 =	vld [tilespmem:s13+$0x7850]  }
0x125: {  	s30 =	sshra.s32 s14, $0x2;
	v9 =	vadd.bf16 v14, v3;
	v7 =	vld [tilespmem:s13+$0x7860]  }
0x126: {  	s14 =	sadd.s32 $0x200, s14;
	v3 =	vld [tilespmem:s30+$0x2870];
	[tilespmem:s13+$0xA000] =	vst v11;
	v10 =	vadd.bf16 v15, v10  }
0x127: {  	v11 =	vld [tilespmem:s30+$0x5070];
	[tilespmem:s13+$0xA010] =	vst v9;
	v0 =	vadd.bf16 v8, v0  }
0x128: {  	v9 =	vld [tilespmem:s30+$0x2800];
	[tilespmem:s13+$0xA020] =	vst v10;
	v1 =	vadd.bf16 v5, v1  }
0x129: {  	v8 =	vld [tilespmem:s30+$0x7870];
	[tilespmem:s13+$0xA030] =	vst v0;
	v4 =	vadd.bf16 v6, v4  }
0x12a: {  	v0 =	vld [tilespmem:s30+$0x5000];
	[tilespmem:s13+$0xA040] =	vst v1;
	v2 =	vadd.bf16 v7, v2  }
0x12b: {  	v1 =	vld [tilespmem:s30+$0x2810];
	[tilespmem:s13+$0xA050] =	vst v4  }
0x12c: {  	v4 =	vld [tilespmem:s30+$0x5010];
	[tilespmem:s13+$0xA060] =	vst v2  }
0x12d: {  	v2 =	vadd.bf16 v11, v3;
	v3 =	vld [tilespmem:s30+$0x2820]  }
0x12e: {  	v5 =	vld [tilespmem:s30+$0x5020]  }
0x12f: {  	v6 =	vld [tilespmem:s30+$0x2830]  }
0x130: {  	v7 =	vld [tilespmem:s30+$0x5030]  }
0x131: {  	v10 =	vld [tilespmem:s30+$0x2850]  }
0x132: {  	v11 =	vld [tilespmem:s30+$0x5050]  }
0x133: {  	v12 =	vld [tilespmem:s30+$0x2860]  }
0x134: {  	v13 =	vld [tilespmem:s30+$0x5060]  }
0x135: {  	v14 =	vld [tilespmem:s30+$0x7800]  }
0x136: {  	v15 =	vld [tilespmem:s30+$0x7810]  }
0x137: {  	v16 =	vld [tilespmem:s30+$0x7820];
	v2 =	vadd.bf16 v8, v2  }
0x138: {  	v8 =	vld [tilespmem:s30+$0x5040]  }
0x139: {  	[tilespmem:s30+$0xA070] =	vst v2;
	v2 =	vld [tilespmem:s30+$0x2840]  }
0x13a: {  	v0 =	vadd.bf16 v0, v9;
	v9 =	vld [tilespmem:s30+$0x7830]  }
0x13b: {  	v1 =	vadd.bf16 v4, v1;
	v4 =	vld [tilespmem:s30+$0x7840]  }
0x13c: {  	v3 =	vadd.bf16 v5, v3;
	v0 =	vadd.bf16 v14, v0;
	v5 =	vld [tilespmem:s30+$0x7850]  }
0x13d: {  	v6 =	vadd.bf16 v7, v6;
	v7 =	vld [tilespmem:s30+$0x7860];
	v1 =	vadd.bf16 v15, v1  }
0x13e: {  	[tilespmem:s30+$0xA000] =	vst v0;
	v0 =	vadd.bf16 v16, v3;
	v2 =	vadd.bf16 v8, v2  }
0x13f: {  	v3 =	vadd.bf16 v11, v10;
	[tilespmem:s30+$0xA010] =	vst v1;
	v1 =	vadd.bf16 v9, v6  }
0x140: {  	v6 =	vadd.bf16 v13, v12;
	[tilespmem:s30+$0xA020] =	vst v0;
	v0 =	vadd.bf16 v4, v2  }
0x141: {  	[tilespmem:s30+$0xA030] =	vst v1;
	v1 =	vadd.bf16 v5, v3  }
0x142: {  	s13 =	smul.u32 $0x50, s29;
	[tilespmem:s30+$0xA040] =	vst v0;
	v0 =	vadd.bf16 v7, v6  }
0x143: {  	[tilespmem:s30+$0xA050] =	vst v1  }
0x144: {  	s14 =	sadd.s32 $0xA0, s13;
	[tilespmem:s30+$0xA060] =	vst v0  }
0x145: {  	[tilespmem:s23], [sflag:$0x1] =	stream.indirect.gather [hbm4b:s5+s22], $0x80, s14, s22, $0xb8;
	[tilespmem:$0xC800] =	vst v63  }
0x146: {  	s14 =	sadd.s32 s4, s14  }
0x147: {  	s15 =	sadd.s32 $0x14A0, s13;
	s14 =	sshll.u32 s14, $0x4  }
0x148: {  	[tilespmem:s24], [sflag:$0x3] =	stream.indirect.gather [hbm4b:s6+s22], $0x80, s15, s22, $0xb8;
	[tilespmem:$0xC800] =	vst v63  }
0x149: {  	s18 =	sadd.s32 s13, s16;
	s14 =	sadd.s32 s2, s14;
	s15 =	simm.s32 $0x0  }
0x14a: {  	[tilespmem:s25], [sflag:$0x5] =	stream.linear.gather [hbm4b:s14+s15], $0x1400, $0x38;
	[tilespmem:$0xC800] =	vst v63  }
0x14b: {  	s14 =	sshll.u32 s18, $0x4  }
0x14c: {  	s14 =	sadd.s32 s7, s14  }
0x14d: {  	[hbm4b:s14+s15] =	stream.linear.scatter [tilespmem:s28], [sflag:$0x7], $0x1400, $0x38;
	[tilespmem:$0xC800] =	vst v63  }
0x14e: {  	_ =	swait.ge [sflag:s8], $0x1400  }
0x14f: {  	[sflag:s8] =	ssyncset.done $0x0  }
0x150: {  	[sflag:s8] =	ssyncadd.s32 $0xFFFFEC00  }
0x151: {  	_ =	swait.ge [sflag:s21], $0x1400  }
0x152: {  	[sflag:s21] =	ssyncset.done $0x0  }
0x153: {  	[sflag:s21] =	ssyncadd.s32 $0xFFFFEC00  }
0x154: {  	_ =	swait.ge [sflag:s9], $0x1400  }
0x155: {  	[sflag:s9] =	ssyncset.done $0x0  }
0x156: {  	[sflag:s9] =	ssyncadd.s32 $0xFFFFEC00  }
0x157: {  	_ =	swait.ge [sflag:s11], $0x1400  }
0x158: {  	[sflag:s11] =	ssyncset.done $0x0  }
0x159: {  	s30 =	simm.s32 $0x0;
	[sflag:s11] =	ssyncadd.s32 $0xFFFFEC00  }
0x15a: {  	v0 =	vld [tilespmem:s30+$0x3C70]  }
0x15b: {  	v1 =	vld [tilespmem:s30+$0x6470]  }
0x15c: {  	v2 =	vld [tilespmem:s30+$0x3C00]  }
0x15d: {  	v3 =	vld [tilespmem:s30+$0x8C70]  }
0x15e: {  	v4 =	vld [tilespmem:s30+$0x6400]  }
0x15f: {  	v5 =	vld [tilespmem:s30+$0x3C10]  }
0x160: {  	v6 =	vld [tilespmem:s30+$0x6410]  }
0x161: {  	v7 =	vld [tilespmem:s30+$0x6420]  }
0x162: {  	v9 =	vld [tilespmem:s30+$0x6430]  }
0x163: {  	v10 =	vld [tilespmem:s30+$0x3C40]  }
0x164: {  	v11 =	vld [tilespmem:s30+$0x6440]  }
0x165: {  	v59 =	vld [tilespmem:s30+$0x3C50]  }
0x166: {  	v60 =	vld [tilespmem:s30+$0x6450]  }
0x167: {  	v61 =	vld [tilespmem:s30+$0x3C60]  }
0x168: {  	v62 =	vld [tilespmem:s30+$0x6460]  }
0x169: {  	v63 =	vld [tilespmem:s30+$0x8C00]  }
0x16a: {  	v0 =	vadd.bf16 v1, v0;
	v1 =	vld [tilespmem:s30+$0x3C20]  }
0x16b: {  	v17 =	vld [tilespmem:s30+$0x8C10]  }
0x16c: {  	v0 =	vadd.bf16 v3, v0;
	v3 =	vld [tilespmem:s30+$0x3C30]  }
0x16d: {  	v18 =	vld [tilespmem:s30+$0x8C20]  }
0x16e: {  	v8 =	vld [tilespmem:s30+$0x8C30];
	v2 =	vadd.bf16 v4, v2;
	v19 =	vadd.bf16 v6, v5  }
0x16f: {  	v5 =	vld [tilespmem:s30+$0x8C40];
	v4 =	vadd.bf16 v60, v59;
	v20 =	vadd.bf16 v7, v1  }
0x170: {  	v6 =	vld [tilespmem:s30+$0x8C50];
	v1 =	vadd.bf16 v11, v10;
	v10 =	vadd.bf16 v63, v2  }
0x171: {  	s14 =	simm.s32 $0x80;
	[tilespmem:s30+$0xB470] =	vst v0;
	v7 =	vld [tilespmem:s30+$0x8C60];
	v0 =	vadd.bf16 v9, v3;
	v9 =	vadd.bf16 v17, v19  }
0x172: {  	s15 =	simm.s32 $0x400;
	v2 =	vadd.bf16 v62, v61;
	v3 =	vld [tilespmem:s14+$0x3C70];
	[tilespmem:s30+$0xB400] =	vst v10;
	v10 =	vadd.bf16 v18, v20  }
.LBB2_9:
0x173: {  	p0 =	sne.s32 s15, $0x4E00;
	v11 =	vld [tilespmem:s14+$0x6470];
	[tilespmem:s30+$0xB410] =	vst v9;
	v0 =	vadd.bf16 v8, v0  }
0x174: {  	v8 =	vld [tilespmem:s14+$0x3C00];
	[tilespmem:s30+$0xB420] =	vst v10;
	v1 =	vadd.bf16 v5, v1  }
0x175: {  	v5 =	vld [tilespmem:s14+$0x8C70];
	[tilespmem:s30+$0xB430] =	vst v0;
	v0 =	vadd.bf16 v6, v4  }
0x176: {  	v4 =	vld [tilespmem:s14+$0x6400];
	[tilespmem:s30+$0xB440] =	vst v1;
	v1 =	vadd.bf16 v7, v2  }
0x177: {  	v2 =	vld [tilespmem:s14+$0x3C10];
	[tilespmem:s30+$0xB450] =	vst v0  }
0x178: {  	v0 =	vld [tilespmem:s14+$0x6410];
	v3 =	vadd.bf16 v11, v3;
	[tilespmem:s30+$0xB460] =	vst v1;
	s30 =	smov.u32 s14  }
0x179: {  	v1 =	vld [tilespmem:s30+$0x3C20]  }
0x17a: {  	v6 =	vld [tilespmem:s30+$0x6420];
	v3 =	vadd.bf16 v5, v3  }
0x17b: {  	v7 =	vadd.bf16 v4, v8;
	v4 =	vld [tilespmem:s30+$0x3C30]  }
0x17c: {  	v5 =	vld [tilespmem:s30+$0x6430];
	[tilespmem:s30+$0xB470] =	vst v3  }
0x17d: {  	v3 =	vadd.bf16 v0, v2;
	v2 =	vld [tilespmem:s30+$0x3C40]  }
0x17e: {  	v8 =	vld [tilespmem:s30+$0x6440]  }
0x17f: {  	v10 =	vadd.bf16 v6, v1;
	v6 =	vld [tilespmem:s30+$0x3C50]  }
0x180: {  	v9 =	vld [tilespmem:s30+$0x6450]  }
0x181: {  	v0 =	vadd.bf16 v5, v4;
	v11 =	vld [tilespmem:s30+$0x3C60]  }
0x182: {  	v12 =	vld [tilespmem:s30+$0x6460]  }
0x183: {  	v13 =	vld [tilespmem:s30+$0x8C00];
	v1 =	vadd.bf16 v8, v2  }
0x184: {  	v14 =	vld [tilespmem:s30+$0x8C10]  }
0x185: {  	v15 =	vld [tilespmem:s30+$0x8C20];
	v4 =	vadd.bf16 v9, v6  }
.Ltmp3:
0x186: {  	v8 =	vld [tilespmem:s30+$0x8C30];
	(pc) =	sbr.rel @p0 .LBB2_9-.Ltmp3, $4  }
0x187: {  	v5 =	vld [tilespmem:s30+$0x8C40];
	v2 =	vadd.bf16 v12, v11  }
0x188: {  	v11 =	vadd.bf16 v13, v7;
	v6 =	vld [tilespmem:s30+$0x8C50]  }
0x189: {  	s14 =	sshra.s32 s15, $0x2;
	v9 =	vadd.bf16 v14, v3;
	v7 =	vld [tilespmem:s30+$0x8C60]  }
0x18a: {  	s15 =	sadd.s32 $0x200, s15;
	v3 =	vld [tilespmem:s14+$0x3C70];
	[tilespmem:s30+$0xB400] =	vst v11;
	v10 =	vadd.bf16 v15, v10  }
0x18b: {  	v11 =	vld [tilespmem:s14+$0x6470];
	[tilespmem:s30+$0xB410] =	vst v9;
	v0 =	vadd.bf16 v8, v0  }
0x18c: {  	v9 =	vld [tilespmem:s14+$0x3C00];
	[tilespmem:s30+$0xB420] =	vst v10;
	v1 =	vadd.bf16 v5, v1  }
0x18d: {  	v44 =	vld [tilespmem:s14+$0x8C70];
	[tilespmem:s30+$0xB430] =	vst v0;
	v4 =	vadd.bf16 v6, v4  }
0x18e: {  	v0 =	vld [tilespmem:s14+$0x6400];
	[tilespmem:s30+$0xB440] =	vst v1;
	v2 =	vadd.bf16 v7, v2  }
0x18f: {  	v1 =	vld [tilespmem:s14+$0x3C10];
	[tilespmem:s30+$0xB450] =	vst v4  }
0x190: {  	v4 =	vld [tilespmem:s14+$0x6410];
	[tilespmem:s30+$0xB460] =	vst v2  }
0x191: {  	v46 =	vld [tilespmem:s14+$0x3C20]  }
0x192: {  	v47 =	vld [tilespmem:s14+$0x6420]  }
0x193: {  	v48 =	vld [tilespmem:s14+$0x3C30]  }
0x194: {  	v49 =	vld [tilespmem:s14+$0x6430]  }
0x195: {  	v50 =	vld [tilespmem:s14+$0x3C40]  }
0x196: {  	v51 =	vld [tilespmem:s14+$0x6440]  }
0x197: {  	v10 =	vld [tilespmem:s14+$0x3C50]  }
0x198: {  	v52 =	vld [tilespmem:s14+$0x6450]  }
0x199: {  	v12 =	vld [tilespmem:s14+$0x3C60]  }
0x19a: {  	v13 =	vld [tilespmem:s14+$0x6460]  }
0x19b: {  	v14 =	vld [tilespmem:s14+$0x8C00]  }
0x19c: {  	v15 =	vld [tilespmem:s14+$0x8C10]  }
0x19d: {  	v45 =	vadd.bf16 v11, v3;
	v16 =	vld [tilespmem:s14+$0x8C20]  }
0x19e: {  	v53 =	vld [tilespmem:s14+$0x8C30];
	v0 =	vadd.bf16 v0, v9  }
0x19f: {  	v54 =	vld [tilespmem:s14+$0x8C40];
	v2 =	vadd.bf16 v44, v45;
	v1 =	vadd.bf16 v4, v1  }
0x1a0: {  	v55 =	vld [tilespmem:s14+$0x8C50];
	v3 =	vadd.bf16 v47, v46;
	v0 =	vadd.bf16 v14, v0  }
0x1a1: {  	v56 =	vld [tilespmem:s14+$0x8C60];
	[tilespmem:s14+$0xB470] =	vst v2;
	v6 =	vadd.bf16 v49, v48;
	v1 =	vadd.bf16 v15, v1  }
0x1a2: {  	v2 =	vadd.bf16 v51, v50;
	[tilespmem:s14+$0xB400] =	vst v0;
	v57 =	vadd.bf16 v16, v3  }
0x1a3: {  	v58 =	vadd.bf16 v52, v10;
	v59 =	vadd.bf16 v53, v6;
	[tilespmem:s14+$0xB410] =	vst v1  }
0x1a4: {  	v60 =	vadd.bf16 v13, v12;
	v61 =	vadd.bf16 v54, v2;
	[tilespmem:s14+$0xB420] =	vst v57  }
0x1a5: {  	v62 =	vadd.bf16 v55, v58;
	[tilespmem:s14+$0xB430] =	vst v59  }
0x1a6: {  	v63 =	vadd.bf16 v56, v60;
	[tilespmem:s14+$0xB440] =	vst v61  }
0x1a7: {  	p0 =	seq.s32 s29, $0x3C;
	[tilespmem:s14+$0xB450] =	vst v62  }
0x1a8: {  	s15 =	simm.s32 @!p0 $0x28;
	s30 =	simm.s32 @!p0 $0x3C00;
	[tilespmem:s14+$0xB460] =	vst v63;
	s14 =	sadd.s32 @!p0 $0xC8, s13  }
0x1a9: {  	[tilespmem:s30], [sflag:$0x2] =	stream.indirect.gather @!p0 [hbm4b:s5+s15], $0x80, s14, s15, $0xb8;
	[tilespmem:$0xC800] =	vst v63  }
0x1aa: {  	s29 =	sadd.s32 $0x1, s29;
	s14 =	sadd.s32 @!p0 s4, s14  }
0x1ab: {  	s18 =	simm.s32 @!p0 $0x6400;
	s30 =	sadd.s32 @!p0 $0x14C8, s13;
	s14 =	sshll.u32 @!p0 s14, $0x4  }
0x1ac: {  	[tilespmem:s18], [sflag:$0x4] =	stream.indirect.gather @!p0 [hbm4b:s6+s15], $0x80, s30, s15, $0xb8;
	[tilespmem:$0xC800] =	vst v63  }
0x1ad: {  	s14 =	sadd.s32 @!p0 s2, s14;
	s15 =	simm.s32 @!p0 $0x0;
	s18 =	simm.s32 @!p0 $0x8C00  }
0x1ae: {  	[tilespmem:s18], [sflag:$0x6] =	stream.linear.gather @!p0 [hbm4b:s14+s15], $0x1400, $0x38;
	[tilespmem:$0xC800] =	vst v63  }
0x1af: {  	p0 =	sne.s32 s29, $0x3D  }
.Ltmp4:
0x1b0: {  	_ = 	snop;
	(pc) =	sbr.rel @p0 .LBB2_6-.Ltmp4, $4  }
0x1b1: {  	s30 =	sadd.s32 s13, s17  }
0x1b2: {  	s13 =	sshll.u32 s30, $0x4  }
0x1b3: {  	s13 =	sadd.s32 s7, s13  }
0x1b4: {  	[hbm4b:s13+s3] =	stream.linear.scatter [tilespmem:s10], [sflag:$0x8], $0x1400, $0x38;
	[tilespmem:$0xC800] =	vst v63  }
0x1b5: {  	_ =	swait.ge [sflag:s31], $0x1400  }
0x1b6: {  	[sflag:s31] =	ssyncset.done $0x0  }
0x1b7: {  	[sflag:s31] =	ssyncadd.s32 $0xFFFFEC00  }
0x1b8: {  	_ =	swait.ge [sflag:s0], $0x1400  }
0x1b9: {  	[sflag:s0] =	ssyncset.done $0x0  }
0x1ba: {  	[sflag:s0] =	ssyncadd.s32 $0xFFFFEC00  }
0x1bb: {  	_ =	swait.ge [sflag:s1], $0x1400  }
0x1bc: {  	[sflag:s1] =	ssyncset.done $0x0  }
0x1bd: {  	[sflag:s1] =	ssyncadd.s32 $0xFFFFEC00  }
0x1be: {  	_ =	swait.ge [sflag:s26], $0x1400  }
0x1bf: {  	[sflag:s26] =	ssyncset.done $0x0  }
0x1c0: {  	s13 =	simm.s32 $0x0;
	[sflag:s26] =	ssyncadd.s32 $0xFFFFEC00  }
0x1c1: {  	v0 =	vld [tilespmem:s13+$0x2870]  }
0x1c2: {  	v1 =	vld [tilespmem:s13+$0x5070]  }
0x1c3: {  	v2 =	vld [tilespmem:s13+$0x2800]  }
0x1c4: {  	v3 =	vld [tilespmem:s13+$0x7870]  }
0x1c5: {  	v4 =	vld [tilespmem:s13+$0x5000]  }
0x1c6: {  	v5 =	vld [tilespmem:s13+$0x2810]  }
0x1c7: {  	v6 =	vld [tilespmem:s13+$0x5010]  }
0x1c8: {  	v7 =	vld [tilespmem:s13+$0x5020]  }
0x1c9: {  	v9 =	vld [tilespmem:s13+$0x5030]  }
0x1ca: {  	v10 =	vld [tilespmem:s13+$0x2840]  }
0x1cb: {  	v11 =	vld [tilespmem:s13+$0x5040]  }
0x1cc: {  	v12 =	vld [tilespmem:s13+$0x2850]  }
0x1cd: {  	v13 =	vld [tilespmem:s13+$0x5050]  }
0x1ce: {  	v14 =	vld [tilespmem:s13+$0x2860]  }
0x1cf: {  	v15 =	vld [tilespmem:s13+$0x5060]  }
0x1d0: {  	v16 =	vld [tilespmem:s13+$0x7800]  }
0x1d1: {  	v0 =	vadd.bf16 v1, v0;
	v1 =	vld [tilespmem:s13+$0x2820]  }
0x1d2: {  	v17 =	vld [tilespmem:s13+$0x7810]  }
0x1d3: {  	v0 =	vadd.bf16 v3, v0;
	v3 =	vld [tilespmem:s13+$0x2830]  }
0x1d4: {  	v18 =	vld [tilespmem:s13+$0x7820]  }
0x1d5: {  	v8 =	vld [tilespmem:s13+$0x7830];
	v2 =	vadd.bf16 v4, v2;
	v19 =	vadd.bf16 v6, v5  }
0x1d6: {  	v5 =	vld [tilespmem:s13+$0x7840];
	v4 =	vadd.bf16 v13, v12;
	v20 =	vadd.bf16 v7, v1  }
0x1d7: {  	v6 =	vld [tilespmem:s13+$0x7850];
	v1 =	vadd.bf16 v11, v10;
	v10 =	vadd.bf16 v16, v2  }
0x1d8: {  	s14 =	simm.s32 $0x80;
	[tilespmem:s13+$0xA070] =	vst v0;
	v7 =	vld [tilespmem:s13+$0x7860];
	v0 =	vadd.bf16 v9, v3;
	v9 =	vadd.bf16 v17, v19  }
0x1d9: {  	s15 =	simm.s32 $0x400;
	v2 =	vadd.bf16 v15, v14;
	v3 =	vld [tilespmem:s14+$0x2870];
	[tilespmem:s13+$0xA000] =	vst v10;
	v10 =	vadd.bf16 v18, v20  }
.LBB2_12:
0x1da: {  	p0 =	sne.s32 s15, $0x4E00;
	v11 =	vld [tilespmem:s14+$0x5070];
	[tilespmem:s13+$0xA010] =	vst v9;
	v0 =	vadd.bf16 v8, v0  }
0x1db: {  	v8 =	vld [tilespmem:s14+$0x2800];
	[tilespmem:s13+$0xA020] =	vst v10;
	v1 =	vadd.bf16 v5, v1  }
0x1dc: {  	v5 =	vld [tilespmem:s14+$0x7870];
	[tilespmem:s13+$0xA030] =	vst v0;
	v0 =	vadd.bf16 v6, v4  }
0x1dd: {  	v4 =	vld [tilespmem:s14+$0x5000];
	[tilespmem:s13+$0xA040] =	vst v1;
	v1 =	vadd.bf16 v7, v2  }
0x1de: {  	v2 =	vld [tilespmem:s14+$0x2810];
	[tilespmem:s13+$0xA050] =	vst v0  }
0x1df: {  	v0 =	vld [tilespmem:s14+$0x5010];
	v3 =	vadd.bf16 v11, v3;
	[tilespmem:s13+$0xA060] =	vst v1;
	s13 =	smov.u32 s14  }
0x1e0: {  	v1 =	vld [tilespmem:s13+$0x2820]  }
0x1e1: {  	v6 =	vld [tilespmem:s13+$0x5020];
	v3 =	vadd.bf16 v5, v3  }
0x1e2: {  	v7 =	vadd.bf16 v4, v8;
	v4 =	vld [tilespmem:s13+$0x2830]  }
0x1e3: {  	v5 =	vld [tilespmem:s13+$0x5030];
	[tilespmem:s13+$0xA070] =	vst v3  }
0x1e4: {  	v3 =	vadd.bf16 v0, v2;
	v2 =	vld [tilespmem:s13+$0x2840]  }
0x1e5: {  	v8 =	vld [tilespmem:s13+$0x5040]  }
0x1e6: {  	v10 =	vadd.bf16 v6, v1;
	v6 =	vld [tilespmem:s13+$0x2850]  }
0x1e7: {  	v9 =	vld [tilespmem:s13+$0x5050]  }
0x1e8: {  	v0 =	vadd.bf16 v5, v4;
	v11 =	vld [tilespmem:s13+$0x2860]  }
0x1e9: {  	v12 =	vld [tilespmem:s13+$0x5060]  }
0x1ea: {  	v13 =	vld [tilespmem:s13+$0x7800];
	v1 =	vadd.bf16 v8, v2  }
0x1eb: {  	v14 =	vld [tilespmem:s13+$0x7810]  }
0x1ec: {  	v15 =	vld [tilespmem:s13+$0x7820];
	v4 =	vadd.bf16 v9, v6  }
.Ltmp5:
0x1ed: {  	v8 =	vld [tilespmem:s13+$0x7830];
	(pc) =	sbr.rel @p0 .LBB2_12-.Ltmp5, $4  }
0x1ee: {  	v5 =	vld [tilespmem:s13+$0x7840];
	v2 =	vadd.bf16 v12, v11  }
0x1ef: {  	v11 =	vadd.bf16 v13, v7;
	v6 =	vld [tilespmem:s13+$0x7850]  }
0x1f0: {  	s14 =	sshra.s32 s15, $0x2;
	v9 =	vadd.bf16 v14, v3;
	v7 =	vld [tilespmem:s13+$0x7860]  }
0x1f1: {  	s15 =	sadd.s32 $0x200, s15;
	v3 =	vld [tilespmem:s14+$0x2870];
	[tilespmem:s13+$0xA000] =	vst v11;
	v10 =	vadd.bf16 v15, v10  }
0x1f2: {  	v11 =	vld [tilespmem:s14+$0x5070];
	[tilespmem:s13+$0xA010] =	vst v9;
	v0 =	vadd.bf16 v8, v0  }
0x1f3: {  	v9 =	vld [tilespmem:s14+$0x2800];
	[tilespmem:s13+$0xA020] =	vst v10;
	v1 =	vadd.bf16 v5, v1  }
0x1f4: {  	v44 =	vld [tilespmem:s14+$0x7870];
	[tilespmem:s13+$0xA030] =	vst v0;
	v4 =	vadd.bf16 v6, v4  }
0x1f5: {  	v0 =	vld [tilespmem:s14+$0x5000];
	[tilespmem:s13+$0xA040] =	vst v1;
	v2 =	vadd.bf16 v7, v2  }
0x1f6: {  	v1 =	vld [tilespmem:s14+$0x2810];
	[tilespmem:s13+$0xA050] =	vst v4  }
0x1f7: {  	v4 =	vld [tilespmem:s14+$0x5010];
	[tilespmem:s13+$0xA060] =	vst v2  }
0x1f8: {  	v46 =	vld [tilespmem:s14+$0x2820]  }
0x1f9: {  	v47 =	vld [tilespmem:s14+$0x5020]  }
0x1fa: {  	v48 =	vld [tilespmem:s14+$0x2830]  }
0x1fb: {  	v49 =	vld [tilespmem:s14+$0x5030]  }
0x1fc: {  	v50 =	vld [tilespmem:s14+$0x2840]  }
0x1fd: {  	v51 =	vld [tilespmem:s14+$0x5040]  }
0x1fe: {  	v10 =	vld [tilespmem:s14+$0x2850]  }
0x1ff: {  	v52 =	vld [tilespmem:s14+$0x5050]  }
0x200: {  	v12 =	vld [tilespmem:s14+$0x2860]  }
0x201: {  	v13 =	vld [tilespmem:s14+$0x5060]  }
0x202: {  	v14 =	vld [tilespmem:s14+$0x7800]  }
0x203: {  	v15 =	vld [tilespmem:s14+$0x7810]  }
0x204: {  	v45 =	vadd.bf16 v11, v3;
	v16 =	vld [tilespmem:s14+$0x7820]  }
0x205: {  	v53 =	vld [tilespmem:s14+$0x7830];
	v0 =	vadd.bf16 v0, v9  }
0x206: {  	v54 =	vld [tilespmem:s14+$0x7840];
	v2 =	vadd.bf16 v44, v45;
	v1 =	vadd.bf16 v4, v1  }
0x207: {  	v55 =	vld [tilespmem:s14+$0x7850];
	v3 =	vadd.bf16 v47, v46;
	v0 =	vadd.bf16 v14, v0  }
0x208: {  	v56 =	vld [tilespmem:s14+$0x7860];
	[tilespmem:s14+$0xA070] =	vst v2;
	v6 =	vadd.bf16 v49, v48;
	v1 =	vadd.bf16 v15, v1  }
0x209: {  	v2 =	vadd.bf16 v51, v50;
	[tilespmem:s14+$0xA000] =	vst v0;
	v57 =	vadd.bf16 v16, v3  }
0x20a: {  	v58 =	vadd.bf16 v52, v10;
	v59 =	vadd.bf16 v53, v6;
	[tilespmem:s14+$0xA010] =	vst v1  }
0x20b: {  	v60 =	vadd.bf16 v13, v12;
	v61 =	vadd.bf16 v54, v2;
	[tilespmem:s14+$0xA020] =	vst v57  }
0x20c: {  	v62 =	vadd.bf16 v55, v58;
	[tilespmem:s14+$0xA030] =	vst v59  }
0x20d: {  	v63 =	vadd.bf16 v56, v60;
	[tilespmem:s14+$0xA040] =	vst v61  }
0x20e: {  	[tilespmem:s14+$0xA050] =	vst v62  }
0x20f: {  	s29 =	rddreg [dreg:$0xb];
	s12 =	sadd.s32 $0x1, s12;
	[tilespmem:s14+$0xA060] =	vst v63  }
0x210: {  	[hbm4b:s29+s3] =	stream.linear.scatter [tilespmem:s28], [sflag:$0x7], $0x1400, $0x38;
	[tilespmem:$0xC800] =	vst v63  }
0x211: {  	p0 =	sne.s32 s12, s19;
	_ =	swait.ge [sflag:s11], $0x1400  }
.Ltmp6:
0x212: {  	[sflag:s11] =	ssyncset.done $0x0;
	(pc) =	sbr.rel @p0 .LBB2_1-.Ltmp6, $4  }
0x213: {  	[sflag:s11] =	ssyncadd.s32 $0xFFFFEC00  }
0x214: {  	_ =	swait.ge [sflag:s26], $0x1400  }
0x215: {  	s15 =	simm.s32 $0x3C00;
	[sflag:s26] =	ssyncset.done $0x0  }
0x216: {  	s18 =	simm.s32 $0x6400;
	s30 =	simm.s32 $0x8C00;
	[sflag:s26] =	ssyncadd.s32 $0xFFFFEC00  }
0x217: {  	_ =	sfence.sel $0x180000  }
0x218: {  	[bflag:$0x0] =	sbarrier.arrive $0xFFFF  }
0x219: {  	_ =	strace $0x90000047  }
0x21a: {  	s0 =	stileid.u32;
	[bflag:$0x2] =	sbarrier.arrive $0xFFFF  }
0x21b: {  	p0 =	sne.s32 s0, $0x0;
	s0 =	rddreg [dreg:$0x2]  }
0x21c: {  	s0 =	sadd.s32 @!p0 $0x100000, s0  }
0x21d: {  	[sflag:s0] =	ssyncadd.tile.s32 @!p0 $0x1;
	_ =	shalt  }
.Lfunc_end2:
_tile_overlayer_lowered:
.L_overlay_start_2:
0x21e: {  	(tag) =	ssettag $0x2  }
0x21f: {  	s0 =	rddreg [dreg:$0x0];
	s2 =	stileid.u32  }
0x220: {  	s1 =	rddreg [dreg:$0x1];
	p0 =	sne.s32 s2, $0x0  }
0x221: {  	s3 =	rddreg [dreg:$0x2];
	[bflag:$0x3] =	sbarrier.arrive $0xFFFF;
	s2 =	simm.s32 @!p0 $0x1C09  }
0x222: {  	[timem:s3], [sflag:s2] =	dma.local @!p0 [hbm:s0], s1  }
0x223: {  	s0 =	simm.s32 @!p0 $0x9  }
0x224: {  	_ =	swait.ge @!p0 [sflag:s0], s1  }
0x225: {  	s1 =	ssub.s32 @!p0 $0x0, s1;
	[sflag:s0] =	ssyncset.done @!p0 $0x0  }
0x226: {  	[sflag:s0] =	ssyncadd.s32 @!p0 s1  }
0x227: {  	[bflag:$0x3] =	sbarrier.arrive $0xFFFF  }
0x228: {  	_ =	shalt  }

// kernel: kernel.15.cloned.1.call-start
scs
__scs_entry_jumppad:
0x0: {  	(pc) =	sbr.rel $0x88, $3  }
0x1: {  	(tag) =	ssettag $0x0;
	lr =	simm.s32 $0x1  }
0x2: {  	[smem:$0x3F83] =	sst lr;
	_ =	strace $0xD0000000  }
0x3: {  	_ = 	snop  }
0x4: {  	_ = 	snop  }
0x5: {  	_ = 	snop  }
0x6: {  	_ = 	snop  }
0x7: {  	_ = 	snop  }
__scs_overlays_trampoline_lowered:
0x8: {  	[smem:$0x3F92] =	sst s0  }
0x9: {  	[smem:$0x3F93] =	sst s1  }
0xa: {  	[smem:$0x3F94] =	sst s2  }
0xb: {  	[smem:$0x3F95] =	sst s3  }
0xc: {  	[smem:$0x3F96] =	sst s4  }
0xd: {  	[smem:$0x3F97] =	sst s5  }
0xe: {  	[smem:$0x3F98] =	sst s6  }
0xf: {  	[smem:$0x3F99] =	sst s7  }
0x10: {  	[smem:$0x3F9A] =	sst s8  }
0x11: {  	[smem:$0x3F9B] =	sst s9;
	s0 =	simm.s32 @!p0 $0x0  }
0x12: {  	s1 =	sld [smem:$0x3F81];
	s0 =	simm.s32 @p0 $0x1  }
0x13: {  	[smem:$0x3F9C] =	sst s0;
	s0 =	simm.s32 @!p1 $0x0  }
0x14: {  	s2 =	sld [smem:$0x3F80];
	s0 =	simm.s32 @p1 $0x1  }
0x15: {  	[smem:$0x3F9D] =	sst s0;
	s0 =	simm.s32 @!p2 $0x0  }
0x16: {  	s3 =	sld [smem:$0x3FDB];
	s0 =	simm.s32 @p2 $0x1  }
0x17: {  	s4 =	simm.s32 $0x1BF5;
	[smem:$0x3F9F] =	sst s0  }
0x18: {  	s0 =	sld [smem:$0x3F82];
	_ =	swait.ge [sflag:s4], $0x0  }
0x19: {  	s7 =	sld [smem:$0x3F83]  }
0x1a: {  	s8 =	sadd.s32 $0xFFFFE003, lr  }
0x1b: {  	s9 =	sadd.s32 $0xFFFFFEF7, lr;
	s5 =	simm.s32 $0xFFFFFFFF;
	p2 =	slt.u32 s8, $0xFFFFF086  }
0x1c: {  	p1 =	slt.u32 s9, $0xF7A;
	s5 =	simm.s32 @!p2 $0x0  }
0x1d: {  	s5 =	simm.s32 @p1 $0x1;
	p0 =	seq.s32 s7, s2  }
0x1e: {  	s7 =	smul.u32 @!p0 $0xF7A, s2;
	p2 =	seq.s32 @!p0 s5, $0x0  }
0x1f: {  	s9 =	smul.u32 $0xF7A, s1;
	s8 =	simm.s32 @!p0 $0x1BF5;
	p2 =	por !p2, p0  }
0x20: {  	[sflag:s8] =	ssyncset.s32 @!p0 $0xFFFFF086;
	s6 =	sadd.s32 @!p0 s3, s7;
	s7 =	simm.s32 @!p0 $0x108  }
0x21: {  	s3 =	sadd.s32 s3, s9;
	s6 =	sadd.s32 @!p0 $0x88, s6;
	s7 =	simm.s32 @p2 $0x1082  }
0x22: {  	[simem:s7], [sflag:s8] =	dma.local @!p0 [hbm:s6], $0xF7A  }
0x23: {  	s9 =	sor.u32 $0xD0000000, s2;
	s6 =	simm.s32 $0x108;
	_ =	swait.ge @!p0 [sflag:s8], $0x0  }
0x24: {  	s3 =	sadd.s32 $0x88, s3;
	s6 =	simm.s32 @!p1 $0x1082;
	[sflag:s4] =	ssyncset.s32 $0xFFFFF086  }
0x25: {  	[simem:s6], [sflag:s4] =	dma.local [hbm:s3], $0xF7A  }
0x26: {  	[smem:$0x3F83] =	sst s1;
	(tag) =	ssettag s2;
	_ =	strace s9  }
0x27: {  	s1 =	sld [smem:$0x3F93]  }
0x28: {  	s2 =	sld [smem:$0x3F94]  }
0x29: {  	s4 =	sld [smem:$0x3F96]  }
0x2a: {  	p0 =	seq.s32 s5, $0x0;
	s5 =	sld [smem:$0x3F97]  }
0x2b: {  	s6 =	sld [smem:$0x3F98]  }
0x2c: {  	s7 =	sld [smem:$0x3F99]  }
0x2d: {  	s3 =	simm.s32 $0x108;
	s8 =	sld [smem:$0x3F9A]  }
0x2e: {  	s3 =	simm.s32 @!p0 $0x1082;
	s9 =	sld [smem:$0x3F9B]  }
0x2f: {  	lr =	sadd.s32 s0, s3;
	s0 =	sld [smem:$0x3F92]  }
0x30: {  	s3 =	sld [smem:$0x3F95]  }
0x31: {  	[smem:$0x3F9E] =	sst s10  }
0x32: {  	s10 =	sld [smem:$0x3F9C];
	_ =	sdelay $0x3  }
0x33: {  	p0 =	seq.s32 s10, $0x1;
	s10 =	sld [smem:$0x3F9E];
	_ =	sdelay $0x3  }
0x34: {  	[smem:$0x3F9E] =	sst s10  }
0x35: {  	s10 =	sld [smem:$0x3F9D];
	_ =	sdelay $0x3  }
0x36: {  	p1 =	seq.s32 s10, $0x1;
	s10 =	sld [smem:$0x3F9E];
	_ =	sdelay $0x3  }
0x37: {  	[smem:$0x3F9E] =	sst s10  }
0x38: {  	s10 =	sld [smem:$0x3F9F]  }
0x39: {  	_ = 	snop;
	(pc) =	sbr.ind lr, $3  }
0x3a: {  	_ = 	snop  }
0x3b: {  	_ = 	snop  }
0x3c: {  	p2 =	seq.s32 s10, $0x1;
	s10 =	sld [smem:$0x3F9E]  }
0x3d: {  	_ =	shalt  }
0x3e: {  	_ =	shalt  }
0x3f: {  	_ =	shalt  }
0x40: {  	_ =	shalt  }
0x41: {  	_ =	shalt  }
0x42: {  	_ =	shalt  }
0x43: {  	_ =	shalt  }
0x44: {  	_ =	shalt  }
0x45: {  	_ =	shalt  }
0x46: {  	_ =	shalt  }
0x47: {  	_ =	shalt  }
0x48: {  	_ =	shalt  }
0x49: {  	_ =	shalt  }
0x4a: {  	_ =	shalt  }
0x4b: {  	_ =	shalt  }
0x4c: {  	_ =	shalt  }
0x4d: {  	_ =	shalt  }
0x4e: {  	_ =	shalt  }
0x4f: {  	_ =	shalt  }
0x50: {  	_ =	shalt  }
0x51: {  	_ =	shalt  }
0x52: {  	_ =	shalt  }
0x53: {  	_ =	shalt  }
0x54: {  	_ =	shalt  }
0x55: {  	_ =	shalt  }
0x56: {  	_ =	shalt  }
0x57: {  	_ =	shalt  }
0x58: {  	_ =	shalt  }
0x59: {  	_ =	shalt  }
0x5a: {  	_ =	shalt  }
0x5b: {  	_ =	shalt  }
0x5c: {  	_ =	shalt  }
0x5d: {  	_ =	shalt  }
0x5e: {  	_ =	shalt  }
0x5f: {  	_ =	shalt  }
0x60: {  	_ =	shalt  }
0x61: {  	_ =	shalt  }
0x62: {  	_ =	shalt  }
0x63: {  	_ =	shalt  }
0x64: {  	_ =	shalt  }
0x65: {  	_ =	shalt  }
0x66: {  	_ =	shalt  }
0x67: {  	_ =	shalt  }
0x68: {  	_ =	shalt  }
0x69: {  	_ =	shalt  }
0x6a: {  	_ =	shalt  }
0x6b: {  	_ =	shalt  }
0x6c: {  	_ =	shalt  }
0x6d: {  	_ =	shalt  }
0x6e: {  	_ =	shalt  }
0x6f: {  	_ =	shalt  }
0x70: {  	_ =	shalt  }
0x71: {  	_ =	shalt  }
0x72: {  	_ =	shalt  }
0x73: {  	_ =	shalt  }
0x74: {  	_ =	shalt  }
0x75: {  	_ =	shalt  }
0x76: {  	_ =	shalt  }
0x77: {  	_ =	shalt  }
0x78: {  	_ =	shalt  }
0x79: {  	_ =	shalt  }
0x7a: {  	_ =	shalt  }
0x7b: {  	_ =	shalt  }
0x7c: {  	_ =	shalt  }
0x7d: {  	_ =	shalt  }
0x7e: {  	_ =	shalt  }
0x7f: {  	_ =	shalt  }
0x80: {  	_ =	shalt  }
0x81: {  	_ =	shalt  }
0x82: {  	_ =	shalt  }
0x83: {  	_ =	shalt  }
0x84: {  	_ =	shalt  }
0x85: {  	_ =	shalt  }
0x86: {  	_ =	shalt  }
0x87: {  	_ =	shalt  }
.Lfunc_end0:
.L_simem_size_0:
called_computation.1_lowered:
.L_overlay_start_0:
0x88: {  	s2 =	sld [smem:$0x3FD9]  }
0x89: {  	s3 =	sld [smem:$0x3FFE];
	_ =	sdelay $0x1  }
0x8a: {  	s1 =	srdreg.scid  }
0x8b: {  	s0 =	sand.u32 $0x1, s1  }
0x8c: {  	s14 =	sshll.u32 s0, $0xA;
	s2 =	sadd.s32 s3, s2  }
0x8d: {  	s2 =	sadd.s32 s2, s14  }
0x8e: {  	[smem:$0x3FAA] =	sst s2  }
0x8f: {  	_ = 	snop  }
0x90: {  	s2 =	sld [smem:$0x3FD0];
	_ =	sdelay $0x2  }
0x91: {  	s15 =	simm.s32 $0xA;
	s4 =	simm.s32 $0x10  }
0x92: {  	[smem:s4], [sflag:s15] =	dma.local [hbm:s2], $0x1  }
0x93: {  	_ =	swait.eq [sflag:s15], $0x1  }
0x94: {  	[sflag:s15] =	ssyncset.done $0x0  }
0x95: {  	[sflag:s15] =	ssyncadd.s32 $0xFFFFFFFF  }
0x96: {  	s16 =	sld [smem:$0x11];
	(tm) =	ssettm $0x1  }
0x97: {  	s17 =	sld [smem:$0x3FFB];
	_ =	sdelay $0x3  }
0x98: {  	_ =	strace s17  }
0x99: {  	s3 =	sld [smem:$0x3FFC];
	_ =	sdelay $0x3  }
0x9a: {  	_ =	strace s3  }
0x9b: {  	s3 =	sld [smem:$0x3FFD];
	_ =	sdelay $0x3  }
0x9c: {  	_ =	strace s3  }
0x9d: {  	_ =	strace $0x8FFFFFFF  }
0x9e: {  	s18 =	sld [smem:$0x3FDB];
	_ =	sdelay $0x1  }
0x9f: {  	s19 =	simm.s32 $_scs_section_size  }
0xa0: {  	s5 =	simm.s32 $_size__tile_overlayer_lowered;
	s6 =	simm.s32 $_tile_overlayer_lowered  }
0xa1: {  	s22 =	simm.s32 $0x1BFF;
	s21 =	sshll.u32 s6, $0x1;
	s3 =	sadd.s32 s19, s18  }
0xa2: {  	s7 =	simm.s32 $0x0;
	s20 =	sshll.u32 s5, $0x1;
	s5 =	sadd.s32 s21, s3  }
0xa3: {  	[timem:s7], [sflag:s22] =	dma.local [hbm:s5], s20  }
0xa4: {  	_ =	swait.ge [sflag:s22], s20  }
0xa5: {  	s4 =	ssub.s32 $0x0, s20;
	[sflag:s22] =	ssyncset.done $0x0  }
0xa6: {  	[sflag:s22] =	ssyncadd.s32 s4;
	_ =	sdelay $0x1  }
0xa7: {  	s23 =	simm.s32 $0x1B8B  }
0xa8: {  	_ =	swait.ge [sflag:s23], $0x1  }
0xa9: {  	[sflag:s23] =	ssyncset.done $0x0  }
0xaa: {  	s25 =	simm.s32 $0x1B8E;
	s24 =	sld [smem:$0x3FFE];
	[sflag:s23] =	ssyncadd.s32 $0xFFFFFFFF  }
0xab: {  	s26 =	simm.s32 $execute0_lowered;
	[smem:$0x3FD2] =	sst s25  }
0xac: {  	s5 =	sshll.u32 s26, $0x1;
	_ =	strace $0x80000049;
	[dreg:$0x1] =	wrdreg $0xFFFFFFFF  }
0xad: {  	s28 =	simm.s32 $_size_execute0_lowered;
	s3 =	sadd.s32 s3, s5;
	[dreg:$0x0] =	wrdreg $0x0  }
0xae: {  	s5 =	sshll.u32 s28, $0x1;
	[dreg:$0x2] =	wrdreg s3  }
0xaf: {  	[dreg:$0x3] =	wrdreg s5  }
0xb0: {  	[dreg:$0x4] =	wrdreg $0xC0  }
0xb1: {  	_ =	task [dreg:s7], $0x5FFFF  }
0xb2: {  	[dreg:$0x1] =	wrdreg $0xFFFFFFFF  }
0xb3: {  	[dreg:$0x0] =	wrdreg $0x60  }
0xb4: {  	[dreg:$0x2] =	wrdreg s16  }
0xb5: {  	[dreg:$0x3] =	wrdreg s24  }
0xb6: {  	[dreg:$0x4] =	wrdreg $0x0  }
0xb7: {  	[dreg:$0x5] =	wrdreg $0x9  }
0xb8: {  	_ =	task.clear_ibuf [dreg:s7], $0x6FFFF;
	_ =	strace $0x90000049  }
0xb9: {  	s29 =	simm.s32 $0x9;
	_ =	strace $0x8000004B  }
0xba: {  	_ =	swait.ge [sflag:s29], $0x1  }
0xbb: {  	[sflag:s29] =	ssyncadd.s32 $0xFFFFFFFF  }
0xbc: {  	_ =	strace $0x9000004B  }
0xbd: {  	_ =	sfence  }
0xbe: {  	s30 =	sld [smem:$0x0];
	_ =	sdelay $0x2  }
0xbf: {  	s31 =	sshll.u32 s1, $0xD;
	s1 =	sshrl.u32 s1, $0x2  }
0xc0: {  	s3 =	sand.u32 $0x4000, s31;
	s1 =	sadd.s32 s1, s30  }
0xc1: {  	s0 =	sor.u32 s3, s0;
	s1 =	sshll.u32 s1, $0x11  }
0xc2: {  	s0 =	sor.u32 s1, s0  }
0xc3: {  	s0 =	sadd.s32 $0x8F2B, s0  }
0xc4: {  	[sflag:s0] =	ssyncadd.remote.s32 $0x1  }
0xc5: {  	_ =	sfence.sel $0xFFFF  }
0xc6: {  	[dreg:$0x0] =	wrdreg $0xFFFFFFFF;
	(pc) =	sbr.abs _section_cstart, $3  }
0xc7: {  	[dreg:$0x1] =	wrdreg $0xFFFFFFFF  }
0xc8: {  	_ =	task.clear_ibuf [dreg:s7], $0x2FFFF;
	_ =	strace $0x9FFFFFFF  }
0xc9: {  	(tm) =	ssettm $0x7FFFFFFF  }
tec
execute0_lowered:
.L_overlay_start_1:
0x0: {  	(tag) =	ssettag $0x1  }
0x1: {  	s15 =	rddreg [dreg:$0x0]  }
0x2: {  	s0 =	rddreg [dreg:$0x1]  }
0x3: {  	s2 =	rddreg [dreg:$0x2]  }
0x4: {  	s4 =	simm.s32 $0x0;
	s1 =	srdreg.scid;
	s3 =	stileid.u32  }
0x5: {  	s28 =	simm.s32 $0x1;
	s29 =	simm.s32 $0x13900;
	s8 =	smul.u32 $0x3E80, s3  }
0x6: {  	s30 =	simm.s32 $0x16180;
	s31 =	simm.s32 $0x50;
	s10 =	smul.u32 $0x2710, s3  }
0x7: {  	[smem:$0x7FF] =	sst s4;
	s1 =	sand.u32 $0x1, s1;
	s11 =	smul.u32 $0x27100, s3  }
0x8: {  	s5 =	sadd.s32 $0x541200, s0;
	s6 =	sadd.s32 $0xAE00, s0;
	s14 =	smul.u32 $0x7D000, s3  }
0x9: {  	s23 =	smul.u32 $0x4E2, s3;
	p1 =	slt.u32 s3, $0xA;
	p2 =	sgt.u32 s3, $0x9  }
0xa: {  	s7 =	smul.u32 $0x27100, s1;
	_ =	strace $0x8000004A;
	s9 =	ssub.s32 $0x2, s1  }
0xb: {  	p0 =	seq.s32 s1, $0x1;
	s17 =	sshrl.u32 s9, $0x1;
	s18 =	sshrl.u32 s10, $0x3  }
0xc: {  	s13 =	sadd.s32 $0x50, s10;
	s21 =	sshrl.u32 s14, $0x2;
	s7 =	sadd.s32 s8, s7  }
0xd: {  	s12 =	ssub.s32 s9, s17;
	s19 =	sshrl.u32 s13, $0x3;
	s8 =	sadd.s32 s15, s11  }
0xe: {  	s20 =	sshll.u32 s13, $0x4;
	s11 =	sadd.s32 s5, s11;
	s0 =	sadd.s32 s7, s0  }
0xf: {  	s7 =	sadd.s32 s6, s18;
	s9 =	sadd.s32 s6, s19;
	s13 =	sadd.s32 s15, s20  }
0x10: {  	s1 =	sadd.s32 s5, s20;
	s15 =	smax.u32 s12, $0x1;
	s19 =	sadd.s32 $0x26C0, s10  }
0x11: {  	s10 =	simm.s32 $0x4;
	s12 =	simm.s32 $0x0;
	[dreg:$0x4] =	wrdreg s13  }
0x12: {  	[dreg:$0x5] =	wrdreg s1;
	s13 =	sadd.s32 s21, s2;
	s14 =	sadd.s32 $0x10E00, s0  }
0x13: {  	s21 =	sshll.u32 s19, $0x4;
	s0 =	sadd.s32 s23, s6;
	s22 =	sadd.s32 $0x6400, s13  }
.Ltmp0:
0x14: {  	s24 =	sadd.s32 $0xC800, s13;
	[dreg:$0x6] =	wrdreg s22;
	(pc) =	sbr.rel .LBB2_1-.Ltmp0, $4  }
0x15: {  	s23 =	simm.s32 $0x18980;
	s25 =	sadd.s32 $0x12C00, s13;
	[dreg:$0x7] =	wrdreg s24  }
0x16: {  	s1 =	simm.s32 $0x3;
	s26 =	sadd.s32 $0x19000, s13;
	[dreg:$0x8] =	wrdreg s25  }
0x17: {  	[dreg:$0x9] =	wrdreg s26;
	s22 =	sadd.s32 $0x1E, s0;
	s24 =	simm.s32 $0x5  }
0x18: {  	v0 =	vimm.f32 $0.0e+00;
	s25 =	simm.s32 $0x13880;
	s26 =	simm.s32 $0x13980;
	s0 =	simm.s32 $0x2  }
.LBB2_11:
0x19: {  	[spmem:s2] =	stream.indirect.scatter.add.f32 [tilespmem:s26], [sflag:$0x3], $0x80, s25, s31, $0xb8;
	[tilespmem:$0x1ED80] =	vst v63  }
0x1a: {  	s16 =	smov.u32 s5  }
.LBB2_12:
0x1b: {  	_ =	swait.ge [sflag:s0], $0x50  }
0x1c: {  	[sflag:s0] =	ssyncset.done $0x0  }
0x1d: {  	[sflag:s0] =	ssyncadd.s32 $0xFFFFFFB0  }
0x1e: {  	_ =	swait.ge [sflag:s0], $0x2800  }
0x1f: {  	[sflag:s0] =	ssyncset.done $0x0  }
0x20: {  	[sflag:s0] =	ssyncadd.s32 $0xFFFFD800  }
0x21: {  	_ =	swait.ge [sflag:s1], $0x2800  }
0x22: {  	s17 =	sshrl.u32 s19, $0x3;
	[sflag:s1] =	ssyncset.done $0x0  }
0x23: {  	s17 =	sadd.s32 s6, s17;
	[sflag:s1] =	ssyncadd.s32 $0xFFFFD800  }
0x24: {  	[tilespmem:s25], [sflag:$0x1] =	stream.linear.gather [hbm4b:s17+s4], $0x50, $0x38;
	[tilespmem:$0x1ED80] =	vst v63  }
0x25: {  	s16 =	sadd.s32 s16, s21  }
0x26: {  	[tilespmem:s26], [sflag:$0x1] =	stream.linear.gather [hbm4b:s16+s4], $0x2800, $0x38;
	[tilespmem:$0x1ED80] =	vst v63  }
0x27: {  	_ = 	snop  }
0x28: {  	[spmem:s2] =	stream.indirect.scatter.add.f32 [tilespmem:s30], [sflag:$0x4], $0x80, s29, s31, $0xb8;
	[tilespmem:$0x1ED80] =	vst v63  }
0x29: {  	_ =	swait.ge [sflag:s28], $0x50  }
0x2a: {  	[sflag:s28] =	ssyncset.done $0x0  }
0x2b: {  	[sflag:s28] =	ssyncadd.s32 $0xFFFFFFB0  }
0x2c: {  	_ =	swait.ge [sflag:s28], $0x2800  }
0x2d: {  	[sflag:s28] =	ssyncset.done $0x0  }
0x2e: {  	[sflag:s28] =	ssyncadd.s32 $0xFFFFD800  }
0x2f: {  	_ =	swait.ge [sflag:s10], $0x2800  }
0x30: {  	[sflag:s10] =	ssyncset.done $0x0  }
0x31: {  	[sflag:s10] =	ssyncadd.s32 $0xFFFFD800  }
0x32: {  	[spmem:s2] =	stream.indirect.scatter.add.f32 [tilespmem:s26], [sflag:$0x3], $0x80, s25, s31, $0xb8;
	[tilespmem:$0x1ED80] =	vst v63  }
0x33: {  	_ =	swait.ge [sflag:s1], $0x2800  }
0x34: {  	s12 =	sadd.s32 $0x1, s12;
	[sflag:s1] =	ssyncset.done $0x0  }
0x35: {  	p3 =	sne.s32 s12, s15;
	s16 =	sshll.u32 @!p2 s3, $0x6;
	[sflag:s1] =	ssyncadd.s32 $0xFFFFD800  }
0x36: {  	s17 =	sshrl.u32 @!p2 s13, $0x3;
	s16 =	sor.u32 @!p2 $0x1C05, s16;
	[bflag:$0x0] =	sbarrier.arrive $0xFFFF  }
0x37: {  	[hbm:s14], [sflag:s16] =	dma.local @!p2 [spmem:s17], $0x3E80  }
.Ltmp1:
0x38: {  	_ = 	snop;
	(pc) =	sbr.rel @!p3 .LBB2_13-.Ltmp1, $4  }
0x39: {  	s16 =	simm.s32 @!p2 $0x5  }
0x3a: {  	_ =	swait.ge @!p2 [sflag:s16], $0x3E80  }
0x3b: {  	[sflag:s16] =	ssyncset.done @!p2 $0x0  }
0x3c: {  	[sflag:s16] =	ssyncadd.s32 @!p2 $0xFFFFC180  }
.LBB2_1:
.Ltmp2:
0x3d: {  	(pc) =	sbr.rel @!p1 .LBB2_5-.Ltmp2, $2  }
0x3e: {  	_ =	sdelay $0x2  }
0x3f: {  	s17 =	simm.s32 $0x1C0  }
0x40: {  	s16 =	sshra.s32 s17, $0x2;
	s17 =	sadd.s32 $0x200, s17  }
.LBB2_3:
0x41: {  	p3 =	seq.s32 s17, $0x18FC0;
	[tilespmem:s16+$0x18980] =	vst v0  }
0x42: {  	[tilespmem:s16+$0x18910] =	vst v0  }
0x43: {  	[tilespmem:s16+$0x18920] =	vst v0  }
.Ltmp3:
0x44: {  	[tilespmem:s16+$0x18930] =	vst v0;
	(pc) =	sbr.rel @!p3 .LBB2_3-.Ltmp3, $4  }
0x45: {  	[tilespmem:s16+$0x18940] =	vst v0  }
0x46: {  	[tilespmem:s16+$0x18950] =	vst v0  }
0x47: {  	[tilespmem:s16+$0x18960] =	vst v0  }
0x48: {  	[tilespmem:s16+$0x18970] =	vst v0;
	s16 =	sshra.s32 s17, $0x2;
	s17 =	sadd.s32 $0x200, s17  }
0x49: {  	[tilespmem:s16+$0x18980] =	vst v0  }
0x4a: {  	[tilespmem:s16+$0x18910] =	vst v0  }
0x4b: {  	[tilespmem:s16+$0x18920] =	vst v0  }
0x4c: {  	[tilespmem:s16+$0x18930] =	vst v0  }
0x4d: {  	[tilespmem:s16+$0x18940] =	vst v0  }
0x4e: {  	[tilespmem:s16+$0x18950] =	vst v0  }
0x4f: {  	[tilespmem:s16+$0x18960] =	vst v0  }
0x50: {  	[tilespmem:s16+$0x18970] =	vst v0  }
0x51: {  	[spmem:s13] =	stream.linear.scatter [tilespmem:s23], [sflag:$0x5], $0x6400, $0x38;
	[tilespmem:$0x1ED80] =	vst v63  }
0x52: {  	_ =	swait.ge [sflag:s24], $0x6400  }
0x53: {  	[sflag:s24] =	ssyncset.done $0x0  }
0x54: {  	s20 =	rddreg [dreg:$0x6];
	[sflag:s24] =	ssyncadd.s32 $0xFFFF9C00  }
0x55: {  	[spmem:s20] =	stream.linear.scatter [tilespmem:s23], [sflag:$0x5], $0x6400, $0x38;
	[tilespmem:$0x1ED80] =	vst v63  }
0x56: {  	_ =	swait.ge [sflag:s24], $0x6400  }
0x57: {  	[sflag:s24] =	ssyncset.done $0x0  }
0x58: {  	s17 =	rddreg [dreg:$0x7];
	[sflag:s24] =	ssyncadd.s32 $0xFFFF9C00  }
0x59: {  	[spmem:s17] =	stream.linear.scatter [tilespmem:s23], [sflag:$0x5], $0x6400, $0x38;
	[tilespmem:$0x1ED80] =	vst v63  }
0x5a: {  	_ =	swait.ge [sflag:s24], $0x6400  }
0x5b: {  	[sflag:s24] =	ssyncset.done $0x0  }
0x5c: {  	s18 =	rddreg [dreg:$0x8];
	[sflag:s24] =	ssyncadd.s32 $0xFFFF9C00  }
0x5d: {  	[spmem:s18] =	stream.linear.scatter [tilespmem:s23], [sflag:$0x5], $0x6400, $0x38;
	[tilespmem:$0x1ED80] =	vst v63  }
0x5e: {  	_ =	swait.ge [sflag:s24], $0x6400  }
0x5f: {  	[sflag:s24] =	ssyncset.done $0x0  }
0x60: {  	s20 =	rddreg [dreg:$0x9];
	[sflag:s24] =	ssyncadd.s32 $0xFFFF9C00  }
0x61: {  	[spmem:s20] =	stream.linear.scatter [tilespmem:s23], [sflag:$0x5], $0x6400, $0x38;
	[tilespmem:$0x1ED80] =	vst v63  }
0x62: {  	_ =	swait.ge [sflag:s24], $0x6400  }
0x63: {  	[sflag:s24] =	ssyncset.done $0x0  }
0x64: {  	[sflag:s24] =	ssyncadd.s32 $0xFFFF9C00  }
.LBB2_5:
.Ltmp4:
0x65: {  	(pc) =	sbr.rel @!p0 .LBB2_6-.Ltmp4, $3  }
0x66: {  	_ =	sdelay $0x1  }
0x67: {  	[bflag:$0x0] =	sbarrier.arrive $0xFFFF;
	s16 =	simm.s32 $0x0  }
0x68: {  	[tilespmem:s25], [sflag:$0x1] =	stream.linear.gather [hbm4b:s7+s4], $0x50, $0x38;
	[tilespmem:$0x1ED80] =	vst v63  }
0x69: {  	[tilespmem:s26], [sflag:$0x1] =	stream.linear.gather [hbm4b:s11+s16], $0x2800, $0x38;
	[tilespmem:$0x1ED80] =	vst v63  }
0x6a: {  	_ =	swait.ge [sflag:s28], $0x50  }
0x6b: {  	[sflag:s28] =	ssyncset.done $0x0  }
0x6c: {  	[sflag:s28] =	ssyncadd.s32 $0xFFFFFFB0  }
0x6d: {  	_ =	swait.ge [sflag:s28], $0x2800  }
0x6e: {  	[sflag:s28] =	ssyncset.done $0x0  }
0x6f: {  	[sflag:s28] =	ssyncadd.s32 $0xFFFFD800  }
0x70: {  	[tilespmem:s29], [sflag:$0x2] =	stream.linear.gather [hbm4b:s9+s16], $0x50, $0x38;
	[tilespmem:$0x1ED80] =	vst v63  }
0x71: {  	s17 =	rddreg [dreg:$0x5]  }
0x72: {  	[tilespmem:s30], [sflag:$0x2] =	stream.linear.gather [hbm4b:s17+s16], $0x2800, $0x38;
	[tilespmem:$0x1ED80] =	vst v63  }
0x73: {  	_ = 	snop  }
0x74: {  	[spmem:s2] =	stream.indirect.scatter.add.f32 [tilespmem:s26], [sflag:$0x3], $0x80, s25, s31, $0xb8;
	[tilespmem:$0x1ED80] =	vst v63  }
0x75: {  	_ =	swait.ge [sflag:s0], $0x50  }
0x76: {  	[sflag:s0] =	ssyncset.done $0x0  }
0x77: {  	[sflag:s0] =	ssyncadd.s32 $0xFFFFFFB0  }
0x78: {  	_ =	swait.ge [sflag:s0], $0x2800  }
0x79: {  	[sflag:s0] =	ssyncset.done $0x0  }
0x7a: {  	[sflag:s0] =	ssyncadd.s32 $0xFFFFD800  }
0x7b: {  	_ =	swait.ge [sflag:s1], $0x2800  }
0x7c: {  	[sflag:s1] =	ssyncset.done $0x0  }
0x7d: {  	s18 =	sadd.s32 $0xFFFFFFF6, s22;
	s20 =	sadd.s32 $0x0, s11;
	[sflag:s1] =	ssyncadd.s32 $0xFFFFD800  }
0x7e: {  	[tilespmem:s25], [sflag:$0x1] =	stream.linear.gather [hbm4b:s18+s4], $0x50, $0x38;
	[tilespmem:$0x1ED80] =	vst v63  }
0x7f: {  	s18 =	sadd.s32 $0xA00, s20  }
0x80: {  	[tilespmem:s26], [sflag:$0x1] =	stream.linear.gather [hbm4b:s18+s4], $0x2800, $0x38;
	[tilespmem:$0x1ED80] =	vst v63  }
0x81: {  	_ = 	snop  }
0x82: {  	[spmem:s2] =	stream.indirect.scatter.add.f32 [tilespmem:s30], [sflag:$0x4], $0x80, s29, s31, $0xb8;
	[tilespmem:$0x1ED80] =	vst v63  }
0x83: {  	_ =	swait.ge [sflag:s28], $0x50  }
0x84: {  	[sflag:s28] =	ssyncset.done $0x0  }
0x85: {  	[sflag:s28] =	ssyncadd.s32 $0xFFFFFFB0  }
0x86: {  	_ =	swait.ge [sflag:s28], $0x2800  }
0x87: {  	[sflag:s28] =	ssyncset.done $0x0  }
0x88: {  	[sflag:s28] =	ssyncadd.s32 $0xFFFFD800  }
0x89: {  	_ =	swait.ge [sflag:s10], $0x2800  }
0x8a: {  	[sflag:s10] =	ssyncset.done $0x0  }
0x8b: {  	[sflag:s10] =	ssyncadd.s32 $0xFFFFD800  }
0x8c: {  	[tilespmem:s29], [sflag:$0x2] =	stream.linear.gather [hbm4b:s22+s4], $0x50, $0x38;
	[tilespmem:$0x1ED80] =	vst v63  }
0x8d: {  	s16 =	simm.s32 $0xA00;
	s17 =	sadd.s32 $0x14, s22;
	s20 =	sadd.s32 $0xF00, s20  }
0x8e: {  	[tilespmem:s30], [sflag:$0x2] =	stream.linear.gather [hbm4b:s20+s4], $0x2800, $0x38;
	[tilespmem:$0x1ED80] =	vst v63  }
.LBB2_10:
0x8f: {  	[spmem:s2] =	stream.indirect.scatter.add.f32 [tilespmem:s26], [sflag:$0x3], $0x80, s25, s31, $0xb8;
	[tilespmem:$0x1ED80] =	vst v63  }
0x90: {  	s18 =	smov.u32 s16  }
0x91: {  	p3 =	sne.s32 s16, $0x25800;
	s16 =	sadd.s32 $0xA00, s16;
	_ =	swait.ge [sflag:s0], $0x50  }
0x92: {  	[sflag:s0] =	ssyncset.done $0x0  }
0x93: {  	[sflag:s0] =	ssyncadd.s32 $0xFFFFFFB0  }
0x94: {  	_ =	swait.ge [sflag:s0], $0x2800  }
0x95: {  	[sflag:s0] =	ssyncset.done $0x0  }
0x96: {  	[sflag:s0] =	ssyncadd.s32 $0xFFFFD800  }
0x97: {  	_ =	swait.ge [sflag:s1], $0x2800  }
0x98: {  	[sflag:s1] =	ssyncset.done $0x0  }
0x99: {  	s20 =	sadd.s32 $0xFFFFFFF6, s17;
	s18 =	sadd.s32 s18, s11;
	[sflag:s1] =	ssyncadd.s32 $0xFFFFD800  }
0x9a: {  	[tilespmem:s25], [sflag:$0x1] =	stream.linear.gather [hbm4b:s20+s4], $0x50, $0x38;
	[tilespmem:$0x1ED80] =	vst v63  }
0x9b: {  	s20 =	sadd.s32 $0xA00, s18  }
0x9c: {  	[tilespmem:s26], [sflag:$0x1] =	stream.linear.gather [hbm4b:s20+s4], $0x2800, $0x38;
	[tilespmem:$0x1ED80] =	vst v63  }
0x9d: {  	_ = 	snop  }
0x9e: {  	[spmem:s2] =	stream.indirect.scatter.add.f32 [tilespmem:s30], [sflag:$0x4], $0x80, s29, s31, $0xb8;
	[tilespmem:$0x1ED80] =	vst v63  }
0x9f: {  	_ =	swait.ge [sflag:s28], $0x50  }
0xa0: {  	[sflag:s28] =	ssyncset.done $0x0  }
0xa1: {  	[sflag:s28] =	ssyncadd.s32 $0xFFFFFFB0  }
0xa2: {  	_ =	swait.ge [sflag:s28], $0x2800  }
0xa3: {  	[sflag:s28] =	ssyncset.done $0x0  }
0xa4: {  	[sflag:s28] =	ssyncadd.s32 $0xFFFFD800  }
0xa5: {  	_ =	swait.ge [sflag:s10], $0x2800  }
0xa6: {  	[sflag:s10] =	ssyncset.done $0x0  }
.Ltmp5:
0xa7: {  	[sflag:s10] =	ssyncadd.s32 $0xFFFFD800;
	(pc) =	sbr.rel @p3 .LBB2_10-.Ltmp5, $4  }
0xa8: {  	[tilespmem:s29], [sflag:$0x2] =	stream.linear.gather [hbm4b:s17+s4], $0x50, $0x38;
	[tilespmem:$0x1ED80] =	vst v63  }
0xa9: {  	s18 =	sadd.s32 $0xF00, s18  }
0xaa: {  	[tilespmem:s30], [sflag:$0x2] =	stream.linear.gather [hbm4b:s18+s4], $0x2800, $0x38;
	[tilespmem:$0x1ED80] =	vst v63  }
0xab: {  	s17 =	sadd.s32 $0x14, s17  }
.Ltmp6:
0xac: {  	_ = 	snop;
	(pc) =	sbr.rel .LBB2_11-.Ltmp6, $1  }
0xad: {  	_ =	sdelay $0x3  }
.LBB2_6:
0xae: {  	[tilespmem:s26], [sflag:$0x1] =	stream.linear.gather [hbm4b:s8+s16], $0x2800, $0x38;
	[tilespmem:$0x1ED80] =	vst v63  }
0xaf: {  	_ =	swait.ge [sflag:s28], $0x50  }
0xb0: {  	[sflag:s28] =	ssyncset.done $0x0  }
0xb1: {  	[sflag:s28] =	ssyncadd.s32 $0xFFFFFFB0  }
0xb2: {  	_ =	swait.ge [sflag:s28], $0x2800  }
0xb3: {  	[sflag:s28] =	ssyncset.done $0x0  }
0xb4: {  	[sflag:s28] =	ssyncadd.s32 $0xFFFFD800  }
0xb5: {  	[tilespmem:s29], [sflag:$0x2] =	stream.linear.gather [hbm4b:s9+s16], $0x50, $0x38;
	[tilespmem:$0x1ED80] =	vst v63  }
0xb6: {  	s17 =	rddreg [dreg:$0x4]  }
0xb7: {  	[tilespmem:s30], [sflag:$0x2] =	stream.linear.gather [hbm4b:s17+s16], $0x2800, $0x38;
	[tilespmem:$0x1ED80] =	vst v63  }
0xb8: {  	_ = 	snop  }
0xb9: {  	[spmem:s2] =	stream.indirect.scatter.add.f32 [tilespmem:s26], [sflag:$0x3], $0x80, s25, s31, $0xb8;
	[tilespmem:$0x1ED80] =	vst v63  }
0xba: {  	_ =	swait.ge [sflag:s0], $0x50  }
0xbb: {  	[sflag:s0] =	ssyncset.done $0x0  }
0xbc: {  	[sflag:s0] =	ssyncadd.s32 $0xFFFFFFB0  }
0xbd: {  	_ =	swait.ge [sflag:s0], $0x2800  }
0xbe: {  	[sflag:s0] =	ssyncset.done $0x0  }
0xbf: {  	[sflag:s0] =	ssyncadd.s32 $0xFFFFD800  }
0xc0: {  	_ =	swait.ge [sflag:s1], $0x2800  }
0xc1: {  	[sflag:s1] =	ssyncset.done $0x0  }
0xc2: {  	s18 =	sadd.s32 $0xFFFFFFF6, s22;
	s20 =	sadd.s32 $0x0, s8;
	[sflag:s1] =	ssyncadd.s32 $0xFFFFD800  }
0xc3: {  	[tilespmem:s25], [sflag:$0x1] =	stream.linear.gather [hbm4b:s18+s4], $0x50, $0x38;
	[tilespmem:$0x1ED80] =	vst v63  }
0xc4: {  	s18 =	sadd.s32 $0xA00, s20  }
0xc5: {  	[tilespmem:s26], [sflag:$0x1] =	stream.linear.gather [hbm4b:s18+s4], $0x2800, $0x38;
	[tilespmem:$0x1ED80] =	vst v63  }
0xc6: {  	_ = 	snop  }
0xc7: {  	[spmem:s2] =	stream.indirect.scatter.add.f32 [tilespmem:s30], [sflag:$0x4], $0x80, s29, s31, $0xb8;
	[tilespmem:$0x1ED80] =	vst v63  }
0xc8: {  	_ =	swait.ge [sflag:s28], $0x50  }
0xc9: {  	[sflag:s28] =	ssyncset.done $0x0  }
0xca: {  	[sflag:s28] =	ssyncadd.s32 $0xFFFFFFB0  }
0xcb: {  	_ =	swait.ge [sflag:s28], $0x2800  }
0xcc: {  	[sflag:s28] =	ssyncset.done $0x0  }
0xcd: {  	[sflag:s28] =	ssyncadd.s32 $0xFFFFD800  }
0xce: {  	_ =	swait.ge [sflag:s10], $0x2800  }
0xcf: {  	[sflag:s10] =	ssyncset.done $0x0  }
0xd0: {  	[sflag:s10] =	ssyncadd.s32 $0xFFFFD800  }
0xd1: {  	[tilespmem:s29], [sflag:$0x2] =	stream.linear.gather [hbm4b:s22+s4], $0x50, $0x38;
	[tilespmem:$0x1ED80] =	vst v63  }
0xd2: {  	s16 =	simm.s32 $0xA00;
	s17 =	sadd.s32 $0x14, s22;
	s20 =	sadd.s32 $0xF00, s20  }
0xd3: {  	[tilespmem:s30], [sflag:$0x2] =	stream.linear.gather [hbm4b:s20+s4], $0x2800, $0x38;
	[tilespmem:$0x1ED80] =	vst v63  }
.LBB2_7:
0xd4: {  	[spmem:s2] =	stream.indirect.scatter.add.f32 [tilespmem:s26], [sflag:$0x3], $0x80, s25, s31, $0xb8;
	[tilespmem:$0x1ED80] =	vst v63  }
0xd5: {  	s18 =	smov.u32 s16  }
0xd6: {  	p3 =	seq.s32 s16, $0x25800;
	s16 =	sadd.s32 $0xA00, s16;
	_ =	swait.ge [sflag:s0], $0x50  }
0xd7: {  	[sflag:s0] =	ssyncset.done $0x0  }
0xd8: {  	[sflag:s0] =	ssyncadd.s32 $0xFFFFFFB0  }
0xd9: {  	_ =	swait.ge [sflag:s0], $0x2800  }
0xda: {  	[sflag:s0] =	ssyncset.done $0x0  }
0xdb: {  	[sflag:s0] =	ssyncadd.s32 $0xFFFFD800  }
0xdc: {  	_ =	swait.ge [sflag:s1], $0x2800  }
0xdd: {  	[sflag:s1] =	ssyncset.done $0x0  }
0xde: {  	s20 =	sadd.s32 $0xFFFFFFF6, s17;
	s18 =	sadd.s32 s18, s8;
	[sflag:s1] =	ssyncadd.s32 $0xFFFFD800  }
0xdf: {  	[tilespmem:s25], [sflag:$0x1] =	stream.linear.gather [hbm4b:s20+s4], $0x50, $0x38;
	[tilespmem:$0x1ED80] =	vst v63  }
0xe0: {  	s20 =	sadd.s32 $0xA00, s18  }
0xe1: {  	[tilespmem:s26], [sflag:$0x1] =	stream.linear.gather [hbm4b:s20+s4], $0x2800, $0x38;
	[tilespmem:$0x1ED80] =	vst v63  }
0xe2: {  	_ = 	snop  }
0xe3: {  	[spmem:s2] =	stream.indirect.scatter.add.f32 [tilespmem:s30], [sflag:$0x4], $0x80, s29, s31, $0xb8;
	[tilespmem:$0x1ED80] =	vst v63  }
0xe4: {  	_ =	swait.ge [sflag:s28], $0x50  }
0xe5: {  	[sflag:s28] =	ssyncset.done $0x0  }
0xe6: {  	[sflag:s28] =	ssyncadd.s32 $0xFFFFFFB0  }
0xe7: {  	_ =	swait.ge [sflag:s28], $0x2800  }
0xe8: {  	[sflag:s28] =	ssyncset.done $0x0  }
0xe9: {  	[sflag:s28] =	ssyncadd.s32 $0xFFFFD800  }
0xea: {  	_ =	swait.ge [sflag:s10], $0x2800  }
0xeb: {  	[sflag:s10] =	ssyncset.done $0x0  }
.Ltmp7:
0xec: {  	[sflag:s10] =	ssyncadd.s32 $0xFFFFD800;
	(pc) =	sbr.rel @!p3 .LBB2_7-.Ltmp7, $4  }
0xed: {  	[tilespmem:s29], [sflag:$0x2] =	stream.linear.gather [hbm4b:s17+s4], $0x50, $0x38;
	[tilespmem:$0x1ED80] =	vst v63  }
0xee: {  	s18 =	sadd.s32 $0xF00, s18  }
0xef: {  	[tilespmem:s30], [sflag:$0x2] =	stream.linear.gather [hbm4b:s18+s4], $0x2800, $0x38;
	[tilespmem:$0x1ED80] =	vst v63  }
0xf0: {  	s17 =	sadd.s32 $0x14, s17  }
.Ltmp8:
0xf1: {  	(pc) =	sbr.rel .LBB2_12-.Ltmp8, $3  }
0xf2: {  	_ =	sdelay $0x1  }
0xf3: {  	[spmem:s2] =	stream.indirect.scatter.add.f32 [tilespmem:s26], [sflag:$0x3], $0x80, s25, s31, $0xb8;
	[tilespmem:$0x1ED80] =	vst v63  }
0xf4: {  	s16 =	rddreg [dreg:$0x0]  }
.LBB2_13:
0xf5: {  	_ =	sfence.sel $0x180000  }
0xf6: {  	[bflag:$0x0] =	sbarrier.arrive $0xFFFF  }
0xf7: {  	_ =	strace $0x9000004A  }
0xf8: {  	[bflag:$0x2] =	sbarrier.arrive $0xFFFF  }
0xf9: {  	p0 =	sne.s32 s3, $0x0;
	s0 =	rddreg [dreg:$0x3]  }
0xfa: {  	s0 =	sadd.s32 @!p0 $0x100000, s0  }
0xfb: {  	[sflag:s0] =	ssyncadd.tile.s32 @!p0 $0x1;
	_ =	shalt  }
.Lfunc_end2:
_tile_overlayer_lowered:
.L_overlay_start_2:
0xfc: {  	(tag) =	ssettag $0x2  }
0xfd: {  	s0 =	rddreg [dreg:$0x0];
	s2 =	stileid.u32  }
0xfe: {  	s1 =	rddreg [dreg:$0x1];
	p0 =	sne.s32 s2, $0x0  }
0xff: {  	s3 =	rddreg [dreg:$0x2];
	[bflag:$0x3] =	sbarrier.arrive $0xFFFF;
	s2 =	simm.s32 @!p0 $0x1C05  }
0x100: {  	[timem:s3], [sflag:s2] =	dma.local @!p0 [hbm:s0], s1  }
0x101: {  	s0 =	simm.s32 @!p0 $0x5  }
0x102: {  	_ =	swait.ge @!p0 [sflag:s0], s1  }
0x103: {  	s1 =	ssub.s32 @!p0 $0x0, s1;
	[sflag:s0] =	ssyncset.done @!p0 $0x0  }
0x104: {  	[sflag:s0] =	ssyncadd.s32 @!p0 s1  }
0x105: {  	[bflag:$0x3] =	sbarrier.arrive $0xFFFF  }
0x106: {  	_ =	shalt  }

// kernel: kernel.18.cloned.1.call-start
scs
__scs_entry_jumppad:
0x0: {  	(pc) =	sbr.rel $0x88, $3  }
0x1: {  	(tag) =	ssettag $0x0;
	lr =	simm.s32 $0x1  }
0x2: {  	[smem:$0x3F83] =	sst lr;
	_ =	strace $0xD0000000  }
0x3: {  	_ = 	snop  }
0x4: {  	_ = 	snop  }
0x5: {  	_ = 	snop  }
0x6: {  	_ = 	snop  }
0x7: {  	_ = 	snop  }
__scs_overlays_trampoline_lowered:
0x8: {  	[smem:$0x3F92] =	sst s0  }
0x9: {  	[smem:$0x3F93] =	sst s1  }
0xa: {  	[smem:$0x3F94] =	sst s2  }
0xb: {  	[smem:$0x3F95] =	sst s3  }
0xc: {  	[smem:$0x3F96] =	sst s4  }
0xd: {  	[smem:$0x3F97] =	sst s5  }
0xe: {  	[smem:$0x3F98] =	sst s6  }
0xf: {  	[smem:$0x3F99] =	sst s7  }
0x10: {  	[smem:$0x3F9A] =	sst s8  }
0x11: {  	[smem:$0x3F9B] =	sst s9;
	s0 =	simm.s32 @!p0 $0x0  }
0x12: {  	s1 =	sld [smem:$0x3F81];
	s0 =	simm.s32 @p0 $0x1  }
0x13: {  	[smem:$0x3F9C] =	sst s0;
	s0 =	simm.s32 @!p1 $0x0  }
0x14: {  	s2 =	sld [smem:$0x3F80];
	s0 =	simm.s32 @p1 $0x1  }
0x15: {  	[smem:$0x3F9D] =	sst s0;
	s0 =	simm.s32 @!p2 $0x0  }
0x16: {  	s3 =	sld [smem:$0x3FDB];
	s0 =	simm.s32 @p2 $0x1  }
0x17: {  	s4 =	simm.s32 $0x1BF5;
	[smem:$0x3F9F] =	sst s0  }
0x18: {  	s0 =	sld [smem:$0x3F82];
	_ =	swait.ge [sflag:s4], $0x0  }
0x19: {  	s7 =	sld [smem:$0x3F83]  }
0x1a: {  	s8 =	sadd.s32 $0xFFFFE003, lr  }
0x1b: {  	s9 =	sadd.s32 $0xFFFFFEF7, lr;
	s5 =	simm.s32 $0xFFFFFFFF;
	p2 =	slt.u32 s8, $0xFFFFF086  }
0x1c: {  	p1 =	slt.u32 s9, $0xF7A;
	s5 =	simm.s32 @!p2 $0x0  }
0x1d: {  	s5 =	simm.s32 @p1 $0x1;
	p0 =	seq.s32 s7, s2  }
0x1e: {  	s7 =	smul.u32 @!p0 $0xF7A, s2;
	p2 =	seq.s32 @!p0 s5, $0x0  }
0x1f: {  	s9 =	smul.u32 $0xF7A, s1;
	s8 =	simm.s32 @!p0 $0x1BF5;
	p2 =	por !p2, p0  }
0x20: {  	[sflag:s8] =	ssyncset.s32 @!p0 $0xFFFFF086;
	s6 =	sadd.s32 @!p0 s3, s7;
	s7 =	simm.s32 @!p0 $0x108  }
0x21: {  	s3 =	sadd.s32 s3, s9;
	s6 =	sadd.s32 @!p0 $0x88, s6;
	s7 =	simm.s32 @p2 $0x1082  }
0x22: {  	[simem:s7], [sflag:s8] =	dma.local @!p0 [hbm:s6], $0xF7A  }
0x23: {  	s9 =	sor.u32 $0xD0000000, s2;
	s6 =	simm.s32 $0x108;
	_ =	swait.ge @!p0 [sflag:s8], $0x0  }
0x24: {  	s3 =	sadd.s32 $0x88, s3;
	s6 =	simm.s32 @!p1 $0x1082;
	[sflag:s4] =	ssyncset.s32 $0xFFFFF086  }
0x25: {  	[simem:s6], [sflag:s4] =	dma.local [hbm:s3], $0xF7A  }
0x26: {  	[smem:$0x3F83] =	sst s1;
	(tag) =	ssettag s2;
	_ =	strace s9  }
0x27: {  	s1 =	sld [smem:$0x3F93]  }
0x28: {  	s2 =	sld [smem:$0x3F94]  }
0x29: {  	s4 =	sld [smem:$0x3F96]  }
0x2a: {  	p0 =	seq.s32 s5, $0x0;
	s5 =	sld [smem:$0x3F97]  }
0x2b: {  	s6 =	sld [smem:$0x3F98]  }
0x2c: {  	s7 =	sld [smem:$0x3F99]  }
0x2d: {  	s3 =	simm.s32 $0x108;
	s8 =	sld [smem:$0x3F9A]  }
0x2e: {  	s3 =	simm.s32 @!p0 $0x1082;
	s9 =	sld [smem:$0x3F9B]  }
0x2f: {  	lr =	sadd.s32 s0, s3;
	s0 =	sld [smem:$0x3F92]  }
0x30: {  	s3 =	sld [smem:$0x3F95]  }
0x31: {  	[smem:$0x3F9E] =	sst s10  }
0x32: {  	s10 =	sld [smem:$0x3F9C];
	_ =	sdelay $0x3  }
0x33: {  	p0 =	seq.s32 s10, $0x1;
	s10 =	sld [smem:$0x3F9E];
	_ =	sdelay $0x3  }
0x34: {  	[smem:$0x3F9E] =	sst s10  }
0x35: {  	s10 =	sld [smem:$0x3F9D];
	_ =	sdelay $0x3  }
0x36: {  	p1 =	seq.s32 s10, $0x1;
	s10 =	sld [smem:$0x3F9E];
	_ =	sdelay $0x3  }
0x37: {  	[smem:$0x3F9E] =	sst s10  }
0x38: {  	s10 =	sld [smem:$0x3F9F]  }
0x39: {  	_ = 	snop;
	(pc) =	sbr.ind lr, $3  }
0x3a: {  	_ = 	snop  }
0x3b: {  	_ = 	snop  }
0x3c: {  	p2 =	seq.s32 s10, $0x1;
	s10 =	sld [smem:$0x3F9E]  }
0x3d: {  	_ =	shalt  }
0x3e: {  	_ =	shalt  }
0x3f: {  	_ =	shalt  }
0x40: {  	_ =	shalt  }
0x41: {  	_ =	shalt  }
0x42: {  	_ =	shalt  }
0x43: {  	_ =	shalt  }
0x44: {  	_ =	shalt  }
0x45: {  	_ =	shalt  }
0x46: {  	_ =	shalt  }
0x47: {  	_ =	shalt  }
0x48: {  	_ =	shalt  }
0x49: {  	_ =	shalt  }
0x4a: {  	_ =	shalt  }
0x4b: {  	_ =	shalt  }
0x4c: {  	_ =	shalt  }
0x4d: {  	_ =	shalt  }
0x4e: {  	_ =	shalt  }
0x4f: {  	_ =	shalt  }
0x50: {  	_ =	shalt  }
0x51: {  	_ =	shalt  }
0x52: {  	_ =	shalt  }
0x53: {  	_ =	shalt  }
0x54: {  	_ =	shalt  }
0x55: {  	_ =	shalt  }
0x56: {  	_ =	shalt  }
0x57: {  	_ =	shalt  }
0x58: {  	_ =	shalt  }
0x59: {  	_ =	shalt  }
0x5a: {  	_ =	shalt  }
0x5b: {  	_ =	shalt  }
0x5c: {  	_ =	shalt  }
0x5d: {  	_ =	shalt  }
0x5e: {  	_ =	shalt  }
0x5f: {  	_ =	shalt  }
0x60: {  	_ =	shalt  }
0x61: {  	_ =	shalt  }
0x62: {  	_ =	shalt  }
0x63: {  	_ =	shalt  }
0x64: {  	_ =	shalt  }
0x65: {  	_ =	shalt  }
0x66: {  	_ =	shalt  }
0x67: {  	_ =	shalt  }
0x68: {  	_ =	shalt  }
0x69: {  	_ =	shalt  }
0x6a: {  	_ =	shalt  }
0x6b: {  	_ =	shalt  }
0x6c: {  	_ =	shalt  }
0x6d: {  	_ =	shalt  }
0x6e: {  	_ =	shalt  }
0x6f: {  	_ =	shalt  }
0x70: {  	_ =	shalt  }
0x71: {  	_ =	shalt  }
0x72: {  	_ =	shalt  }
0x73: {  	_ =	shalt  }
0x74: {  	_ =	shalt  }
0x75: {  	_ =	shalt  }
0x76: {  	_ =	shalt  }
0x77: {  	_ =	shalt  }
0x78: {  	_ =	shalt  }
0x79: {  	_ =	shalt  }
0x7a: {  	_ =	shalt  }
0x7b: {  	_ =	shalt  }
0x7c: {  	_ =	shalt  }
0x7d: {  	_ =	shalt  }
0x7e: {  	_ =	shalt  }
0x7f: {  	_ =	shalt  }
0x80: {  	_ =	shalt  }
0x81: {  	_ =	shalt  }
0x82: {  	_ =	shalt  }
0x83: {  	_ =	shalt  }
0x84: {  	_ =	shalt  }
0x85: {  	_ =	shalt  }
0x86: {  	_ =	shalt  }
0x87: {  	_ =	shalt  }
.Lfunc_end0:
.L_simem_size_0:
called_computation.2_lowered:
.L_overlay_start_0:
0x88: {  	s2 =	sld [smem:$0x3FD9]  }
0x89: {  	s3 =	sld [smem:$0x3FFE];
	_ =	sdelay $0x1  }
0x8a: {  	s1 =	srdreg.scid  }
0x8b: {  	s0 =	sand.u32 $0x1, s1  }
0x8c: {  	s14 =	sshll.u32 s0, $0xA;
	s2 =	sadd.s32 s3, s2  }
0x8d: {  	s2 =	sadd.s32 s2, s14  }
0x8e: {  	[smem:$0x3FAA] =	sst s2  }
0x8f: {  	_ = 	snop  }
0x90: {  	s2 =	sld [smem:$0x3FD0];
	_ =	sdelay $0x2  }
0x91: {  	s15 =	simm.s32 $0xA;
	s4 =	simm.s32 $0x10  }
0x92: {  	[smem:s4], [sflag:s15] =	dma.local [hbm:s2], $0x1  }
0x93: {  	_ =	swait.eq [sflag:s15], $0x1  }
0x94: {  	[sflag:s15] =	ssyncset.done $0x0  }
0x95: {  	[sflag:s15] =	ssyncadd.s32 $0xFFFFFFFF  }
0x96: {  	s16 =	sld [smem:$0x11];
	(tm) =	ssettm $0x1  }
0x97: {  	s17 =	sld [smem:$0x3FFB];
	_ =	sdelay $0x3  }
0x98: {  	_ =	strace s17  }
0x99: {  	s3 =	sld [smem:$0x3FFC];
	_ =	sdelay $0x3  }
0x9a: {  	_ =	strace s3  }
0x9b: {  	s3 =	sld [smem:$0x3FFD];
	_ =	sdelay $0x3  }
0x9c: {  	_ =	strace s3  }
0x9d: {  	_ =	strace $0x8FFFFFFF  }
0x9e: {  	s18 =	sld [smem:$0x3FDB];
	_ =	sdelay $0x1  }
0x9f: {  	s19 =	simm.s32 $_scs_section_size  }
0xa0: {  	s5 =	simm.s32 $_size__tile_overlayer_lowered;
	s6 =	simm.s32 $_tile_overlayer_lowered  }
0xa1: {  	s22 =	simm.s32 $0x1BFF;
	s21 =	sshll.u32 s6, $0x1;
	s3 =	sadd.s32 s19, s18  }
0xa2: {  	s7 =	simm.s32 $0x0;
	s20 =	sshll.u32 s5, $0x1;
	s5 =	sadd.s32 s21, s3  }
0xa3: {  	[timem:s7], [sflag:s22] =	dma.local [hbm:s5], s20  }
0xa4: {  	_ =	swait.ge [sflag:s22], s20  }
0xa5: {  	s4 =	ssub.s32 $0x0, s20;
	[sflag:s22] =	ssyncset.done $0x0  }
0xa6: {  	[sflag:s22] =	ssyncadd.s32 s4;
	_ =	sdelay $0x1  }
0xa7: {  	s23 =	simm.s32 $0x1B8B  }
0xa8: {  	_ =	swait.ge [sflag:s23], $0x1  }
0xa9: {  	[sflag:s23] =	ssyncset.done $0x0  }
0xaa: {  	s25 =	simm.s32 $0x1B8E;
	s24 =	sld [smem:$0x3FFE];
	[sflag:s23] =	ssyncadd.s32 $0xFFFFFFFF  }
0xab: {  	s26 =	simm.s32 $execute0_lowered;
	[smem:$0x3FD2] =	sst s25  }
0xac: {  	s5 =	sshll.u32 s26, $0x1;
	_ =	strace $0x8000004C;
	[dreg:$0x1] =	wrdreg $0xFFFFFFFF  }
0xad: {  	s28 =	simm.s32 $_size_execute0_lowered;
	s3 =	sadd.s32 s3, s5;
	[dreg:$0x0] =	wrdreg $0x0  }
0xae: {  	s5 =	sshll.u32 s28, $0x1;
	[dreg:$0x2] =	wrdreg s3  }
0xaf: {  	[dreg:$0x3] =	wrdreg s5  }
0xb0: {  	[dreg:$0x4] =	wrdreg $0xC0  }
0xb1: {  	_ =	task [dreg:s7], $0x5FFFF  }
0xb2: {  	[dreg:$0x1] =	wrdreg $0xFFFFFFFF  }
0xb3: {  	[dreg:$0x0] =	wrdreg $0x60  }
0xb4: {  	[dreg:$0x2] =	wrdreg s16  }
0xb5: {  	[dreg:$0x3] =	wrdreg s24  }
0xb6: {  	[dreg:$0x4] =	wrdreg $0x9  }
0xb7: {  	_ =	task.clear_ibuf [dreg:s7], $0x5FFFF;
	_ =	strace $0x9000004C  }
0xb8: {  	s29 =	simm.s32 $0x9;
	_ =	strace $0x8000004E  }
0xb9: {  	_ =	swait.ge [sflag:s29], $0x1  }
0xba: {  	[sflag:s29] =	ssyncadd.s32 $0xFFFFFFFF  }
0xbb: {  	_ =	strace $0x9000004E  }
0xbc: {  	_ =	sfence  }
0xbd: {  	s30 =	sld [smem:$0x0];
	_ =	sdelay $0x2  }
0xbe: {  	s31 =	sshll.u32 s1, $0xD;
	s1 =	sshrl.u32 s1, $0x2  }
0xbf: {  	s3 =	sand.u32 $0x4000, s31;
	s1 =	sadd.s32 s1, s30  }
0xc0: {  	s0 =	sor.u32 s3, s0;
	s1 =	sshll.u32 s1, $0x11  }
0xc1: {  	s0 =	sor.u32 s1, s0  }
0xc2: {  	s0 =	sadd.s32 $0x8F2B, s0  }
0xc3: {  	[sflag:s0] =	ssyncadd.remote.s32 $0x1  }
0xc4: {  	_ =	sfence.sel $0xFFFF  }
0xc5: {  	[dreg:$0x0] =	wrdreg $0xFFFFFFFF;
	(pc) =	sbr.abs _section_cstart, $3  }
0xc6: {  	[dreg:$0x1] =	wrdreg $0xFFFFFFFF  }
0xc7: {  	_ =	task.clear_ibuf [dreg:s7], $0x2FFFF;
	_ =	strace $0x9FFFFFFF  }
0xc8: {  	(tm) =	ssettm $0x7FFFFFFF  }
0xc9: {  	_ =	shalt  }
tec
execute0_lowered:
.L_overlay_start_1:
0x0: {  	(tag) =	ssettag $0x1  }
0x1: {  	s2 =	rddreg [dreg:$0x0]  }
0x2: {  	s0 =	rddreg [dreg:$0x1]  }
0x3: {  	s1 =	srdreg.scid;
	s4 =	stileid.u32;
	s3 =	simm.s32 $0x0  }
0x4: {  	s30 =	simm.s32 $0x8C00;
	s31 =	simm.s32 $0x1;
	s28 =	simm.s32 $0xA000  }
0x5: {  	s12 =	simm.s32 $0x0;
	s1 =	sand.u32 $0x1, s1;
	s4 =	sshll.u32 s4, $0x1  }
0x6: {  	[smem:$0x7FF] =	sst s3;
	s5 =	sadd.s32 $0xFE00, s0;
	s8 =	sor.u32 s1, s4  }
0x7: {  	s6 =	sadd.s32 $0x5F200, s0;
	s1 =	ssub.s32 $0x2, s1;
	s4 =	smul.u32 $0x1388, s8  }
0x8: {  	_ =	strace $0x8000004D;
	s9 =	sshrl.u32 s1, $0x1;
	s10 =	smul.u32 $0x9C400, s8  }
0x9: {  	s18 =	smul.u32 $0x13880, s8;
	s8 =	simm.s32 $0x2;
	s15 =	ssub.s32 s1, s9  }
0xa: {  	s9 =	simm.s32 $0x6;
	s7 =	sshrl.u32 s4, $0x3;
	s19 =	sshrl.u32 s10, $0x3  }
0xb: {  	s22 =	sadd.s32 s6, s18;
	s16 =	sadd.s32 $0x50, s4;
	s11 =	sadd.s32 s7, s0  }
0xc: {  	s7 =	sadd.s32 $0x2D0200, s0;
	s21 =	sadd.s32 $0x280, s19;
	s10 =	sadd.s32 s6, s19  }
0xd: {  	[dreg:$0x5] =	wrdreg s22;
	s22 =	simm.s32 $0x28;
	s17 =	sadd.s32 $0x5E00, s11  }
0xe: {  	s0 =	simm.s32 $0x3;
	s20 =	sadd.s32 $0xAE00, s11;
	[dreg:$0x3] =	wrdreg s17  }
0xf: {  	s23 =	sadd.s32 s6, s21;
	s24 =	sadd.s32 $0x500, s10;
	[dreg:$0x4] =	wrdreg s20  }
0x10: {  	s1 =	sadd.s32 s7, s18;
	s25 =	sadd.s32 $0x780, s10;
	[dreg:$0x6] =	wrdreg s23  }
0x11: {  	s26 =	sadd.s32 s7, s21;
	s29 =	sadd.s32 s7, s19;
	[dreg:$0x7] =	wrdreg s24  }
0x12: {  	s19 =	smax.u32 s15, $0x1;
	s15 =	simm.s32 $0x3C00;
	[dreg:$0x8] =	wrdreg s1  }
0x13: {  	s18 =	simm.s32 $0x6400;
	s21 =	simm.s32 $0x4;
	[dreg:$0x9] =	wrdreg s25  }
0x14: {  	s10 =	simm.s32 $0xB400;
	s11 =	simm.s32 $0x8;
	[dreg:$0xa] =	wrdreg s26  }
0x15: {  	s17 =	sadd.s32 $0x78, s4;
	s1 =	sadd.s32 $0x13600, s29;
	s20 =	simm.s32 $0x9  }
0x16: {  	s23 =	simm.s32 $0x2800;
	s24 =	simm.s32 $0x5000;
	s25 =	simm.s32 $0x7800  }
0x17: {  	s26 =	simm.s32 $0x7;
	[dreg:$0xb] =	wrdreg s1;
	s1 =	simm.s32 $0x5  }
.LBB2_1:
0x18: {  	s13 =	rddreg [dreg:$0x3]  }
0x19: {  	[tilespmem:s3], [sflag:$0x9] =	stream.linear.gather [hbm4b:s13+s3], $0x1388, $0x38;
	[tilespmem:$0xC800] =	vst v63  }
0x1a: {  	_ =	swait.ge [sflag:s20], $0x1388  }
0x1b: {  	[sflag:s20] =	ssyncset.done $0x0  }
0x1c: {  	s14 =	simm.s32 $0x1400;
	s13 =	rddreg [dreg:$0x4];
	[sflag:s20] =	ssyncadd.s32 $0xFFFFEC78  }
0x1d: {  	[tilespmem:s14], [sflag:$0x9] =	stream.linear.gather [hbm4b:s13+s3], $0x1388, $0x38;
	[tilespmem:$0xC800] =	vst v63  }
0x1e: {  	_ =	swait.ge [sflag:s20], $0x1388  }
0x1f: {  	[sflag:s20] =	ssyncset.done $0x0  }
0x20: {  	[sflag:s20] =	ssyncadd.s32 $0xFFFFEC78  }
0x21: {  	[tilespmem:s23], [sflag:$0x1] =	stream.indirect.gather [hbm4b:s2+s22], $0x80, s3, s22, $0xb8;
	[tilespmem:$0xC800] =	vst v63  }
0x22: {  	_ = 	snop  }
0x23: {  	[tilespmem:s24], [sflag:$0x3] =	stream.indirect.gather [hbm4b:s5+s22], $0x80, s14, s22, $0xb8;
	[tilespmem:$0xC800] =	vst v63  }
0x24: {  	s14 =	rddreg [dreg:$0x5]  }
0x25: {  	[tilespmem:s25], [sflag:$0x5] =	stream.linear.gather [hbm4b:s14+s3], $0x1400, $0x38;
	[tilespmem:$0xC800] =	vst v63  }
0x26: {  	_ = 	snop  }
0x27: {  	[tilespmem:s15], [sflag:$0x2] =	stream.indirect.gather [hbm4b:s2+s22], $0x80, s22, s22, $0xb8;
	[tilespmem:$0xC800] =	vst v63  }
0x28: {  	s14 =	simm.s32 $0x1428  }
0x29: {  	[tilespmem:s18], [sflag:$0x4] =	stream.indirect.gather [hbm4b:s5+s22], $0x80, s14, s22, $0xb8;
	[tilespmem:$0xC800] =	vst v63  }
0x2a: {  	s14 =	rddreg [dreg:$0x6]  }
0x2b: {  	[tilespmem:s30], [sflag:$0x6] =	stream.linear.gather [hbm4b:s14+s3], $0x1400, $0x38;
	[tilespmem:$0xC800] =	vst v63  }
0x2c: {  	_ =	swait.ge [sflag:s31], $0x1400  }
0x2d: {  	[sflag:s31] =	ssyncset.done $0x0  }
0x2e: {  	[sflag:s31] =	ssyncadd.s32 $0xFFFFEC00  }
0x2f: {  	_ =	swait.ge [sflag:s0], $0x1400  }
0x30: {  	[sflag:s0] =	ssyncset.done $0x0  }
0x31: {  	[sflag:s0] =	ssyncadd.s32 $0xFFFFEC00  }
0x32: {  	_ =	swait.ge [sflag:s1], $0x1400  }
0x33: {  	[sflag:s1] =	ssyncset.done $0x0  }
0x34: {  	s13 =	simm.s32 $0x0;
	[sflag:s1] =	ssyncadd.s32 $0xFFFFEC00  }
0x35: {  	v0 =	vld [tilespmem:s13+$0x2870]  }
0x36: {  	v1 =	vld [tilespmem:s13+$0x5070]  }
0x37: {  	v2 =	vld [tilespmem:s13+$0x2800]  }
0x38: {  	v3 =	vld [tilespmem:s13+$0x7870]  }
0x39: {  	v4 =	vld [tilespmem:s13+$0x5000]  }
0x3a: {  	v5 =	vld [tilespmem:s13+$0x2810]  }
0x3b: {  	v6 =	vld [tilespmem:s13+$0x5010]  }
0x3c: {  	v7 =	vld [tilespmem:s13+$0x5020]  }
0x3d: {  	v9 =	vld [tilespmem:s13+$0x5030]  }
0x3e: {  	v10 =	vld [tilespmem:s13+$0x2840]  }
0x3f: {  	v11 =	vld [tilespmem:s13+$0x5040]  }
0x40: {  	v12 =	vld [tilespmem:s13+$0x2850]  }
0x41: {  	v13 =	vld [tilespmem:s13+$0x5050]  }
0x42: {  	v14 =	vld [tilespmem:s13+$0x2860]  }
0x43: {  	v15 =	vld [tilespmem:s13+$0x5060]  }
0x44: {  	v16 =	vld [tilespmem:s13+$0x7800]  }
0x45: {  	v0 =	vadd.bf16 v1, v0;
	v1 =	vld [tilespmem:s13+$0x2820]  }
0x46: {  	v17 =	vld [tilespmem:s13+$0x7810]  }
0x47: {  	v0 =	vadd.bf16 v3, v0;
	v3 =	vld [tilespmem:s13+$0x2830]  }
0x48: {  	v18 =	vld [tilespmem:s13+$0x7820]  }
0x49: {  	v8 =	vld [tilespmem:s13+$0x7830];
	v2 =	vadd.bf16 v4, v2;
	v19 =	vadd.bf16 v6, v5  }
0x4a: {  	v5 =	vld [tilespmem:s13+$0x7840];
	v4 =	vadd.bf16 v13, v12;
	v20 =	vadd.bf16 v7, v1  }
0x4b: {  	v6 =	vld [tilespmem:s13+$0x7850];
	v1 =	vadd.bf16 v11, v10;
	v10 =	vadd.bf16 v16, v2  }
0x4c: {  	s14 =	simm.s32 $0x80;
	[tilespmem:s13+$0xA070] =	vst v0;
	v7 =	vld [tilespmem:s13+$0x7860];
	v0 =	vadd.bf16 v9, v3;
	v9 =	vadd.bf16 v17, v19  }
0x4d: {  	s29 =	simm.s32 $0x400;
	v2 =	vadd.bf16 v15, v14;
	v3 =	vld [tilespmem:s14+$0x2870];
	[tilespmem:s13+$0xA000] =	vst v10;
	v10 =	vadd.bf16 v18, v20  }
.LBB2_2:
0x4e: {  	p0 =	sne.s32 s29, $0x4E00;
	v11 =	vld [tilespmem:s14+$0x5070];
	[tilespmem:s13+$0xA010] =	vst v9;
	v0 =	vadd.bf16 v8, v0  }
0x4f: {  	v8 =	vld [tilespmem:s14+$0x2800];
	[tilespmem:s13+$0xA020] =	vst v10;
	v1 =	vadd.bf16 v5, v1  }
0x50: {  	v5 =	vld [tilespmem:s14+$0x7870];
	[tilespmem:s13+$0xA030] =	vst v0;
	v0 =	vadd.bf16 v6, v4  }
0x51: {  	v4 =	vld [tilespmem:s14+$0x5000];
	[tilespmem:s13+$0xA040] =	vst v1;
	v1 =	vadd.bf16 v7, v2  }
0x52: {  	v2 =	vld [tilespmem:s14+$0x2810];
	[tilespmem:s13+$0xA050] =	vst v0  }
0x53: {  	v0 =	vld [tilespmem:s14+$0x5010];
	v3 =	vadd.bf16 v11, v3;
	[tilespmem:s13+$0xA060] =	vst v1;
	s13 =	smov.u32 s14  }
0x54: {  	v1 =	vld [tilespmem:s13+$0x2820]  }
0x55: {  	v6 =	vld [tilespmem:s13+$0x5020];
	v3 =	vadd.bf16 v5, v3  }
0x56: {  	v7 =	vadd.bf16 v4, v8;
	v4 =	vld [tilespmem:s13+$0x2830]  }
0x57: {  	v5 =	vld [tilespmem:s13+$0x5030];
	[tilespmem:s13+$0xA070] =	vst v3  }
0x58: {  	v3 =	vadd.bf16 v0, v2;
	v2 =	vld [tilespmem:s13+$0x2840]  }
0x59: {  	v8 =	vld [tilespmem:s13+$0x5040]  }
0x5a: {  	v10 =	vadd.bf16 v6, v1;
	v6 =	vld [tilespmem:s13+$0x2850]  }
0x5b: {  	v9 =	vld [tilespmem:s13+$0x5050]  }
0x5c: {  	v0 =	vadd.bf16 v5, v4;
	v11 =	vld [tilespmem:s13+$0x2860]  }
0x5d: {  	v12 =	vld [tilespmem:s13+$0x5060]  }
0x5e: {  	v13 =	vld [tilespmem:s13+$0x7800];
	v1 =	vadd.bf16 v8, v2  }
0x5f: {  	v14 =	vld [tilespmem:s13+$0x7810]  }
0x60: {  	v15 =	vld [tilespmem:s13+$0x7820];
	v4 =	vadd.bf16 v9, v6  }
.Ltmp0:
0x61: {  	v8 =	vld [tilespmem:s13+$0x7830];
	(pc) =	sbr.rel @p0 .LBB2_2-.Ltmp0, $4  }
0x62: {  	v5 =	vld [tilespmem:s13+$0x7840];
	v2 =	vadd.bf16 v12, v11  }
0x63: {  	v11 =	vadd.bf16 v13, v7;
	v6 =	vld [tilespmem:s13+$0x7850]  }
0x64: {  	s14 =	sshra.s32 s29, $0x2;
	v9 =	vadd.bf16 v14, v3;
	v7 =	vld [tilespmem:s13+$0x7860]  }
0x65: {  	s29 =	sadd.s32 $0x200, s29;
	v3 =	vld [tilespmem:s14+$0x2870];
	[tilespmem:s13+$0xA000] =	vst v11;
	v10 =	vadd.bf16 v15, v10  }
0x66: {  	v11 =	vld [tilespmem:s14+$0x5070];
	[tilespmem:s13+$0xA010] =	vst v9;
	v0 =	vadd.bf16 v8, v0  }
0x67: {  	v9 =	vld [tilespmem:s14+$0x2800];
	[tilespmem:s13+$0xA020] =	vst v10;
	v1 =	vadd.bf16 v5, v1  }
0x68: {  	v8 =	vld [tilespmem:s14+$0x7870];
	[tilespmem:s13+$0xA030] =	vst v0;
	v4 =	vadd.bf16 v6, v4  }
0x69: {  	v0 =	vld [tilespmem:s14+$0x5000];
	[tilespmem:s13+$0xA040] =	vst v1;
	v2 =	vadd.bf16 v7, v2  }
0x6a: {  	v1 =	vld [tilespmem:s14+$0x2810];
	[tilespmem:s13+$0xA050] =	vst v4  }
0x6b: {  	v4 =	vld [tilespmem:s14+$0x5010];
	[tilespmem:s13+$0xA060] =	vst v2  }
0x6c: {  	v2 =	vadd.bf16 v11, v3;
	v3 =	vld [tilespmem:s14+$0x2820]  }
0x6d: {  	v5 =	vld [tilespmem:s14+$0x5020]  }
0x6e: {  	v6 =	vld [tilespmem:s14+$0x2830]  }
0x6f: {  	v7 =	vld [tilespmem:s14+$0x5030]  }
0x70: {  	v10 =	vld [tilespmem:s14+$0x2850]  }
0x71: {  	v11 =	vld [tilespmem:s14+$0x5050]  }
0x72: {  	v12 =	vld [tilespmem:s14+$0x2860]  }
0x73: {  	v13 =	vld [tilespmem:s14+$0x5060]  }
0x74: {  	v14 =	vld [tilespmem:s14+$0x7800]  }
0x75: {  	v15 =	vld [tilespmem:s14+$0x7810]  }
0x76: {  	v16 =	vld [tilespmem:s14+$0x7820];
	v2 =	vadd.bf16 v8, v2  }
0x77: {  	v8 =	vld [tilespmem:s14+$0x5040]  }
0x78: {  	[tilespmem:s14+$0xA070] =	vst v2;
	v2 =	vld [tilespmem:s14+$0x2840]  }
0x79: {  	v0 =	vadd.bf16 v0, v9;
	v9 =	vld [tilespmem:s14+$0x7830]  }
0x7a: {  	v1 =	vadd.bf16 v4, v1;
	v4 =	vld [tilespmem:s14+$0x7840]  }
0x7b: {  	v3 =	vadd.bf16 v5, v3;
	v0 =	vadd.bf16 v14, v0;
	v5 =	vld [tilespmem:s14+$0x7850]  }
0x7c: {  	v6 =	vadd.bf16 v7, v6;
	v7 =	vld [tilespmem:s14+$0x7860];
	v1 =	vadd.bf16 v15, v1  }
0x7d: {  	[tilespmem:s14+$0xA000] =	vst v0;
	v0 =	vadd.bf16 v16, v3;
	v2 =	vadd.bf16 v8, v2  }
0x7e: {  	v3 =	vadd.bf16 v11, v10;
	[tilespmem:s14+$0xA010] =	vst v1;
	v1 =	vadd.bf16 v9, v6  }
0x7f: {  	v6 =	vadd.bf16 v13, v12;
	[tilespmem:s14+$0xA020] =	vst v0;
	v0 =	vadd.bf16 v4, v2  }
0x80: {  	[tilespmem:s14+$0xA030] =	vst v1;
	v1 =	vadd.bf16 v5, v3  }
0x81: {  	[tilespmem:s14+$0xA040] =	vst v0;
	v0 =	vadd.bf16 v7, v6  }
0x82: {  	[tilespmem:s14+$0xA050] =	vst v1  }
0x83: {  	[tilespmem:s14+$0xA060] =	vst v0;
	s14 =	simm.s32 $0x50  }
0x84: {  	[tilespmem:s23], [sflag:$0x1] =	stream.indirect.gather [hbm4b:s2+s22], $0x80, s14, s22, $0xb8;
	[tilespmem:$0xC800] =	vst v63  }
0x85: {  	s14 =	simm.s32 $0x1450  }
0x86: {  	[tilespmem:s24], [sflag:$0x3] =	stream.indirect.gather [hbm4b:s5+s22], $0x80, s14, s22, $0xb8;
	[tilespmem:$0xC800] =	vst v63  }
0x87: {  	s13 =	simm.s32 $0x0;
	s14 =	rddreg [dreg:$0x7]  }
0x88: {  	[tilespmem:s25], [sflag:$0x5] =	stream.linear.gather [hbm4b:s14+s13], $0x1400, $0x38;
	[tilespmem:$0xC800] =	vst v63  }
0x89: {  	s14 =	rddreg [dreg:$0x8]  }
0x8a: {  	[hbm4b:s14+s13] =	stream.linear.scatter [tilespmem:s28], [sflag:$0x7], $0x1400, $0x38;
	[tilespmem:$0xC800] =	vst v63  }
0x8b: {  	_ =	swait.ge [sflag:s8], $0x1400  }
0x8c: {  	[sflag:s8] =	ssyncset.done $0x0  }
0x8d: {  	[sflag:s8] =	ssyncadd.s32 $0xFFFFEC00  }
0x8e: {  	_ =	swait.ge [sflag:s21], $0x1400  }
0x8f: {  	[sflag:s21] =	ssyncset.done $0x0  }
0x90: {  	[sflag:s21] =	ssyncadd.s32 $0xFFFFEC00  }
0x91: {  	_ =	swait.ge [sflag:s9], $0x1400  }
0x92: {  	[sflag:s9] =	ssyncset.done $0x0  }
0x93: {  	s13 =	simm.s32 $0x0;
	[sflag:s9] =	ssyncadd.s32 $0xFFFFEC00  }
0x94: {  	v0 =	vld [tilespmem:s13+$0x3C70]  }
0x95: {  	v1 =	vld [tilespmem:s13+$0x6470]  }
0x96: {  	v2 =	vld [tilespmem:s13+$0x3C00]  }
0x97: {  	v3 =	vld [tilespmem:s13+$0x8C70]  }
0x98: {  	v4 =	vld [tilespmem:s13+$0x6400]  }
0x99: {  	v5 =	vld [tilespmem:s13+$0x3C10]  }
0x9a: {  	v6 =	vld [tilespmem:s13+$0x6410]  }
0x9b: {  	v7 =	vld [tilespmem:s13+$0x6420]  }
0x9c: {  	v9 =	vld [tilespmem:s13+$0x6430]  }
0x9d: {  	v10 =	vld [tilespmem:s13+$0x3C40]  }
0x9e: {  	v11 =	vld [tilespmem:s13+$0x6440]  }
0x9f: {  	v59 =	vld [tilespmem:s13+$0x3C50]  }
0xa0: {  	v60 =	vld [tilespmem:s13+$0x6450]  }
0xa1: {  	v61 =	vld [tilespmem:s13+$0x3C60]  }
0xa2: {  	v62 =	vld [tilespmem:s13+$0x6460]  }
0xa3: {  	v63 =	vld [tilespmem:s13+$0x8C00]  }
0xa4: {  	v0 =	vadd.bf16 v1, v0;
	v1 =	vld [tilespmem:s13+$0x3C20]  }
0xa5: {  	v17 =	vld [tilespmem:s13+$0x8C10]  }
0xa6: {  	v0 =	vadd.bf16 v3, v0;
	v3 =	vld [tilespmem:s13+$0x3C30]  }
0xa7: {  	v18 =	vld [tilespmem:s13+$0x8C20]  }
0xa8: {  	v8 =	vld [tilespmem:s13+$0x8C30];
	v2 =	vadd.bf16 v4, v2;
	v19 =	vadd.bf16 v6, v5  }
0xa9: {  	v5 =	vld [tilespmem:s13+$0x8C40];
	v4 =	vadd.bf16 v60, v59;
	v20 =	vadd.bf16 v7, v1  }
0xaa: {  	v6 =	vld [tilespmem:s13+$0x8C50];
	v1 =	vadd.bf16 v11, v10;
	v10 =	vadd.bf16 v63, v2  }
0xab: {  	s14 =	simm.s32 $0x80;
	[tilespmem:s13+$0xB470] =	vst v0;
	v7 =	vld [tilespmem:s13+$0x8C60];
	v0 =	vadd.bf16 v9, v3;
	v9 =	vadd.bf16 v17, v19  }
0xac: {  	s29 =	simm.s32 $0x400;
	v2 =	vadd.bf16 v62, v61;
	v3 =	vld [tilespmem:s14+$0x3C70];
	[tilespmem:s13+$0xB400] =	vst v10;
	v10 =	vadd.bf16 v18, v20  }
.LBB2_4:
0xad: {  	p0 =	sne.s32 s29, $0x4E00;
	v11 =	vld [tilespmem:s14+$0x6470];
	[tilespmem:s13+$0xB410] =	vst v9;
	v0 =	vadd.bf16 v8, v0  }
0xae: {  	v8 =	vld [tilespmem:s14+$0x3C00];
	[tilespmem:s13+$0xB420] =	vst v10;
	v1 =	vadd.bf16 v5, v1  }
0xaf: {  	v5 =	vld [tilespmem:s14+$0x8C70];
	[tilespmem:s13+$0xB430] =	vst v0;
	v0 =	vadd.bf16 v6, v4  }
0xb0: {  	v4 =	vld [tilespmem:s14+$0x6400];
	[tilespmem:s13+$0xB440] =	vst v1;
	v1 =	vadd.bf16 v7, v2  }
0xb1: {  	v2 =	vld [tilespmem:s14+$0x3C10];
	[tilespmem:s13+$0xB450] =	vst v0  }
0xb2: {  	v0 =	vld [tilespmem:s14+$0x6410];
	v3 =	vadd.bf16 v11, v3;
	[tilespmem:s13+$0xB460] =	vst v1;
	s13 =	smov.u32 s14  }
0xb3: {  	v1 =	vld [tilespmem:s13+$0x3C20]  }
0xb4: {  	v6 =	vld [tilespmem:s13+$0x6420];
	v3 =	vadd.bf16 v5, v3  }
0xb5: {  	v7 =	vadd.bf16 v4, v8;
	v4 =	vld [tilespmem:s13+$0x3C30]  }
0xb6: {  	v5 =	vld [tilespmem:s13+$0x6430];
	[tilespmem:s13+$0xB470] =	vst v3  }
0xb7: {  	v3 =	vadd.bf16 v0, v2;
	v2 =	vld [tilespmem:s13+$0x3C40]  }
0xb8: {  	v8 =	vld [tilespmem:s13+$0x6440]  }
0xb9: {  	v10 =	vadd.bf16 v6, v1;
	v6 =	vld [tilespmem:s13+$0x3C50]  }
0xba: {  	v9 =	vld [tilespmem:s13+$0x6450]  }
0xbb: {  	v0 =	vadd.bf16 v5, v4;
	v11 =	vld [tilespmem:s13+$0x3C60]  }
0xbc: {  	v12 =	vld [tilespmem:s13+$0x6460]  }
0xbd: {  	v13 =	vld [tilespmem:s13+$0x8C00];
	v1 =	vadd.bf16 v8, v2  }
0xbe: {  	v14 =	vld [tilespmem:s13+$0x8C10]  }
0xbf: {  	v15 =	vld [tilespmem:s13+$0x8C20];
	v4 =	vadd.bf16 v9, v6  }
.Ltmp1:
0xc0: {  	v8 =	vld [tilespmem:s13+$0x8C30];
	(pc) =	sbr.rel @p0 .LBB2_4-.Ltmp1, $4  }
0xc1: {  	v5 =	vld [tilespmem:s13+$0x8C40];
	v2 =	vadd.bf16 v12, v11  }
0xc2: {  	v11 =	vadd.bf16 v13, v7;
	v6 =	vld [tilespmem:s13+$0x8C50]  }
0xc3: {  	s14 =	sshra.s32 s29, $0x2;
	v9 =	vadd.bf16 v14, v3;
	v7 =	vld [tilespmem:s13+$0x8C60]  }
0xc4: {  	s29 =	sadd.s32 $0x200, s29;
	v3 =	vld [tilespmem:s14+$0x3C70];
	[tilespmem:s13+$0xB400] =	vst v11;
	v10 =	vadd.bf16 v15, v10  }
0xc5: {  	v11 =	vld [tilespmem:s14+$0x6470];
	[tilespmem:s13+$0xB410] =	vst v9;
	v0 =	vadd.bf16 v8, v0  }
0xc6: {  	v9 =	vld [tilespmem:s14+$0x3C00];
	[tilespmem:s13+$0xB420] =	vst v10;
	v1 =	vadd.bf16 v5, v1  }
0xc7: {  	v44 =	vld [tilespmem:s14+$0x8C70];
	[tilespmem:s13+$0xB430] =	vst v0;
	v4 =	vadd.bf16 v6, v4  }
0xc8: {  	v0 =	vld [tilespmem:s14+$0x6400];
	[tilespmem:s13+$0xB440] =	vst v1;
	v2 =	vadd.bf16 v7, v2  }
0xc9: {  	v1 =	vld [tilespmem:s14+$0x3C10];
	[tilespmem:s13+$0xB450] =	vst v4  }
0xca: {  	v4 =	vld [tilespmem:s14+$0x6410];
	[tilespmem:s13+$0xB460] =	vst v2  }
0xcb: {  	v46 =	vld [tilespmem:s14+$0x3C20]  }
0xcc: {  	v47 =	vld [tilespmem:s14+$0x6420]  }
0xcd: {  	v48 =	vld [tilespmem:s14+$0x3C30]  }
0xce: {  	v49 =	vld [tilespmem:s14+$0x6430]  }
0xcf: {  	v50 =	vld [tilespmem:s14+$0x3C40]  }
0xd0: {  	v51 =	vld [tilespmem:s14+$0x6440]  }
0xd1: {  	v10 =	vld [tilespmem:s14+$0x3C50]  }
0xd2: {  	v52 =	vld [tilespmem:s14+$0x6450]  }
0xd3: {  	v12 =	vld [tilespmem:s14+$0x3C60]  }
0xd4: {  	v13 =	vld [tilespmem:s14+$0x6460]  }
0xd5: {  	v14 =	vld [tilespmem:s14+$0x8C00]  }
0xd6: {  	v15 =	vld [tilespmem:s14+$0x8C10]  }
0xd7: {  	v45 =	vadd.bf16 v11, v3;
	v16 =	vld [tilespmem:s14+$0x8C20]  }
0xd8: {  	v53 =	vld [tilespmem:s14+$0x8C30];
	v0 =	vadd.bf16 v0, v9  }
0xd9: {  	v54 =	vld [tilespmem:s14+$0x8C40];
	v2 =	vadd.bf16 v44, v45;
	v1 =	vadd.bf16 v4, v1  }
0xda: {  	v55 =	vld [tilespmem:s14+$0x8C50];
	v3 =	vadd.bf16 v47, v46;
	v0 =	vadd.bf16 v14, v0  }
0xdb: {  	v56 =	vld [tilespmem:s14+$0x8C60];
	[tilespmem:s14+$0xB470] =	vst v2;
	v6 =	vadd.bf16 v49, v48;
	v1 =	vadd.bf16 v15, v1  }
0xdc: {  	v2 =	vadd.bf16 v51, v50;
	[tilespmem:s14+$0xB400] =	vst v0;
	v57 =	vadd.bf16 v16, v3  }
0xdd: {  	v58 =	vadd.bf16 v52, v10;
	v59 =	vadd.bf16 v53, v6;
	[tilespmem:s14+$0xB410] =	vst v1  }
0xde: {  	v60 =	vadd.bf16 v13, v12;
	v61 =	vadd.bf16 v54, v2;
	[tilespmem:s14+$0xB420] =	vst v57  }
0xdf: {  	v62 =	vadd.bf16 v55, v58;
	[tilespmem:s14+$0xB430] =	vst v59  }
0xe0: {  	v63 =	vadd.bf16 v56, v60;
	[tilespmem:s14+$0xB440] =	vst v61  }
0xe1: {  	[tilespmem:s14+$0xB450] =	vst v62  }
0xe2: {  	[tilespmem:s14+$0xB460] =	vst v63;
	s14 =	simm.s32 $0x78  }
0xe3: {  	[tilespmem:s15], [sflag:$0x2] =	stream.indirect.gather [hbm4b:s2+s22], $0x80, s14, s22, $0xb8;
	[tilespmem:$0xC800] =	vst v63  }
0xe4: {  	s15 =	simm.s32 $0x1478  }
0xe5: {  	[tilespmem:s18], [sflag:$0x4] =	stream.indirect.gather [hbm4b:s5+s22], $0x80, s15, s22, $0xb8;
	[tilespmem:$0xC800] =	vst v63  }
0xe6: {  	s29 =	simm.s32 $0x0;
	s18 =	rddreg [dreg:$0x9]  }
0xe7: {  	[tilespmem:s30], [sflag:$0x6] =	stream.linear.gather [hbm4b:s18+s29], $0x1400, $0x38;
	[tilespmem:$0xC800] =	vst v63  }
0xe8: {  	s30 =	rddreg [dreg:$0xa]  }
0xe9: {  	[hbm4b:s30+s29] =	stream.linear.scatter [tilespmem:s10], [sflag:$0x8], $0x1400, $0x38;
	[tilespmem:$0xC800] =	vst v63  }
.LBB2_6:
0xea: {  	_ =	swait.ge [sflag:s31], $0x1400  }
0xeb: {  	[sflag:s31] =	ssyncset.done $0x0  }
0xec: {  	[sflag:s31] =	ssyncadd.s32 $0xFFFFEC00  }
0xed: {  	_ =	swait.ge [sflag:s0], $0x1400  }
0xee: {  	[sflag:s0] =	ssyncset.done $0x0  }
0xef: {  	[sflag:s0] =	ssyncadd.s32 $0xFFFFEC00  }
0xf0: {  	_ =	swait.ge [sflag:s1], $0x1400  }
0xf1: {  	[sflag:s1] =	ssyncset.done $0x0  }
0xf2: {  	[sflag:s1] =	ssyncadd.s32 $0xFFFFEC00  }
0xf3: {  	_ =	swait.ge [sflag:s26], $0x1400  }
0xf4: {  	[sflag:s26] =	ssyncset.done $0x0  }
0xf5: {  	s13 =	simm.s32 $0x0;
	[sflag:s26] =	ssyncadd.s32 $0xFFFFEC00  }
0xf6: {  	v0 =	vld [tilespmem:s13+$0x2870]  }
0xf7: {  	v1 =	vld [tilespmem:s13+$0x5070]  }
0xf8: {  	v2 =	vld [tilespmem:s13+$0x2800]  }
0xf9: {  	v3 =	vld [tilespmem:s13+$0x7870]  }
0xfa: {  	v4 =	vld [tilespmem:s13+$0x5000]  }
0xfb: {  	v5 =	vld [tilespmem:s13+$0x2810]  }
0xfc: {  	v6 =	vld [tilespmem:s13+$0x5010]  }
0xfd: {  	v7 =	vld [tilespmem:s13+$0x5020]  }
0xfe: {  	v9 =	vld [tilespmem:s13+$0x5030]  }
0xff: {  	v10 =	vld [tilespmem:s13+$0x2840]  }
0x100: {  	v11 =	vld [tilespmem:s13+$0x5040]  }
0x101: {  	v12 =	vld [tilespmem:s13+$0x2850]  }
0x102: {  	v13 =	vld [tilespmem:s13+$0x5050]  }
0x103: {  	v14 =	vld [tilespmem:s13+$0x2860]  }
0x104: {  	v15 =	vld [tilespmem:s13+$0x5060]  }
0x105: {  	v16 =	vld [tilespmem:s13+$0x7800]  }
0x106: {  	v0 =	vadd.bf16 v1, v0;
	v1 =	vld [tilespmem:s13+$0x2820]  }
0x107: {  	v17 =	vld [tilespmem:s13+$0x7810]  }
0x108: {  	v0 =	vadd.bf16 v3, v0;
	v3 =	vld [tilespmem:s13+$0x2830]  }
0x109: {  	v18 =	vld [tilespmem:s13+$0x7820]  }
0x10a: {  	v8 =	vld [tilespmem:s13+$0x7830];
	v2 =	vadd.bf16 v4, v2;
	v19 =	vadd.bf16 v6, v5  }
0x10b: {  	v5 =	vld [tilespmem:s13+$0x7840];
	v4 =	vadd.bf16 v13, v12;
	v20 =	vadd.bf16 v7, v1  }
0x10c: {  	v6 =	vld [tilespmem:s13+$0x7850];
	v1 =	vadd.bf16 v11, v10;
	v10 =	vadd.bf16 v16, v2  }
0x10d: {  	s30 =	simm.s32 $0x80;
	[tilespmem:s13+$0xA070] =	vst v0;
	v7 =	vld [tilespmem:s13+$0x7860];
	v0 =	vadd.bf16 v9, v3;
	v9 =	vadd.bf16 v17, v19  }
0x10e: {  	s14 =	simm.s32 $0x400;
	v2 =	vadd.bf16 v15, v14;
	v3 =	vld [tilespmem:s30+$0x2870];
	[tilespmem:s13+$0xA000] =	vst v10;
	v10 =	vadd.bf16 v18, v20  }
.LBB2_7:
0x10f: {  	p0 =	sne.s32 s14, $0x4E00;
	v11 =	vld [tilespmem:s30+$0x5070];
	[tilespmem:s13+$0xA010] =	vst v9;
	v0 =	vadd.bf16 v8, v0  }
0x110: {  	v8 =	vld [tilespmem:s30+$0x2800];
	[tilespmem:s13+$0xA020] =	vst v10;
	v1 =	vadd.bf16 v5, v1  }
0x111: {  	v5 =	vld [tilespmem:s30+$0x7870];
	[tilespmem:s13+$0xA030] =	vst v0;
	v0 =	vadd.bf16 v6, v4  }
0x112: {  	v4 =	vld [tilespmem:s30+$0x5000];
	[tilespmem:s13+$0xA040] =	vst v1;
	v1 =	vadd.bf16 v7, v2  }
0x113: {  	v2 =	vld [tilespmem:s30+$0x2810];
	[tilespmem:s13+$0xA050] =	vst v0  }
0x114: {  	v0 =	vld [tilespmem:s30+$0x5010];
	v3 =	vadd.bf16 v11, v3;
	[tilespmem:s13+$0xA060] =	vst v1;
	s13 =	smov.u32 s30  }
0x115: {  	v1 =	vld [tilespmem:s13+$0x2820]  }
0x116: {  	v6 =	vld [tilespmem:s13+$0x5020];
	v3 =	vadd.bf16 v5, v3  }
0x117: {  	v7 =	vadd.bf16 v4, v8;
	v4 =	vld [tilespmem:s13+$0x2830]  }
0x118: {  	v5 =	vld [tilespmem:s13+$0x5030];
	[tilespmem:s13+$0xA070] =	vst v3  }
0x119: {  	v3 =	vadd.bf16 v0, v2;
	v2 =	vld [tilespmem:s13+$0x2840]  }
0x11a: {  	v8 =	vld [tilespmem:s13+$0x5040]  }
0x11b: {  	v10 =	vadd.bf16 v6, v1;
	v6 =	vld [tilespmem:s13+$0x2850]  }
0x11c: {  	v9 =	vld [tilespmem:s13+$0x5050]  }
0x11d: {  	v0 =	vadd.bf16 v5, v4;
	v11 =	vld [tilespmem:s13+$0x2860]  }
0x11e: {  	v12 =	vld [tilespmem:s13+$0x5060]  }
0x11f: {  	v13 =	vld [tilespmem:s13+$0x7800];
	v1 =	vadd.bf16 v8, v2  }
0x120: {  	v14 =	vld [tilespmem:s13+$0x7810]  }
0x121: {  	v15 =	vld [tilespmem:s13+$0x7820];
	v4 =	vadd.bf16 v9, v6  }
.Ltmp2:
0x122: {  	v8 =	vld [tilespmem:s13+$0x7830];
	(pc) =	sbr.rel @p0 .LBB2_7-.Ltmp2, $4  }
0x123: {  	v5 =	vld [tilespmem:s13+$0x7840];
	v2 =	vadd.bf16 v12, v11  }
0x124: {  	v11 =	vadd.bf16 v13, v7;
	v6 =	vld [tilespmem:s13+$0x7850]  }
0x125: {  	s30 =	sshra.s32 s14, $0x2;
	v9 =	vadd.bf16 v14, v3;
	v7 =	vld [tilespmem:s13+$0x7860]  }
0x126: {  	s14 =	sadd.s32 $0x200, s14;
	v3 =	vld [tilespmem:s30+$0x2870];
	[tilespmem:s13+$0xA000] =	vst v11;
	v10 =	vadd.bf16 v15, v10  }
0x127: {  	v11 =	vld [tilespmem:s30+$0x5070];
	[tilespmem:s13+$0xA010] =	vst v9;
	v0 =	vadd.bf16 v8, v0  }
0x128: {  	v9 =	vld [tilespmem:s30+$0x2800];
	[tilespmem:s13+$0xA020] =	vst v10;
	v1 =	vadd.bf16 v5, v1  }
0x129: {  	v8 =	vld [tilespmem:s30+$0x7870];
	[tilespmem:s13+$0xA030] =	vst v0;
	v4 =	vadd.bf16 v6, v4  }
0x12a: {  	v0 =	vld [tilespmem:s30+$0x5000];
	[tilespmem:s13+$0xA040] =	vst v1;
	v2 =	vadd.bf16 v7, v2  }
0x12b: {  	v1 =	vld [tilespmem:s30+$0x2810];
	[tilespmem:s13+$0xA050] =	vst v4  }
0x12c: {  	v4 =	vld [tilespmem:s30+$0x5010];
	[tilespmem:s13+$0xA060] =	vst v2  }
0x12d: {  	v2 =	vadd.bf16 v11, v3;
	v3 =	vld [tilespmem:s30+$0x2820]  }
0x12e: {  	v5 =	vld [tilespmem:s30+$0x5020]  }
0x12f: {  	v6 =	vld [tilespmem:s30+$0x2830]  }
0x130: {  	v7 =	vld [tilespmem:s30+$0x5030]  }
0x131: {  	v10 =	vld [tilespmem:s30+$0x2850]  }
0x132: {  	v11 =	vld [tilespmem:s30+$0x5050]  }
0x133: {  	v12 =	vld [tilespmem:s30+$0x2860]  }
0x134: {  	v13 =	vld [tilespmem:s30+$0x5060]  }
0x135: {  	v14 =	vld [tilespmem:s30+$0x7800]  }
0x136: {  	v15 =	vld [tilespmem:s30+$0x7810]  }
0x137: {  	v16 =	vld [tilespmem:s30+$0x7820];
	v2 =	vadd.bf16 v8, v2  }
0x138: {  	v8 =	vld [tilespmem:s30+$0x5040]  }
0x139: {  	[tilespmem:s30+$0xA070] =	vst v2;
	v2 =	vld [tilespmem:s30+$0x2840]  }
0x13a: {  	v0 =	vadd.bf16 v0, v9;
	v9 =	vld [tilespmem:s30+$0x7830]  }
0x13b: {  	v1 =	vadd.bf16 v4, v1;
	v4 =	vld [tilespmem:s30+$0x7840]  }
0x13c: {  	v3 =	vadd.bf16 v5, v3;
	v0 =	vadd.bf16 v14, v0;
	v5 =	vld [tilespmem:s30+$0x7850]  }
0x13d: {  	v6 =	vadd.bf16 v7, v6;
	v7 =	vld [tilespmem:s30+$0x7860];
	v1 =	vadd.bf16 v15, v1  }
0x13e: {  	[tilespmem:s30+$0xA000] =	vst v0;
	v0 =	vadd.bf16 v16, v3;
	v2 =	vadd.bf16 v8, v2  }
0x13f: {  	v3 =	vadd.bf16 v11, v10;
	[tilespmem:s30+$0xA010] =	vst v1;
	v1 =	vadd.bf16 v9, v6  }
0x140: {  	v6 =	vadd.bf16 v13, v12;
	[tilespmem:s30+$0xA020] =	vst v0;
	v0 =	vadd.bf16 v4, v2  }
0x141: {  	[tilespmem:s30+$0xA030] =	vst v1;
	v1 =	vadd.bf16 v5, v3  }
0x142: {  	s13 =	smul.u32 $0x50, s29;
	[tilespmem:s30+$0xA040] =	vst v0;
	v0 =	vadd.bf16 v7, v6  }
0x143: {  	[tilespmem:s30+$0xA050] =	vst v1  }
0x144: {  	s14 =	sadd.s32 $0xA0, s13;
	[tilespmem:s30+$0xA060] =	vst v0  }
0x145: {  	[tilespmem:s23], [sflag:$0x1] =	stream.indirect.gather [hbm4b:s2+s22], $0x80, s14, s22, $0xb8;
	[tilespmem:$0xC800] =	vst v63  }
0x146: {  	s14 =	sadd.s32 s4, s14  }
0x147: {  	s15 =	sadd.s32 $0x14A0, s13;
	s14 =	sshll.u32 s14, $0x4  }
0x148: {  	[tilespmem:s24], [sflag:$0x3] =	stream.indirect.gather [hbm4b:s5+s22], $0x80, s15, s22, $0xb8;
	[tilespmem:$0xC800] =	vst v63  }
0x149: {  	s18 =	sadd.s32 s13, s16;
	s14 =	sadd.s32 s6, s14;
	s15 =	simm.s32 $0x0  }
0x14a: {  	[tilespmem:s25], [sflag:$0x5] =	stream.linear.gather [hbm4b:s14+s15], $0x1400, $0x38;
	[tilespmem:$0xC800] =	vst v63  }
0x14b: {  	s14 =	sshll.u32 s18, $0x4  }
0x14c: {  	s14 =	sadd.s32 s7, s14  }
0x14d: {  	[hbm4b:s14+s15] =	stream.linear.scatter [tilespmem:s28], [sflag:$0x7], $0x1400, $0x38;
	[tilespmem:$0xC800] =	vst v63  }
0x14e: {  	_ =	swait.ge [sflag:s8], $0x1400  }
0x14f: {  	[sflag:s8] =	ssyncset.done $0x0  }
0x150: {  	[sflag:s8] =	ssyncadd.s32 $0xFFFFEC00  }
0x151: {  	_ =	swait.ge [sflag:s21], $0x1400  }
0x152: {  	[sflag:s21] =	ssyncset.done $0x0  }
0x153: {  	[sflag:s21] =	ssyncadd.s32 $0xFFFFEC00  }
0x154: {  	_ =	swait.ge [sflag:s9], $0x1400  }
0x155: {  	[sflag:s9] =	ssyncset.done $0x0  }
0x156: {  	[sflag:s9] =	ssyncadd.s32 $0xFFFFEC00  }
0x157: {  	_ =	swait.ge [sflag:s11], $0x1400  }
0x158: {  	[sflag:s11] =	ssyncset.done $0x0  }
0x159: {  	s30 =	simm.s32 $0x0;
	[sflag:s11] =	ssyncadd.s32 $0xFFFFEC00  }
0x15a: {  	v0 =	vld [tilespmem:s30+$0x3C70]  }
0x15b: {  	v1 =	vld [tilespmem:s30+$0x6470]  }
0x15c: {  	v2 =	vld [tilespmem:s30+$0x3C00]  }
0x15d: {  	v3 =	vld [tilespmem:s30+$0x8C70]  }
0x15e: {  	v4 =	vld [tilespmem:s30+$0x6400]  }
0x15f: {  	v5 =	vld [tilespmem:s30+$0x3C10]  }
0x160: {  	v6 =	vld [tilespmem:s30+$0x6410]  }
0x161: {  	v7 =	vld [tilespmem:s30+$0x6420]  }
0x162: {  	v9 =	vld [tilespmem:s30+$0x6430]  }
0x163: {  	v10 =	vld [tilespmem:s30+$0x3C40]  }
0x164: {  	v11 =	vld [tilespmem:s30+$0x6440]  }
0x165: {  	v59 =	vld [tilespmem:s30+$0x3C50]  }
0x166: {  	v60 =	vld [tilespmem:s30+$0x6450]  }
0x167: {  	v61 =	vld [tilespmem:s30+$0x3C60]  }
0x168: {  	v62 =	vld [tilespmem:s30+$0x6460]  }
0x169: {  	v63 =	vld [tilespmem:s30+$0x8C00]  }
0x16a: {  	v0 =	vadd.bf16 v1, v0;
	v1 =	vld [tilespmem:s30+$0x3C20]  }
0x16b: {  	v17 =	vld [tilespmem:s30+$0x8C10]  }
0x16c: {  	v0 =	vadd.bf16 v3, v0;
	v3 =	vld [tilespmem:s30+$0x3C30]  }
0x16d: {  	v18 =	vld [tilespmem:s30+$0x8C20]  }
0x16e: {  	v8 =	vld [tilespmem:s30+$0x8C30];
	v2 =	vadd.bf16 v4, v2;
	v19 =	vadd.bf16 v6, v5  }
0x16f: {  	v5 =	vld [tilespmem:s30+$0x8C40];
	v4 =	vadd.bf16 v60, v59;
	v20 =	vadd.bf16 v7, v1  }
0x170: {  	v6 =	vld [tilespmem:s30+$0x8C50];
	v1 =	vadd.bf16 v11, v10;
	v10 =	vadd.bf16 v63, v2  }
0x171: {  	s14 =	simm.s32 $0x80;
	[tilespmem:s30+$0xB470] =	vst v0;
	v7 =	vld [tilespmem:s30+$0x8C60];
	v0 =	vadd.bf16 v9, v3;
	v9 =	vadd.bf16 v17, v19  }
0x172: {  	s15 =	simm.s32 $0x400;
	v2 =	vadd.bf16 v62, v61;
	v3 =	vld [tilespmem:s14+$0x3C70];
	[tilespmem:s30+$0xB400] =	vst v10;
	v10 =	vadd.bf16 v18, v20  }
.LBB2_9:
0x173: {  	p0 =	sne.s32 s15, $0x4E00;
	v11 =	vld [tilespmem:s14+$0x6470];
	[tilespmem:s30+$0xB410] =	vst v9;
	v0 =	vadd.bf16 v8, v0  }
0x174: {  	v8 =	vld [tilespmem:s14+$0x3C00];
	[tilespmem:s30+$0xB420] =	vst v10;
	v1 =	vadd.bf16 v5, v1  }
0x175: {  	v5 =	vld [tilespmem:s14+$0x8C70];
	[tilespmem:s30+$0xB430] =	vst v0;
	v0 =	vadd.bf16 v6, v4  }
0x176: {  	v4 =	vld [tilespmem:s14+$0x6400];
	[tilespmem:s30+$0xB440] =	vst v1;
	v1 =	vadd.bf16 v7, v2  }
0x177: {  	v2 =	vld [tilespmem:s14+$0x3C10];
	[tilespmem:s30+$0xB450] =	vst v0  }
0x178: {  	v0 =	vld [tilespmem:s14+$0x6410];
	v3 =	vadd.bf16 v11, v3;
	[tilespmem:s30+$0xB460] =	vst v1;
	s30 =	smov.u32 s14  }
0x179: {  	v1 =	vld [tilespmem:s30+$0x3C20]  }
0x17a: {  	v6 =	vld [tilespmem:s30+$0x6420];
	v3 =	vadd.bf16 v5, v3  }
0x17b: {  	v7 =	vadd.bf16 v4, v8;
	v4 =	vld [tilespmem:s30+$0x3C30]  }
0x17c: {  	v5 =	vld [tilespmem:s30+$0x6430];
	[tilespmem:s30+$0xB470] =	vst v3  }
0x17d: {  	v3 =	vadd.bf16 v0, v2;
	v2 =	vld [tilespmem:s30+$0x3C40]  }
0x17e: {  	v8 =	vld [tilespmem:s30+$0x6440]  }
0x17f: {  	v10 =	vadd.bf16 v6, v1;
	v6 =	vld [tilespmem:s30+$0x3C50]  }
0x180: {  	v9 =	vld [tilespmem:s30+$0x6450]  }
0x181: {  	v0 =	vadd.bf16 v5, v4;
	v11 =	vld [tilespmem:s30+$0x3C60]  }
0x182: {  	v12 =	vld [tilespmem:s30+$0x6460]  }
0x183: {  	v13 =	vld [tilespmem:s30+$0x8C00];
	v1 =	vadd.bf16 v8, v2  }
0x184: {  	v14 =	vld [tilespmem:s30+$0x8C10]  }
0x185: {  	v15 =	vld [tilespmem:s30+$0x8C20];
	v4 =	vadd.bf16 v9, v6  }
.Ltmp3:
0x186: {  	v8 =	vld [tilespmem:s30+$0x8C30];
	(pc) =	sbr.rel @p0 .LBB2_9-.Ltmp3, $4  }
0x187: {  	v5 =	vld [tilespmem:s30+$0x8C40];
	v2 =	vadd.bf16 v12, v11  }
0x188: {  	v11 =	vadd.bf16 v13, v7;
	v6 =	vld [tilespmem:s30+$0x8C50]  }
0x189: {  	s14 =	sshra.s32 s15, $0x2;
	v9 =	vadd.bf16 v14, v3;
	v7 =	vld [tilespmem:s30+$0x8C60]  }
0x18a: {  	s15 =	sadd.s32 $0x200, s15;
	v3 =	vld [tilespmem:s14+$0x3C70];
	[tilespmem:s30+$0xB400] =	vst v11;
	v10 =	vadd.bf16 v15, v10  }
0x18b: {  	v11 =	vld [tilespmem:s14+$0x6470];
	[tilespmem:s30+$0xB410] =	vst v9;
	v0 =	vadd.bf16 v8, v0  }
0x18c: {  	v9 =	vld [tilespmem:s14+$0x3C00];
	[tilespmem:s30+$0xB420] =	vst v10;
	v1 =	vadd.bf16 v5, v1  }
0x18d: {  	v44 =	vld [tilespmem:s14+$0x8C70];
	[tilespmem:s30+$0xB430] =	vst v0;
	v4 =	vadd.bf16 v6, v4  }
0x18e: {  	v0 =	vld [tilespmem:s14+$0x6400];
	[tilespmem:s30+$0xB440] =	vst v1;
	v2 =	vadd.bf16 v7, v2  }
0x18f: {  	v1 =	vld [tilespmem:s14+$0x3C10];
	[tilespmem:s30+$0xB450] =	vst v4  }
0x190: {  	v4 =	vld [tilespmem:s14+$0x6410];
	[tilespmem:s30+$0xB460] =	vst v2  }
0x191: {  	v46 =	vld [tilespmem:s14+$0x3C20]  }
0x192: {  	v47 =	vld [tilespmem:s14+$0x6420]  }
0x193: {  	v48 =	vld [tilespmem:s14+$0x3C30]  }
0x194: {  	v49 =	vld [tilespmem:s14+$0x6430]  }
0x195: {  	v50 =	vld [tilespmem:s14+$0x3C40]  }
0x196: {  	v51 =	vld [tilespmem:s14+$0x6440]  }
0x197: {  	v10 =	vld [tilespmem:s14+$0x3C50]  }
0x198: {  	v52 =	vld [tilespmem:s14+$0x6450]  }
0x199: {  	v12 =	vld [tilespmem:s14+$0x3C60]  }
0x19a: {  	v13 =	vld [tilespmem:s14+$0x6460]  }
0x19b: {  	v14 =	vld [tilespmem:s14+$0x8C00]  }
0x19c: {  	v15 =	vld [tilespmem:s14+$0x8C10]  }
0x19d: {  	v45 =	vadd.bf16 v11, v3;
	v16 =	vld [tilespmem:s14+$0x8C20]  }
0x19e: {  	v53 =	vld [tilespmem:s14+$0x8C30];
	v0 =	vadd.bf16 v0, v9  }
0x19f: {  	v54 =	vld [tilespmem:s14+$0x8C40];
	v2 =	vadd.bf16 v44, v45;
	v1 =	vadd.bf16 v4, v1  }
0x1a0: {  	v55 =	vld [tilespmem:s14+$0x8C50];
	v3 =	vadd.bf16 v47, v46;
	v0 =	vadd.bf16 v14, v0  }
0x1a1: {  	v56 =	vld [tilespmem:s14+$0x8C60];
	[tilespmem:s14+$0xB470] =	vst v2;
	v6 =	vadd.bf16 v49, v48;
	v1 =	vadd.bf16 v15, v1  }
0x1a2: {  	v2 =	vadd.bf16 v51, v50;
	[tilespmem:s14+$0xB400] =	vst v0;
	v57 =	vadd.bf16 v16, v3  }
0x1a3: {  	v58 =	vadd.bf16 v52, v10;
	v59 =	vadd.bf16 v53, v6;
	[tilespmem:s14+$0xB410] =	vst v1  }
0x1a4: {  	v60 =	vadd.bf16 v13, v12;
	v61 =	vadd.bf16 v54, v2;
	[tilespmem:s14+$0xB420] =	vst v57  }
0x1a5: {  	v62 =	vadd.bf16 v55, v58;
	[tilespmem:s14+$0xB430] =	vst v59  }
0x1a6: {  	v63 =	vadd.bf16 v56, v60;
	[tilespmem:s14+$0xB440] =	vst v61  }
0x1a7: {  	p0 =	seq.s32 s29, $0x3C;
	[tilespmem:s14+$0xB450] =	vst v62  }
0x1a8: {  	s15 =	simm.s32 @!p0 $0x28;
	s30 =	simm.s32 @!p0 $0x3C00;
	[tilespmem:s14+$0xB460] =	vst v63;
	s14 =	sadd.s32 @!p0 $0xC8, s13  }
0x1a9: {  	[tilespmem:s30], [sflag:$0x2] =	stream.indirect.gather @!p0 [hbm4b:s2+s15], $0x80, s14, s15, $0xb8;
	[tilespmem:$0xC800] =	vst v63  }
0x1aa: {  	s29 =	sadd.s32 $0x1, s29;
	s14 =	sadd.s32 @!p0 s4, s14  }
0x1ab: {  	s18 =	simm.s32 @!p0 $0x6400;
	s30 =	sadd.s32 @!p0 $0x14C8, s13;
	s14 =	sshll.u32 @!p0 s14, $0x4  }
0x1ac: {  	[tilespmem:s18], [sflag:$0x4] =	stream.indirect.gather @!p0 [hbm4b:s5+s15], $0x80, s30, s15, $0xb8;
	[tilespmem:$0xC800] =	vst v63  }
0x1ad: {  	s14 =	sadd.s32 @!p0 s6, s14;
	s15 =	simm.s32 @!p0 $0x0;
	s18 =	simm.s32 @!p0 $0x8C00  }
0x1ae: {  	[tilespmem:s18], [sflag:$0x6] =	stream.linear.gather @!p0 [hbm4b:s14+s15], $0x1400, $0x38;
	[tilespmem:$0xC800] =	vst v63  }
0x1af: {  	p0 =	sne.s32 s29, $0x3D  }
.Ltmp4:
0x1b0: {  	_ = 	snop;
	(pc) =	sbr.rel @p0 .LBB2_6-.Ltmp4, $4  }
0x1b1: {  	s30 =	sadd.s32 s13, s17  }
0x1b2: {  	s13 =	sshll.u32 s30, $0x4  }
0x1b3: {  	s13 =	sadd.s32 s7, s13  }
0x1b4: {  	[hbm4b:s13+s3] =	stream.linear.scatter [tilespmem:s10], [sflag:$0x8], $0x1400, $0x38;
	[tilespmem:$0xC800] =	vst v63  }
0x1b5: {  	_ =	swait.ge [sflag:s31], $0x1400  }
0x1b6: {  	[sflag:s31] =	ssyncset.done $0x0  }
0x1b7: {  	[sflag:s31] =	ssyncadd.s32 $0xFFFFEC00  }
0x1b8: {  	_ =	swait.ge [sflag:s0], $0x1400  }
0x1b9: {  	[sflag:s0] =	ssyncset.done $0x0  }
0x1ba: {  	[sflag:s0] =	ssyncadd.s32 $0xFFFFEC00  }
0x1bb: {  	_ =	swait.ge [sflag:s1], $0x1400  }
0x1bc: {  	[sflag:s1] =	ssyncset.done $0x0  }
0x1bd: {  	[sflag:s1] =	ssyncadd.s32 $0xFFFFEC00  }
0x1be: {  	_ =	swait.ge [sflag:s26], $0x1400  }
0x1bf: {  	[sflag:s26] =	ssyncset.done $0x0  }
0x1c0: {  	s13 =	simm.s32 $0x0;
	[sflag:s26] =	ssyncadd.s32 $0xFFFFEC00  }
0x1c1: {  	v0 =	vld [tilespmem:s13+$0x2870]  }
0x1c2: {  	v1 =	vld [tilespmem:s13+$0x5070]  }
0x1c3: {  	v2 =	vld [tilespmem:s13+$0x2800]  }
0x1c4: {  	v3 =	vld [tilespmem:s13+$0x7870]  }
0x1c5: {  	v4 =	vld [tilespmem:s13+$0x5000]  }
0x1c6: {  	v5 =	vld [tilespmem:s13+$0x2810]  }
0x1c7: {  	v6 =	vld [tilespmem:s13+$0x5010]  }
0x1c8: {  	v7 =	vld [tilespmem:s13+$0x5020]  }
0x1c9: {  	v9 =	vld [tilespmem:s13+$0x5030]  }
0x1ca: {  	v10 =	vld [tilespmem:s13+$0x2840]  }
0x1cb: {  	v11 =	vld [tilespmem:s13+$0x5040]  }
0x1cc: {  	v12 =	vld [tilespmem:s13+$0x2850]  }
0x1cd: {  	v13 =	vld [tilespmem:s13+$0x5050]  }
0x1ce: {  	v14 =	vld [tilespmem:s13+$0x2860]  }
0x1cf: {  	v15 =	vld [tilespmem:s13+$0x5060]  }
0x1d0: {  	v16 =	vld [tilespmem:s13+$0x7800]  }
0x1d1: {  	v0 =	vadd.bf16 v1, v0;
	v1 =	vld [tilespmem:s13+$0x2820]  }
0x1d2: {  	v17 =	vld [tilespmem:s13+$0x7810]  }
0x1d3: {  	v0 =	vadd.bf16 v3, v0;
	v3 =	vld [tilespmem:s13+$0x2830]  }
0x1d4: {  	v18 =	vld [tilespmem:s13+$0x7820]  }
0x1d5: {  	v8 =	vld [tilespmem:s13+$0x7830];
	v2 =	vadd.bf16 v4, v2;
	v19 =	vadd.bf16 v6, v5  }
0x1d6: {  	v5 =	vld [tilespmem:s13+$0x7840];
	v4 =	vadd.bf16 v13, v12;
	v20 =	vadd.bf16 v7, v1  }
0x1d7: {  	v6 =	vld [tilespmem:s13+$0x7850];
	v1 =	vadd.bf16 v11, v10;
	v10 =	vadd.bf16 v16, v2  }
0x1d8: {  	s14 =	simm.s32 $0x80;
	[tilespmem:s13+$0xA070] =	vst v0;
	v7 =	vld [tilespmem:s13+$0x7860];
	v0 =	vadd.bf16 v9, v3;
	v9 =	vadd.bf16 v17, v19  }
0x1d9: {  	s15 =	simm.s32 $0x400;
	v2 =	vadd.bf16 v15, v14;
	v3 =	vld [tilespmem:s14+$0x2870];
	[tilespmem:s13+$0xA000] =	vst v10;
	v10 =	vadd.bf16 v18, v20  }
.LBB2_12:
0x1da: {  	p0 =	sne.s32 s15, $0x4E00;
	v11 =	vld [tilespmem:s14+$0x5070];
	[tilespmem:s13+$0xA010] =	vst v9;
	v0 =	vadd.bf16 v8, v0  }
0x1db: {  	v8 =	vld [tilespmem:s14+$0x2800];
	[tilespmem:s13+$0xA020] =	vst v10;
	v1 =	vadd.bf16 v5, v1  }
0x1dc: {  	v5 =	vld [tilespmem:s14+$0x7870];
	[tilespmem:s13+$0xA030] =	vst v0;
	v0 =	vadd.bf16 v6, v4  }
0x1dd: {  	v4 =	vld [tilespmem:s14+$0x5000];
	[tilespmem:s13+$0xA040] =	vst v1;
	v1 =	vadd.bf16 v7, v2  }
0x1de: {  	v2 =	vld [tilespmem:s14+$0x2810];
	[tilespmem:s13+$0xA050] =	vst v0  }
0x1df: {  	v0 =	vld [tilespmem:s14+$0x5010];
	v3 =	vadd.bf16 v11, v3;
	[tilespmem:s13+$0xA060] =	vst v1;
	s13 =	smov.u32 s14  }
0x1e0: {  	v1 =	vld [tilespmem:s13+$0x2820]  }
0x1e1: {  	v6 =	vld [tilespmem:s13+$0x5020];
	v3 =	vadd.bf16 v5, v3  }
0x1e2: {  	v7 =	vadd.bf16 v4, v8;
	v4 =	vld [tilespmem:s13+$0x2830]  }
0x1e3: {  	v5 =	vld [tilespmem:s13+$0x5030];
	[tilespmem:s13+$0xA070] =	vst v3  }
0x1e4: {  	v3 =	vadd.bf16 v0, v2;
	v2 =	vld [tilespmem:s13+$0x2840]  }
0x1e5: {  	v8 =	vld [tilespmem:s13+$0x5040]  }
0x1e6: {  	v10 =	vadd.bf16 v6, v1;
	v6 =	vld [tilespmem:s13+$0x2850]  }
0x1e7: {  	v9 =	vld [tilespmem:s13+$0x5050]  }
0x1e8: {  	v0 =	vadd.bf16 v5, v4;
	v11 =	vld [tilespmem:s13+$0x2860]  }
0x1e9: {  	v12 =	vld [tilespmem:s13+$0x5060]  }
0x1ea: {  	v13 =	vld [tilespmem:s13+$0x7800];
	v1 =	vadd.bf16 v8, v2  }
0x1eb: {  	v14 =	vld [tilespmem:s13+$0x7810]  }
0x1ec: {  	v15 =	vld [tilespmem:s13+$0x7820];
	v4 =	vadd.bf16 v9, v6  }
.Ltmp5:
0x1ed: {  	v8 =	vld [tilespmem:s13+$0x7830];
	(pc) =	sbr.rel @p0 .LBB2_12-.Ltmp5, $4  }
0x1ee: {  	v5 =	vld [tilespmem:s13+$0x7840];
	v2 =	vadd.bf16 v12, v11  }
0x1ef: {  	v11 =	vadd.bf16 v13, v7;
	v6 =	vld [tilespmem:s13+$0x7850]  }
0x1f0: {  	s14 =	sshra.s32 s15, $0x2;
	v9 =	vadd.bf16 v14, v3;
	v7 =	vld [tilespmem:s13+$0x7860]  }
0x1f1: {  	s15 =	sadd.s32 $0x200, s15;
	v3 =	vld [tilespmem:s14+$0x2870];
	[tilespmem:s13+$0xA000] =	vst v11;
	v10 =	vadd.bf16 v15, v10  }
0x1f2: {  	v11 =	vld [tilespmem:s14+$0x5070];
	[tilespmem:s13+$0xA010] =	vst v9;
	v0 =	vadd.bf16 v8, v0  }
0x1f3: {  	v9 =	vld [tilespmem:s14+$0x2800];
	[tilespmem:s13+$0xA020] =	vst v10;
	v1 =	vadd.bf16 v5, v1  }
0x1f4: {  	v44 =	vld [tilespmem:s14+$0x7870];
	[tilespmem:s13+$0xA030] =	vst v0;
	v4 =	vadd.bf16 v6, v4  }
0x1f5: {  	v0 =	vld [tilespmem:s14+$0x5000];
	[tilespmem:s13+$0xA040] =	vst v1;
	v2 =	vadd.bf16 v7, v2  }
0x1f6: {  	v1 =	vld [tilespmem:s14+$0x2810];
	[tilespmem:s13+$0xA050] =	vst v4  }
0x1f7: {  	v4 =	vld [tilespmem:s14+$0x5010];
	[tilespmem:s13+$0xA060] =	vst v2  }
0x1f8: {  	v46 =	vld [tilespmem:s14+$0x2820]  }
0x1f9: {  	v47 =	vld [tilespmem:s14+$0x5020]  }
0x1fa: {  	v48 =	vld [tilespmem:s14+$0x2830]  }
0x1fb: {  	v49 =	vld [tilespmem:s14+$0x5030]  }
0x1fc: {  	v50 =	vld [tilespmem:s14+$0x2840]  }
0x1fd: {  	v51 =	vld [tilespmem:s14+$0x5040]  }
0x1fe: {  	v10 =	vld [tilespmem:s14+$0x2850]  }
0x1ff: {  	v52 =	vld [tilespmem:s14+$0x5050]  }
0x200: {  	v12 =	vld [tilespmem:s14+$0x2860]  }
0x201: {  	v13 =	vld [tilespmem:s14+$0x5060]  }
0x202: {  	v14 =	vld [tilespmem:s14+$0x7800]  }
0x203: {  	v15 =	vld [tilespmem:s14+$0x7810]  }
0x204: {  	v45 =	vadd.bf16 v11, v3;
	v16 =	vld [tilespmem:s14+$0x7820]  }
0x205: {  	v53 =	vld [tilespmem:s14+$0x7830];
	v0 =	vadd.bf16 v0, v9  }
0x206: {  	v54 =	vld [tilespmem:s14+$0x7840];
	v2 =	vadd.bf16 v44, v45;
	v1 =	vadd.bf16 v4, v1  }
0x207: {  	v55 =	vld [tilespmem:s14+$0x7850];
	v3 =	vadd.bf16 v47, v46;
	v0 =	vadd.bf16 v14, v0  }
0x208: {  	v56 =	vld [tilespmem:s14+$0x7860];
	[tilespmem:s14+$0xA070] =	vst v2;
	v6 =	vadd.bf16 v49, v48;
	v1 =	vadd.bf16 v15, v1  }
0x209: {  	v2 =	vadd.bf16 v51, v50;
	[tilespmem:s14+$0xA000] =	vst v0;
	v57 =	vadd.bf16 v16, v3  }
0x20a: {  	v58 =	vadd.bf16 v52, v10;
	v59 =	vadd.bf16 v53, v6;
	[tilespmem:s14+$0xA010] =	vst v1  }
0x20b: {  	v60 =	vadd.bf16 v13, v12;
	v61 =	vadd.bf16 v54, v2;
	[tilespmem:s14+$0xA020] =	vst v57  }
0x20c: {  	v62 =	vadd.bf16 v55, v58;
	[tilespmem:s14+$0xA030] =	vst v59  }
0x20d: {  	v63 =	vadd.bf16 v56, v60;
	[tilespmem:s14+$0xA040] =	vst v61  }
0x20e: {  	[tilespmem:s14+$0xA050] =	vst v62  }
0x20f: {  	s29 =	rddreg [dreg:$0xb];
	s12 =	sadd.s32 $0x1, s12;
	[tilespmem:s14+$0xA060] =	vst v63  }
0x210: {  	[hbm4b:s29+s3] =	stream.linear.scatter [tilespmem:s28], [sflag:$0x7], $0x1400, $0x38;
	[tilespmem:$0xC800] =	vst v63  }
0x211: {  	p0 =	sne.s32 s12, s19;
	_ =	swait.ge [sflag:s11], $0x1400  }
.Ltmp6:
0x212: {  	[sflag:s11] =	ssyncset.done $0x0;
	(pc) =	sbr.rel @p0 .LBB2_1-.Ltmp6, $4  }
0x213: {  	[sflag:s11] =	ssyncadd.s32 $0xFFFFEC00  }
0x214: {  	_ =	swait.ge [sflag:s26], $0x1400  }
0x215: {  	s15 =	simm.s32 $0x3C00;
	[sflag:s26] =	ssyncset.done $0x0  }
0x216: {  	s18 =	simm.s32 $0x6400;
	s30 =	simm.s32 $0x8C00;
	[sflag:s26] =	ssyncadd.s32 $0xFFFFEC00  }
0x217: {  	_ =	sfence.sel $0x180000  }
0x218: {  	[bflag:$0x0] =	sbarrier.arrive $0xFFFF  }
0x219: {  	_ =	strace $0x9000004D  }
0x21a: {  	s0 =	stileid.u32;
	[bflag:$0x2] =	sbarrier.arrive $0xFFFF  }
0x21b: {  	p0 =	sne.s32 s0, $0x0;
	s0 =	rddreg [dreg:$0x2]  }
0x21c: {  	s0 =	sadd.s32 @!p0 $0x100000, s0  }
0x21d: {  	[sflag:s0] =	ssyncadd.tile.s32 @!p0 $0x1;
	_ =	shalt  }
.Lfunc_end2:
_tile_overlayer_lowered:
.L_overlay_start_2:
0x21e: {  	(tag) =	ssettag $0x2  }
0x21f: {  	s0 =	rddreg [dreg:$0x0];
	s2 =	stileid.u32  }
0x220: {  	s1 =	rddreg [dreg:$0x1];
	p0 =	sne.s32 s2, $0x0  }
0x221: {  	s3 =	rddreg [dreg:$0x2];
	[bflag:$0x3] =	sbarrier.arrive $0xFFFF;
	s2 =	simm.s32 @!p0 $0x1C09  }
0x222: {  	[timem:s3], [sflag:s2] =	dma.local @!p0 [hbm:s0], s1  }
0x223: {  	s0 =	simm.s32 @!p0 $0x9  }
0x224: {  	_ =	swait.ge @!p0 [sflag:s0], s1  }
0x225: {  	s1 =	ssub.s32 @!p0 $0x0, s1;
	[sflag:s0] =	ssyncset.done @!p0 $0x0  }
0x226: {  	[sflag:s0] =	ssyncadd.s32 @!p0 s1  }
0x227: {  	[bflag:$0x3] =	sbarrier.arrive $0xFFFF  }
0x228: {  	_ =	shalt  }

</sc_bundles>
